<compile_context>
chip_gen: v7x
topology: tpu7x:2x2x1
jax: 0.10.2.dev20260603
libtpu: 0.0.44.dev20260713+nightly
codegen_flags: <defaults>
</compile_context>

<pallas_src>
import functools

import jax
import jax.numpy as jnp
from jax import lax
from jax.experimental import pallas as pl
from jax.experimental.pallas import tpu as pltpu
from jax.experimental.pallas import tpu_sc as plsc

NC = 2
NS = 16
NW = NC * NS
L = 128
LI = 128



def _sc_mesh():
    return plsc.VectorSubcoreMesh(core_axis_name="c", subcore_axis_name="s",
                                  num_cores=NC, num_subcores=NS)


def _zero_vmem_rows(ref, nrows):
    zeros16 = jnp.zeros((16,), ref.dtype)

    def body(i, _):
        for k in range(8):
            ref[i, pl.ds(k * 16, 16)] = zeros16
        return 0

    lax.fori_loop(0, nrows, body, 0)


def _make_degree_kernel(er, n_pad):
    base = er // NW
    assert base % 8 == 0 and base * NW == er
    stripe = n_pad // NS
    assert stripe % L == 0

    @functools.partial(
        pl.kernel,
        out_type=jax.ShapeDtypeStruct((NC, n_pad), jnp.float32),
        mesh=_sc_mesh(),
        scratch_types=[
            pltpu.VMEM((base, LI), jnp.int32),
            pltpu.VMEM((L,), jnp.float32),
            pltpu.VMEM((L,), jnp.float32),
            pltpu.VMEM_SHARED((n_pad,), jnp.float32),
        ],
    )
    def deg_kernel(dst_hbm, out_hbm, dstbuf, ones_v, zeros_v, acc):
        cid = lax.axis_index("c")
        sid = lax.axis_index("s")
        wid = sid * NC + cid

        for k in range(8):
            ones_v[pl.ds(k * 16, 16)] = jnp.ones((16,), jnp.float32)
            zeros_v[pl.ds(k * 16, 16)] = jnp.zeros((16,), jnp.float32)

        for k in range(stripe // L):
            pltpu.sync_copy(zeros_v, acc.at[pl.ds(sid * stripe + k * L, L)])
        plsc.subcore_barrier()

        pltpu.sync_copy(dst_hbm.at[pl.ds(wid * base, base)], dstbuf)

        def body(r, _):
            pltpu.sync_copy(ones_v.at[pl.ds(0, LI)], acc.at[dstbuf.at[r]],
                            add=True)
            return 0

        lax.fori_loop(0, base, body, 0)

        plsc.subcore_barrier()
        for k in range(stripe // L):
            off = sid * stripe + k * L
            pltpu.sync_copy(acc.at[pl.ds(off, L)], out_hbm.at[cid, pl.ds(off, L)])

    return deg_kernel


def _make_prop_kernel(er, n_pad, d, skew=0):
    base = er // NW
    assert base % 8 == 0 and base * NW == er
    b0, b1 = base + skew, base - skew
    assert b0 % 8 == 0 and b1 % 8 == 0 and b0 >= 0 and b1 >= 0
    stripe = n_pad // NS
    assert stripe % L == 0
    KB = 8

    @functools.partial(
        pl.kernel,
        out_type=jax.ShapeDtypeStruct((NC, n_pad, d), jnp.float32),
        mesh=_sc_mesh(),
        scratch_types=[
            pltpu.VMEM((KB, LI), jnp.int32),
            pltpu.VMEM((KB, LI), jnp.int32),
            pltpu.VMEM((LI, d), jnp.float32),
            pltpu.VMEM((LI, d), jnp.float32),
            pltpu.VMEM_SHARED((n_pad, d), jnp.float32),
            pltpu.SemaphoreType.DMA,
        ],
    )
    def prop_kernel(tab_hbm, src_hbm, dst_hbm, out_hbm,
                    srcbuf, dstbuf, rows_a, rows_b, acc, sem):
        cid = lax.axis_index("c")
        sid = lax.axis_index("s")
        wid = sid * NC + cid
        bufs = (rows_a, rows_b)
        nb = len(bufs)
        H = LI // 2

        def fire_halves(r, buf):
            return (
                pltpu.async_copy(tab_hbm.at[srcbuf.at[r, pl.ds(0, H)]],
                                 buf.at[pl.ds(0, H)], sem),
                pltpu.async_copy(tab_hbm.at[srcbuf.at[r, pl.ds(H, H)]],
                                 buf.at[pl.ds(H, H)], sem),
            )

        _zero_vmem_rows(rows_a, LI)
        off = 0
        while off < stripe:
            cs = min(LI, stripe - off)
            pltpu.sync_copy(rows_a.at[pl.ds(0, cs)],
                            acc.at[pl.ds(sid * stripe + off, cs)])
            off += cs
        plsc.subcore_barrier()

        my_rows = jnp.where(cid == 0, b0, b1)
        my_row0 = jnp.where(cid == 0, sid * b0, NS * b0 + sid * b1)

        def chunk(c, _):
            row0 = my_row0 + c * KB
            pltpu.sync_copy(src_hbm.at[pl.ds(row0, KB)], srcbuf)
            pltpu.sync_copy(dst_hbm.at[pl.ds(row0, KB)], dstbuf)
            g = [fire_halves(r, bufs[r % nb]) for r in range(nb)]
            for r in range(KB):
                for desc in g[r]:
                    desc.wait()
                pltpu.sync_copy(bufs[r % nb], acc.at[dstbuf.at[r]], add=True)
                if r + nb < KB:
                    g.append(fire_halves(r + nb, bufs[(r + nb) % nb]))
            return 0

        lax.fori_loop(0, my_rows // KB, chunk, 0)

        plsc.subcore_barrier()
        pltpu.sync_copy(acc.at[pl.ds(sid * stripe, stripe)],
                        out_hbm.at[cid, pl.ds(sid * stripe, stripe)])

    return prop_kernel



def _prep_tc(degp, x_pad):
    n_pad, d = x_pad.shape

    def body(degp_ref, x_ref, dinv_ref, xs_ref):
        deg = degp_ref[0, :] + degp_ref[1, :] + 1.0
        dinv = lax.rsqrt(jnp.maximum(deg, 1.0))
        dinv2d = jnp.broadcast_to(dinv[:, None], (n_pad, d))
        dinv_ref[...] = dinv2d
        xs_ref[...] = x_ref[...] * dinv2d

    return pl.pallas_call(
        body,
        out_shape=(
            jax.ShapeDtypeStruct((n_pad, d), jnp.float32),
            jax.ShapeDtypeStruct((n_pad, d), jnp.float32),
        ),
    )(degp, x_pad)


def _layer1_tc(partials, xs, dinv2d, w1):
    n_pad, d = xs.shape
    blk = 1024
    grid = n_pad // blk

    def body(p_ref, xs_ref, dinv_ref, w_ref, out_ref):
        agg = (p_ref[0] + p_ref[1] + xs_ref[...]) * dinv_ref[...]
        h = jnp.dot(agg, w_ref[...], preferred_element_type=jnp.float32)
        out_ref[...] = jnp.maximum(h, 0.0) * dinv_ref[...]

    return pl.pallas_call(
        body,
        grid=(grid,),
        in_specs=[
            pl.BlockSpec((NC, blk, d), lambda j: (0, j, 0)),
            pl.BlockSpec((blk, d), lambda j: (j, 0)),
            pl.BlockSpec((blk, d), lambda j: (j, 0)),
            pl.BlockSpec((d, d), lambda j: (0, 0)),
        ],
        out_specs=pl.BlockSpec((blk, d), lambda j: (j, 0)),
        out_shape=jax.ShapeDtypeStruct((n_pad, d), jnp.float32),
    )(partials, xs, dinv2d, w1)


def _final_tc(partials, h1s, dinv2d, w2, img):
    n_pad, d = h1s.shape
    b = img.shape[0]
    blk = 1024
    grid = n_pad // blk

    def body(p_ref, h_ref, dinv_ref, w_ref, img_ref, out_ref):
        agg = (p_ref[0] + p_ref[1] + h_ref[...]) * dinv_ref[...]
        h2 = jnp.dot(agg, w_ref[...], preferred_element_type=jnp.float32)
        out_ref[...] = lax.dot_general(
            img_ref[...], h2,
            dimension_numbers=(((1,), (1,)), ((), ())),
            preferred_element_type=jnp.float32)

    return pl.pallas_call(
        body,
        grid=(grid,),
        in_specs=[
            pl.BlockSpec((NC, blk, d), lambda j: (0, j, 0)),
            pl.BlockSpec((blk, d), lambda j: (j, 0)),
            pl.BlockSpec((blk, d), lambda j: (j, 0)),
            pl.BlockSpec((d, d), lambda j: (0, 0)),
            pl.BlockSpec((b, d), lambda j: (0, 0)),
        ],
        out_specs=pl.BlockSpec((b, blk), lambda j: (0, j)),
        out_shape=jax.ShapeDtypeStruct((b, n_pad), jnp.float32),
    )(partials, h1s, dinv2d, w2, img)



@jax.jit
def _run(x, edge_index, img, w1, w2):
    n, d = x.shape
    e = edge_index.shape[1]
    n_pad = ((n + NS * L - 1) // (NS * L)) * (NS * L)

    base = (-(-e // (NW * LI)) + 7) // 8 * 8
    er = base * NW
    e_pad = er * LI - e
    src_flat = jnp.pad(edge_index[0], (0, e_pad))
    dst_flat = jnp.pad(edge_index[1], (0, e_pad), constant_values=n)
    src2d = src_flat.reshape(er, LI)
    dst2d = dst_flat.reshape(er, LI)
    x_pad = jnp.pad(x, ((0, n_pad - n), (0, 0)))

    degp = _make_degree_kernel(er, n_pad)(dst2d)
    dinv2d, xs = _prep_tc(degp, x_pad)

    prop = _make_prop_kernel(er, n_pad, d, skew=72)
    p1 = prop(xs, src2d, dst2d)
    h1s = _layer1_tc(p1, xs, dinv2d, w1)
    p2 = prop(h1s, src2d, dst2d)
    scores_pad = _final_tc(p2, h1s, dinv2d, w2, img)
    return scores_pad[:, :n]


def kernel(x, edge_index, img, W1, W2):
    return _run(x, edge_index, img, W1, W2)

# --- scband reference (transcript-rebuilt; emitter-appended) ---
"""Pipeline reference for scband-graph-full-40355512713876 (READ-ONLY COPY).

The authoritative reference and input builder live on the scoring server;
editing this copy changes nothing except your own understanding.
"""

import jax, jax.numpy as jnp
import numpy as np

N = 10000
E = 320000
D = 128
EMB = 128
B = 1024


def setup_inputs(seed: int = 0) -> dict:
    key = jax.random.key(seed)
    k1, k2, k3, k4, k5 = jax.random.split(key, 5)
    x = jax.random.normal(k1, (N, D), dtype=jnp.float32)
    edge_index = jax.random.randint(k2, (2, E), 0, N, dtype=jnp.int32)
    img = jax.random.normal(k3, (B, EMB), dtype=jnp.float32)
    # learned GCN weights (2-layer GCN, as in gr_emb / gcn_nlayers=2)
    W1 = jax.random.normal(k4, (D, EMB), dtype=jnp.float32) * (1.0 / np.sqrt(D))
    W2 = jax.random.normal(k5, (EMB, EMB), dtype=jnp.float32) * (1.0 / np.sqrt(EMB))
    return {"x": x, "edge_index": edge_index, "img": img, "W1": W1, "W2": W2}


def reference(x, edge_index, img, W1, W2):
    # GraphFull core: GCN over the attr/obj/pair composition graph (adjacency given
    # as COO edge_index, matching adj_from_pairs which includes explicit self-loops;
    # we add self-loops here), followed by val_forward_dotpr: image features dotted
    # against the propagated pair-node embeddings.
    n = x.shape[0]
    src = edge_index[0]
    dst = edge_index[1]
    loop = jnp.arange(n, dtype=src.dtype)
    src = jnp.concatenate([src, loop])
    dst = jnp.concatenate([dst, loop])
    # symmetric GCN normalization D^-1/2 A D^-1/2
    deg = jnp.zeros((n,), x.dtype).at[dst].add(1.0)
    dinv = jax.lax.rsqrt(jnp.maximum(deg, 1.0))
    norm = dinv[src] * dinv[dst]

    def gcn_layer(h, W):
        msgs = h[src] * norm[:, None]               # gather (SparseCore)
        agg = jnp.zeros((n, h.shape[1]), h.dtype).at[dst].add(msgs)  # scatter-add
        return agg @ W

    h = jax.nn.relu(gcn_layer(x, W1))
    h = gcn_layer(h, W2)
    # val_forward_dotpr: score = img_feats @ pair_embeddings.T
    scores = img @ h.T
    return scores

if __name__ == "__main__":
    import jax
    _d = setup_inputs()
    print(jax.jit(kernel)(*tuple(_d.values())))

</pallas_src>

<mosaic_0001>
#map = affine_map<(d0, d1) -> (0, 0)>
#map1 = affine_map<(d0, d1) -> (0, 0, 0)>
module attributes {stable_mosaic.version = 14 : i64} {
  func.func @prop_kernel(%arg0: i32, %arg1: i32, %arg2: memref<10240x128xf32, #tpu.memory_space<hbm>>, %arg3: memref<2560x128xi32, #tpu.memory_space<hbm>>, %arg4: memref<2560x128xi32, #tpu.memory_space<hbm>>, %arg5: memref<2x10240x128xf32, #tpu.memory_space<hbm>>, %arg6: memref<8x128xi32, #tpu.memory_space<vmem>>, %arg7: memref<8x128xi32, #tpu.memory_space<vmem>>, %arg8: memref<128x128xf32, #tpu.memory_space<vmem>>, %arg9: memref<128x128xf32, #tpu.memory_space<vmem>>, %arg10: memref<10240x128xf32, #tpu.memory_space<vmem_shared>>, %arg11: memref<!tpu.dma_semaphore, #tpu.memory_space<semaphore_mem>>) attributes {dimension_semantics = [#tpu.dimension_semantics<core_parallel>, #tpu.dimension_semantics<subcore_parallel>], iteration_bounds = array<i64: 2, 16>, scalar_prefetch = 0 : i64, scratch_operands = 6 : i64, tpu.core_type = #tpu.core_type<sc_vector_subcore>, window_params = [{transform_indices = #map}, {transform_indices = #map}, {transform_indices = #map}, {transform_indices = #map1}]} {
    %mul3A = arith.constant 2 : i32
    %mul3A_0 = arith.muli %arg1, %mul3A : i32
    %add3A = arith.addi %mul3A_0, %arg0 : i32
    %broadcast_in_dim3A = arith.constant 0.000000e+00 : f32
    %broadcast_in_dim3A_1 = vector.broadcast %broadcast_in_dim3A : f32 to vector<16xf32>
    %scan3A = arith.constant 0 : i32
    %scan3A_2 = arith.constant 0 : i32
    %scan3A_3 = arith.constant 128 : i32
    %scan3A_4 = arith.addi %scan3A_2, %scan3A_3 : i32
    %scan3A_5 = arith.constant 1 : i32
    %scan3A_6 = scf.for %scan3A_73 = %scan3A_2 to %scan3A_4 step %scan3A_5 iter_args(%scan3A_74 = %scan3A) -> (i32)  : i32 {
      %swap3A = arith.index_cast %scan3A_73 : i32 to index
      %swap3A_75 = arith.constant 0 : index
      %swap3A_76 = tpu.vector_load %arg8[%swap3A, %swap3A_75] {strides = array<i32>} : memref<128x128xf32, #tpu.memory_space<vmem>>, vector<1x16xf32>,
      %swap3A_77 = vector.shape_cast %swap3A_76 : vector<1x16xf32> to vector<16xf32>
      %swap3A_78 = vector.shape_cast %broadcast_in_dim3A_1 : vector<16xf32> to vector<1x16xf32>
      tpu.vector_store %arg8[%swap3A, %swap3A_75], %swap3A_78 {strides = array<i32>} : memref<128x128xf32, #tpu.memory_space<vmem>>, vector<1x16xf32>,
      %swap3A_79 = arith.index_cast %scan3A_73 : i32 to index
      %swap3A_80 = arith.constant 16 : index
      %swap3A_81 = tpu.vector_load %arg8[%swap3A_79, %swap3A_80] {strides = array<i32>} : memref<128x128xf32, #tpu.memory_space<vmem>>, vector<1x16xf32>,
      %swap3A_82 = vector.shape_cast %swap3A_81 : vector<1x16xf32> to vector<16xf32>
      %swap3A_83 = vector.shape_cast %broadcast_in_dim3A_1 : vector<16xf32> to vector<1x16xf32>
      tpu.vector_store %arg8[%swap3A_79, %swap3A_80], %swap3A_83 {strides = array<i32>} : memref<128x128xf32, #tpu.memory_space<vmem>>, vector<1x16xf32>,
      %swap3A_84 = arith.index_cast %scan3A_73 : i32 to index
      %swap3A_85 = arith.constant 32 : index
      %swap3A_86 = tpu.vector_load %arg8[%swap3A_84, %swap3A_85] {strides = array<i32>} : memref<128x128xf32, #tpu.memory_space<vmem>>, vector<1x16xf32>,
      %swap3A_87 = vector.shape_cast %swap3A_86 : vector<1x16xf32> to vector<16xf32>
      %swap3A_88 = vector.shape_cast %broadcast_in_dim3A_1 : vector<16xf32> to vector<1x16xf32>
      tpu.vector_store %arg8[%swap3A_84, %swap3A_85], %swap3A_88 {strides = array<i32>} : memref<128x128xf32, #tpu.memory_space<vmem>>, vector<1x16xf32>,
      %swap3A_89 = arith.index_cast %scan3A_73 : i32 to index
      %swap3A_90 = arith.constant 48 : index
      %swap3A_91 = tpu.vector_load %arg8[%swap3A_89, %swap3A_90] {strides = array<i32>} : memref<128x128xf32, #tpu.memory_space<vmem>>, vector<1x16xf32>,
      %swap3A_92 = vector.shape_cast %swap3A_91 : vector<1x16xf32> to vector<16xf32>
      %swap3A_93 = vector.shape_cast %broadcast_in_dim3A_1 : vector<16xf32> to vector<1x16xf32>
      tpu.vector_store %arg8[%swap3A_89, %swap3A_90], %swap3A_93 {strides = array<i32>} : memref<128x128xf32, #tpu.memory_space<vmem>>, vector<1x16xf32>,
      %swap3A_94 = arith.index_cast %scan3A_73 : i32 to index
      %swap3A_95 = arith.constant 64 : index
      %swap3A_96 = tpu.vector_load %arg8[%swap3A_94, %swap3A_95] {strides = array<i32>} : memref<128x128xf32, #tpu.memory_space<vmem>>, vector<1x16xf32>,
      %swap3A_97 = vector.shape_cast %swap3A_96 : vector<1x16xf32> to vector<16xf32>
      %swap3A_98 = vector.shape_cast %broadcast_in_dim3A_1 : vector<16xf32> to vector<1x16xf32>
      tpu.vector_store %arg8[%swap3A_94, %swap3A_95], %swap3A_98 {strides = array<i32>} : memref<128x128xf32, #tpu.memory_space<vmem>>, vector<1x16xf32>,
      %swap3A_99 = arith.index_cast %scan3A_73 : i32 to index
      %swap3A_100 = arith.constant 80 : index
      %swap3A_101 = tpu.vector_load %arg8[%swap3A_99, %swap3A_100] {strides = array<i32>} : memref<128x128xf32, #tpu.memory_space<vmem>>, vector<1x16xf32>,
      %swap3A_102 = vector.shape_cast %swap3A_101 : vector<1x16xf32> to vector<16xf32>
      %swap3A_103 = vector.shape_cast %broadcast_in_dim3A_1 : vector<16xf32> to vector<1x16xf32>
      tpu.vector_store %arg8[%swap3A_99, %swap3A_100], %swap3A_103 {strides = array<i32>} : memref<128x128xf32, #tpu.memory_space<vmem>>, vector<1x16xf32>,
      %swap3A_104 = arith.index_cast %scan3A_73 : i32 to index
      %swap3A_105 = arith.constant 96 : index
      %swap3A_106 = tpu.vector_load %arg8[%swap3A_104, %swap3A_105] {strides = array<i32>} : memref<128x128xf32, #tpu.memory_space<vmem>>, vector<1x16xf32>,
      %swap3A_107 = vector.shape_cast %swap3A_106 : vector<1x16xf32> to vector<16xf32>
      %swap3A_108 = vector.shape_cast %broadcast_in_dim3A_1 : vector<16xf32> to vector<1x16xf32>
      tpu.vector_store %arg8[%swap3A_104, %swap3A_105], %swap3A_108 {strides = array<i32>} : memref<128x128xf32, #tpu.memory_space<vmem>>, vector<1x16xf32>,
      %swap3A_109 = arith.index_cast %scan3A_73 : i32 to index
      %swap3A_110 = arith.constant 112 : index
      %swap3A_111 = tpu.vector_load %arg8[%swap3A_109, %swap3A_110] {strides = array<i32>} : memref<128x128xf32, #tpu.memory_space<vmem>>, vector<1x16xf32>,
      %swap3A_112 = vector.shape_cast %swap3A_111 : vector<1x16xf32> to vector<16xf32>
      %swap3A_113 = vector.shape_cast %broadcast_in_dim3A_1 : vector<16xf32> to vector<1x16xf32>
      tpu.vector_store %arg8[%swap3A_109, %swap3A_110], %swap3A_113 {strides = array<i32>} : memref<128x128xf32, #tpu.memory_space<vmem>>, vector<1x16xf32>,
      %scan3A_114 = arith.constant 0 : i32
      scf.yield %scan3A_114 : i32
    }
    %scan3A_7 = arith.constant 128 : i32
    %mul3A_8 = arith.constant 640 : i32
    %mul3A_9 = arith.muli %arg1, %mul3A_8 : i32
    %add3A_10 = arith.constant 0 : i32
    %add3A_11 = arith.addi %mul3A_9, %add3A_10 : i32
    "tpu.region"() ({
      %run_scoped3A = tpu.sem_alloc : memref<!tpu.dma_semaphore, #tpu.memory_space<semaphore_mem>>
      %dma_start3A = arith.constant 0 : i32
      %dma_start3A_73 = arith.constant 0 : i32
      %dma_start3A_74 = tpu.memref_slice %arg8[%dma_start3A, %dma_start3A_73] : memref<128x128xf32, #tpu.memory_space<vmem>> -> memref<128x128xf32, #tpu.memory_space<vmem>>
      %dma_start3A_75 = arith.constant 0 : i32
      %dma_start3A_76 = tpu.memref_slice %arg10[%add3A_11, %dma_start3A_75] : memref<10240x128xf32, #tpu.memory_space<vmem_shared>> -> memref<128x128xf32, #tpu.memory_space<vmem_shared>>
      %dma_start3A_77 = arith.constant 0 : i32
      %dma_start3A_78 = tpu.memref_slice %arg10[%add3A_11, %dma_start3A_77] : memref<10240x128xf32, #tpu.memory_space<vmem_shared>> -> memref<128x128xf32, #tpu.memory_space<vmem_shared>>
      %dma_start3A_79 = arith.constant 0 : i32
      %dma_start3A_80 = arith.constant 0 : i32
      %dma_start3A_81 = tpu.memref_slice %arg8[%dma_start3A_79, %dma_start3A_80] : memref<128x128xf32, #tpu.memory_space<vmem>> -> memref<128x128xf32, #tpu.memory_space<vmem>>
      tpu.enqueue_dma source(%dma_start3A_81 : memref<128x128xf32, #tpu.memory_space<vmem>>) target(%dma_start3A_78 : memref<128x128xf32, #tpu.memory_space<vmem_shared>>) target_semaphore(%run_scoped3A : memref<!tpu.dma_semaphore, #tpu.memory_space<semaphore_mem>>)
      %dma_wait3A = arith.constant 0 : i32
      %dma_wait3A_82 = arith.constant 0 : i32
      %dma_wait3A_83 = tpu.memref_slice %arg8[%dma_wait3A, %dma_wait3A_82] : memref<128x128xf32, #tpu.memory_space<vmem>> -> memref<128x128xf32, #tpu.memory_space<vmem>>
      %dma_wait3A_84 = arith.constant 0 : i32
      %dma_wait3A_85 = tpu.memref_slice %arg10[%add3A_11, %dma_wait3A_84] : memref<10240x128xf32, #tpu.memory_space<vmem_shared>> -> memref<128x128xf32, #tpu.memory_space<vmem_shared>>
      %dma_wait3A_86 = arith.constant 0 : i32
      %dma_wait3A_87 = tpu.memref_slice %arg10[%add3A_11, %dma_wait3A_86] : memref<10240x128xf32, #tpu.memory_space<vmem_shared>> -> memref<128x128xf32, #tpu.memory_space<vmem_shared>>
      %dma_wait3A_88 = arith.constant 0 : i32
      %dma_wait3A_89 = arith.constant 0 : i32
      %dma_wait3A_90 = tpu.memref_slice %arg8[%dma_wait3A_88, %dma_wait3A_89] : memref<128x128xf32, #tpu.memory_space<vmem>> -> memref<128x128xf32, #tpu.memory_space<vmem>>
      tpu.wait_dma2 semaphore(%run_scoped3A : memref<!tpu.dma_semaphore, #tpu.memory_space<semaphore_mem>>) src(%dma_wait3A_90 : memref<128x128xf32, #tpu.memory_space<vmem>>) dst(%dma_wait3A_87 : memref<128x128xf32, #tpu.memory_space<vmem_shared>>)
      tpu.yield
    }) : () -> ()
    %mul3A_12 = arith.constant 640 : i32
    %mul3A_13 = arith.muli %arg1, %mul3A_12 : i32
    %add3A_14 = arith.constant 128 : i32
    %add3A_15 = arith.addi %mul3A_13, %add3A_14 : i32
    "tpu.region"() ({
      %run_scoped3A = tpu.sem_alloc : memref<!tpu.dma_semaphore, #tpu.memory_space<semaphore_mem>>
      %dma_start3A = arith.constant 0 : i32
      %dma_start3A_73 = arith.constant 0 : i32
      %dma_start3A_74 = tpu.memref_slice %arg8[%dma_start3A, %dma_start3A_73] : memref<128x128xf32, #tpu.memory_space<vmem>> -> memref<128x128xf32, #tpu.memory_space<vmem>>
      %dma_start3A_75 = arith.constant 0 : i32
      %dma_start3A_76 = tpu.memref_slice %arg10[%add3A_15, %dma_start3A_75] : memref<10240x128xf32, #tpu.memory_space<vmem_shared>> -> memref<128x128xf32, #tpu.memory_space<vmem_shared>>
      %dma_start3A_77 = arith.constant 0 : i32
      %dma_start3A_78 = tpu.memref_slice %arg10[%add3A_15, %dma_start3A_77] : memref<10240x128xf32, #tpu.memory_space<vmem_shared>> -> memref<128x128xf32, #tpu.memory_space<vmem_shared>>
      %dma_start3A_79 = arith.constant 0 : i32
      %dma_start3A_80 = arith.constant 0 : i32
      %dma_start3A_81 = tpu.memref_slice %arg8[%dma_start3A_79, %dma_start3A_80] : memref<128x128xf32, #tpu.memory_space<vmem>> -> memref<128x128xf32, #tpu.memory_space<vmem>>
      tpu.enqueue_dma source(%dma_start3A_81 : memref<128x128xf32, #tpu.memory_space<vmem>>) target(%dma_start3A_78 : memref<128x128xf32, #tpu.memory_space<vmem_shared>>) target_semaphore(%run_scoped3A : memref<!tpu.dma_semaphore, #tpu.memory_space<semaphore_mem>>)
      %dma_wait3A = arith.constant 0 : i32
      %dma_wait3A_82 = arith.constant 0 : i32
      %dma_wait3A_83 = tpu.memref_slice %arg8[%dma_wait3A, %dma_wait3A_82] : memref<128x128xf32, #tpu.memory_space<vmem>> -> memref<128x128xf32, #tpu.memory_space<vmem>>
      %dma_wait3A_84 = arith.constant 0 : i32
      %dma_wait3A_85 = tpu.memref_slice %arg10[%add3A_15, %dma_wait3A_84] : memref<10240x128xf32, #tpu.memory_space<vmem_shared>> -> memref<128x128xf32, #tpu.memory_space<vmem_shared>>
      %dma_wait3A_86 = arith.constant 0 : i32
      %dma_wait3A_87 = tpu.memref_slice %arg10[%add3A_15, %dma_wait3A_86] : memref<10240x128xf32, #tpu.memory_space<vmem_shared>> -> memref<128x128xf32, #tpu.memory_space<vmem_shared>>
      %dma_wait3A_88 = arith.constant 0 : i32
      %dma_wait3A_89 = arith.constant 0 : i32
      %dma_wait3A_90 = tpu.memref_slice %arg8[%dma_wait3A_88, %dma_wait3A_89] : memref<128x128xf32, #tpu.memory_space<vmem>> -> memref<128x128xf32, #tpu.memory_space<vmem>>
      tpu.wait_dma2 semaphore(%run_scoped3A : memref<!tpu.dma_semaphore, #tpu.memory_space<semaphore_mem>>) src(%dma_wait3A_90 : memref<128x128xf32, #tpu.memory_space<vmem>>) dst(%dma_wait3A_87 : memref<128x128xf32, #tpu.memory_space<vmem_shared>>)
      tpu.yield
    }) : () -> ()
    %mul3A_16 = arith.constant 640 : i32
    %mul3A_17 = arith.muli %arg1, %mul3A_16 : i32
    %add3A_18 = arith.constant 256 : i32
    %add3A_19 = arith.addi %mul3A_17, %add3A_18 : i32
    "tpu.region"() ({
      %run_scoped3A = tpu.sem_alloc : memref<!tpu.dma_semaphore, #tpu.memory_space<semaphore_mem>>
      %dma_start3A = arith.constant 0 : i32
      %dma_start3A_73 = arith.constant 0 : i32
      %dma_start3A_74 = tpu.memref_slice %arg8[%dma_start3A, %dma_start3A_73] : memref<128x128xf32, #tpu.memory_space<vmem>> -> memref<128x128xf32, #tpu.memory_space<vmem>>
      %dma_start3A_75 = arith.constant 0 : i32
      %dma_start3A_76 = tpu.memref_slice %arg10[%add3A_19, %dma_start3A_75] : memref<10240x128xf32, #tpu.memory_space<vmem_shared>> -> memref<128x128xf32, #tpu.memory_space<vmem_shared>>
      %dma_start3A_77 = arith.constant 0 : i32
      %dma_start3A_78 = tpu.memref_slice %arg10[%add3A_19, %dma_start3A_77] : memref<10240x128xf32, #tpu.memory_space<vmem_shared>> -> memref<128x128xf32, #tpu.memory_space<vmem_shared>>
      %dma_start3A_79 = arith.constant 0 : i32
      %dma_start3A_80 = arith.constant 0 : i32
      %dma_start3A_81 = tpu.memref_slice %arg8[%dma_start3A_79, %dma_start3A_80] : memref<128x128xf32, #tpu.memory_space<vmem>> -> memref<128x128xf32, #tpu.memory_space<vmem>>
      tpu.enqueue_dma source(%dma_start3A_81 : memref<128x128xf32, #tpu.memory_space<vmem>>) target(%dma_start3A_78 : memref<128x128xf32, #tpu.memory_space<vmem_shared>>) target_semaphore(%run_scoped3A : memref<!tpu.dma_semaphore, #tpu.memory_space<semaphore_mem>>)
      %dma_wait3A = arith.constant 0 : i32
      %dma_wait3A_82 = arith.constant 0 : i32
      %dma_wait3A_83 = tpu.memref_slice %arg8[%dma_wait3A, %dma_wait3A_82] : memref<128x128xf32, #tpu.memory_space<vmem>> -> memref<128x128xf32, #tpu.memory_space<vmem>>
      %dma_wait3A_84 = arith.constant 0 : i32
      %dma_wait3A_85 = tpu.memref_slice %arg10[%add3A_19, %dma_wait3A_84] : memref<10240x128xf32, #tpu.memory_space<vmem_shared>> -> memref<128x128xf32, #tpu.memory_space<vmem_shared>>
      %dma_wait3A_86 = arith.constant 0 : i32
      %dma_wait3A_87 = tpu.memref_slice %arg10[%add3A_19, %dma_wait3A_86] : memref<10240x128xf32, #tpu.memory_space<vmem_shared>> -> memref<128x128xf32, #tpu.memory_space<vmem_shared>>
      %dma_wait3A_88 = arith.constant 0 : i32
      %dma_wait3A_89 = arith.constant 0 : i32
      %dma_wait3A_90 = tpu.memref_slice %arg8[%dma_wait3A_88, %dma_wait3A_89] : memref<128x128xf32, #tpu.memory_space<vmem>> -> memref<128x128xf32, #tpu.memory_space<vmem>>
      tpu.wait_dma2 semaphore(%run_scoped3A : memref<!tpu.dma_semaphore, #tpu.memory_space<semaphore_mem>>) src(%dma_wait3A_90 : memref<128x128xf32, #tpu.memory_space<vmem>>) dst(%dma_wait3A_87 : memref<128x128xf32, #tpu.memory_space<vmem_shared>>)
      tpu.yield
    }) : () -> ()
    %mul3A_20 = arith.constant 640 : i32
    %mul3A_21 = arith.muli %arg1, %mul3A_20 : i32
    %add3A_22 = arith.constant 384 : i32
    %add3A_23 = arith.addi %mul3A_21, %add3A_22 : i32
    "tpu.region"() ({
      %run_scoped3A = tpu.sem_alloc : memref<!tpu.dma_semaphore, #tpu.memory_space<semaphore_mem>>
      %dma_start3A = arith.constant 0 : i32
      %dma_start3A_73 = arith.constant 0 : i32
      %dma_start3A_74 = tpu.memref_slice %arg8[%dma_start3A, %dma_start3A_73] : memref<128x128xf32, #tpu.memory_space<vmem>> -> memref<128x128xf32, #tpu.memory_space<vmem>>
      %dma_start3A_75 = arith.constant 0 : i32
      %dma_start3A_76 = tpu.memref_slice %arg10[%add3A_23, %dma_start3A_75] : memref<10240x128xf32, #tpu.memory_space<vmem_shared>> -> memref<128x128xf32, #tpu.memory_space<vmem_shared>>
      %dma_start3A_77 = arith.constant 0 : i32
      %dma_start3A_78 = tpu.memref_slice %arg10[%add3A_23, %dma_start3A_77] : memref<10240x128xf32, #tpu.memory_space<vmem_shared>> -> memref<128x128xf32, #tpu.memory_space<vmem_shared>>
      %dma_start3A_79 = arith.constant 0 : i32
      %dma_start3A_80 = arith.constant 0 : i32
      %dma_start3A_81 = tpu.memref_slice %arg8[%dma_start3A_79, %dma_start3A_80] : memref<128x128xf32, #tpu.memory_space<vmem>> -> memref<128x128xf32, #tpu.memory_space<vmem>>
      tpu.enqueue_dma source(%dma_start3A_81 : memref<128x128xf32, #tpu.memory_space<vmem>>) target(%dma_start3A_78 : memref<128x128xf32, #tpu.memory_space<vmem_shared>>) target_semaphore(%run_scoped3A : memref<!tpu.dma_semaphore, #tpu.memory_space<semaphore_mem>>)
      %dma_wait3A = arith.constant 0 : i32
      %dma_wait3A_82 = arith.constant 0 : i32
      %dma_wait3A_83 = tpu.memref_slice %arg8[%dma_wait3A, %dma_wait3A_82] : memref<128x128xf32, #tpu.memory_space<vmem>> -> memref<128x128xf32, #tpu.memory_space<vmem>>
      %dma_wait3A_84 = arith.constant 0 : i32
      %dma_wait3A_85 = tpu.memref_slice %arg10[%add3A_23, %dma_wait3A_84] : memref<10240x128xf32, #tpu.memory_space<vmem_shared>> -> memref<128x128xf32, #tpu.memory_space<vmem_shared>>
      %dma_wait3A_86 = arith.constant 0 : i32
      %dma_wait3A_87 = tpu.memref_slice %arg10[%add3A_23, %dma_wait3A_86] : memref<10240x128xf32, #tpu.memory_space<vmem_shared>> -> memref<128x128xf32, #tpu.memory_space<vmem_shared>>
      %dma_wait3A_88 = arith.constant 0 : i32
      %dma_wait3A_89 = arith.constant 0 : i32
      %dma_wait3A_90 = tpu.memref_slice %arg8[%dma_wait3A_88, %dma_wait3A_89] : memref<128x128xf32, #tpu.memory_space<vmem>> -> memref<128x128xf32, #tpu.memory_space<vmem>>
      tpu.wait_dma2 semaphore(%run_scoped3A : memref<!tpu.dma_semaphore, #tpu.memory_space<semaphore_mem>>) src(%dma_wait3A_90 : memref<128x128xf32, #tpu.memory_space<vmem>>) dst(%dma_wait3A_87 : memref<128x128xf32, #tpu.memory_space<vmem_shared>>)
      tpu.yield
    }) : () -> ()
    %mul3A_24 = arith.constant 640 : i32
    %mul3A_25 = arith.muli %arg1, %mul3A_24 : i32
    %add3A_26 = arith.constant 512 : i32
    %add3A_27 = arith.addi %mul3A_25, %add3A_26 : i32
    "tpu.region"() ({
      %run_scoped3A = tpu.sem_alloc : memref<!tpu.dma_semaphore, #tpu.memory_space<semaphore_mem>>
      %dma_start3A = arith.constant 0 : i32
      %dma_start3A_73 = arith.constant 0 : i32
      %dma_start3A_74 = tpu.memref_slice %arg8[%dma_start3A, %dma_start3A_73] : memref<128x128xf32, #tpu.memory_space<vmem>> -> memref<128x128xf32, #tpu.memory_space<vmem>>
      %dma_start3A_75 = arith.constant 0 : i32
      %dma_start3A_76 = tpu.memref_slice %arg10[%add3A_27, %dma_start3A_75] : memref<10240x128xf32, #tpu.memory_space<vmem_shared>> -> memref<128x128xf32, #tpu.memory_space<vmem_shared>>
      %dma_start3A_77 = arith.constant 0 : i32
      %dma_start3A_78 = tpu.memref_slice %arg10[%add3A_27, %dma_start3A_77] : memref<10240x128xf32, #tpu.memory_space<vmem_shared>> -> memref<128x128xf32, #tpu.memory_space<vmem_shared>>
      %dma_start3A_79 = arith.constant 0 : i32
      %dma_start3A_80 = arith.constant 0 : i32
      %dma_start3A_81 = tpu.memref_slice %arg8[%dma_start3A_79, %dma_start3A_80] : memref<128x128xf32, #tpu.memory_space<vmem>> -> memref<128x128xf32, #tpu.memory_space<vmem>>
      tpu.enqueue_dma source(%dma_start3A_81 : memref<128x128xf32, #tpu.memory_space<vmem>>) target(%dma_start3A_78 : memref<128x128xf32, #tpu.memory_space<vmem_shared>>) target_semaphore(%run_scoped3A : memref<!tpu.dma_semaphore, #tpu.memory_space<semaphore_mem>>)
      %dma_wait3A = arith.constant 0 : i32
      %dma_wait3A_82 = arith.constant 0 : i32
      %dma_wait3A_83 = tpu.memref_slice %arg8[%dma_wait3A, %dma_wait3A_82] : memref<128x128xf32, #tpu.memory_space<vmem>> -> memref<128x128xf32, #tpu.memory_space<vmem>>
      %dma_wait3A_84 = arith.constant 0 : i32
      %dma_wait3A_85 = tpu.memref_slice %arg10[%add3A_27, %dma_wait3A_84] : memref<10240x128xf32, #tpu.memory_space<vmem_shared>> -> memref<128x128xf32, #tpu.memory_space<vmem_shared>>
      %dma_wait3A_86 = arith.constant 0 : i32
      %dma_wait3A_87 = tpu.memref_slice %arg10[%add3A_27, %dma_wait3A_86] : memref<10240x128xf32, #tpu.memory_space<vmem_shared>> -> memref<128x128xf32, #tpu.memory_space<vmem_shared>>
      %dma_wait3A_88 = arith.constant 0 : i32
      %dma_wait3A_89 = arith.constant 0 : i32
      %dma_wait3A_90 = tpu.memref_slice %arg8[%dma_wait3A_88, %dma_wait3A_89] : memref<128x128xf32, #tpu.memory_space<vmem>> -> memref<128x128xf32, #tpu.memory_space<vmem>>
      tpu.wait_dma2 semaphore(%run_scoped3A : memref<!tpu.dma_semaphore, #tpu.memory_space<semaphore_mem>>) src(%dma_wait3A_90 : memref<128x128xf32, #tpu.memory_space<vmem>>) dst(%dma_wait3A_87 : memref<128x128xf32, #tpu.memory_space<vmem_shared>>)
      tpu.yield
    }) : () -> ()
    %barrier3A = arith.constant 0 : index
    tpu.barrier barrier_id(%barrier3A)
    %eq3A = arith.constant 0 : i32
    %eq3A_28 = arith.cmpi eq, %arg0, %eq3A : i32
    %jit3A = arith.constant 152 : i32
    %jit3A_29 = arith.constant 8 : i32
    %select_n3A = arith.select %eq3A_28, %jit3A, %jit3A_29 : i32
    %eq3A_30 = arith.constant 0 : i32
    %eq3A_31 = arith.cmpi eq, %arg0, %eq3A_30 : i32
    %mul3A_32 = arith.constant 152 : i32
    %mul3A_33 = arith.muli %arg1, %mul3A_32 : i32
    %mul3A_34 = arith.constant 8 : i32
    %mul3A_35 = arith.muli %arg1, %mul3A_34 : i32
    %add3A_36 = arith.constant 2432 : i32
    %add3A_37 = arith.addi %add3A_36, %mul3A_35 : i32
    %select_n3A_38 = arith.select %eq3A_31, %mul3A_33, %add3A_37 : i32
    %jit3A_39 = arith.constant 8 : i32
    %div3A = arith.divsi %select_n3A, %jit3A_39 : i32
    %sign3A = arith.constant 0 : i32
    %sign3A_40 = arith.cmpi sgt, %select_n3A, %sign3A : i32
    %sign3A_41 = arith.extui %sign3A_40 : i1 to i32
    %sign3A_42 = arith.constant 0 : i32
    %sign3A_43 = arith.cmpi slt, %select_n3A, %sign3A_42 : i32
    %sign3A_44 = arith.extui %sign3A_43 : i1 to i32
    %sign3A_45 = arith.subi %sign3A_41, %sign3A_44 : i32
    %sign3A_46 = arith.constant 0 : i32
    %sign3A_47 = arith.cmpi sgt, %jit3A_39, %sign3A_46 : i32
    %sign3A_48 = arith.extui %sign3A_47 : i1 to i32
    %sign3A_49 = arith.constant 0 : i32
    %sign3A_50 = arith.cmpi slt, %jit3A_39, %sign3A_49 : i32
    %sign3A_51 = arith.extui %sign3A_50 : i1 to i32
    %sign3A_52 = arith.subi %sign3A_48, %sign3A_51 : i32
    %ne3A = arith.cmpi ne, %sign3A_45, %sign3A_52 : i32
    %rem3A = arith.remsi %select_n3A, %jit3A_39 : i32
    %ne3A_53 = arith.constant 0 : i32
    %ne3A_54 = arith.cmpi ne, %rem3A, %ne3A_53 : i32
    %and3A = arith.andi %ne3A, %ne3A_54 : i1
    %sub3A = arith.constant 1 : i32
    %sub3A_55 = arith.subi %div3A, %sub3A : i32
    %select_n3A_56 = arith.select %and3A, %sub3A_55, %div3A : i32
    %while3A = arith.constant 0 : i32
    %while3A_57 = arith.constant 0 : i32
    %while3A_58 = arith.subi %select_n3A_56, %while3A : i32
    %while3A_59 = arith.addi %while3A, %while3A_58 : i32
    %while3A_60 = arith.constant 1 : i32
    %while3A_61 = arith.divsi %while3A_58, %while3A_60 : i32
    %while3A_62 = arith.muli %while3A_61, %while3A_60 : i32
    %while3A_63 = arith.addi %while3A, %while3A_62 : i32
    %while3A_64 = arith.constant 1 : i32
    %while3A_65 = scf.for %while3A_73 = %while3A to %while3A_63 step %while3A_64 iter_args(%while3A_74 = %while3A_57) -> (i32)  : i32 {
      %mul3A_75 = arith.constant 8 : i32
      %mul3A_76 = arith.muli %while3A_73, %mul3A_75 : i32
      %add3A_77 = arith.addi %select_n3A_38, %mul3A_76 : i32
      "tpu.region"() ({
        %run_scoped3A_404 = tpu.sem_alloc : memref<!tpu.dma_semaphore, #tpu.memory_space<semaphore_mem>>
        %dma_start3A_405 = arith.constant 0 : i32
        %dma_start3A_406 = tpu.memref_slice %arg3[%add3A_77, %dma_start3A_405] : memref<2560x128xi32, #tpu.memory_space<hbm>> -> memref<8x128xi32, #tpu.memory_space<hbm>>
        %dma_start3A_407 = arith.constant 0 : i32
        %dma_start3A_408 = tpu.memref_slice %arg3[%add3A_77, %dma_start3A_407] : memref<2560x128xi32, #tpu.memory_space<hbm>> -> memref<8x128xi32, #tpu.memory_space<hbm>>
        tpu.enqueue_dma source(%dma_start3A_408 : memref<8x128xi32, #tpu.memory_space<hbm>>) target(%arg6 : memref<8x128xi32, #tpu.memory_space<vmem>>) target_semaphore(%run_scoped3A_404 : memref<!tpu.dma_semaphore, #tpu.memory_space<semaphore_mem>>)
        %dma_wait3A_409 = arith.constant 0 : i32
        %dma_wait3A_410 = tpu.memref_slice %arg3[%add3A_77, %dma_wait3A_409] : memref<2560x128xi32, #tpu.memory_space<hbm>> -> memref<8x128xi32, #tpu.memory_space<hbm>>
        %dma_wait3A_411 = arith.constant 0 : i32
        %dma_wait3A_412 = tpu.memref_slice %arg3[%add3A_77, %dma_wait3A_411] : memref<2560x128xi32, #tpu.memory_space<hbm>> -> memref<8x128xi32, #tpu.memory_space<hbm>>
        tpu.wait_dma2 semaphore(%run_scoped3A_404 : memref<!tpu.dma_semaphore, #tpu.memory_space<semaphore_mem>>) src(%dma_wait3A_412 : memref<8x128xi32, #tpu.memory_space<hbm>>) dst(%arg6 : memref<8x128xi32, #tpu.memory_space<vmem>>)
        tpu.yield
      }) : () -> ()
      "tpu.region"() ({
        %run_scoped3A_404 = tpu.sem_alloc : memref<!tpu.dma_semaphore, #tpu.memory_space<semaphore_mem>>
        %dma_start3A_405 = arith.constant 0 : i32
        %dma_start3A_406 = tpu.memref_slice %arg4[%add3A_77, %dma_start3A_405] : memref<2560x128xi32, #tpu.memory_space<hbm>> -> memref<8x128xi32, #tpu.memory_space<hbm>>
        %dma_start3A_407 = arith.constant 0 : i32
        %dma_start3A_408 = tpu.memref_slice %arg4[%add3A_77, %dma_start3A_407] : memref<2560x128xi32, #tpu.memory_space<hbm>> -> memref<8x128xi32, #tpu.memory_space<hbm>>
        tpu.enqueue_dma source(%dma_start3A_408 : memref<8x128xi32, #tpu.memory_space<hbm>>) target(%arg7 : memref<8x128xi32, #tpu.memory_space<vmem>>) target_semaphore(%run_scoped3A_404 : memref<!tpu.dma_semaphore, #tpu.memory_space<semaphore_mem>>)
        %dma_wait3A_409 = arith.constant 0 : i32
        %dma_wait3A_410 = tpu.memref_slice %arg4[%add3A_77, %dma_wait3A_409] : memref<2560x128xi32, #tpu.memory_space<hbm>> -> memref<8x128xi32, #tpu.memory_space<hbm>>
        %dma_wait3A_411 = arith.constant 0 : i32
        %dma_wait3A_412 = tpu.memref_slice %arg4[%add3A_77, %dma_wait3A_411] : memref<2560x128xi32, #tpu.memory_space<hbm>> -> memref<8x128xi32, #tpu.memory_space<hbm>>
        tpu.wait_dma2 semaphore(%run_scoped3A_404 : memref<!tpu.dma_semaphore, #tpu.memory_space<semaphore_mem>>) src(%dma_wait3A_412 : memref<8x128xi32, #tpu.memory_space<hbm>>) dst(%arg7 : memref<8x128xi32, #tpu.memory_space<vmem>>)
        tpu.yield
      }) : () -> ()
      %dma_start3A = arith.constant 0 : i32
      %dma_start3A_78 = arith.constant 0 : i32
      %dma_start3A_79 = arith.constant 0 : i32
      %dma_start3A_80 = tpu.memref_slice %arg8[%dma_start3A_78, %dma_start3A_79] : memref<128x128xf32, #tpu.memory_space<vmem>> -> memref<64x128xf32, #tpu.memory_space<vmem>>
      %dma_start3A_81 = arith.constant 0 : i32
      %dma_start3A_82 = tpu.memref_slice %arg6[%dma_start3A, %dma_start3A_81] : memref<8x128xi32, #tpu.memory_space<vmem>> -> memref<1x64xi32, #tpu.memory_space<vmem>>
      %dma_start3A_83 = tpu.memref_squeeze %dma_start3A_82 : memref<1x64xi32, #tpu.memory_space<vmem>> -> memref<64xi32, #tpu.memory_space<vmem>>
      %dma_start3A_84 = arith.constant 0 : i32
      %dma_start3A_85 = arith.constant 0 : i32
      %dma_start3A_86 = tpu.memref_slice %arg2[%dma_start3A_84, %dma_start3A_85] : memref<10240x128xf32, #tpu.memory_space<hbm>> -> memref<10240x128xf32, #tpu.memory_space<hbm>>
      tpu.enqueue_indirect_dma source(%dma_start3A_86 : memref<10240x128xf32, #tpu.memory_space<hbm>>) target(%dma_start3A_80 : memref<64x128xf32, #tpu.memory_space<vmem>>) offsets(%dma_start3A_83 : memref<64xi32, #tpu.memory_space<vmem>>) semaphore(%arg11 : memref<!tpu.dma_semaphore, #tpu.memory_space<semaphore_mem>>)
      %dma_start3A_87 = arith.constant 0 : i32
      %dma_start3A_88 = arith.constant 64 : i32
      %dma_start3A_89 = arith.constant 0 : i32
      %dma_start3A_90 = tpu.memref_slice %arg8[%dma_start3A_88, %dma_start3A_89] : memref<128x128xf32, #tpu.memory_space<vmem>> -> memref<64x128xf32, #tpu.memory_space<vmem>>
      %dma_start3A_91 = arith.constant 64 : i32
      %dma_start3A_92 = tpu.memref_slice %arg6[%dma_start3A_87, %dma_start3A_91] : memref<8x128xi32, #tpu.memory_space<vmem>> -> memref<1x64xi32, #tpu.memory_space<vmem>>
      %dma_start3A_93 = tpu.memref_squeeze %dma_start3A_92 : memref<1x64xi32, #tpu.memory_space<vmem>> -> memref<64xi32, #tpu.memory_space<vmem>>
      %dma_start3A_94 = arith.constant 0 : i32
      %dma_start3A_95 = arith.constant 0 : i32
      %dma_start3A_96 = tpu.memref_slice %arg2[%dma_start3A_94, %dma_start3A_95] : memref<10240x128xf32, #tpu.memory_space<hbm>> -> memref<10240x128xf32, #tpu.memory_space<hbm>>
      tpu.enqueue_indirect_dma source(%dma_start3A_96 : memref<10240x128xf32, #tpu.memory_space<hbm>>) target(%dma_start3A_90 : memref<64x128xf32, #tpu.memory_space<vmem>>) offsets(%dma_start3A_93 : memref<64xi32, #tpu.memory_space<vmem>>) semaphore(%arg11 : memref<!tpu.dma_semaphore, #tpu.memory_space<semaphore_mem>>)
      %dma_start3A_97 = arith.constant 1 : i32
      %dma_start3A_98 = arith.constant 0 : i32
      %dma_start3A_99 = arith.constant 0 : i32
      %dma_start3A_100 = tpu.memref_slice %arg9[%dma_start3A_98, %dma_start3A_99] : memref<128x128xf32, #tpu.memory_space<vmem>> -> memref<64x128xf32, #tpu.memory_space<vmem>>
      %dma_start3A_101 = arith.constant 0 : i32
      %dma_start3A_102 = tpu.memref_slice %arg6[%dma_start3A_97, %dma_start3A_101] : memref<8x128xi32, #tpu.memory_space<vmem>> -> memref<1x64xi32, #tpu.memory_space<vmem>>
      %dma_start3A_103 = tpu.memref_squeeze %dma_start3A_102 : memref<1x64xi32, #tpu.memory_space<vmem>> -> memref<64xi32, #tpu.memory_space<vmem>>
      %dma_start3A_104 = arith.constant 0 : i32
      %dma_start3A_105 = arith.constant 0 : i32
      %dma_start3A_106 = tpu.memref_slice %arg2[%dma_start3A_104, %dma_start3A_105] : memref<10240x128xf32, #tpu.memory_space<hbm>> -> memref<10240x128xf32, #tpu.memory_space<hbm>>
      tpu.enqueue_indirect_dma source(%dma_start3A_106 : memref<10240x128xf32, #tpu.memory_space<hbm>>) target(%dma_start3A_100 : memref<64x128xf32, #tpu.memory_space<vmem>>) offsets(%dma_start3A_103 : memref<64xi32, #tpu.memory_space<vmem>>) semaphore(%arg11 : memref<!tpu.dma_semaphore, #tpu.memory_space<semaphore_mem>>)
      %dma_start3A_107 = arith.constant 1 : i32
      %dma_start3A_108 = arith.constant 64 : i32
      %dma_start3A_109 = arith.constant 0 : i32
      %dma_start3A_110 = tpu.memref_slice %arg9[%dma_start3A_108, %dma_start3A_109] : memref<128x128xf32, #tpu.memory_space<vmem>> -> memref<64x128xf32, #tpu.memory_space<vmem>>
      %dma_start3A_111 = arith.constant 64 : i32
      %dma_start3A_112 = tpu.memref_slice %arg6[%dma_start3A_107, %dma_start3A_111] : memref<8x128xi32, #tpu.memory_space<vmem>> -> memref<1x64xi32, #tpu.memory_space<vmem>>
      %dma_start3A_113 = tpu.memref_squeeze %dma_start3A_112 : memref<1x64xi32, #tpu.memory_space<vmem>> -> memref<64xi32, #tpu.memory_space<vmem>>
      %dma_start3A_114 = arith.constant 0 : i32
      %dma_start3A_115 = arith.constant 0 : i32
      %dma_start3A_116 = tpu.memref_slice %arg2[%dma_start3A_114, %dma_start3A_115] : memref<10240x128xf32, #tpu.memory_space<hbm>> -> memref<10240x128xf32, #tpu.memory_space<hbm>>
      tpu.enqueue_indirect_dma source(%dma_start3A_116 : memref<10240x128xf32, #tpu.memory_space<hbm>>) target(%dma_start3A_110 : memref<64x128xf32, #tpu.memory_space<vmem>>) offsets(%dma_start3A_113 : memref<64xi32, #tpu.memory_space<vmem>>) semaphore(%arg11 : memref<!tpu.dma_semaphore, #tpu.memory_space<semaphore_mem>>)
      %dma_wait3A = arith.constant 0 : i32
      %dma_wait3A_117 = arith.constant 0 : i32
      %dma_wait3A_118 = arith.constant 0 : i32
      %dma_wait3A_119 = tpu.memref_slice %arg8[%dma_wait3A_117, %dma_wait3A_118] : memref<128x128xf32, #tpu.memory_space<vmem>> -> memref<64x128xf32, #tpu.memory_space<vmem>>
      %dma_wait3A_120 = arith.constant 0 : i32
      %dma_wait3A_121 = tpu.memref_slice %arg6[%dma_wait3A, %dma_wait3A_120] : memref<8x128xi32, #tpu.memory_space<vmem>> -> memref<1x64xi32, #tpu.memory_space<vmem>>
      %dma_wait3A_122 = tpu.memref_squeeze %dma_wait3A_121 : memref<1x64xi32, #tpu.memory_space<vmem>> -> memref<64xi32, #tpu.memory_space<vmem>>
      %dma_wait3A_123 = arith.constant 0 : i32
      %dma_wait3A_124 = arith.constant 0 : i32
      %dma_wait3A_125 = tpu.memref_slice %arg2[%dma_wait3A_123, %dma_wait3A_124] : memref<10240x128xf32, #tpu.memory_space<hbm>> -> memref<10240x128xf32, #tpu.memory_space<hbm>>
      tpu.wait_indirect_dma semaphore(%arg11 : memref<!tpu.dma_semaphore, #tpu.memory_space<semaphore_mem>>) src(%dma_wait3A_125 : memref<10240x128xf32, #tpu.memory_space<hbm>>) dst(%dma_wait3A_119 : memref<64x128xf32, #tpu.memory_space<vmem>>)
      %dma_wait3A_126 = arith.constant 0 : i32
      %dma_wait3A_127 = arith.constant 64 : i32
      %dma_wait3A_128 = arith.constant 0 : i32
      %dma_wait3A_129 = tpu.memref_slice %arg8[%dma_wait3A_127, %dma_wait3A_128] : memref<128x128xf32, #tpu.memory_space<vmem>> -> memref<64x128xf32, #tpu.memory_space<vmem>>
      %dma_wait3A_130 = arith.constant 64 : i32
      %dma_wait3A_131 = tpu.memref_slice %arg6[%dma_wait3A_126, %dma_wait3A_130] : memref<8x128xi32, #tpu.memory_space<vmem>> -> memref<1x64xi32, #tpu.memory_space<vmem>>
      %dma_wait3A_132 = tpu.memref_squeeze %dma_wait3A_131 : memref<1x64xi32, #tpu.memory_space<vmem>> -> memref<64xi32, #tpu.memory_space<vmem>>
      %dma_wait3A_133 = arith.constant 0 : i32
      %dma_wait3A_134 = arith.constant 0 : i32
      %dma_wait3A_135 = tpu.memref_slice %arg2[%dma_wait3A_133, %dma_wait3A_134] : memref<10240x128xf32, #tpu.memory_space<hbm>> -> memref<10240x128xf32, #tpu.memory_space<hbm>>
      tpu.wait_indirect_dma semaphore(%arg11 : memref<!tpu.dma_semaphore, #tpu.memory_space<semaphore_mem>>) src(%dma_wait3A_135 : memref<10240x128xf32, #tpu.memory_space<hbm>>) dst(%dma_wait3A_129 : memref<64x128xf32, #tpu.memory_space<vmem>>)
      %run_scoped3A = arith.constant 0 : i32
      "tpu.region"() ({
        %run_scoped3A_404 = tpu.sem_alloc : memref<!tpu.dma_semaphore, #tpu.memory_space<semaphore_mem>>
        %dma_start3A_405 = arith.constant 0 : i32
        %dma_start3A_406 = tpu.memref_slice %arg7[%run_scoped3A, %dma_start3A_405] : memref<8x128xi32, #tpu.memory_space<vmem>> -> memref<1x128xi32, #tpu.memory_space<vmem>>
        %dma_start3A_407 = tpu.memref_squeeze %dma_start3A_406 : memref<1x128xi32, #tpu.memory_space<vmem>> -> memref<128xi32, #tpu.memory_space<vmem>>
        %dma_start3A_408 = arith.constant 0 : i32
        %dma_start3A_409 = arith.constant 0 : i32
        %dma_start3A_410 = tpu.memref_slice %arg10[%dma_start3A_408, %dma_start3A_409] : memref<10240x128xf32, #tpu.memory_space<vmem_shared>> -> memref<10240x128xf32, #tpu.memory_space<vmem_shared>>
        tpu.enqueue_indirect_dma source(%arg8 : memref<128x128xf32, #tpu.memory_space<vmem>>) target(%dma_start3A_410 : memref<10240x128xf32, #tpu.memory_space<vmem_shared>>) offsets(%dma_start3A_407 : memref<128xi32, #tpu.memory_space<vmem>>) semaphore(%run_scoped3A_404 : memref<!tpu.dma_semaphore, #tpu.memory_space<semaphore_mem>>) {add = true}
        %dma_wait3A_411 = arith.constant 0 : i32
        %dma_wait3A_412 = tpu.memref_slice %arg7[%run_scoped3A, %dma_wait3A_411] : memref<8x128xi32, #tpu.memory_space<vmem>> -> memref<1x128xi32, #tpu.memory_space<vmem>>
        %dma_wait3A_413 = tpu.memref_squeeze %dma_wait3A_412 : memref<1x128xi32, #tpu.memory_space<vmem>> -> memref<128xi32, #tpu.memory_space<vmem>>
        %dma_wait3A_414 = arith.constant 0 : i32
        %dma_wait3A_415 = arith.constant 0 : i32
        %dma_wait3A_416 = tpu.memref_slice %arg10[%dma_wait3A_414, %dma_wait3A_415] : memref<10240x128xf32, #tpu.memory_space<vmem_shared>> -> memref<10240x128xf32, #tpu.memory_space<vmem_shared>>
        tpu.wait_indirect_dma semaphore(%run_scoped3A_404 : memref<!tpu.dma_semaphore, #tpu.memory_space<semaphore_mem>>) src(%arg8 : memref<128x128xf32, #tpu.memory_space<vmem>>) dst(%dma_wait3A_416 : memref<10240x128xf32, #tpu.memory_space<vmem_shared>>)
        tpu.yield
      }) : () -> ()
      %dma_start3A_136 = arith.constant 2 : i32
      %dma_start3A_137 = arith.constant 0 : i32
      %dma_start3A_138 = arith.constant 0 : i32
      %dma_start3A_139 = tpu.memref_slice %arg8[%dma_start3A_137, %dma_start3A_138] : memref<128x128xf32, #tpu.memory_space<vmem>> -> memref<64x128xf32, #tpu.memory_space<vmem>>
      %dma_start3A_140 = arith.constant 0 : i32
      %dma_start3A_141 = tpu.memref_slice %arg6[%dma_start3A_136, %dma_start3A_140] : memref<8x128xi32, #tpu.memory_space<vmem>> -> memref<1x64xi32, #tpu.memory_space<vmem>>
      %dma_start3A_142 = tpu.memref_squeeze %dma_start3A_141 : memref<1x64xi32, #tpu.memory_space<vmem>> -> memref<64xi32, #tpu.memory_space<vmem>>
      %dma_start3A_143 = arith.constant 0 : i32
      %dma_start3A_144 = arith.constant 0 : i32
      %dma_start3A_145 = tpu.memref_slice %arg2[%dma_start3A_143, %dma_start3A_144] : memref<10240x128xf32, #tpu.memory_space<hbm>> -> memref<10240x128xf32, #tpu.memory_space<hbm>>
      tpu.enqueue_indirect_dma source(%dma_start3A_145 : memref<10240x128xf32, #tpu.memory_space<hbm>>) target(%dma_start3A_139 : memref<64x128xf32, #tpu.memory_space<vmem>>) offsets(%dma_start3A_142 : memref<64xi32, #tpu.memory_space<vmem>>) semaphore(%arg11 : memref<!tpu.dma_semaphore, #tpu.memory_space<semaphore_mem>>)
      %dma_start3A_146 = arith.constant 2 : i32
      %dma_start3A_147 = arith.constant 64 : i32
      %dma_start3A_148 = arith.constant 0 : i32
      %dma_start3A_149 = tpu.memref_slice %arg8[%dma_start3A_147, %dma_start3A_148] : memref<128x128xf32, #tpu.memory_space<vmem>> -> memref<64x128xf32, #tpu.memory_space<vmem>>
      %dma_start3A_150 = arith.constant 64 : i32
      %dma_start3A_151 = tpu.memref_slice %arg6[%dma_start3A_146, %dma_start3A_150] : memref<8x128xi32, #tpu.memory_space<vmem>> -> memref<1x64xi32, #tpu.memory_space<vmem>>
      %dma_start3A_152 = tpu.memref_squeeze %dma_start3A_151 : memref<1x64xi32, #tpu.memory_space<vmem>> -> memref<64xi32, #tpu.memory_space<vmem>>
      %dma_start3A_153 = arith.constant 0 : i32
      %dma_start3A_154 = arith.constant 0 : i32
      %dma_start3A_155 = tpu.memref_slice %arg2[%dma_start3A_153, %dma_start3A_154] : memref<10240x128xf32, #tpu.memory_space<hbm>> -> memref<10240x128xf32, #tpu.memory_space<hbm>>
      tpu.enqueue_indirect_dma source(%dma_start3A_155 : memref<10240x128xf32, #tpu.memory_space<hbm>>) target(%dma_start3A_149 : memref<64x128xf32, #tpu.memory_space<vmem>>) offsets(%dma_start3A_152 : memref<64xi32, #tpu.memory_space<vmem>>) semaphore(%arg11 : memref<!tpu.dma_semaphore, #tpu.memory_space<semaphore_mem>>)
      %dma_wait3A_156 = arith.constant 1 : i32
      %dma_wait3A_157 = arith.constant 0 : i32
      %dma_wait3A_158 = arith.constant 0 : i32
      %dma_wait3A_159 = tpu.memref_slice %arg9[%dma_wait3A_157, %dma_wait3A_158] : memref<128x128xf32, #tpu.memory_space<vmem>> -> memref<64x128xf32, #tpu.memory_space<vmem>>
      %dma_wait3A_160 = arith.constant 0 : i32
      %dma_wait3A_161 = tpu.memref_slice %arg6[%dma_wait3A_156, %dma_wait3A_160] : memref<8x128xi32, #tpu.memory_space<vmem>> -> memref<1x64xi32, #tpu.memory_space<vmem>>
      %dma_wait3A_162 = tpu.memref_squeeze %dma_wait3A_161 : memref<1x64xi32, #tpu.memory_space<vmem>> -> memref<64xi32, #tpu.memory_space<vmem>>
      %dma_wait3A_163 = arith.constant 0 : i32
      %dma_wait3A_164 = arith.constant 0 : i32
      %dma_wait3A_165 = tpu.memref_slice %arg2[%dma_wait3A_163, %dma_wait3A_164] : memref<10240x128xf32, #tpu.memory_space<hbm>> -> memref<10240x128xf32, #tpu.memory_space<hbm>>
      tpu.wait_indirect_dma semaphore(%arg11 : memref<!tpu.dma_semaphore, #tpu.memory_space<semaphore_mem>>) src(%dma_wait3A_165 : memref<10240x128xf32, #tpu.memory_space<hbm>>) dst(%dma_wait3A_159 : memref<64x128xf32, #tpu.memory_space<vmem>>)
      %dma_wait3A_166 = arith.constant 1 : i32
      %dma_wait3A_167 = arith.constant 64 : i32
      %dma_wait3A_168 = arith.constant 0 : i32
      %dma_wait3A_169 = tpu.memref_slice %arg9[%dma_wait3A_167, %dma_wait3A_168] : memref<128x128xf32, #tpu.memory_space<vmem>> -> memref<64x128xf32, #tpu.memory_space<vmem>>
      %dma_wait3A_170 = arith.constant 64 : i32
      %dma_wait3A_171 = tpu.memref_slice %arg6[%dma_wait3A_166, %dma_wait3A_170] : memref<8x128xi32, #tpu.memory_space<vmem>> -> memref<1x64xi32, #tpu.memory_space<vmem>>
      %dma_wait3A_172 = tpu.memref_squeeze %dma_wait3A_171 : memref<1x64xi32, #tpu.memory_space<vmem>> -> memref<64xi32, #tpu.memory_space<vmem>>
      %dma_wait3A_173 = arith.constant 0 : i32
      %dma_wait3A_174 = arith.constant 0 : i32
      %dma_wait3A_175 = tpu.memref_slice %arg2[%dma_wait3A_173, %dma_wait3A_174] : memref<10240x128xf32, #tpu.memory_space<hbm>> -> memref<10240x128xf32, #tpu.memory_space<hbm>>
      tpu.wait_indirect_dma semaphore(%arg11 : memref<!tpu.dma_semaphore, #tpu.memory_space<semaphore_mem>>) src(%dma_wait3A_175 : memref<10240x128xf32, #tpu.memory_space<hbm>>) dst(%dma_wait3A_169 : memref<64x128xf32, #tpu.memory_space<vmem>>)
      %run_scoped3A_176 = arith.constant 1 : i32
      "tpu.region"() ({
        %run_scoped3A_404 = tpu.sem_alloc : memref<!tpu.dma_semaphore, #tpu.memory_space<semaphore_mem>>
        %dma_start3A_405 = arith.constant 0 : i32
        %dma_start3A_406 = tpu.memref_slice %arg7[%run_scoped3A_176, %dma_start3A_405] : memref<8x128xi32, #tpu.memory_space<vmem>> -> memref<1x128xi32, #tpu.memory_space<vmem>>
        %dma_start3A_407 = tpu.memref_squeeze %dma_start3A_406 : memref<1x128xi32, #tpu.memory_space<vmem>> -> memref<128xi32, #tpu.memory_space<vmem>>
        %dma_start3A_408 = arith.constant 0 : i32
        %dma_start3A_409 = arith.constant 0 : i32
        %dma_start3A_410 = tpu.memref_slice %arg10[%dma_start3A_408, %dma_start3A_409] : memref<10240x128xf32, #tpu.memory_space<vmem_shared>> -> memref<10240x128xf32, #tpu.memory_space<vmem_shared>>
        tpu.enqueue_indirect_dma source(%arg9 : memref<128x128xf32, #tpu.memory_space<vmem>>) target(%dma_start3A_410 : memref<10240x128xf32, #tpu.memory_space<vmem_shared>>) offsets(%dma_start3A_407 : memref<128xi32, #tpu.memory_space<vmem>>) semaphore(%run_scoped3A_404 : memref<!tpu.dma_semaphore, #tpu.memory_space<semaphore_mem>>) {add = true}
        %dma_wait3A_411 = arith.constant 0 : i32
        %dma_wait3A_412 = tpu.memref_slice %arg7[%run_scoped3A_176, %dma_wait3A_411] : memref<8x128xi32, #tpu.memory_space<vmem>> -> memref<1x128xi32, #tpu.memory_space<vmem>>
        %dma_wait3A_413 = tpu.memref_squeeze %dma_wait3A_412 : memref<1x128xi32, #tpu.memory_space<vmem>> -> memref<128xi32, #tpu.memory_space<vmem>>
        %dma_wait3A_414 = arith.constant 0 : i32
        %dma_wait3A_415 = arith.constant 0 : i32
        %dma_wait3A_416 = tpu.memref_slice %arg10[%dma_wait3A_414, %dma_wait3A_415] : memref<10240x128xf32, #tpu.memory_space<vmem_shared>> -> memref<10240x128xf32, #tpu.memory_space<vmem_shared>>
        tpu.wait_indirect_dma semaphore(%run_scoped3A_404 : memref<!tpu.dma_semaphore, #tpu.memory_space<semaphore_mem>>) src(%arg9 : memref<128x128xf32, #tpu.memory_space<vmem>>) dst(%dma_wait3A_416 : memref<10240x128xf32, #tpu.memory_space<vmem_shared>>)
        tpu.yield
      }) : () -> ()
      %dma_start3A_177 = arith.constant 3 : i32
      %dma_start3A_178 = arith.constant 0 : i32
      %dma_start3A_179 = arith.constant 0 : i32
      %dma_start3A_180 = tpu.memref_slice %arg9[%dma_start3A_178, %dma_start3A_179] : memref<128x128xf32, #tpu.memory_space<vmem>> -> memref<64x128xf32, #tpu.memory_space<vmem>>
      %dma_start3A_181 = arith.constant 0 : i32
      %dma_start3A_182 = tpu.memref_slice %arg6[%dma_start3A_177, %dma_start3A_181] : memref<8x128xi32, #tpu.memory_space<vmem>> -> memref<1x64xi32, #tpu.memory_space<vmem>>
      %dma_start3A_183 = tpu.memref_squeeze %dma_start3A_182 : memref<1x64xi32, #tpu.memory_space<vmem>> -> memref<64xi32, #tpu.memory_space<vmem>>
      %dma_start3A_184 = arith.constant 0 : i32
      %dma_start3A_185 = arith.constant 0 : i32
      %dma_start3A_186 = tpu.memref_slice %arg2[%dma_start3A_184, %dma_start3A_185] : memref<10240x128xf32, #tpu.memory_space<hbm>> -> memref<10240x128xf32, #tpu.memory_space<hbm>>
      tpu.enqueue_indirect_dma source(%dma_start3A_186 : memref<10240x128xf32, #tpu.memory_space<hbm>>) target(%dma_start3A_180 : memref<64x128xf32, #tpu.memory_space<vmem>>) offsets(%dma_start3A_183 : memref<64xi32, #tpu.memory_space<vmem>>) semaphore(%arg11 : memref<!tpu.dma_semaphore, #tpu.memory_space<semaphore_mem>>)
      %dma_start3A_187 = arith.constant 3 : i32
      %dma_start3A_188 = arith.constant 64 : i32
      %dma_start3A_189 = arith.constant 0 : i32
      %dma_start3A_190 = tpu.memref_slice %arg9[%dma_start3A_188, %dma_start3A_189] : memref<128x128xf32, #tpu.memory_space<vmem>> -> memref<64x128xf32, #tpu.memory_space<vmem>>
      %dma_start3A_191 = arith.constant 64 : i32
      %dma_start3A_192 = tpu.memref_slice %arg6[%dma_start3A_187, %dma_start3A_191] : memref<8x128xi32, #tpu.memory_space<vmem>> -> memref<1x64xi32, #tpu.memory_space<vmem>>
      %dma_start3A_193 = tpu.memref_squeeze %dma_start3A_192 : memref<1x64xi32, #tpu.memory_space<vmem>> -> memref<64xi32, #tpu.memory_space<vmem>>
      %dma_start3A_194 = arith.constant 0 : i32
      %dma_start3A_195 = arith.constant 0 : i32
      %dma_start3A_196 = tpu.memref_slice %arg2[%dma_start3A_194, %dma_start3A_195] : memref<10240x128xf32, #tpu.memory_space<hbm>> -> memref<10240x128xf32, #tpu.memory_space<hbm>>
      tpu.enqueue_indirect_dma source(%dma_start3A_196 : memref<10240x128xf32, #tpu.memory_space<hbm>>) target(%dma_start3A_190 : memref<64x128xf32, #tpu.memory_space<vmem>>) offsets(%dma_start3A_193 : memref<64xi32, #tpu.memory_space<vmem>>) semaphore(%arg11 : memref<!tpu.dma_semaphore, #tpu.memory_space<semaphore_mem>>)
      %dma_wait3A_197 = arith.constant 2 : i32
      %dma_wait3A_198 = arith.constant 0 : i32
      %dma_wait3A_199 = arith.constant 0 : i32
      %dma_wait3A_200 = tpu.memref_slice %arg8[%dma_wait3A_198, %dma_wait3A_199] : memref<128x128xf32, #tpu.memory_space<vmem>> -> memref<64x128xf32, #tpu.memory_space<vmem>>
      %dma_wait3A_201 = arith.constant 0 : i32
      %dma_wait3A_202 = tpu.memref_slice %arg6[%dma_wait3A_197, %dma_wait3A_201] : memref<8x128xi32, #tpu.memory_space<vmem>> -> memref<1x64xi32, #tpu.memory_space<vmem>>
      %dma_wait3A_203 = tpu.memref_squeeze %dma_wait3A_202 : memref<1x64xi32, #tpu.memory_space<vmem>> -> memref<64xi32, #tpu.memory_space<vmem>>
      %dma_wait3A_204 = arith.constant 0 : i32
      %dma_wait3A_205 = arith.constant 0 : i32
      %dma_wait3A_206 = tpu.memref_slice %arg2[%dma_wait3A_204, %dma_wait3A_205] : memref<10240x128xf32, #tpu.memory_space<hbm>> -> memref<10240x128xf32, #tpu.memory_space<hbm>>
      tpu.wait_indirect_dma semaphore(%arg11 : memref<!tpu.dma_semaphore, #tpu.memory_space<semaphore_mem>>) src(%dma_wait3A_206 : memref<10240x128xf32, #tpu.memory_space<hbm>>) dst(%dma_wait3A_200 : memref<64x128xf32, #tpu.memory_space<vmem>>)
      %dma_wait3A_207 = arith.constant 2 : i32
      %dma_wait3A_208 = arith.constant 64 : i32
      %dma_wait3A_209 = arith.constant 0 : i32
      %dma_wait3A_210 = tpu.memref_slice %arg8[%dma_wait3A_208, %dma_wait3A_209] : memref<128x128xf32, #tpu.memory_space<vmem>> -> memref<64x128xf32, #tpu.memory_space<vmem>>
      %dma_wait3A_211 = arith.constant 64 : i32
      %dma_wait3A_212 = tpu.memref_slice %arg6[%dma_wait3A_207, %dma_wait3A_211] : memref<8x128xi32, #tpu.memory_space<vmem>> -> memref<1x64xi32, #tpu.memory_space<vmem>>
      %dma_wait3A_213 = tpu.memref_squeeze %dma_wait3A_212 : memref<1x64xi32, #tpu.memory_space<vmem>> -> memref<64xi32, #tpu.memory_space<vmem>>
      %dma_wait3A_214 = arith.constant 0 : i32
      %dma_wait3A_215 = arith.constant 0 : i32
      %dma_wait3A_216 = tpu.memref_slice %arg2[%dma_wait3A_214, %dma_wait3A_215] : memref<10240x128xf32, #tpu.memory_space<hbm>> -> memref<10240x128xf32, #tpu.memory_space<hbm>>
      tpu.wait_indirect_dma semaphore(%arg11 : memref<!tpu.dma_semaphore, #tpu.memory_space<semaphore_mem>>) src(%dma_wait3A_216 : memref<10240x128xf32, #tpu.memory_space<hbm>>) dst(%dma_wait3A_210 : memref<64x128xf32, #tpu.memory_space<vmem>>)
      %run_scoped3A_217 = arith.constant 2 : i32
      "tpu.region"() ({
        %run_scoped3A_404 = tpu.sem_alloc : memref<!tpu.dma_semaphore, #tpu.memory_space<semaphore_mem>>
        %dma_start3A_405 = arith.constant 0 : i32
        %dma_start3A_406 = tpu.memref_slice %arg7[%run_scoped3A_217, %dma_start3A_405] : memref<8x128xi32, #tpu.memory_space<vmem>> -> memref<1x128xi32, #tpu.memory_space<vmem>>
        %dma_start3A_407 = tpu.memref_squeeze %dma_start3A_406 : memref<1x128xi32, #tpu.memory_space<vmem>> -> memref<128xi32, #tpu.memory_space<vmem>>
        %dma_start3A_408 = arith.constant 0 : i32
        %dma_start3A_409 = arith.constant 0 : i32
        %dma_start3A_410 = tpu.memref_slice %arg10[%dma_start3A_408, %dma_start3A_409] : memref<10240x128xf32, #tpu.memory_space<vmem_shared>> -> memref<10240x128xf32, #tpu.memory_space<vmem_shared>>
        tpu.enqueue_indirect_dma source(%arg8 : memref<128x128xf32, #tpu.memory_space<vmem>>) target(%dma_start3A_410 : memref<10240x128xf32, #tpu.memory_space<vmem_shared>>) offsets(%dma_start3A_407 : memref<128xi32, #tpu.memory_space<vmem>>) semaphore(%run_scoped3A_404 : memref<!tpu.dma_semaphore, #tpu.memory_space<semaphore_mem>>) {add = true}
        %dma_wait3A_411 = arith.constant 0 : i32
        %dma_wait3A_412 = tpu.memref_slice %arg7[%run_scoped3A_217, %dma_wait3A_411] : memref<8x128xi32, #tpu.memory_space<vmem>> -> memref<1x128xi32, #tpu.memory_space<vmem>>
        %dma_wait3A_413 = tpu.memref_squeeze %dma_wait3A_412 : memref<1x128xi32, #tpu.memory_space<vmem>> -> memref<128xi32, #tpu.memory_space<vmem>>
        %dma_wait3A_414 = arith.constant 0 : i32
        %dma_wait3A_415 = arith.constant 0 : i32
        %dma_wait3A_416 = tpu.memref_slice %arg10[%dma_wait3A_414, %dma_wait3A_415] : memref<10240x128xf32, #tpu.memory_space<vmem_shared>> -> memref<10240x128xf32, #tpu.memory_space<vmem_shared>>
        tpu.wait_indirect_dma semaphore(%run_scoped3A_404 : memref<!tpu.dma_semaphore, #tpu.memory_space<semaphore_mem>>) src(%arg8 : memref<128x128xf32, #tpu.memory_space<vmem>>) dst(%dma_wait3A_416 : memref<10240x128xf32, #tpu.memory_space<vmem_shared>>)
        tpu.yield
      }) : () -> ()
      %dma_start3A_218 = arith.constant 4 : i32
      %dma_start3A_219 = arith.constant 0 : i32
      %dma_start3A_220 = arith.constant 0 : i32
      %dma_start3A_221 = tpu.memref_slice %arg8[%dma_start3A_219, %dma_start3A_220] : memref<128x128xf32, #tpu.memory_space<vmem>> -> memref<64x128xf32, #tpu.memory_space<vmem>>
      %dma_start3A_222 = arith.constant 0 : i32
      %dma_start3A_223 = tpu.memref_slice %arg6[%dma_start3A_218, %dma_start3A_222] : memref<8x128xi32, #tpu.memory_space<vmem>> -> memref<1x64xi32, #tpu.memory_space<vmem>>
      %dma_start3A_224 = tpu.memref_squeeze %dma_start3A_223 : memref<1x64xi32, #tpu.memory_space<vmem>> -> memref<64xi32, #tpu.memory_space<vmem>>
      %dma_start3A_225 = arith.constant 0 : i32
      %dma_start3A_226 = arith.constant 0 : i32
      %dma_start3A_227 = tpu.memref_slice %arg2[%dma_start3A_225, %dma_start3A_226] : memref<10240x128xf32, #tpu.memory_space<hbm>> -> memref<10240x128xf32, #tpu.memory_space<hbm>>
      tpu.enqueue_indirect_dma source(%dma_start3A_227 : memref<10240x128xf32, #tpu.memory_space<hbm>>) target(%dma_start3A_221 : memref<64x128xf32, #tpu.memory_space<vmem>>) offsets(%dma_start3A_224 : memref<64xi32, #tpu.memory_space<vmem>>) semaphore(%arg11 : memref<!tpu.dma_semaphore, #tpu.memory_space<semaphore_mem>>)
      %dma_start3A_228 = arith.constant 4 : i32
      %dma_start3A_229 = arith.constant 64 : i32
      %dma_start3A_230 = arith.constant 0 : i32
      %dma_start3A_231 = tpu.memref_slice %arg8[%dma_start3A_229, %dma_start3A_230] : memref<128x128xf32, #tpu.memory_space<vmem>> -> memref<64x128xf32, #tpu.memory_space<vmem>>
      %dma_start3A_232 = arith.constant 64 : i32
      %dma_start3A_233 = tpu.memref_slice %arg6[%dma_start3A_228, %dma_start3A_232] : memref<8x128xi32, #tpu.memory_space<vmem>> -> memref<1x64xi32, #tpu.memory_space<vmem>>
      %dma_start3A_234 = tpu.memref_squeeze %dma_start3A_233 : memref<1x64xi32, #tpu.memory_space<vmem>> -> memref<64xi32, #tpu.memory_space<vmem>>
      %dma_start3A_235 = arith.constant 0 : i32
      %dma_start3A_236 = arith.constant 0 : i32
      %dma_start3A_237 = tpu.memref_slice %arg2[%dma_start3A_235, %dma_start3A_236] : memref<10240x128xf32, #tpu.memory_space<hbm>> -> memref<10240x128xf32, #tpu.memory_space<hbm>>
      tpu.enqueue_indirect_dma source(%dma_start3A_237 : memref<10240x128xf32, #tpu.memory_space<hbm>>) target(%dma_start3A_231 : memref<64x128xf32, #tpu.memory_space<vmem>>) offsets(%dma_start3A_234 : memref<64xi32, #tpu.memory_space<vmem>>) semaphore(%arg11 : memref<!tpu.dma_semaphore, #tpu.memory_space<semaphore_mem>>)
      %dma_wait3A_238 = arith.constant 3 : i32
      %dma_wait3A_239 = arith.constant 0 : i32
      %dma_wait3A_240 = arith.constant 0 : i32
      %dma_wait3A_241 = tpu.memref_slice %arg9[%dma_wait3A_239, %dma_wait3A_240] : memref<128x128xf32, #tpu.memory_space<vmem>> -> memref<64x128xf32, #tpu.memory_space<vmem>>
      %dma_wait3A_242 = arith.constant 0 : i32
      %dma_wait3A_243 = tpu.memref_slice %arg6[%dma_wait3A_238, %dma_wait3A_242] : memref<8x128xi32, #tpu.memory_space<vmem>> -> memref<1x64xi32, #tpu.memory_space<vmem>>
      %dma_wait3A_244 = tpu.memref_squeeze %dma_wait3A_243 : memref<1x64xi32, #tpu.memory_space<vmem>> -> memref<64xi32, #tpu.memory_space<vmem>>
      %dma_wait3A_245 = arith.constant 0 : i32
      %dma_wait3A_246 = arith.constant 0 : i32
      %dma_wait3A_247 = tpu.memref_slice %arg2[%dma_wait3A_245, %dma_wait3A_246] : memref<10240x128xf32, #tpu.memory_space<hbm>> -> memref<10240x128xf32, #tpu.memory_space<hbm>>
      tpu.wait_indirect_dma semaphore(%arg11 : memref<!tpu.dma_semaphore, #tpu.memory_space<semaphore_mem>>) src(%dma_wait3A_247 : memref<10240x128xf32, #tpu.memory_space<hbm>>) dst(%dma_wait3A_241 : memref<64x128xf32, #tpu.memory_space<vmem>>)
      %dma_wait3A_248 = arith.constant 3 : i32
      %dma_wait3A_249 = arith.constant 64 : i32
      %dma_wait3A_250 = arith.constant 0 : i32
      %dma_wait3A_251 = tpu.memref_slice %arg9[%dma_wait3A_249, %dma_wait3A_250] : memref<128x128xf32, #tpu.memory_space<vmem>> -> memref<64x128xf32, #tpu.memory_space<vmem>>
      %dma_wait3A_252 = arith.constant 64 : i32
      %dma_wait3A_253 = tpu.memref_slice %arg6[%dma_wait3A_248, %dma_wait3A_252] : memref<8x128xi32, #tpu.memory_space<vmem>> -> memref<1x64xi32, #tpu.memory_space<vmem>>
      %dma_wait3A_254 = tpu.memref_squeeze %dma_wait3A_253 : memref<1x64xi32, #tpu.memory_space<vmem>> -> memref<64xi32, #tpu.memory_space<vmem>>
      %dma_wait3A_255 = arith.constant 0 : i32
      %dma_wait3A_256 = arith.constant 0 : i32
      %dma_wait3A_257 = tpu.memref_slice %arg2[%dma_wait3A_255, %dma_wait3A_256] : memref<10240x128xf32, #tpu.memory_space<hbm>> -> memref<10240x128xf32, #tpu.memory_space<hbm>>
      tpu.wait_indirect_dma semaphore(%arg11 : memref<!tpu.dma_semaphore, #tpu.memory_space<semaphore_mem>>) src(%dma_wait3A_257 : memref<10240x128xf32, #tpu.memory_space<hbm>>) dst(%dma_wait3A_251 : memref<64x128xf32, #tpu.memory_space<vmem>>)
      %run_scoped3A_258 = arith.constant 3 : i32
      "tpu.region"() ({
        %run_scoped3A_404 = tpu.sem_alloc : memref<!tpu.dma_semaphore, #tpu.memory_space<semaphore_mem>>
        %dma_start3A_405 = arith.constant 0 : i32
        %dma_start3A_406 = tpu.memref_slice %arg7[%run_scoped3A_258, %dma_start3A_405] : memref<8x128xi32, #tpu.memory_space<vmem>> -> memref<1x128xi32, #tpu.memory_space<vmem>>
        %dma_start3A_407 = tpu.memref_squeeze %dma_start3A_406 : memref<1x128xi32, #tpu.memory_space<vmem>> -> memref<128xi32, #tpu.memory_space<vmem>>
        %dma_start3A_408 = arith.constant 0 : i32
        %dma_start3A_409 = arith.constant 0 : i32
        %dma_start3A_410 = tpu.memref_slice %arg10[%dma_start3A_408, %dma_start3A_409] : memref<10240x128xf32, #tpu.memory_space<vmem_shared>> -> memref<10240x128xf32, #tpu.memory_space<vmem_shared>>
        tpu.enqueue_indirect_dma source(%arg9 : memref<128x128xf32, #tpu.memory_space<vmem>>) target(%dma_start3A_410 : memref<10240x128xf32, #tpu.memory_space<vmem_shared>>) offsets(%dma_start3A_407 : memref<128xi32, #tpu.memory_space<vmem>>) semaphore(%run_scoped3A_404 : memref<!tpu.dma_semaphore, #tpu.memory_space<semaphore_mem>>) {add = true}
        %dma_wait3A_411 = arith.constant 0 : i32
        %dma_wait3A_412 = tpu.memref_slice %arg7[%run_scoped3A_258, %dma_wait3A_411] : memref<8x128xi32, #tpu.memory_space<vmem>> -> memref<1x128xi32, #tpu.memory_space<vmem>>
        %dma_wait3A_413 = tpu.memref_squeeze %dma_wait3A_412 : memref<1x128xi32, #tpu.memory_space<vmem>> -> memref<128xi32, #tpu.memory_space<vmem>>
        %dma_wait3A_414 = arith.constant 0 : i32
        %dma_wait3A_415 = arith.constant 0 : i32
        %dma_wait3A_416 = tpu.memref_slice %arg10[%dma_wait3A_414, %dma_wait3A_415] : memref<10240x128xf32, #tpu.memory_space<vmem_shared>> -> memref<10240x128xf32, #tpu.memory_space<vmem_shared>>
        tpu.wait_indirect_dma semaphore(%run_scoped3A_404 : memref<!tpu.dma_semaphore, #tpu.memory_space<semaphore_mem>>) src(%arg9 : memref<128x128xf32, #tpu.memory_space<vmem>>) dst(%dma_wait3A_416 : memref<10240x128xf32, #tpu.memory_space<vmem_shared>>)
        tpu.yield
      }) : () -> ()
      %dma_start3A_259 = arith.constant 5 : i32
      %dma_start3A_260 = arith.constant 0 : i32
      %dma_start3A_261 = arith.constant 0 : i32
      %dma_start3A_262 = tpu.memref_slice %arg9[%dma_start3A_260, %dma_start3A_261] : memref<128x128xf32, #tpu.memory_space<vmem>> -> memref<64x128xf32, #tpu.memory_space<vmem>>
      %dma_start3A_263 = arith.constant 0 : i32
      %dma_start3A_264 = tpu.memref_slice %arg6[%dma_start3A_259, %dma_start3A_263] : memref<8x128xi32, #tpu.memory_space<vmem>> -> memref<1x64xi32, #tpu.memory_space<vmem>>
      %dma_start3A_265 = tpu.memref_squeeze %dma_start3A_264 : memref<1x64xi32, #tpu.memory_space<vmem>> -> memref<64xi32, #tpu.memory_space<vmem>>
      %dma_start3A_266 = arith.constant 0 : i32
      %dma_start3A_267 = arith.constant 0 : i32
      %dma_start3A_268 = tpu.memref_slice %arg2[%dma_start3A_266, %dma_start3A_267] : memref<10240x128xf32, #tpu.memory_space<hbm>> -> memref<10240x128xf32, #tpu.memory_space<hbm>>
      tpu.enqueue_indirect_dma source(%dma_start3A_268 : memref<10240x128xf32, #tpu.memory_space<hbm>>) target(%dma_start3A_262 : memref<64x128xf32, #tpu.memory_space<vmem>>) offsets(%dma_start3A_265 : memref<64xi32, #tpu.memory_space<vmem>>) semaphore(%arg11 : memref<!tpu.dma_semaphore, #tpu.memory_space<semaphore_mem>>)
      %dma_start3A_269 = arith.constant 5 : i32
      %dma_start3A_270 = arith.constant 64 : i32
      %dma_start3A_271 = arith.constant 0 : i32
      %dma_start3A_272 = tpu.memref_slice %arg9[%dma_start3A_270, %dma_start3A_271] : memref<128x128xf32, #tpu.memory_space<vmem>> -> memref<64x128xf32, #tpu.memory_space<vmem>>
      %dma_start3A_273 = arith.constant 64 : i32
      %dma_start3A_274 = tpu.memref_slice %arg6[%dma_start3A_269, %dma_start3A_273] : memref<8x128xi32, #tpu.memory_space<vmem>> -> memref<1x64xi32, #tpu.memory_space<vmem>>
      %dma_start3A_275 = tpu.memref_squeeze %dma_start3A_274 : memref<1x64xi32, #tpu.memory_space<vmem>> -> memref<64xi32, #tpu.memory_space<vmem>>
      %dma_start3A_276 = arith.constant 0 : i32
      %dma_start3A_277 = arith.constant 0 : i32
      %dma_start3A_278 = tpu.memref_slice %arg2[%dma_start3A_276, %dma_start3A_277] : memref<10240x128xf32, #tpu.memory_space<hbm>> -> memref<10240x128xf32, #tpu.memory_space<hbm>>
      tpu.enqueue_indirect_dma source(%dma_start3A_278 : memref<10240x128xf32, #tpu.memory_space<hbm>>) target(%dma_start3A_272 : memref<64x128xf32, #tpu.memory_space<vmem>>) offsets(%dma_start3A_275 : memref<64xi32, #tpu.memory_space<vmem>>) semaphore(%arg11 : memref<!tpu.dma_semaphore, #tpu.memory_space<semaphore_mem>>)
      %dma_wait3A_279 = arith.constant 4 : i32
      %dma_wait3A_280 = arith.constant 0 : i32
      %dma_wait3A_281 = arith.constant 0 : i32
      %dma_wait3A_282 = tpu.memref_slice %arg8[%dma_wait3A_280, %dma_wait3A_281] : memref<128x128xf32, #tpu.memory_space<vmem>> -> memref<64x128xf32, #tpu.memory_space<vmem>>
      %dma_wait3A_283 = arith.constant 0 : i32
      %dma_wait3A_284 = tpu.memref_slice %arg6[%dma_wait3A_279, %dma_wait3A_283] : memref<8x128xi32, #tpu.memory_space<vmem>> -> memref<1x64xi32, #tpu.memory_space<vmem>>
      %dma_wait3A_285 = tpu.memref_squeeze %dma_wait3A_284 : memref<1x64xi32, #tpu.memory_space<vmem>> -> memref<64xi32, #tpu.memory_space<vmem>>
      %dma_wait3A_286 = arith.constant 0 : i32
      %dma_wait3A_287 = arith.constant 0 : i32
      %dma_wait3A_288 = tpu.memref_slice %arg2[%dma_wait3A_286, %dma_wait3A_287] : memref<10240x128xf32, #tpu.memory_space<hbm>> -> memref<10240x128xf32, #tpu.memory_space<hbm>>
      tpu.wait_indirect_dma semaphore(%arg11 : memref<!tpu.dma_semaphore, #tpu.memory_space<semaphore_mem>>) src(%dma_wait3A_288 : memref<10240x128xf32, #tpu.memory_space<hbm>>) dst(%dma_wait3A_282 : memref<64x128xf32, #tpu.memory_space<vmem>>)
      %dma_wait3A_289 = arith.constant 4 : i32
      %dma_wait3A_290 = arith.constant 64 : i32
      %dma_wait3A_291 = arith.constant 0 : i32
      %dma_wait3A_292 = tpu.memref_slice %arg8[%dma_wait3A_290, %dma_wait3A_291] : memref<128x128xf32, #tpu.memory_space<vmem>> -> memref<64x128xf32, #tpu.memory_space<vmem>>
      %dma_wait3A_293 = arith.constant 64 : i32
      %dma_wait3A_294 = tpu.memref_slice %arg6[%dma_wait3A_289, %dma_wait3A_293] : memref<8x128xi32, #tpu.memory_space<vmem>> -> memref<1x64xi32, #tpu.memory_space<vmem>>
      %dma_wait3A_295 = tpu.memref_squeeze %dma_wait3A_294 : memref<1x64xi32, #tpu.memory_space<vmem>> -> memref<64xi32, #tpu.memory_space<vmem>>
      %dma_wait3A_296 = arith.constant 0 : i32
      %dma_wait3A_297 = arith.constant 0 : i32
      %dma_wait3A_298 = tpu.memref_slice %arg2[%dma_wait3A_296, %dma_wait3A_297] : memref<10240x128xf32, #tpu.memory_space<hbm>> -> memref<10240x128xf32, #tpu.memory_space<hbm>>
      tpu.wait_indirect_dma semaphore(%arg11 : memref<!tpu.dma_semaphore, #tpu.memory_space<semaphore_mem>>) src(%dma_wait3A_298 : memref<10240x128xf32, #tpu.memory_space<hbm>>) dst(%dma_wait3A_292 : memref<64x128xf32, #tpu.memory_space<vmem>>)
      %run_scoped3A_299 = arith.constant 4 : i32
      "tpu.region"() ({
        %run_scoped3A_404 = tpu.sem_alloc : memref<!tpu.dma_semaphore, #tpu.memory_space<semaphore_mem>>
        %dma_start3A_405 = arith.constant 0 : i32
        %dma_start3A_406 = tpu.memref_slice %arg7[%run_scoped3A_299, %dma_start3A_405] : memref<8x128xi32, #tpu.memory_space<vmem>> -> memref<1x128xi32, #tpu.memory_space<vmem>>
        %dma_start3A_407 = tpu.memref_squeeze %dma_start3A_406 : memref<1x128xi32, #tpu.memory_space<vmem>> -> memref<128xi32, #tpu.memory_space<vmem>>
        %dma_start3A_408 = arith.constant 0 : i32
        %dma_start3A_409 = arith.constant 0 : i32
        %dma_start3A_410 = tpu.memref_slice %arg10[%dma_start3A_408, %dma_start3A_409] : memref<10240x128xf32, #tpu.memory_space<vmem_shared>> -> memref<10240x128xf32, #tpu.memory_space<vmem_shared>>
        tpu.enqueue_indirect_dma source(%arg8 : memref<128x128xf32, #tpu.memory_space<vmem>>) target(%dma_start3A_410 : memref<10240x128xf32, #tpu.memory_space<vmem_shared>>) offsets(%dma_start3A_407 : memref<128xi32, #tpu.memory_space<vmem>>) semaphore(%run_scoped3A_404 : memref<!tpu.dma_semaphore, #tpu.memory_space<semaphore_mem>>) {add = true}
        %dma_wait3A_411 = arith.constant 0 : i32
        %dma_wait3A_412 = tpu.memref_slice %arg7[%run_scoped3A_299, %dma_wait3A_411] : memref<8x128xi32, #tpu.memory_space<vmem>> -> memref<1x128xi32, #tpu.memory_space<vmem>>
        %dma_wait3A_413 = tpu.memref_squeeze %dma_wait3A_412 : memref<1x128xi32, #tpu.memory_space<vmem>> -> memref<128xi32, #tpu.memory_space<vmem>>
        %dma_wait3A_414 = arith.constant 0 : i32
        %dma_wait3A_415 = arith.constant 0 : i32
        %dma_wait3A_416 = tpu.memref_slice %arg10[%dma_wait3A_414, %dma_wait3A_415] : memref<10240x128xf32, #tpu.memory_space<vmem_shared>> -> memref<10240x128xf32, #tpu.memory_space<vmem_shared>>
        tpu.wait_indirect_dma semaphore(%run_scoped3A_404 : memref<!tpu.dma_semaphore, #tpu.memory_space<semaphore_mem>>) src(%arg8 : memref<128x128xf32, #tpu.memory_space<vmem>>) dst(%dma_wait3A_416 : memref<10240x128xf32, #tpu.memory_space<vmem_shared>>)
        tpu.yield
      }) : () -> ()
      %dma_start3A_300 = arith.constant 6 : i32
      %dma_start3A_301 = arith.constant 0 : i32
      %dma_start3A_302 = arith.constant 0 : i32
      %dma_start3A_303 = tpu.memref_slice %arg8[%dma_start3A_301, %dma_start3A_302] : memref<128x128xf32, #tpu.memory_space<vmem>> -> memref<64x128xf32, #tpu.memory_space<vmem>>
      %dma_start3A_304 = arith.constant 0 : i32
      %dma_start3A_305 = tpu.memref_slice %arg6[%dma_start3A_300, %dma_start3A_304] : memref<8x128xi32, #tpu.memory_space<vmem>> -> memref<1x64xi32, #tpu.memory_space<vmem>>
      %dma_start3A_306 = tpu.memref_squeeze %dma_start3A_305 : memref<1x64xi32, #tpu.memory_space<vmem>> -> memref<64xi32, #tpu.memory_space<vmem>>
      %dma_start3A_307 = arith.constant 0 : i32
      %dma_start3A_308 = arith.constant 0 : i32
      %dma_start3A_309 = tpu.memref_slice %arg2[%dma_start3A_307, %dma_start3A_308] : memref<10240x128xf32, #tpu.memory_space<hbm>> -> memref<10240x128xf32, #tpu.memory_space<hbm>>
      tpu.enqueue_indirect_dma source(%dma_start3A_309 : memref<10240x128xf32, #tpu.memory_space<hbm>>) target(%dma_start3A_303 : memref<64x128xf32, #tpu.memory_space<vmem>>) offsets(%dma_start3A_306 : memref<64xi32, #tpu.memory_space<vmem>>) semaphore(%arg11 : memref<!tpu.dma_semaphore, #tpu.memory_space<semaphore_mem>>)
      %dma_start3A_310 = arith.constant 6 : i32
      %dma_start3A_311 = arith.constant 64 : i32
      %dma_start3A_312 = arith.constant 0 : i32
      %dma_start3A_313 = tpu.memref_slice %arg8[%dma_start3A_311, %dma_start3A_312] : memref<128x128xf32, #tpu.memory_space<vmem>> -> memref<64x128xf32, #tpu.memory_space<vmem>>
      %dma_start3A_314 = arith.constant 64 : i32
      %dma_start3A_315 = tpu.memref_slice %arg6[%dma_start3A_310, %dma_start3A_314] : memref<8x128xi32, #tpu.memory_space<vmem>> -> memref<1x64xi32, #tpu.memory_space<vmem>>
      %dma_start3A_316 = tpu.memref_squeeze %dma_start3A_315 : memref<1x64xi32, #tpu.memory_space<vmem>> -> memref<64xi32, #tpu.memory_space<vmem>>
      %dma_start3A_317 = arith.constant 0 : i32
      %dma_start3A_318 = arith.constant 0 : i32
      %dma_start3A_319 = tpu.memref_slice %arg2[%dma_start3A_317, %dma_start3A_318] : memref<10240x128xf32, #tpu.memory_space<hbm>> -> memref<10240x128xf32, #tpu.memory_space<hbm>>
      tpu.enqueue_indirect_dma source(%dma_start3A_319 : memref<10240x128xf32, #tpu.memory_space<hbm>>) target(%dma_start3A_313 : memref<64x128xf32, #tpu.memory_space<vmem>>) offsets(%dma_start3A_316 : memref<64xi32, #tpu.memory_space<vmem>>) semaphore(%arg11 : memref<!tpu.dma_semaphore, #tpu.memory_space<semaphore_mem>>)
      %dma_wait3A_320 = arith.constant 5 : i32
      %dma_wait3A_321 = arith.constant 0 : i32
      %dma_wait3A_322 = arith.constant 0 : i32
      %dma_wait3A_323 = tpu.memref_slice %arg9[%dma_wait3A_321, %dma_wait3A_322] : memref<128x128xf32, #tpu.memory_space<vmem>> -> memref<64x128xf32, #tpu.memory_space<vmem>>
      %dma_wait3A_324 = arith.constant 0 : i32
      %dma_wait3A_325 = tpu.memref_slice %arg6[%dma_wait3A_320, %dma_wait3A_324] : memref<8x128xi32, #tpu.memory_space<vmem>> -> memref<1x64xi32, #tpu.memory_space<vmem>>
      %dma_wait3A_326 = tpu.memref_squeeze %dma_wait3A_325 : memref<1x64xi32, #tpu.memory_space<vmem>> -> memref<64xi32, #tpu.memory_space<vmem>>
      %dma_wait3A_327 = arith.constant 0 : i32
      %dma_wait3A_328 = arith.constant 0 : i32
      %dma_wait3A_329 = tpu.memref_slice %arg2[%dma_wait3A_327, %dma_wait3A_328] : memref<10240x128xf32, #tpu.memory_space<hbm>> -> memref<10240x128xf32, #tpu.memory_space<hbm>>
      tpu.wait_indirect_dma semaphore(%arg11 : memref<!tpu.dma_semaphore, #tpu.memory_space<semaphore_mem>>) src(%dma_wait3A_329 : memref<10240x128xf32, #tpu.memory_space<hbm>>) dst(%dma_wait3A_323 : memref<64x128xf32, #tpu.memory_space<vmem>>)
      %dma_wait3A_330 = arith.constant 5 : i32
      %dma_wait3A_331 = arith.constant 64 : i32
      %dma_wait3A_332 = arith.constant 0 : i32
      %dma_wait3A_333 = tpu.memref_slice %arg9[%dma_wait3A_331, %dma_wait3A_332] : memref<128x128xf32, #tpu.memory_space<vmem>> -> memref<64x128xf32, #tpu.memory_space<vmem>>
      %dma_wait3A_334 = arith.constant 64 : i32
      %dma_wait3A_335 = tpu.memref_slice %arg6[%dma_wait3A_330, %dma_wait3A_334] : memref<8x128xi32, #tpu.memory_space<vmem>> -> memref<1x64xi32, #tpu.memory_space<vmem>>
      %dma_wait3A_336 = tpu.memref_squeeze %dma_wait3A_335 : memref<1x64xi32, #tpu.memory_space<vmem>> -> memref<64xi32, #tpu.memory_space<vmem>>
      %dma_wait3A_337 = arith.constant 0 : i32
      %dma_wait3A_338 = arith.constant 0 : i32
      %dma_wait3A_339 = tpu.memref_slice %arg2[%dma_wait3A_337, %dma_wait3A_338] : memref<10240x128xf32, #tpu.memory_space<hbm>> -> memref<10240x128xf32, #tpu.memory_space<hbm>>
      tpu.wait_indirect_dma semaphore(%arg11 : memref<!tpu.dma_semaphore, #tpu.memory_space<semaphore_mem>>) src(%dma_wait3A_339 : memref<10240x128xf32, #tpu.memory_space<hbm>>) dst(%dma_wait3A_333 : memref<64x128xf32, #tpu.memory_space<vmem>>)
      %run_scoped3A_340 = arith.constant 5 : i32
      "tpu.region"() ({
        %run_scoped3A_404 = tpu.sem_alloc : memref<!tpu.dma_semaphore, #tpu.memory_space<semaphore_mem>>
        %dma_start3A_405 = arith.constant 0 : i32
        %dma_start3A_406 = tpu.memref_slice %arg7[%run_scoped3A_340, %dma_start3A_405] : memref<8x128xi32, #tpu.memory_space<vmem>> -> memref<1x128xi32, #tpu.memory_space<vmem>>
        %dma_start3A_407 = tpu.memref_squeeze %dma_start3A_406 : memref<1x128xi32, #tpu.memory_space<vmem>> -> memref<128xi32, #tpu.memory_space<vmem>>
        %dma_start3A_408 = arith.constant 0 : i32
        %dma_start3A_409 = arith.constant 0 : i32
        %dma_start3A_410 = tpu.memref_slice %arg10[%dma_start3A_408, %dma_start3A_409] : memref<10240x128xf32, #tpu.memory_space<vmem_shared>> -> memref<10240x128xf32, #tpu.memory_space<vmem_shared>>
        tpu.enqueue_indirect_dma source(%arg9 : memref<128x128xf32, #tpu.memory_space<vmem>>) target(%dma_start3A_410 : memref<10240x128xf32, #tpu.memory_space<vmem_shared>>) offsets(%dma_start3A_407 : memref<128xi32, #tpu.memory_space<vmem>>) semaphore(%run_scoped3A_404 : memref<!tpu.dma_semaphore, #tpu.memory_space<semaphore_mem>>) {add = true}
        %dma_wait3A_411 = arith.constant 0 : i32
        %dma_wait3A_412 = tpu.memref_slice %arg7[%run_scoped3A_340, %dma_wait3A_411] : memref<8x128xi32, #tpu.memory_space<vmem>> -> memref<1x128xi32, #tpu.memory_space<vmem>>
        %dma_wait3A_413 = tpu.memref_squeeze %dma_wait3A_412 : memref<1x128xi32, #tpu.memory_space<vmem>> -> memref<128xi32, #tpu.memory_space<vmem>>
        %dma_wait3A_414 = arith.constant 0 : i32
        %dma_wait3A_415 = arith.constant 0 : i32
        %dma_wait3A_416 = tpu.memref_slice %arg10[%dma_wait3A_414, %dma_wait3A_415] : memref<10240x128xf32, #tpu.memory_space<vmem_shared>> -> memref<10240x128xf32, #tpu.memory_space<vmem_shared>>
        tpu.wait_indirect_dma semaphore(%run_scoped3A_404 : memref<!tpu.dma_semaphore, #tpu.memory_space<semaphore_mem>>) src(%arg9 : memref<128x128xf32, #tpu.memory_space<vmem>>) dst(%dma_wait3A_416 : memref<10240x128xf32, #tpu.memory_space<vmem_shared>>)
        tpu.yield
      }) : () -> ()
      %dma_start3A_341 = arith.constant 7 : i32
      %dma_start3A_342 = arith.constant 0 : i32
      %dma_start3A_343 = arith.constant 0 : i32
      %dma_start3A_344 = tpu.memref_slice %arg9[%dma_start3A_342, %dma_start3A_343] : memref<128x128xf32, #tpu.memory_space<vmem>> -> memref<64x128xf32, #tpu.memory_space<vmem>>
      %dma_start3A_345 = arith.constant 0 : i32
      %dma_start3A_346 = tpu.memref_slice %arg6[%dma_start3A_341, %dma_start3A_345] : memref<8x128xi32, #tpu.memory_space<vmem>> -> memref<1x64xi32, #tpu.memory_space<vmem>>
      %dma_start3A_347 = tpu.memref_squeeze %dma_start3A_346 : memref<1x64xi32, #tpu.memory_space<vmem>> -> memref<64xi32, #tpu.memory_space<vmem>>
      %dma_start3A_348 = arith.constant 0 : i32
      %dma_start3A_349 = arith.constant 0 : i32
      %dma_start3A_350 = tpu.memref_slice %arg2[%dma_start3A_348, %dma_start3A_349] : memref<10240x128xf32, #tpu.memory_space<hbm>> -> memref<10240x128xf32, #tpu.memory_space<hbm>>
      tpu.enqueue_indirect_dma source(%dma_start3A_350 : memref<10240x128xf32, #tpu.memory_space<hbm>>) target(%dma_start3A_344 : memref<64x128xf32, #tpu.memory_space<vmem>>) offsets(%dma_start3A_347 : memref<64xi32, #tpu.memory_space<vmem>>) semaphore(%arg11 : memref<!tpu.dma_semaphore, #tpu.memory_space<semaphore_mem>>)
      %dma_start3A_351 = arith.constant 7 : i32
      %dma_start3A_352 = arith.constant 64 : i32
      %dma_start3A_353 = arith.constant 0 : i32
      %dma_start3A_354 = tpu.memref_slice %arg9[%dma_start3A_352, %dma_start3A_353] : memref<128x128xf32, #tpu.memory_space<vmem>> -> memref<64x128xf32, #tpu.memory_space<vmem>>
      %dma_start3A_355 = arith.constant 64 : i32
      %dma_start3A_356 = tpu.memref_slice %arg6[%dma_start3A_351, %dma_start3A_355] : memref<8x128xi32, #tpu.memory_space<vmem>> -> memref<1x64xi32, #tpu.memory_space<vmem>>
      %dma_start3A_357 = tpu.memref_squeeze %dma_start3A_356 : memref<1x64xi32, #tpu.memory_space<vmem>> -> memref<64xi32, #tpu.memory_space<vmem>>
      %dma_start3A_358 = arith.constant 0 : i32
      %dma_start3A_359 = arith.constant 0 : i32
      %dma_start3A_360 = tpu.memref_slice %arg2[%dma_start3A_358, %dma_start3A_359] : memref<10240x128xf32, #tpu.memory_space<hbm>> -> memref<10240x128xf32, #tpu.memory_space<hbm>>
      tpu.enqueue_indirect_dma source(%dma_start3A_360 : memref<10240x128xf32, #tpu.memory_space<hbm>>) target(%dma_start3A_354 : memref<64x128xf32, #tpu.memory_space<vmem>>) offsets(%dma_start3A_357 : memref<64xi32, #tpu.memory_space<vmem>>) semaphore(%arg11 : memref<!tpu.dma_semaphore, #tpu.memory_space<semaphore_mem>>)
      %dma_wait3A_361 = arith.constant 6 : i32
      %dma_wait3A_362 = arith.constant 0 : i32
      %dma_wait3A_363 = arith.constant 0 : i32
      %dma_wait3A_364 = tpu.memref_slice %arg8[%dma_wait3A_362, %dma_wait3A_363] : memref<128x128xf32, #tpu.memory_space<vmem>> -> memref<64x128xf32, #tpu.memory_space<vmem>>
      %dma_wait3A_365 = arith.constant 0 : i32
      %dma_wait3A_366 = tpu.memref_slice %arg6[%dma_wait3A_361, %dma_wait3A_365] : memref<8x128xi32, #tpu.memory_space<vmem>> -> memref<1x64xi32, #tpu.memory_space<vmem>>
      %dma_wait3A_367 = tpu.memref_squeeze %dma_wait3A_366 : memref<1x64xi32, #tpu.memory_space<vmem>> -> memref<64xi32, #tpu.memory_space<vmem>>
      %dma_wait3A_368 = arith.constant 0 : i32
      %dma_wait3A_369 = arith.constant 0 : i32
      %dma_wait3A_370 = tpu.memref_slice %arg2[%dma_wait3A_368, %dma_wait3A_369] : memref<10240x128xf32, #tpu.memory_space<hbm>> -> memref<10240x128xf32, #tpu.memory_space<hbm>>
      tpu.wait_indirect_dma semaphore(%arg11 : memref<!tpu.dma_semaphore, #tpu.memory_space<semaphore_mem>>) src(%dma_wait3A_370 : memref<10240x128xf32, #tpu.memory_space<hbm>>) dst(%dma_wait3A_364 : memref<64x128xf32, #tpu.memory_space<vmem>>)
      %dma_wait3A_371 = arith.constant 6 : i32
      %dma_wait3A_372 = arith.constant 64 : i32
      %dma_wait3A_373 = arith.constant 0 : i32
      %dma_wait3A_374 = tpu.memref_slice %arg8[%dma_wait3A_372, %dma_wait3A_373] : memref<128x128xf32, #tpu.memory_space<vmem>> -> memref<64x128xf32, #tpu.memory_space<vmem>>
      %dma_wait3A_375 = arith.constant 64 : i32
      %dma_wait3A_376 = tpu.memref_slice %arg6[%dma_wait3A_371, %dma_wait3A_375] : memref<8x128xi32, #tpu.memory_space<vmem>> -> memref<1x64xi32, #tpu.memory_space<vmem>>
      %dma_wait3A_377 = tpu.memref_squeeze %dma_wait3A_376 : memref<1x64xi32, #tpu.memory_space<vmem>> -> memref<64xi32, #tpu.memory_space<vmem>>
      %dma_wait3A_378 = arith.constant 0 : i32
      %dma_wait3A_379 = arith.constant 0 : i32
      %dma_wait3A_380 = tpu.memref_slice %arg2[%dma_wait3A_378, %dma_wait3A_379] : memref<10240x128xf32, #tpu.memory_space<hbm>> -> memref<10240x128xf32, #tpu.memory_space<hbm>>
      tpu.wait_indirect_dma semaphore(%arg11 : memref<!tpu.dma_semaphore, #tpu.memory_space<semaphore_mem>>) src(%dma_wait3A_380 : memref<10240x128xf32, #tpu.memory_space<hbm>>) dst(%dma_wait3A_374 : memref<64x128xf32, #tpu.memory_space<vmem>>)
      %run_scoped3A_381 = arith.constant 6 : i32
      "tpu.region"() ({
        %run_scoped3A_404 = tpu.sem_alloc : memref<!tpu.dma_semaphore, #tpu.memory_space<semaphore_mem>>
        %dma_start3A_405 = arith.constant 0 : i32
        %dma_start3A_406 = tpu.memref_slice %arg7[%run_scoped3A_381, %dma_start3A_405] : memref<8x128xi32, #tpu.memory_space<vmem>> -> memref<1x128xi32, #tpu.memory_space<vmem>>
        %dma_start3A_407 = tpu.memref_squeeze %dma_start3A_406 : memref<1x128xi32, #tpu.memory_space<vmem>> -> memref<128xi32, #tpu.memory_space<vmem>>
        %dma_start3A_408 = arith.constant 0 : i32
        %dma_start3A_409 = arith.constant 0 : i32
        %dma_start3A_410 = tpu.memref_slice %arg10[%dma_start3A_408, %dma_start3A_409] : memref<10240x128xf32, #tpu.memory_space<vmem_shared>> -> memref<10240x128xf32, #tpu.memory_space<vmem_shared>>
        tpu.enqueue_indirect_dma source(%arg8 : memref<128x128xf32, #tpu.memory_space<vmem>>) target(%dma_start3A_410 : memref<10240x128xf32, #tpu.memory_space<vmem_shared>>) offsets(%dma_start3A_407 : memref<128xi32, #tpu.memory_space<vmem>>) semaphore(%run_scoped3A_404 : memref<!tpu.dma_semaphore, #tpu.memory_space<semaphore_mem>>) {add = true}
        %dma_wait3A_411 = arith.constant 0 : i32
        %dma_wait3A_412 = tpu.memref_slice %arg7[%run_scoped3A_381, %dma_wait3A_411] : memref<8x128xi32, #tpu.memory_space<vmem>> -> memref<1x128xi32, #tpu.memory_space<vmem>>
        %dma_wait3A_413 = tpu.memref_squeeze %dma_wait3A_412 : memref<1x128xi32, #tpu.memory_space<vmem>> -> memref<128xi32, #tpu.memory_space<vmem>>
        %dma_wait3A_414 = arith.constant 0 : i32
        %dma_wait3A_415 = arith.constant 0 : i32
        %dma_wait3A_416 = tpu.memref_slice %arg10[%dma_wait3A_414, %dma_wait3A_415] : memref<10240x128xf32, #tpu.memory_space<vmem_shared>> -> memref<10240x128xf32, #tpu.memory_space<vmem_shared>>
        tpu.wait_indirect_dma semaphore(%run_scoped3A_404 : memref<!tpu.dma_semaphore, #tpu.memory_space<semaphore_mem>>) src(%arg8 : memref<128x128xf32, #tpu.memory_space<vmem>>) dst(%dma_wait3A_416 : memref<10240x128xf32, #tpu.memory_space<vmem_shared>>)
        tpu.yield
      }) : () -> ()
      %dma_wait3A_382 = arith.constant 7 : i32
      %dma_wait3A_383 = arith.constant 0 : i32
      %dma_wait3A_384 = arith.constant 0 : i32
      %dma_wait3A_385 = tpu.memref_slice %arg9[%dma_wait3A_383, %dma_wait3A_384] : memref<128x128xf32, #tpu.memory_space<vmem>> -> memref<64x128xf32, #tpu.memory_space<vmem>>
      %dma_wait3A_386 = arith.constant 0 : i32
      %dma_wait3A_387 = tpu.memref_slice %arg6[%dma_wait3A_382, %dma_wait3A_386] : memref<8x128xi32, #tpu.memory_space<vmem>> -> memref<1x64xi32, #tpu.memory_space<vmem>>
      %dma_wait3A_388 = tpu.memref_squeeze %dma_wait3A_387 : memref<1x64xi32, #tpu.memory_space<vmem>> -> memref<64xi32, #tpu.memory_space<vmem>>
      %dma_wait3A_389 = arith.constant 0 : i32
      %dma_wait3A_390 = arith.constant 0 : i32
      %dma_wait3A_391 = tpu.memref_slice %arg2[%dma_wait3A_389, %dma_wait3A_390] : memref<10240x128xf32, #tpu.memory_space<hbm>> -> memref<10240x128xf32, #tpu.memory_space<hbm>>
      tpu.wait_indirect_dma semaphore(%arg11 : memref<!tpu.dma_semaphore, #tpu.memory_space<semaphore_mem>>) src(%dma_wait3A_391 : memref<10240x128xf32, #tpu.memory_space<hbm>>) dst(%dma_wait3A_385 : memref<64x128xf32, #tpu.memory_space<vmem>>)
      %dma_wait3A_392 = arith.constant 7 : i32
      %dma_wait3A_393 = arith.constant 64 : i32
      %dma_wait3A_394 = arith.constant 0 : i32
      %dma_wait3A_395 = tpu.memref_slice %arg9[%dma_wait3A_393, %dma_wait3A_394] : memref<128x128xf32, #tpu.memory_space<vmem>> -> memref<64x128xf32, #tpu.memory_space<vmem>>
      %dma_wait3A_396 = arith.constant 64 : i32
      %dma_wait3A_397 = tpu.memref_slice %arg6[%dma_wait3A_392, %dma_wait3A_396] : memref<8x128xi32, #tpu.memory_space<vmem>> -> memref<1x64xi32, #tpu.memory_space<vmem>>
      %dma_wait3A_398 = tpu.memref_squeeze %dma_wait3A_397 : memref<1x64xi32, #tpu.memory_space<vmem>> -> memref<64xi32, #tpu.memory_space<vmem>>
      %dma_wait3A_399 = arith.constant 0 : i32
      %dma_wait3A_400 = arith.constant 0 : i32
      %dma_wait3A_401 = tpu.memref_slice %arg2[%dma_wait3A_399, %dma_wait3A_400] : memref<10240x128xf32, #tpu.memory_space<hbm>> -> memref<10240x128xf32, #tpu.memory_space<hbm>>
      tpu.wait_indirect_dma semaphore(%arg11 : memref<!tpu.dma_semaphore, #tpu.memory_space<semaphore_mem>>) src(%dma_wait3A_401 : memref<10240x128xf32, #tpu.memory_space<hbm>>) dst(%dma_wait3A_395 : memref<64x128xf32, #tpu.memory_space<vmem>>)
      %run_scoped3A_402 = arith.constant 7 : i32
      "tpu.region"() ({
        %run_scoped3A_404 = tpu.sem_alloc : memref<!tpu.dma_semaphore, #tpu.memory_space<semaphore_mem>>
        %dma_start3A_405 = arith.constant 0 : i32
        %dma_start3A_406 = tpu.memref_slice %arg7[%run_scoped3A_402, %dma_start3A_405] : memref<8x128xi32, #tpu.memory_space<vmem>> -> memref<1x128xi32, #tpu.memory_space<vmem>>
        %dma_start3A_407 = tpu.memref_squeeze %dma_start3A_406 : memref<1x128xi32, #tpu.memory_space<vmem>> -> memref<128xi32, #tpu.memory_space<vmem>>
        %dma_start3A_408 = arith.constant 0 : i32
        %dma_start3A_409 = arith.constant 0 : i32
        %dma_start3A_410 = tpu.memref_slice %arg10[%dma_start3A_408, %dma_start3A_409] : memref<10240x128xf32, #tpu.memory_space<vmem_shared>> -> memref<10240x128xf32, #tpu.memory_space<vmem_shared>>
        tpu.enqueue_indirect_dma source(%arg9 : memref<128x128xf32, #tpu.memory_space<vmem>>) target(%dma_start3A_410 : memref<10240x128xf32, #tpu.memory_space<vmem_shared>>) offsets(%dma_start3A_407 : memref<128xi32, #tpu.memory_space<vmem>>) semaphore(%run_scoped3A_404 : memref<!tpu.dma_semaphore, #tpu.memory_space<semaphore_mem>>) {add = true}
        %dma_wait3A_411 = arith.constant 0 : i32
        %dma_wait3A_412 = tpu.memref_slice %arg7[%run_scoped3A_402, %dma_wait3A_411] : memref<8x128xi32, #tpu.memory_space<vmem>> -> memref<1x128xi32, #tpu.memory_space<vmem>>
        %dma_wait3A_413 = tpu.memref_squeeze %dma_wait3A_412 : memref<1x128xi32, #tpu.memory_space<vmem>> -> memref<128xi32, #tpu.memory_space<vmem>>
        %dma_wait3A_414 = arith.constant 0 : i32
        %dma_wait3A_415 = arith.constant 0 : i32
        %dma_wait3A_416 = tpu.memref_slice %arg10[%dma_wait3A_414, %dma_wait3A_415] : memref<10240x128xf32, #tpu.memory_space<vmem_shared>> -> memref<10240x128xf32, #tpu.memory_space<vmem_shared>>
        tpu.wait_indirect_dma semaphore(%run_scoped3A_404 : memref<!tpu.dma_semaphore, #tpu.memory_space<semaphore_mem>>) src(%arg9 : memref<128x128xf32, #tpu.memory_space<vmem>>) dst(%dma_wait3A_416 : memref<10240x128xf32, #tpu.memory_space<vmem_shared>>)
        tpu.yield
      }) : () -> ()
      %while3A_403 = arith.constant 0 : i32
      scf.yield %while3A_403 : i32
    }
    %while3A_66 = arith.constant 1 : i32
    %while3A_67 = scf.for %while3A_73 = %while3A_63 to %while3A_59 step %while3A_66 iter_args(%while3A_74 = %while3A_65) -> (i32)  : i32 {
      %mul3A_75 = arith.constant 8 : i32
      %mul3A_76 = arith.muli %while3A_73, %mul3A_75 : i32
      %add3A_77 = arith.addi %select_n3A_38, %mul3A_76 : i32
      "tpu.region"() ({
        %run_scoped3A_404 = tpu.sem_alloc : memref<!tpu.dma_semaphore, #tpu.memory_space<semaphore_mem>>
        %dma_start3A_405 = arith.constant 0 : i32
        %dma_start3A_406 = tpu.memref_slice %arg3[%add3A_77, %dma_start3A_405] : memref<2560x128xi32, #tpu.memory_space<hbm>> -> memref<8x128xi32, #tpu.memory_space<hbm>>
        %dma_start3A_407 = arith.constant 0 : i32
        %dma_start3A_408 = tpu.memref_slice %arg3[%add3A_77, %dma_start3A_407] : memref<2560x128xi32, #tpu.memory_space<hbm>> -> memref<8x128xi32, #tpu.memory_space<hbm>>
        tpu.enqueue_dma source(%dma_start3A_408 : memref<8x128xi32, #tpu.memory_space<hbm>>) target(%arg6 : memref<8x128xi32, #tpu.memory_space<vmem>>) target_semaphore(%run_scoped3A_404 : memref<!tpu.dma_semaphore, #tpu.memory_space<semaphore_mem>>)
        %dma_wait3A_409 = arith.constant 0 : i32
        %dma_wait3A_410 = tpu.memref_slice %arg3[%add3A_77, %dma_wait3A_409] : memref<2560x128xi32, #tpu.memory_space<hbm>> -> memref<8x128xi32, #tpu.memory_space<hbm>>
        %dma_wait3A_411 = arith.constant 0 : i32
        %dma_wait3A_412 = tpu.memref_slice %arg3[%add3A_77, %dma_wait3A_411] : memref<2560x128xi32, #tpu.memory_space<hbm>> -> memref<8x128xi32, #tpu.memory_space<hbm>>
        tpu.wait_dma2 semaphore(%run_scoped3A_404 : memref<!tpu.dma_semaphore, #tpu.memory_space<semaphore_mem>>) src(%dma_wait3A_412 : memref<8x128xi32, #tpu.memory_space<hbm>>) dst(%arg6 : memref<8x128xi32, #tpu.memory_space<vmem>>)
        tpu.yield
      }) : () -> ()
      "tpu.region"() ({
        %run_scoped3A_404 = tpu.sem_alloc : memref<!tpu.dma_semaphore, #tpu.memory_space<semaphore_mem>>
        %dma_start3A_405 = arith.constant 0 : i32
        %dma_start3A_406 = tpu.memref_slice %arg4[%add3A_77, %dma_start3A_405] : memref<2560x128xi32, #tpu.memory_space<hbm>> -> memref<8x128xi32, #tpu.memory_space<hbm>>
        %dma_start3A_407 = arith.constant 0 : i32
        %dma_start3A_408 = tpu.memref_slice %arg4[%add3A_77, %dma_start3A_407] : memref<2560x128xi32, #tpu.memory_space<hbm>> -> memref<8x128xi32, #tpu.memory_space<hbm>>
        tpu.enqueue_dma source(%dma_start3A_408 : memref<8x128xi32, #tpu.memory_space<hbm>>) target(%arg7 : memref<8x128xi32, #tpu.memory_space<vmem>>) target_semaphore(%run_scoped3A_404 : memref<!tpu.dma_semaphore, #tpu.memory_space<semaphore_mem>>)
        %dma_wait3A_409 = arith.constant 0 : i32
        %dma_wait3A_410 = tpu.memref_slice %arg4[%add3A_77, %dma_wait3A_409] : memref<2560x128xi32, #tpu.memory_space<hbm>> -> memref<8x128xi32, #tpu.memory_space<hbm>>
        %dma_wait3A_411 = arith.constant 0 : i32
        %dma_wait3A_412 = tpu.memref_slice %arg4[%add3A_77, %dma_wait3A_411] : memref<2560x128xi32, #tpu.memory_space<hbm>> -> memref<8x128xi32, #tpu.memory_space<hbm>>
        tpu.wait_dma2 semaphore(%run_scoped3A_404 : memref<!tpu.dma_semaphore, #tpu.memory_space<semaphore_mem>>) src(%dma_wait3A_412 : memref<8x128xi32, #tpu.memory_space<hbm>>) dst(%arg7 : memref<8x128xi32, #tpu.memory_space<vmem>>)
        tpu.yield
      }) : () -> ()
      %dma_start3A = arith.constant 0 : i32
      %dma_start3A_78 = arith.constant 0 : i32
      %dma_start3A_79 = arith.constant 0 : i32
      %dma_start3A_80 = tpu.memref_slice %arg8[%dma_start3A_78, %dma_start3A_79] : memref<128x128xf32, #tpu.memory_space<vmem>> -> memref<64x128xf32, #tpu.memory_space<vmem>>
      %dma_start3A_81 = arith.constant 0 : i32
      %dma_start3A_82 = tpu.memref_slice %arg6[%dma_start3A, %dma_start3A_81] : memref<8x128xi32, #tpu.memory_space<vmem>> -> memref<1x64xi32, #tpu.memory_space<vmem>>
      %dma_start3A_83 = tpu.memref_squeeze %dma_start3A_82 : memref<1x64xi32, #tpu.memory_space<vmem>> -> memref<64xi32, #tpu.memory_space<vmem>>
      %dma_start3A_84 = arith.constant 0 : i32
      %dma_start3A_85 = arith.constant 0 : i32
      %dma_start3A_86 = tpu.memref_slice %arg2[%dma_start3A_84, %dma_start3A_85] : memref<10240x128xf32, #tpu.memory_space<hbm>> -> memref<10240x128xf32, #tpu.memory_space<hbm>>
      tpu.enqueue_indirect_dma source(%dma_start3A_86 : memref<10240x128xf32, #tpu.memory_space<hbm>>) target(%dma_start3A_80 : memref<64x128xf32, #tpu.memory_space<vmem>>) offsets(%dma_start3A_83 : memref<64xi32, #tpu.memory_space<vmem>>) semaphore(%arg11 : memref<!tpu.dma_semaphore, #tpu.memory_space<semaphore_mem>>)
      %dma_start3A_87 = arith.constant 0 : i32
      %dma_start3A_88 = arith.constant 64 : i32
      %dma_start3A_89 = arith.constant 0 : i32
      %dma_start3A_90 = tpu.memref_slice %arg8[%dma_start3A_88, %dma_start3A_89] : memref<128x128xf32, #tpu.memory_space<vmem>> -> memref<64x128xf32, #tpu.memory_space<vmem>>
      %dma_start3A_91 = arith.constant 64 : i32
      %dma_start3A_92 = tpu.memref_slice %arg6[%dma_start3A_87, %dma_start3A_91] : memref<8x128xi32, #tpu.memory_space<vmem>> -> memref<1x64xi32, #tpu.memory_space<vmem>>
      %dma_start3A_93 = tpu.memref_squeeze %dma_start3A_92 : memref<1x64xi32, #tpu.memory_space<vmem>> -> memref<64xi32, #tpu.memory_space<vmem>>
      %dma_start3A_94 = arith.constant 0 : i32
      %dma_start3A_95 = arith.constant 0 : i32
      %dma_start3A_96 = tpu.memref_slice %arg2[%dma_start3A_94, %dma_start3A_95] : memref<10240x128xf32, #tpu.memory_space<hbm>> -> memref<10240x128xf32, #tpu.memory_space<hbm>>
      tpu.enqueue_indirect_dma source(%dma_start3A_96 : memref<10240x128xf32, #tpu.memory_space<hbm>>) target(%dma_start3A_90 : memref<64x128xf32, #tpu.memory_space<vmem>>) offsets(%dma_start3A_93 : memref<64xi32, #tpu.memory_space<vmem>>) semaphore(%arg11 : memref<!tpu.dma_semaphore, #tpu.memory_space<semaphore_mem>>)
      %dma_start3A_97 = arith.constant 1 : i32
      %dma_start3A_98 = arith.constant 0 : i32
      %dma_start3A_99 = arith.constant 0 : i32
      %dma_start3A_100 = tpu.memref_slice %arg9[%dma_start3A_98, %dma_start3A_99] : memref<128x128xf32, #tpu.memory_space<vmem>> -> memref<64x128xf32, #tpu.memory_space<vmem>>
      %dma_start3A_101 = arith.constant 0 : i32
      %dma_start3A_102 = tpu.memref_slice %arg6[%dma_start3A_97, %dma_start3A_101] : memref<8x128xi32, #tpu.memory_space<vmem>> -> memref<1x64xi32, #tpu.memory_space<vmem>>
      %dma_start3A_103 = tpu.memref_squeeze %dma_start3A_102 : memref<1x64xi32, #tpu.memory_space<vmem>> -> memref<64xi32, #tpu.memory_space<vmem>>
      %dma_start3A_104 = arith.constant 0 : i32
      %dma_start3A_105 = arith.constant 0 : i32
      %dma_start3A_106 = tpu.memref_slice %arg2[%dma_start3A_104, %dma_start3A_105] : memref<10240x128xf32, #tpu.memory_space<hbm>> -> memref<10240x128xf32, #tpu.memory_space<hbm>>
      tpu.enqueue_indirect_dma source(%dma_start3A_106 : memref<10240x128xf32, #tpu.memory_space<hbm>>) target(%dma_start3A_100 : memref<64x128xf32, #tpu.memory_space<vmem>>) offsets(%dma_start3A_103 : memref<64xi32, #tpu.memory_space<vmem>>) semaphore(%arg11 : memref<!tpu.dma_semaphore, #tpu.memory_space<semaphore_mem>>)
      %dma_start3A_107 = arith.constant 1 : i32
      %dma_start3A_108 = arith.constant 64 : i32
      %dma_start3A_109 = arith.constant 0 : i32
      %dma_start3A_110 = tpu.memref_slice %arg9[%dma_start3A_108, %dma_start3A_109] : memref<128x128xf32, #tpu.memory_space<vmem>> -> memref<64x128xf32, #tpu.memory_space<vmem>>
      %dma_start3A_111 = arith.constant 64 : i32
      %dma_start3A_112 = tpu.memref_slice %arg6[%dma_start3A_107, %dma_start3A_111] : memref<8x128xi32, #tpu.memory_space<vmem>> -> memref<1x64xi32, #tpu.memory_space<vmem>>
      %dma_start3A_113 = tpu.memref_squeeze %dma_start3A_112 : memref<1x64xi32, #tpu.memory_space<vmem>> -> memref<64xi32, #tpu.memory_space<vmem>>
      %dma_start3A_114 = arith.constant 0 : i32
      %dma_start3A_115 = arith.constant 0 : i32
      %dma_start3A_116 = tpu.memref_slice %arg2[%dma_start3A_114, %dma_start3A_115] : memref<10240x128xf32, #tpu.memory_space<hbm>> -> memref<10240x128xf32, #tpu.memory_space<hbm>>
      tpu.enqueue_indirect_dma source(%dma_start3A_116 : memref<10240x128xf32, #tpu.memory_space<hbm>>) target(%dma_start3A_110 : memref<64x128xf32, #tpu.memory_space<vmem>>) offsets(%dma_start3A_113 : memref<64xi32, #tpu.memory_space<vmem>>) semaphore(%arg11 : memref<!tpu.dma_semaphore, #tpu.memory_space<semaphore_mem>>)
      %dma_wait3A = arith.constant 0 : i32
      %dma_wait3A_117 = arith.constant 0 : i32
      %dma_wait3A_118 = arith.constant 0 : i32
      %dma_wait3A_119 = tpu.memref_slice %arg8[%dma_wait3A_117, %dma_wait3A_118] : memref<128x128xf32, #tpu.memory_space<vmem>> -> memref<64x128xf32, #tpu.memory_space<vmem>>
      %dma_wait3A_120 = arith.constant 0 : i32
      %dma_wait3A_121 = tpu.memref_slice %arg6[%dma_wait3A, %dma_wait3A_120] : memref<8x128xi32, #tpu.memory_space<vmem>> -> memref<1x64xi32, #tpu.memory_space<vmem>>
      %dma_wait3A_122 = tpu.memref_squeeze %dma_wait3A_121 : memref<1x64xi32, #tpu.memory_space<vmem>> -> memref<64xi32, #tpu.memory_space<vmem>>
      %dma_wait3A_123 = arith.constant 0 : i32
      %dma_wait3A_124 = arith.constant 0 : i32
      %dma_wait3A_125 = tpu.memref_slice %arg2[%dma_wait3A_123, %dma_wait3A_124] : memref<10240x128xf32, #tpu.memory_space<hbm>> -> memref<10240x128xf32, #tpu.memory_space<hbm>>
      tpu.wait_indirect_dma semaphore(%arg11 : memref<!tpu.dma_semaphore, #tpu.memory_space<semaphore_mem>>) src(%dma_wait3A_125 : memref<10240x128xf32, #tpu.memory_space<hbm>>) dst(%dma_wait3A_119 : memref<64x128xf32, #tpu.memory_space<vmem>>)
      %dma_wait3A_126 = arith.constant 0 : i32
      %dma_wait3A_127 = arith.constant 64 : i32
      %dma_wait3A_128 = arith.constant 0 : i32
      %dma_wait3A_129 = tpu.memref_slice %arg8[%dma_wait3A_127, %dma_wait3A_128] : memref<128x128xf32, #tpu.memory_space<vmem>> -> memref<64x128xf32, #tpu.memory_space<vmem>>
      %dma_wait3A_130 = arith.constant 64 : i32
      %dma_wait3A_131 = tpu.memref_slice %arg6[%dma_wait3A_126, %dma_wait3A_130] : memref<8x128xi32, #tpu.memory_space<vmem>> -> memref<1x64xi32, #tpu.memory_space<vmem>>
      %dma_wait3A_132 = tpu.memref_squeeze %dma_wait3A_131 : memref<1x64xi32, #tpu.memory_space<vmem>> -> memref<64xi32, #tpu.memory_space<vmem>>
      %dma_wait3A_133 = arith.constant 0 : i32
      %dma_wait3A_134 = arith.constant 0 : i32
      %dma_wait3A_135 = tpu.memref_slice %arg2[%dma_wait3A_133, %dma_wait3A_134] : memref<10240x128xf32, #tpu.memory_space<hbm>> -> memref<10240x128xf32, #tpu.memory_space<hbm>>
      tpu.wait_indirect_dma semaphore(%arg11 : memref<!tpu.dma_semaphore, #tpu.memory_space<semaphore_mem>>) src(%dma_wait3A_135 : memref<10240x128xf32, #tpu.memory_space<hbm>>) dst(%dma_wait3A_129 : memref<64x128xf32, #tpu.memory_space<vmem>>)
      %run_scoped3A = arith.constant 0 : i32
      "tpu.region"() ({
        %run_scoped3A_404 = tpu.sem_alloc : memref<!tpu.dma_semaphore, #tpu.memory_space<semaphore_mem>>
        %dma_start3A_405 = arith.constant 0 : i32
        %dma_start3A_406 = tpu.memref_slice %arg7[%run_scoped3A, %dma_start3A_405] : memref<8x128xi32, #tpu.memory_space<vmem>> -> memref<1x128xi32, #tpu.memory_space<vmem>>
        %dma_start3A_407 = tpu.memref_squeeze %dma_start3A_406 : memref<1x128xi32, #tpu.memory_space<vmem>> -> memref<128xi32, #tpu.memory_space<vmem>>
        %dma_start3A_408 = arith.constant 0 : i32
        %dma_start3A_409 = arith.constant 0 : i32
        %dma_start3A_410 = tpu.memref_slice %arg10[%dma_start3A_408, %dma_start3A_409] : memref<10240x128xf32, #tpu.memory_space<vmem_shared>> -> memref<10240x128xf32, #tpu.memory_space<vmem_shared>>
        tpu.enqueue_indirect_dma source(%arg8 : memref<128x128xf32, #tpu.memory_space<vmem>>) target(%dma_start3A_410 : memref<10240x128xf32, #tpu.memory_space<vmem_shared>>) offsets(%dma_start3A_407 : memref<128xi32, #tpu.memory_space<vmem>>) semaphore(%run_scoped3A_404 : memref<!tpu.dma_semaphore, #tpu.memory_space<semaphore_mem>>) {add = true}
        %dma_wait3A_411 = arith.constant 0 : i32
        %dma_wait3A_412 = tpu.memref_slice %arg7[%run_scoped3A, %dma_wait3A_411] : memref<8x128xi32, #tpu.memory_space<vmem>> -> memref<1x128xi32, #tpu.memory_space<vmem>>
        %dma_wait3A_413 = tpu.memref_squeeze %dma_wait3A_412 : memref<1x128xi32, #tpu.memory_space<vmem>> -> memref<128xi32, #tpu.memory_space<vmem>>
        %dma_wait3A_414 = arith.constant 0 : i32
        %dma_wait3A_415 = arith.constant 0 : i32
        %dma_wait3A_416 = tpu.memref_slice %arg10[%dma_wait3A_414, %dma_wait3A_415] : memref<10240x128xf32, #tpu.memory_space<vmem_shared>> -> memref<10240x128xf32, #tpu.memory_space<vmem_shared>>
        tpu.wait_indirect_dma semaphore(%run_scoped3A_404 : memref<!tpu.dma_semaphore, #tpu.memory_space<semaphore_mem>>) src(%arg8 : memref<128x128xf32, #tpu.memory_space<vmem>>) dst(%dma_wait3A_416 : memref<10240x128xf32, #tpu.memory_space<vmem_shared>>)
        tpu.yield
      }) : () -> ()
      %dma_start3A_136 = arith.constant 2 : i32
      %dma_start3A_137 = arith.constant 0 : i32
      %dma_start3A_138 = arith.constant 0 : i32
      %dma_start3A_139 = tpu.memref_slice %arg8[%dma_start3A_137, %dma_start3A_138] : memref<128x128xf32, #tpu.memory_space<vmem>> -> memref<64x128xf32, #tpu.memory_space<vmem>>
      %dma_start3A_140 = arith.constant 0 : i32
      %dma_start3A_141 = tpu.memref_slice %arg6[%dma_start3A_136, %dma_start3A_140] : memref<8x128xi32, #tpu.memory_space<vmem>> -> memref<1x64xi32, #tpu.memory_space<vmem>>
      %dma_start3A_142 = tpu.memref_squeeze %dma_start3A_141 : memref<1x64xi32, #tpu.memory_space<vmem>> -> memref<64xi32, #tpu.memory_space<vmem>>
      %dma_start3A_143 = arith.constant 0 : i32
      %dma_start3A_144 = arith.constant 0 : i32
      %dma_start3A_145 = tpu.memref_slice %arg2[%dma_start3A_143, %dma_start3A_144] : memref<10240x128xf32, #tpu.memory_space<hbm>> -> memref<10240x128xf32, #tpu.memory_space<hbm>>
      tpu.enqueue_indirect_dma source(%dma_start3A_145 : memref<10240x128xf32, #tpu.memory_space<hbm>>) target(%dma_start3A_139 : memref<64x128xf32, #tpu.memory_space<vmem>>) offsets(%dma_start3A_142 : memref<64xi32, #tpu.memory_space<vmem>>) semaphore(%arg11 : memref<!tpu.dma_semaphore, #tpu.memory_space<semaphore_mem>>)
      %dma_start3A_146 = arith.constant 2 : i32
      %dma_start3A_147 = arith.constant 64 : i32
      %dma_start3A_148 = arith.constant 0 : i32
      %dma_start3A_149 = tpu.memref_slice %arg8[%dma_start3A_147, %dma_start3A_148] : memref<128x128xf32, #tpu.memory_space<vmem>> -> memref<64x128xf32, #tpu.memory_space<vmem>>
      %dma_start3A_150 = arith.constant 64 : i32
      %dma_start3A_151 = tpu.memref_slice %arg6[%dma_start3A_146, %dma_start3A_150] : memref<8x128xi32, #tpu.memory_space<vmem>> -> memref<1x64xi32, #tpu.memory_space<vmem>>
      %dma_start3A_152 = tpu.memref_squeeze %dma_start3A_151 : memref<1x64xi32, #tpu.memory_space<vmem>> -> memref<64xi32, #tpu.memory_space<vmem>>
      %dma_start3A_153 = arith.constant 0 : i32
      %dma_start3A_154 = arith.constant 0 : i32
      %dma_start3A_155 = tpu.memref_slice %arg2[%dma_start3A_153, %dma_start3A_154] : memref<10240x128xf32, #tpu.memory_space<hbm>> -> memref<10240x128xf32, #tpu.memory_space<hbm>>
      tpu.enqueue_indirect_dma source(%dma_start3A_155 : memref<10240x128xf32, #tpu.memory_space<hbm>>) target(%dma_start3A_149 : memref<64x128xf32, #tpu.memory_space<vmem>>) offsets(%dma_start3A_152 : memref<64xi32, #tpu.memory_space<vmem>>) semaphore(%arg11 : memref<!tpu.dma_semaphore, #tpu.memory_space<semaphore_mem>>)
      %dma_wait3A_156 = arith.constant 1 : i32
      %dma_wait3A_157 = arith.constant 0 : i32
      %dma_wait3A_158 = arith.constant 0 : i32
      %dma_wait3A_159 = tpu.memref_slice %arg9[%dma_wait3A_157, %dma_wait3A_158] : memref<128x128xf32, #tpu.memory_space<vmem>> -> memref<64x128xf32, #tpu.memory_space<vmem>>
      %dma_wait3A_160 = arith.constant 0 : i32
      %dma_wait3A_161 = tpu.memref_slice %arg6[%dma_wait3A_156, %dma_wait3A_160] : memref<8x128xi32, #tpu.memory_space<vmem>> -> memref<1x64xi32, #tpu.memory_space<vmem>>
      %dma_wait3A_162 = tpu.memref_squeeze %dma_wait3A_161 : memref<1x64xi32, #tpu.memory_space<vmem>> -> memref<64xi32, #tpu.memory_space<vmem>>
      %dma_wait3A_163 = arith.constant 0 : i32
      %dma_wait3A_164 = arith.constant 0 : i32
      %dma_wait3A_165 = tpu.memref_slice %arg2[%dma_wait3A_163, %dma_wait3A_164] : memref<10240x128xf32, #tpu.memory_space<hbm>> -> memref<10240x128xf32, #tpu.memory_space<hbm>>
      tpu.wait_indirect_dma semaphore(%arg11 : memref<!tpu.dma_semaphore, #tpu.memory_space<semaphore_mem>>) src(%dma_wait3A_165 : memref<10240x128xf32, #tpu.memory_space<hbm>>) dst(%dma_wait3A_159 : memref<64x128xf32, #tpu.memory_space<vmem>>)
      %dma_wait3A_166 = arith.constant 1 : i32
      %dma_wait3A_167 = arith.constant 64 : i32
      %dma_wait3A_168 = arith.constant 0 : i32
      %dma_wait3A_169 = tpu.memref_slice %arg9[%dma_wait3A_167, %dma_wait3A_168] : memref<128x128xf32, #tpu.memory_space<vmem>> -> memref<64x128xf32, #tpu.memory_space<vmem>>
      %dma_wait3A_170 = arith.constant 64 : i32
      %dma_wait3A_171 = tpu.memref_slice %arg6[%dma_wait3A_166, %dma_wait3A_170] : memref<8x128xi32, #tpu.memory_space<vmem>> -> memref<1x64xi32, #tpu.memory_space<vmem>>
      %dma_wait3A_172 = tpu.memref_squeeze %dma_wait3A_171 : memref<1x64xi32, #tpu.memory_space<vmem>> -> memref<64xi32, #tpu.memory_space<vmem>>
      %dma_wait3A_173 = arith.constant 0 : i32
      %dma_wait3A_174 = arith.constant 0 : i32
      %dma_wait3A_175 = tpu.memref_slice %arg2[%dma_wait3A_173, %dma_wait3A_174] : memref<10240x128xf32, #tpu.memory_space<hbm>> -> memref<10240x128xf32, #tpu.memory_space<hbm>>
      tpu.wait_indirect_dma semaphore(%arg11 : memref<!tpu.dma_semaphore, #tpu.memory_space<semaphore_mem>>) src(%dma_wait3A_175 : memref<10240x128xf32, #tpu.memory_space<hbm>>) dst(%dma_wait3A_169 : memref<64x128xf32, #tpu.memory_space<vmem>>)
      %run_scoped3A_176 = arith.constant 1 : i32
      "tpu.region"() ({
        %run_scoped3A_404 = tpu.sem_alloc : memref<!tpu.dma_semaphore, #tpu.memory_space<semaphore_mem>>
        %dma_start3A_405 = arith.constant 0 : i32
        %dma_start3A_406 = tpu.memref_slice %arg7[%run_scoped3A_176, %dma_start3A_405] : memref<8x128xi32, #tpu.memory_space<vmem>> -> memref<1x128xi32, #tpu.memory_space<vmem>>
        %dma_start3A_407 = tpu.memref_squeeze %dma_start3A_406 : memref<1x128xi32, #tpu.memory_space<vmem>> -> memref<128xi32, #tpu.memory_space<vmem>>
        %dma_start3A_408 = arith.constant 0 : i32
        %dma_start3A_409 = arith.constant 0 : i32
        %dma_start3A_410 = tpu.memref_slice %arg10[%dma_start3A_408, %dma_start3A_409] : memref<10240x128xf32, #tpu.memory_space<vmem_shared>> -> memref<10240x128xf32, #tpu.memory_space<vmem_shared>>
        tpu.enqueue_indirect_dma source(%arg9 : memref<128x128xf32, #tpu.memory_space<vmem>>) target(%dma_start3A_410 : memref<10240x128xf32, #tpu.memory_space<vmem_shared>>) offsets(%dma_start3A_407 : memref<128xi32, #tpu.memory_space<vmem>>) semaphore(%run_scoped3A_404 : memref<!tpu.dma_semaphore, #tpu.memory_space<semaphore_mem>>) {add = true}
        %dma_wait3A_411 = arith.constant 0 : i32
        %dma_wait3A_412 = tpu.memref_slice %arg7[%run_scoped3A_176, %dma_wait3A_411] : memref<8x128xi32, #tpu.memory_space<vmem>> -> memref<1x128xi32, #tpu.memory_space<vmem>>
        %dma_wait3A_413 = tpu.memref_squeeze %dma_wait3A_412 : memref<1x128xi32, #tpu.memory_space<vmem>> -> memref<128xi32, #tpu.memory_space<vmem>>
        %dma_wait3A_414 = arith.constant 0 : i32
        %dma_wait3A_415 = arith.constant 0 : i32
        %dma_wait3A_416 = tpu.memref_slice %arg10[%dma_wait3A_414, %dma_wait3A_415] : memref<10240x128xf32, #tpu.memory_space<vmem_shared>> -> memref<10240x128xf32, #tpu.memory_space<vmem_shared>>
        tpu.wait_indirect_dma semaphore(%run_scoped3A_404 : memref<!tpu.dma_semaphore, #tpu.memory_space<semaphore_mem>>) src(%arg9 : memref<128x128xf32, #tpu.memory_space<vmem>>) dst(%dma_wait3A_416 : memref<10240x128xf32, #tpu.memory_space<vmem_shared>>)
        tpu.yield
      }) : () -> ()
      %dma_start3A_177 = arith.constant 3 : i32
      %dma_start3A_178 = arith.constant 0 : i32
      %dma_start3A_179 = arith.constant 0 : i32
      %dma_start3A_180 = tpu.memref_slice %arg9[%dma_start3A_178, %dma_start3A_179] : memref<128x128xf32, #tpu.memory_space<vmem>> -> memref<64x128xf32, #tpu.memory_space<vmem>>
      %dma_start3A_181 = arith.constant 0 : i32
      %dma_start3A_182 = tpu.memref_slice %arg6[%dma_start3A_177, %dma_start3A_181] : memref<8x128xi32, #tpu.memory_space<vmem>> -> memref<1x64xi32, #tpu.memory_space<vmem>>
      %dma_start3A_183 = tpu.memref_squeeze %dma_start3A_182 : memref<1x64xi32, #tpu.memory_space<vmem>> -> memref<64xi32, #tpu.memory_space<vmem>>
      %dma_start3A_184 = arith.constant 0 : i32
      %dma_start3A_185 = arith.constant 0 : i32
      %dma_start3A_186 = tpu.memref_slice %arg2[%dma_start3A_184, %dma_start3A_185] : memref<10240x128xf32, #tpu.memory_space<hbm>> -> memref<10240x128xf32, #tpu.memory_space<hbm>>
      tpu.enqueue_indirect_dma source(%dma_start3A_186 : memref<10240x128xf32, #tpu.memory_space<hbm>>) target(%dma_start3A_180 : memref<64x128xf32, #tpu.memory_space<vmem>>) offsets(%dma_start3A_183 : memref<64xi32, #tpu.memory_space<vmem>>) semaphore(%arg11 : memref<!tpu.dma_semaphore, #tpu.memory_space<semaphore_mem>>)
      %dma_start3A_187 = arith.constant 3 : i32
      %dma_start3A_188 = arith.constant 64 : i32
      %dma_start3A_189 = arith.constant 0 : i32
      %dma_start3A_190 = tpu.memref_slice %arg9[%dma_start3A_188, %dma_start3A_189] : memref<128x128xf32, #tpu.memory_space<vmem>> -> memref<64x128xf32, #tpu.memory_space<vmem>>
      %dma_start3A_191 = arith.constant 64 : i32
      %dma_start3A_192 = tpu.memref_slice %arg6[%dma_start3A_187, %dma_start3A_191] : memref<8x128xi32, #tpu.memory_space<vmem>> -> memref<1x64xi32, #tpu.memory_space<vmem>>
      %dma_start3A_193 = tpu.memref_squeeze %dma_start3A_192 : memref<1x64xi32, #tpu.memory_space<vmem>> -> memref<64xi32, #tpu.memory_space<vmem>>
      %dma_start3A_194 = arith.constant 0 : i32
      %dma_start3A_195 = arith.constant 0 : i32
      %dma_start3A_196 = tpu.memref_slice %arg2[%dma_start3A_194, %dma_start3A_195] : memref<10240x128xf32, #tpu.memory_space<hbm>> -> memref<10240x128xf32, #tpu.memory_space<hbm>>
      tpu.enqueue_indirect_dma source(%dma_start3A_196 : memref<10240x128xf32, #tpu.memory_space<hbm>>) target(%dma_start3A_190 : memref<64x128xf32, #tpu.memory_space<vmem>>) offsets(%dma_start3A_193 : memref<64xi32, #tpu.memory_space<vmem>>) semaphore(%arg11 : memref<!tpu.dma_semaphore, #tpu.memory_space<semaphore_mem>>)
      %dma_wait3A_197 = arith.constant 2 : i32
      %dma_wait3A_198 = arith.constant 0 : i32
      %dma_wait3A_199 = arith.constant 0 : i32
      %dma_wait3A_200 = tpu.memref_slice %arg8[%dma_wait3A_198, %dma_wait3A_199] : memref<128x128xf32, #tpu.memory_space<vmem>> -> memref<64x128xf32, #tpu.memory_space<vmem>>
      %dma_wait3A_201 = arith.constant 0 : i32
      %dma_wait3A_202 = tpu.memref_slice %arg6[%dma_wait3A_197, %dma_wait3A_201] : memref<8x128xi32, #tpu.memory_space<vmem>> -> memref<1x64xi32, #tpu.memory_space<vmem>>
      %dma_wait3A_203 = tpu.memref_squeeze %dma_wait3A_202 : memref<1x64xi32, #tpu.memory_space<vmem>> -> memref<64xi32, #tpu.memory_space<vmem>>
      %dma_wait3A_204 = arith.constant 0 : i32
      %dma_wait3A_205 = arith.constant 0 : i32
      %dma_wait3A_206 = tpu.memref_slice %arg2[%dma_wait3A_204, %dma_wait3A_205] : memref<10240x128xf32, #tpu.memory_space<hbm>> -> memref<10240x128xf32, #tpu.memory_space<hbm>>
      tpu.wait_indirect_dma semaphore(%arg11 : memref<!tpu.dma_semaphore, #tpu.memory_space<semaphore_mem>>) src(%dma_wait3A_206 : memref<10240x128xf32, #tpu.memory_space<hbm>>) dst(%dma_wait3A_200 : memref<64x128xf32, #tpu.memory_space<vmem>>)
      %dma_wait3A_207 = arith.constant 2 : i32
      %dma_wait3A_208 = arith.constant 64 : i32
      %dma_wait3A_209 = arith.constant 0 : i32
      %dma_wait3A_210 = tpu.memref_slice %arg8[%dma_wait3A_208, %dma_wait3A_209] : memref<128x128xf32, #tpu.memory_space<vmem>> -> memref<64x128xf32, #tpu.memory_space<vmem>>
      %dma_wait3A_211 = arith.constant 64 : i32
      %dma_wait3A_212 = tpu.memref_slice %arg6[%dma_wait3A_207, %dma_wait3A_211] : memref<8x128xi32, #tpu.memory_space<vmem>> -> memref<1x64xi32, #tpu.memory_space<vmem>>
      %dma_wait3A_213 = tpu.memref_squeeze %dma_wait3A_212 : memref<1x64xi32, #tpu.memory_space<vmem>> -> memref<64xi32, #tpu.memory_space<vmem>>
      %dma_wait3A_214 = arith.constant 0 : i32
      %dma_wait3A_215 = arith.constant 0 : i32
      %dma_wait3A_216 = tpu.memref_slice %arg2[%dma_wait3A_214, %dma_wait3A_215] : memref<10240x128xf32, #tpu.memory_space<hbm>> -> memref<10240x128xf32, #tpu.memory_space<hbm>>
      tpu.wait_indirect_dma semaphore(%arg11 : memref<!tpu.dma_semaphore, #tpu.memory_space<semaphore_mem>>) src(%dma_wait3A_216 : memref<10240x128xf32, #tpu.memory_space<hbm>>) dst(%dma_wait3A_210 : memref<64x128xf32, #tpu.memory_space<vmem>>)
      %run_scoped3A_217 = arith.constant 2 : i32
      "tpu.region"() ({
        %run_scoped3A_404 = tpu.sem_alloc : memref<!tpu.dma_semaphore, #tpu.memory_space<semaphore_mem>>
        %dma_start3A_405 = arith.constant 0 : i32
        %dma_start3A_406 = tpu.memref_slice %arg7[%run_scoped3A_217, %dma_start3A_405] : memref<8x128xi32, #tpu.memory_space<vmem>> -> memref<1x128xi32, #tpu.memory_space<vmem>>
        %dma_start3A_407 = tpu.memref_squeeze %dma_start3A_406 : memref<1x128xi32, #tpu.memory_space<vmem>> -> memref<128xi32, #tpu.memory_space<vmem>>
        %dma_start3A_408 = arith.constant 0 : i32
        %dma_start3A_409 = arith.constant 0 : i32
        %dma_start3A_410 = tpu.memref_slice %arg10[%dma_start3A_408, %dma_start3A_409] : memref<10240x128xf32, #tpu.memory_space<vmem_shared>> -> memref<10240x128xf32, #tpu.memory_space<vmem_shared>>
        tpu.enqueue_indirect_dma source(%arg8 : memref<128x128xf32, #tpu.memory_space<vmem>>) target(%dma_start3A_410 : memref<10240x128xf32, #tpu.memory_space<vmem_shared>>) offsets(%dma_start3A_407 : memref<128xi32, #tpu.memory_space<vmem>>) semaphore(%run_scoped3A_404 : memref<!tpu.dma_semaphore, #tpu.memory_space<semaphore_mem>>) {add = true}
        %dma_wait3A_411 = arith.constant 0 : i32
        %dma_wait3A_412 = tpu.memref_slice %arg7[%run_scoped3A_217, %dma_wait3A_411] : memref<8x128xi32, #tpu.memory_space<vmem>> -> memref<1x128xi32, #tpu.memory_space<vmem>>
        %dma_wait3A_413 = tpu.memref_squeeze %dma_wait3A_412 : memref<1x128xi32, #tpu.memory_space<vmem>> -> memref<128xi32, #tpu.memory_space<vmem>>
        %dma_wait3A_414 = arith.constant 0 : i32
        %dma_wait3A_415 = arith.constant 0 : i32
        %dma_wait3A_416 = tpu.memref_slice %arg10[%dma_wait3A_414, %dma_wait3A_415] : memref<10240x128xf32, #tpu.memory_space<vmem_shared>> -> memref<10240x128xf32, #tpu.memory_space<vmem_shared>>
        tpu.wait_indirect_dma semaphore(%run_scoped3A_404 : memref<!tpu.dma_semaphore, #tpu.memory_space<semaphore_mem>>) src(%arg8 : memref<128x128xf32, #tpu.memory_space<vmem>>) dst(%dma_wait3A_416 : memref<10240x128xf32, #tpu.memory_space<vmem_shared>>)
        tpu.yield
      }) : () -> ()
      %dma_start3A_218 = arith.constant 4 : i32
      %dma_start3A_219 = arith.constant 0 : i32
      %dma_start3A_220 = arith.constant 0 : i32
      %dma_start3A_221 = tpu.memref_slice %arg8[%dma_start3A_219, %dma_start3A_220] : memref<128x128xf32, #tpu.memory_space<vmem>> -> memref<64x128xf32, #tpu.memory_space<vmem>>
      %dma_start3A_222 = arith.constant 0 : i32
      %dma_start3A_223 = tpu.memref_slice %arg6[%dma_start3A_218, %dma_start3A_222] : memref<8x128xi32, #tpu.memory_space<vmem>> -> memref<1x64xi32, #tpu.memory_space<vmem>>
      %dma_start3A_224 = tpu.memref_squeeze %dma_start3A_223 : memref<1x64xi32, #tpu.memory_space<vmem>> -> memref<64xi32, #tpu.memory_space<vmem>>
      %dma_start3A_225 = arith.constant 0 : i32
      %dma_start3A_226 = arith.constant 0 : i32
      %dma_start3A_227 = tpu.memref_slice %arg2[%dma_start3A_225, %dma_start3A_226] : memref<10240x128xf32, #tpu.memory_space<hbm>> -> memref<10240x128xf32, #tpu.memory_space<hbm>>
      tpu.enqueue_indirect_dma source(%dma_start3A_227 : memref<10240x128xf32, #tpu.memory_space<hbm>>) target(%dma_start3A_221 : memref<64x128xf32, #tpu.memory_space<vmem>>) offsets(%dma_start3A_224 : memref<64xi32, #tpu.memory_space<vmem>>) semaphore(%arg11 : memref<!tpu.dma_semaphore, #tpu.memory_space<semaphore_mem>>)
      %dma_start3A_228 = arith.constant 4 : i32
      %dma_start3A_229 = arith.constant 64 : i32
      %dma_start3A_230 = arith.constant 0 : i32
      %dma_start3A_231 = tpu.memref_slice %arg8[%dma_start3A_229, %dma_start3A_230] : memref<128x128xf32, #tpu.memory_space<vmem>> -> memref<64x128xf32, #tpu.memory_space<vmem>>
      %dma_start3A_232 = arith.constant 64 : i32
      %dma_start3A_233 = tpu.memref_slice %arg6[%dma_start3A_228, %dma_start3A_232] : memref<8x128xi32, #tpu.memory_space<vmem>> -> memref<1x64xi32, #tpu.memory_space<vmem>>
      %dma_start3A_234 = tpu.memref_squeeze %dma_start3A_233 : memref<1x64xi32, #tpu.memory_space<vmem>> -> memref<64xi32, #tpu.memory_space<vmem>>
      %dma_start3A_235 = arith.constant 0 : i32
      %dma_start3A_236 = arith.constant 0 : i32
      %dma_start3A_237 = tpu.memref_slice %arg2[%dma_start3A_235, %dma_start3A_236] : memref<10240x128xf32, #tpu.memory_space<hbm>> -> memref<10240x128xf32, #tpu.memory_space<hbm>>
      tpu.enqueue_indirect_dma source(%dma_start3A_237 : memref<10240x128xf32, #tpu.memory_space<hbm>>) target(%dma_start3A_231 : memref<64x128xf32, #tpu.memory_space<vmem>>) offsets(%dma_start3A_234 : memref<64xi32, #tpu.memory_space<vmem>>) semaphore(%arg11 : memref<!tpu.dma_semaphore, #tpu.memory_space<semaphore_mem>>)
      %dma_wait3A_238 = arith.constant 3 : i32
      %dma_wait3A_239 = arith.constant 0 : i32
      %dma_wait3A_240 = arith.constant 0 : i32
      %dma_wait3A_241 = tpu.memref_slice %arg9[%dma_wait3A_239, %dma_wait3A_240] : memref<128x128xf32, #tpu.memory_space<vmem>> -> memref<64x128xf32, #tpu.memory_space<vmem>>
      %dma_wait3A_242 = arith.constant 0 : i32
      %dma_wait3A_243 = tpu.memref_slice %arg6[%dma_wait3A_238, %dma_wait3A_242] : memref<8x128xi32, #tpu.memory_space<vmem>> -> memref<1x64xi32, #tpu.memory_space<vmem>>
      %dma_wait3A_244 = tpu.memref_squeeze %dma_wait3A_243 : memref<1x64xi32, #tpu.memory_space<vmem>> -> memref<64xi32, #tpu.memory_space<vmem>>
      %dma_wait3A_245 = arith.constant 0 : i32
      %dma_wait3A_246 = arith.constant 0 : i32
      %dma_wait3A_247 = tpu.memref_slice %arg2[%dma_wait3A_245, %dma_wait3A_246] : memref<10240x128xf32, #tpu.memory_space<hbm>> -> memref<10240x128xf32, #tpu.memory_space<hbm>>
      tpu.wait_indirect_dma semaphore(%arg11 : memref<!tpu.dma_semaphore, #tpu.memory_space<semaphore_mem>>) src(%dma_wait3A_247 : memref<10240x128xf32, #tpu.memory_space<hbm>>) dst(%dma_wait3A_241 : memref<64x128xf32, #tpu.memory_space<vmem>>)
      %dma_wait3A_248 = arith.constant 3 : i32
      %dma_wait3A_249 = arith.constant 64 : i32
      %dma_wait3A_250 = arith.constant 0 : i32
      %dma_wait3A_251 = tpu.memref_slice %arg9[%dma_wait3A_249, %dma_wait3A_250] : memref<128x128xf32, #tpu.memory_space<vmem>> -> memref<64x128xf32, #tpu.memory_space<vmem>>
      %dma_wait3A_252 = arith.constant 64 : i32
      %dma_wait3A_253 = tpu.memref_slice %arg6[%dma_wait3A_248, %dma_wait3A_252] : memref<8x128xi32, #tpu.memory_space<vmem>> -> memref<1x64xi32, #tpu.memory_space<vmem>>
      %dma_wait3A_254 = tpu.memref_squeeze %dma_wait3A_253 : memref<1x64xi32, #tpu.memory_space<vmem>> -> memref<64xi32, #tpu.memory_space<vmem>>
      %dma_wait3A_255 = arith.constant 0 : i32
      %dma_wait3A_256 = arith.constant 0 : i32
      %dma_wait3A_257 = tpu.memref_slice %arg2[%dma_wait3A_255, %dma_wait3A_256] : memref<10240x128xf32, #tpu.memory_space<hbm>> -> memref<10240x128xf32, #tpu.memory_space<hbm>>
      tpu.wait_indirect_dma semaphore(%arg11 : memref<!tpu.dma_semaphore, #tpu.memory_space<semaphore_mem>>) src(%dma_wait3A_257 : memref<10240x128xf32, #tpu.memory_space<hbm>>) dst(%dma_wait3A_251 : memref<64x128xf32, #tpu.memory_space<vmem>>)
      %run_scoped3A_258 = arith.constant 3 : i32
      "tpu.region"() ({
        %run_scoped3A_404 = tpu.sem_alloc : memref<!tpu.dma_semaphore, #tpu.memory_space<semaphore_mem>>
        %dma_start3A_405 = arith.constant 0 : i32
        %dma_start3A_406 = tpu.memref_slice %arg7[%run_scoped3A_258, %dma_start3A_405] : memref<8x128xi32, #tpu.memory_space<vmem>> -> memref<1x128xi32, #tpu.memory_space<vmem>>
        %dma_start3A_407 = tpu.memref_squeeze %dma_start3A_406 : memref<1x128xi32, #tpu.memory_space<vmem>> -> memref<128xi32, #tpu.memory_space<vmem>>
        %dma_start3A_408 = arith.constant 0 : i32
        %dma_start3A_409 = arith.constant 0 : i32
        %dma_start3A_410 = tpu.memref_slice %arg10[%dma_start3A_408, %dma_start3A_409] : memref<10240x128xf32, #tpu.memory_space<vmem_shared>> -> memref<10240x128xf32, #tpu.memory_space<vmem_shared>>
        tpu.enqueue_indirect_dma source(%arg9 : memref<128x128xf32, #tpu.memory_space<vmem>>) target(%dma_start3A_410 : memref<10240x128xf32, #tpu.memory_space<vmem_shared>>) offsets(%dma_start3A_407 : memref<128xi32, #tpu.memory_space<vmem>>) semaphore(%run_scoped3A_404 : memref<!tpu.dma_semaphore, #tpu.memory_space<semaphore_mem>>) {add = true}
        %dma_wait3A_411 = arith.constant 0 : i32
        %dma_wait3A_412 = tpu.memref_slice %arg7[%run_scoped3A_258, %dma_wait3A_411] : memref<8x128xi32, #tpu.memory_space<vmem>> -> memref<1x128xi32, #tpu.memory_space<vmem>>
        %dma_wait3A_413 = tpu.memref_squeeze %dma_wait3A_412 : memref<1x128xi32, #tpu.memory_space<vmem>> -> memref<128xi32, #tpu.memory_space<vmem>>
        %dma_wait3A_414 = arith.constant 0 : i32
        %dma_wait3A_415 = arith.constant 0 : i32
        %dma_wait3A_416 = tpu.memref_slice %arg10[%dma_wait3A_414, %dma_wait3A_415] : memref<10240x128xf32, #tpu.memory_space<vmem_shared>> -> memref<10240x128xf32, #tpu.memory_space<vmem_shared>>
        tpu.wait_indirect_dma semaphore(%run_scoped3A_404 : memref<!tpu.dma_semaphore, #tpu.memory_space<semaphore_mem>>) src(%arg9 : memref<128x128xf32, #tpu.memory_space<vmem>>) dst(%dma_wait3A_416 : memref<10240x128xf32, #tpu.memory_space<vmem_shared>>)
        tpu.yield
      }) : () -> ()
      %dma_start3A_259 = arith.constant 5 : i32
      %dma_start3A_260 = arith.constant 0 : i32
      %dma_start3A_261 = arith.constant 0 : i32
      %dma_start3A_262 = tpu.memref_slice %arg9[%dma_start3A_260, %dma_start3A_261] : memref<128x128xf32, #tpu.memory_space<vmem>> -> memref<64x128xf32, #tpu.memory_space<vmem>>
      %dma_start3A_263 = arith.constant 0 : i32
      %dma_start3A_264 = tpu.memref_slice %arg6[%dma_start3A_259, %dma_start3A_263] : memref<8x128xi32, #tpu.memory_space<vmem>> -> memref<1x64xi32, #tpu.memory_space<vmem>>
      %dma_start3A_265 = tpu.memref_squeeze %dma_start3A_264 : memref<1x64xi32, #tpu.memory_space<vmem>> -> memref<64xi32, #tpu.memory_space<vmem>>
      %dma_start3A_266 = arith.constant 0 : i32
      %dma_start3A_267 = arith.constant 0 : i32
      %dma_start3A_268 = tpu.memref_slice %arg2[%dma_start3A_266, %dma_start3A_267] : memref<10240x128xf32, #tpu.memory_space<hbm>> -> memref<10240x128xf32, #tpu.memory_space<hbm>>
      tpu.enqueue_indirect_dma source(%dma_start3A_268 : memref<10240x128xf32, #tpu.memory_space<hbm>>) target(%dma_start3A_262 : memref<64x128xf32, #tpu.memory_space<vmem>>) offsets(%dma_start3A_265 : memref<64xi32, #tpu.memory_space<vmem>>) semaphore(%arg11 : memref<!tpu.dma_semaphore, #tpu.memory_space<semaphore_mem>>)
      %dma_start3A_269 = arith.constant 5 : i32
      %dma_start3A_270 = arith.constant 64 : i32
      %dma_start3A_271 = arith.constant 0 : i32
      %dma_start3A_272 = tpu.memref_slice %arg9[%dma_start3A_270, %dma_start3A_271] : memref<128x128xf32, #tpu.memory_space<vmem>> -> memref<64x128xf32, #tpu.memory_space<vmem>>
      %dma_start3A_273 = arith.constant 64 : i32
      %dma_start3A_274 = tpu.memref_slice %arg6[%dma_start3A_269, %dma_start3A_273] : memref<8x128xi32, #tpu.memory_space<vmem>> -> memref<1x64xi32, #tpu.memory_space<vmem>>
      %dma_start3A_275 = tpu.memref_squeeze %dma_start3A_274 : memref<1x64xi32, #tpu.memory_space<vmem>> -> memref<64xi32, #tpu.memory_space<vmem>>
      %dma_start3A_276 = arith.constant 0 : i32
      %dma_start3A_277 = arith.constant 0 : i32
      %dma_start3A_278 = tpu.memref_slice %arg2[%dma_start3A_276, %dma_start3A_277] : memref<10240x128xf32, #tpu.memory_space<hbm>> -> memref<10240x128xf32, #tpu.memory_space<hbm>>
      tpu.enqueue_indirect_dma source(%dma_start3A_278 : memref<10240x128xf32, #tpu.memory_space<hbm>>) target(%dma_start3A_272 : memref<64x128xf32, #tpu.memory_space<vmem>>) offsets(%dma_start3A_275 : memref<64xi32, #tpu.memory_space<vmem>>) semaphore(%arg11 : memref<!tpu.dma_semaphore, #tpu.memory_space<semaphore_mem>>)
      %dma_wait3A_279 = arith.constant 4 : i32
      %dma_wait3A_280 = arith.constant 0 : i32
      %dma_wait3A_281 = arith.constant 0 : i32
      %dma_wait3A_282 = tpu.memref_slice %arg8[%dma_wait3A_280, %dma_wait3A_281] : memref<128x128xf32, #tpu.memory_space<vmem>> -> memref<64x128xf32, #tpu.memory_space<vmem>>
      %dma_wait3A_283 = arith.constant 0 : i32
      %dma_wait3A_284 = tpu.memref_slice %arg6[%dma_wait3A_279, %dma_wait3A_283] : memref<8x128xi32, #tpu.memory_space<vmem>> -> memref<1x64xi32, #tpu.memory_space<vmem>>
      %dma_wait3A_285 = tpu.memref_squeeze %dma_wait3A_284 : memref<1x64xi32, #tpu.memory_space<vmem>> -> memref<64xi32, #tpu.memory_space<vmem>>
      %dma_wait3A_286 = arith.constant 0 : i32
      %dma_wait3A_287 = arith.constant 0 : i32
      %dma_wait3A_288 = tpu.memref_slice %arg2[%dma_wait3A_286, %dma_wait3A_287] : memref<10240x128xf32, #tpu.memory_space<hbm>> -> memref<10240x128xf32, #tpu.memory_space<hbm>>
      tpu.wait_indirect_dma semaphore(%arg11 : memref<!tpu.dma_semaphore, #tpu.memory_space<semaphore_mem>>) src(%dma_wait3A_288 : memref<10240x128xf32, #tpu.memory_space<hbm>>) dst(%dma_wait3A_282 : memref<64x128xf32, #tpu.memory_space<vmem>>)
      %dma_wait3A_289 = arith.constant 4 : i32
      %dma_wait3A_290 = arith.constant 64 : i32
      %dma_wait3A_291 = arith.constant 0 : i32
      %dma_wait3A_292 = tpu.memref_slice %arg8[%dma_wait3A_290, %dma_wait3A_291] : memref<128x128xf32, #tpu.memory_space<vmem>> -> memref<64x128xf32, #tpu.memory_space<vmem>>
      %dma_wait3A_293 = arith.constant 64 : i32
      %dma_wait3A_294 = tpu.memref_slice %arg6[%dma_wait3A_289, %dma_wait3A_293] : memref<8x128xi32, #tpu.memory_space<vmem>> -> memref<1x64xi32, #tpu.memory_space<vmem>>
      %dma_wait3A_295 = tpu.memref_squeeze %dma_wait3A_294 : memref<1x64xi32, #tpu.memory_space<vmem>> -> memref<64xi32, #tpu.memory_space<vmem>>
      %dma_wait3A_296 = arith.constant 0 : i32
      %dma_wait3A_297 = arith.constant 0 : i32
      %dma_wait3A_298 = tpu.memref_slice %arg2[%dma_wait3A_296, %dma_wait3A_297] : memref<10240x128xf32, #tpu.memory_space<hbm>> -> memref<10240x128xf32, #tpu.memory_space<hbm>>
      tpu.wait_indirect_dma semaphore(%arg11 : memref<!tpu.dma_semaphore, #tpu.memory_space<semaphore_mem>>) src(%dma_wait3A_298 : memref<10240x128xf32, #tpu.memory_space<hbm>>) dst(%dma_wait3A_292 : memref<64x128xf32, #tpu.memory_space<vmem>>)
      %run_scoped3A_299 = arith.constant 4 : i32
      "tpu.region"() ({
        %run_scoped3A_404 = tpu.sem_alloc : memref<!tpu.dma_semaphore, #tpu.memory_space<semaphore_mem>>
        %dma_start3A_405 = arith.constant 0 : i32
        %dma_start3A_406 = tpu.memref_slice %arg7[%run_scoped3A_299, %dma_start3A_405] : memref<8x128xi32, #tpu.memory_space<vmem>> -> memref<1x128xi32, #tpu.memory_space<vmem>>
        %dma_start3A_407 = tpu.memref_squeeze %dma_start3A_406 : memref<1x128xi32, #tpu.memory_space<vmem>> -> memref<128xi32, #tpu.memory_space<vmem>>
        %dma_start3A_408 = arith.constant 0 : i32
        %dma_start3A_409 = arith.constant 0 : i32
        %dma_start3A_410 = tpu.memref_slice %arg10[%dma_start3A_408, %dma_start3A_409] : memref<10240x128xf32, #tpu.memory_space<vmem_shared>> -> memref<10240x128xf32, #tpu.memory_space<vmem_shared>>
        tpu.enqueue_indirect_dma source(%arg8 : memref<128x128xf32, #tpu.memory_space<vmem>>) target(%dma_start3A_410 : memref<10240x128xf32, #tpu.memory_space<vmem_shared>>) offsets(%dma_start3A_407 : memref<128xi32, #tpu.memory_space<vmem>>) semaphore(%run_scoped3A_404 : memref<!tpu.dma_semaphore, #tpu.memory_space<semaphore_mem>>) {add = true}
        %dma_wait3A_411 = arith.constant 0 : i32
        %dma_wait3A_412 = tpu.memref_slice %arg7[%run_scoped3A_299, %dma_wait3A_411] : memref<8x128xi32, #tpu.memory_space<vmem>> -> memref<1x128xi32, #tpu.memory_space<vmem>>
        %dma_wait3A_413 = tpu.memref_squeeze %dma_wait3A_412 : memref<1x128xi32, #tpu.memory_space<vmem>> -> memref<128xi32, #tpu.memory_space<vmem>>
        %dma_wait3A_414 = arith.constant 0 : i32
        %dma_wait3A_415 = arith.constant 0 : i32
        %dma_wait3A_416 = tpu.memref_slice %arg10[%dma_wait3A_414, %dma_wait3A_415] : memref<10240x128xf32, #tpu.memory_space<vmem_shared>> -> memref<10240x128xf32, #tpu.memory_space<vmem_shared>>
        tpu.wait_indirect_dma semaphore(%run_scoped3A_404 : memref<!tpu.dma_semaphore, #tpu.memory_space<semaphore_mem>>) src(%arg8 : memref<128x128xf32, #tpu.memory_space<vmem>>) dst(%dma_wait3A_416 : memref<10240x128xf32, #tpu.memory_space<vmem_shared>>)
        tpu.yield
      }) : () -> ()
      %dma_start3A_300 = arith.constant 6 : i32
      %dma_start3A_301 = arith.constant 0 : i32
      %dma_start3A_302 = arith.constant 0 : i32
      %dma_start3A_303 = tpu.memref_slice %arg8[%dma_start3A_301, %dma_start3A_302] : memref<128x128xf32, #tpu.memory_space<vmem>> -> memref<64x128xf32, #tpu.memory_space<vmem>>
      %dma_start3A_304 = arith.constant 0 : i32
      %dma_start3A_305 = tpu.memref_slice %arg6[%dma_start3A_300, %dma_start3A_304] : memref<8x128xi32, #tpu.memory_space<vmem>> -> memref<1x64xi32, #tpu.memory_space<vmem>>
      %dma_start3A_306 = tpu.memref_squeeze %dma_start3A_305 : memref<1x64xi32, #tpu.memory_space<vmem>> -> memref<64xi32, #tpu.memory_space<vmem>>
      %dma_start3A_307 = arith.constant 0 : i32
      %dma_start3A_308 = arith.constant 0 : i32
      %dma_start3A_309 = tpu.memref_slice %arg2[%dma_start3A_307, %dma_start3A_308] : memref<10240x128xf32, #tpu.memory_space<hbm>> -> memref<10240x128xf32, #tpu.memory_space<hbm>>
      tpu.enqueue_indirect_dma source(%dma_start3A_309 : memref<10240x128xf32, #tpu.memory_space<hbm>>) target(%dma_start3A_303 : memref<64x128xf32, #tpu.memory_space<vmem>>) offsets(%dma_start3A_306 : memref<64xi32, #tpu.memory_space<vmem>>) semaphore(%arg11 : memref<!tpu.dma_semaphore, #tpu.memory_space<semaphore_mem>>)
      %dma_start3A_310 = arith.constant 6 : i32
      %dma_start3A_311 = arith.constant 64 : i32
      %dma_start3A_312 = arith.constant 0 : i32
      %dma_start3A_313 = tpu.memref_slice %arg8[%dma_start3A_311, %dma_start3A_312] : memref<128x128xf32, #tpu.memory_space<vmem>> -> memref<64x128xf32, #tpu.memory_space<vmem>>
      %dma_start3A_314 = arith.constant 64 : i32
      %dma_start3A_315 = tpu.memref_slice %arg6[%dma_start3A_310, %dma_start3A_314] : memref<8x128xi32, #tpu.memory_space<vmem>> -> memref<1x64xi32, #tpu.memory_space<vmem>>
      %dma_start3A_316 = tpu.memref_squeeze %dma_start3A_315 : memref<1x64xi32, #tpu.memory_space<vmem>> -> memref<64xi32, #tpu.memory_space<vmem>>
      %dma_start3A_317 = arith.constant 0 : i32
      %dma_start3A_318 = arith.constant 0 : i32
      %dma_start3A_319 = tpu.memref_slice %arg2[%dma_start3A_317, %dma_start3A_318] : memref<10240x128xf32, #tpu.memory_space<hbm>> -> memref<10240x128xf32, #tpu.memory_space<hbm>>
      tpu.enqueue_indirect_dma source(%dma_start3A_319 : memref<10240x128xf32, #tpu.memory_space<hbm>>) target(%dma_start3A_313 : memref<64x128xf32, #tpu.memory_space<vmem>>) offsets(%dma_start3A_316 : memref<64xi32, #tpu.memory_space<vmem>>) semaphore(%arg11 : memref<!tpu.dma_semaphore, #tpu.memory_space<semaphore_mem>>)
      %dma_wait3A_320 = arith.constant 5 : i32
      %dma_wait3A_321 = arith.constant 0 : i32
      %dma_wait3A_322 = arith.constant 0 : i32
      %dma_wait3A_323 = tpu.memref_slice %arg9[%dma_wait3A_321, %dma_wait3A_322] : memref<128x128xf32, #tpu.memory_space<vmem>> -> memref<64x128xf32, #tpu.memory_space<vmem>>
      %dma_wait3A_324 = arith.constant 0 : i32
      %dma_wait3A_325 = tpu.memref_slice %arg6[%dma_wait3A_320, %dma_wait3A_324] : memref<8x128xi32, #tpu.memory_space<vmem>> -> memref<1x64xi32, #tpu.memory_space<vmem>>
      %dma_wait3A_326 = tpu.memref_squeeze %dma_wait3A_325 : memref<1x64xi32, #tpu.memory_space<vmem>> -> memref<64xi32, #tpu.memory_space<vmem>>
      %dma_wait3A_327 = arith.constant 0 : i32
      %dma_wait3A_328 = arith.constant 0 : i32
      %dma_wait3A_329 = tpu.memref_slice %arg2[%dma_wait3A_327, %dma_wait3A_328] : memref<10240x128xf32, #tpu.memory_space<hbm>> -> memref<10240x128xf32, #tpu.memory_space<hbm>>
      tpu.wait_indirect_dma semaphore(%arg11 : memref<!tpu.dma_semaphore, #tpu.memory_space<semaphore_mem>>) src(%dma_wait3A_329 : memref<10240x128xf32, #tpu.memory_space<hbm>>) dst(%dma_wait3A_323 : memref<64x128xf32, #tpu.memory_space<vmem>>)
      %dma_wait3A_330 = arith.constant 5 : i32
      %dma_wait3A_331 = arith.constant 64 : i32
      %dma_wait3A_332 = arith.constant 0 : i32
      %dma_wait3A_333 = tpu.memref_slice %arg9[%dma_wait3A_331, %dma_wait3A_332] : memref<128x128xf32, #tpu.memory_space<vmem>> -> memref<64x128xf32, #tpu.memory_space<vmem>>
      %dma_wait3A_334 = arith.constant 64 : i32
      %dma_wait3A_335 = tpu.memref_slice %arg6[%dma_wait3A_330, %dma_wait3A_334] : memref<8x128xi32, #tpu.memory_space<vmem>> -> memref<1x64xi32, #tpu.memory_space<vmem>>
      %dma_wait3A_336 = tpu.memref_squeeze %dma_wait3A_335 : memref<1x64xi32, #tpu.memory_space<vmem>> -> memref<64xi32, #tpu.memory_space<vmem>>
      %dma_wait3A_337 = arith.constant 0 : i32
      %dma_wait3A_338 = arith.constant 0 : i32
      %dma_wait3A_339 = tpu.memref_slice %arg2[%dma_wait3A_337, %dma_wait3A_338] : memref<10240x128xf32, #tpu.memory_space<hbm>> -> memref<10240x128xf32, #tpu.memory_space<hbm>>
      tpu.wait_indirect_dma semaphore(%arg11 : memref<!tpu.dma_semaphore, #tpu.memory_space<semaphore_mem>>) src(%dma_wait3A_339 : memref<10240x128xf32, #tpu.memory_space<hbm>>) dst(%dma_wait3A_333 : memref<64x128xf32, #tpu.memory_space<vmem>>)
      %run_scoped3A_340 = arith.constant 5 : i32
      "tpu.region"() ({
        %run_scoped3A_404 = tpu.sem_alloc : memref<!tpu.dma_semaphore, #tpu.memory_space<semaphore_mem>>
        %dma_start3A_405 = arith.constant 0 : i32
        %dma_start3A_406 = tpu.memref_slice %arg7[%run_scoped3A_340, %dma_start3A_405] : memref<8x128xi32, #tpu.memory_space<vmem>> -> memref<1x128xi32, #tpu.memory_space<vmem>>
        %dma_start3A_407 = tpu.memref_squeeze %dma_start3A_406 : memref<1x128xi32, #tpu.memory_space<vmem>> -> memref<128xi32, #tpu.memory_space<vmem>>
        %dma_start3A_408 = arith.constant 0 : i32
        %dma_start3A_409 = arith.constant 0 : i32
        %dma_start3A_410 = tpu.memref_slice %arg10[%dma_start3A_408, %dma_start3A_409] : memref<10240x128xf32, #tpu.memory_space<vmem_shared>> -> memref<10240x128xf32, #tpu.memory_space<vmem_shared>>
        tpu.enqueue_indirect_dma source(%arg9 : memref<128x128xf32, #tpu.memory_space<vmem>>) target(%dma_start3A_410 : memref<10240x128xf32, #tpu.memory_space<vmem_shared>>) offsets(%dma_start3A_407 : memref<128xi32, #tpu.memory_space<vmem>>) semaphore(%run_scoped3A_404 : memref<!tpu.dma_semaphore, #tpu.memory_space<semaphore_mem>>) {add = true}
        %dma_wait3A_411 = arith.constant 0 : i32
        %dma_wait3A_412 = tpu.memref_slice %arg7[%run_scoped3A_340, %dma_wait3A_411] : memref<8x128xi32, #tpu.memory_space<vmem>> -> memref<1x128xi32, #tpu.memory_space<vmem>>
        %dma_wait3A_413 = tpu.memref_squeeze %dma_wait3A_412 : memref<1x128xi32, #tpu.memory_space<vmem>> -> memref<128xi32, #tpu.memory_space<vmem>>
        %dma_wait3A_414 = arith.constant 0 : i32
        %dma_wait3A_415 = arith.constant 0 : i32
        %dma_wait3A_416 = tpu.memref_slice %arg10[%dma_wait3A_414, %dma_wait3A_415] : memref<10240x128xf32, #tpu.memory_space<vmem_shared>> -> memref<10240x128xf32, #tpu.memory_space<vmem_shared>>
        tpu.wait_indirect_dma semaphore(%run_scoped3A_404 : memref<!tpu.dma_semaphore, #tpu.memory_space<semaphore_mem>>) src(%arg9 : memref<128x128xf32, #tpu.memory_space<vmem>>) dst(%dma_wait3A_416 : memref<10240x128xf32, #tpu.memory_space<vmem_shared>>)
        tpu.yield
      }) : () -> ()
      %dma_start3A_341 = arith.constant 7 : i32
      %dma_start3A_342 = arith.constant 0 : i32
      %dma_start3A_343 = arith.constant 0 : i32
      %dma_start3A_344 = tpu.memref_slice %arg9[%dma_start3A_342, %dma_start3A_343] : memref<128x128xf32, #tpu.memory_space<vmem>> -> memref<64x128xf32, #tpu.memory_space<vmem>>
      %dma_start3A_345 = arith.constant 0 : i32
      %dma_start3A_346 = tpu.memref_slice %arg6[%dma_start3A_341, %dma_start3A_345] : memref<8x128xi32, #tpu.memory_space<vmem>> -> memref<1x64xi32, #tpu.memory_space<vmem>>
      %dma_start3A_347 = tpu.memref_squeeze %dma_start3A_346 : memref<1x64xi32, #tpu.memory_space<vmem>> -> memref<64xi32, #tpu.memory_space<vmem>>
      %dma_start3A_348 = arith.constant 0 : i32
      %dma_start3A_349 = arith.constant 0 : i32
      %dma_start3A_350 = tpu.memref_slice %arg2[%dma_start3A_348, %dma_start3A_349] : memref<10240x128xf32, #tpu.memory_space<hbm>> -> memref<10240x128xf32, #tpu.memory_space<hbm>>
      tpu.enqueue_indirect_dma source(%dma_start3A_350 : memref<10240x128xf32, #tpu.memory_space<hbm>>) target(%dma_start3A_344 : memref<64x128xf32, #tpu.memory_space<vmem>>) offsets(%dma_start3A_347 : memref<64xi32, #tpu.memory_space<vmem>>) semaphore(%arg11 : memref<!tpu.dma_semaphore, #tpu.memory_space<semaphore_mem>>)
      %dma_start3A_351 = arith.constant 7 : i32
      %dma_start3A_352 = arith.constant 64 : i32
      %dma_start3A_353 = arith.constant 0 : i32
      %dma_start3A_354 = tpu.memref_slice %arg9[%dma_start3A_352, %dma_start3A_353] : memref<128x128xf32, #tpu.memory_space<vmem>> -> memref<64x128xf32, #tpu.memory_space<vmem>>
      %dma_start3A_355 = arith.constant 64 : i32
      %dma_start3A_356 = tpu.memref_slice %arg6[%dma_start3A_351, %dma_start3A_355] : memref<8x128xi32, #tpu.memory_space<vmem>> -> memref<1x64xi32, #tpu.memory_space<vmem>>
      %dma_start3A_357 = tpu.memref_squeeze %dma_start3A_356 : memref<1x64xi32, #tpu.memory_space<vmem>> -> memref<64xi32, #tpu.memory_space<vmem>>
      %dma_start3A_358 = arith.constant 0 : i32
      %dma_start3A_359 = arith.constant 0 : i32
      %dma_start3A_360 = tpu.memref_slice %arg2[%dma_start3A_358, %dma_start3A_359] : memref<10240x128xf32, #tpu.memory_space<hbm>> -> memref<10240x128xf32, #tpu.memory_space<hbm>>
      tpu.enqueue_indirect_dma source(%dma_start3A_360 : memref<10240x128xf32, #tpu.memory_space<hbm>>) target(%dma_start3A_354 : memref<64x128xf32, #tpu.memory_space<vmem>>) offsets(%dma_start3A_357 : memref<64xi32, #tpu.memory_space<vmem>>) semaphore(%arg11 : memref<!tpu.dma_semaphore, #tpu.memory_space<semaphore_mem>>)
      %dma_wait3A_361 = arith.constant 6 : i32
      %dma_wait3A_362 = arith.constant 0 : i32
      %dma_wait3A_363 = arith.constant 0 : i32
      %dma_wait3A_364 = tpu.memref_slice %arg8[%dma_wait3A_362, %dma_wait3A_363] : memref<128x128xf32, #tpu.memory_space<vmem>> -> memref<64x128xf32, #tpu.memory_space<vmem>>
      %dma_wait3A_365 = arith.constant 0 : i32
      %dma_wait3A_366 = tpu.memref_slice %arg6[%dma_wait3A_361, %dma_wait3A_365] : memref<8x128xi32, #tpu.memory_space<vmem>> -> memref<1x64xi32, #tpu.memory_space<vmem>>
      %dma_wait3A_367 = tpu.memref_squeeze %dma_wait3A_366 : memref<1x64xi32, #tpu.memory_space<vmem>> -> memref<64xi32, #tpu.memory_space<vmem>>
      %dma_wait3A_368 = arith.constant 0 : i32
      %dma_wait3A_369 = arith.constant 0 : i32
      %dma_wait3A_370 = tpu.memref_slice %arg2[%dma_wait3A_368, %dma_wait3A_369] : memref<10240x128xf32, #tpu.memory_space<hbm>> -> memref<10240x128xf32, #tpu.memory_space<hbm>>
      tpu.wait_indirect_dma semaphore(%arg11 : memref<!tpu.dma_semaphore, #tpu.memory_space<semaphore_mem>>) src(%dma_wait3A_370 : memref<10240x128xf32, #tpu.memory_space<hbm>>) dst(%dma_wait3A_364 : memref<64x128xf32, #tpu.memory_space<vmem>>)
      %dma_wait3A_371 = arith.constant 6 : i32
      %dma_wait3A_372 = arith.constant 64 : i32
      %dma_wait3A_373 = arith.constant 0 : i32
      %dma_wait3A_374 = tpu.memref_slice %arg8[%dma_wait3A_372, %dma_wait3A_373] : memref<128x128xf32, #tpu.memory_space<vmem>> -> memref<64x128xf32, #tpu.memory_space<vmem>>
      %dma_wait3A_375 = arith.constant 64 : i32
      %dma_wait3A_376 = tpu.memref_slice %arg6[%dma_wait3A_371, %dma_wait3A_375] : memref<8x128xi32, #tpu.memory_space<vmem>> -> memref<1x64xi32, #tpu.memory_space<vmem>>
      %dma_wait3A_377 = tpu.memref_squeeze %dma_wait3A_376 : memref<1x64xi32, #tpu.memory_space<vmem>> -> memref<64xi32, #tpu.memory_space<vmem>>
      %dma_wait3A_378 = arith.constant 0 : i32
      %dma_wait3A_379 = arith.constant 0 : i32
      %dma_wait3A_380 = tpu.memref_slice %arg2[%dma_wait3A_378, %dma_wait3A_379] : memref<10240x128xf32, #tpu.memory_space<hbm>> -> memref<10240x128xf32, #tpu.memory_space<hbm>>
      tpu.wait_indirect_dma semaphore(%arg11 : memref<!tpu.dma_semaphore, #tpu.memory_space<semaphore_mem>>) src(%dma_wait3A_380 : memref<10240x128xf32, #tpu.memory_space<hbm>>) dst(%dma_wait3A_374 : memref<64x128xf32, #tpu.memory_space<vmem>>)
      %run_scoped3A_381 = arith.constant 6 : i32
      "tpu.region"() ({
        %run_scoped3A_404 = tpu.sem_alloc : memref<!tpu.dma_semaphore, #tpu.memory_space<semaphore_mem>>
        %dma_start3A_405 = arith.constant 0 : i32
        %dma_start3A_406 = tpu.memref_slice %arg7[%run_scoped3A_381, %dma_start3A_405] : memref<8x128xi32, #tpu.memory_space<vmem>> -> memref<1x128xi32, #tpu.memory_space<vmem>>
        %dma_start3A_407 = tpu.memref_squeeze %dma_start3A_406 : memref<1x128xi32, #tpu.memory_space<vmem>> -> memref<128xi32, #tpu.memory_space<vmem>>
        %dma_start3A_408 = arith.constant 0 : i32
        %dma_start3A_409 = arith.constant 0 : i32
        %dma_start3A_410 = tpu.memref_slice %arg10[%dma_start3A_408, %dma_start3A_409] : memref<10240x128xf32, #tpu.memory_space<vmem_shared>> -> memref<10240x128xf32, #tpu.memory_space<vmem_shared>>
        tpu.enqueue_indirect_dma source(%arg8 : memref<128x128xf32, #tpu.memory_space<vmem>>) target(%dma_start3A_410 : memref<10240x128xf32, #tpu.memory_space<vmem_shared>>) offsets(%dma_start3A_407 : memref<128xi32, #tpu.memory_space<vmem>>) semaphore(%run_scoped3A_404 : memref<!tpu.dma_semaphore, #tpu.memory_space<semaphore_mem>>) {add = true}
        %dma_wait3A_411 = arith.constant 0 : i32
        %dma_wait3A_412 = tpu.memref_slice %arg7[%run_scoped3A_381, %dma_wait3A_411] : memref<8x128xi32, #tpu.memory_space<vmem>> -> memref<1x128xi32, #tpu.memory_space<vmem>>
        %dma_wait3A_413 = tpu.memref_squeeze %dma_wait3A_412 : memref<1x128xi32, #tpu.memory_space<vmem>> -> memref<128xi32, #tpu.memory_space<vmem>>
        %dma_wait3A_414 = arith.constant 0 : i32
        %dma_wait3A_415 = arith.constant 0 : i32
        %dma_wait3A_416 = tpu.memref_slice %arg10[%dma_wait3A_414, %dma_wait3A_415] : memref<10240x128xf32, #tpu.memory_space<vmem_shared>> -> memref<10240x128xf32, #tpu.memory_space<vmem_shared>>
        tpu.wait_indirect_dma semaphore(%run_scoped3A_404 : memref<!tpu.dma_semaphore, #tpu.memory_space<semaphore_mem>>) src(%arg8 : memref<128x128xf32, #tpu.memory_space<vmem>>) dst(%dma_wait3A_416 : memref<10240x128xf32, #tpu.memory_space<vmem_shared>>)
        tpu.yield
      }) : () -> ()
      %dma_wait3A_382 = arith.constant 7 : i32
      %dma_wait3A_383 = arith.constant 0 : i32
      %dma_wait3A_384 = arith.constant 0 : i32
      %dma_wait3A_385 = tpu.memref_slice %arg9[%dma_wait3A_383, %dma_wait3A_384] : memref<128x128xf32, #tpu.memory_space<vmem>> -> memref<64x128xf32, #tpu.memory_space<vmem>>
      %dma_wait3A_386 = arith.constant 0 : i32
      %dma_wait3A_387 = tpu.memref_slice %arg6[%dma_wait3A_382, %dma_wait3A_386] : memref<8x128xi32, #tpu.memory_space<vmem>> -> memref<1x64xi32, #tpu.memory_space<vmem>>
      %dma_wait3A_388 = tpu.memref_squeeze %dma_wait3A_387 : memref<1x64xi32, #tpu.memory_space<vmem>> -> memref<64xi32, #tpu.memory_space<vmem>>
      %dma_wait3A_389 = arith.constant 0 : i32
      %dma_wait3A_390 = arith.constant 0 : i32
      %dma_wait3A_391 = tpu.memref_slice %arg2[%dma_wait3A_389, %dma_wait3A_390] : memref<10240x128xf32, #tpu.memory_space<hbm>> -> memref<10240x128xf32, #tpu.memory_space<hbm>>
      tpu.wait_indirect_dma semaphore(%arg11 : memref<!tpu.dma_semaphore, #tpu.memory_space<semaphore_mem>>) src(%dma_wait3A_391 : memref<10240x128xf32, #tpu.memory_space<hbm>>) dst(%dma_wait3A_385 : memref<64x128xf32, #tpu.memory_space<vmem>>)
      %dma_wait3A_392 = arith.constant 7 : i32
      %dma_wait3A_393 = arith.constant 64 : i32
      %dma_wait3A_394 = arith.constant 0 : i32
      %dma_wait3A_395 = tpu.memref_slice %arg9[%dma_wait3A_393, %dma_wait3A_394] : memref<128x128xf32, #tpu.memory_space<vmem>> -> memref<64x128xf32, #tpu.memory_space<vmem>>
      %dma_wait3A_396 = arith.constant 64 : i32
      %dma_wait3A_397 = tpu.memref_slice %arg6[%dma_wait3A_392, %dma_wait3A_396] : memref<8x128xi32, #tpu.memory_space<vmem>> -> memref<1x64xi32, #tpu.memory_space<vmem>>
      %dma_wait3A_398 = tpu.memref_squeeze %dma_wait3A_397 : memref<1x64xi32, #tpu.memory_space<vmem>> -> memref<64xi32, #tpu.memory_space<vmem>>
      %dma_wait3A_399 = arith.constant 0 : i32
      %dma_wait3A_400 = arith.constant 0 : i32
      %dma_wait3A_401 = tpu.memref_slice %arg2[%dma_wait3A_399, %dma_wait3A_400] : memref<10240x128xf32, #tpu.memory_space<hbm>> -> memref<10240x128xf32, #tpu.memory_space<hbm>>
      tpu.wait_indirect_dma semaphore(%arg11 : memref<!tpu.dma_semaphore, #tpu.memory_space<semaphore_mem>>) src(%dma_wait3A_401 : memref<10240x128xf32, #tpu.memory_space<hbm>>) dst(%dma_wait3A_395 : memref<64x128xf32, #tpu.memory_space<vmem>>)
      %run_scoped3A_402 = arith.constant 7 : i32
      "tpu.region"() ({
        %run_scoped3A_404 = tpu.sem_alloc : memref<!tpu.dma_semaphore, #tpu.memory_space<semaphore_mem>>
        %dma_start3A_405 = arith.constant 0 : i32
        %dma_start3A_406 = tpu.memref_slice %arg7[%run_scoped3A_402, %dma_start3A_405] : memref<8x128xi32, #tpu.memory_space<vmem>> -> memref<1x128xi32, #tpu.memory_space<vmem>>
        %dma_start3A_407 = tpu.memref_squeeze %dma_start3A_406 : memref<1x128xi32, #tpu.memory_space<vmem>> -> memref<128xi32, #tpu.memory_space<vmem>>
        %dma_start3A_408 = arith.constant 0 : i32
        %dma_start3A_409 = arith.constant 0 : i32
        %dma_start3A_410 = tpu.memref_slice %arg10[%dma_start3A_408, %dma_start3A_409] : memref<10240x128xf32, #tpu.memory_space<vmem_shared>> -> memref<10240x128xf32, #tpu.memory_space<vmem_shared>>
        tpu.enqueue_indirect_dma source(%arg9 : memref<128x128xf32, #tpu.memory_space<vmem>>) target(%dma_start3A_410 : memref<10240x128xf32, #tpu.memory_space<vmem_shared>>) offsets(%dma_start3A_407 : memref<128xi32, #tpu.memory_space<vmem>>) semaphore(%run_scoped3A_404 : memref<!tpu.dma_semaphore, #tpu.memory_space<semaphore_mem>>) {add = true}
        %dma_wait3A_411 = arith.constant 0 : i32
        %dma_wait3A_412 = tpu.memref_slice %arg7[%run_scoped3A_402, %dma_wait3A_411] : memref<8x128xi32, #tpu.memory_space<vmem>> -> memref<1x128xi32, #tpu.memory_space<vmem>>
        %dma_wait3A_413 = tpu.memref_squeeze %dma_wait3A_412 : memref<1x128xi32, #tpu.memory_space<vmem>> -> memref<128xi32, #tpu.memory_space<vmem>>
        %dma_wait3A_414 = arith.constant 0 : i32
        %dma_wait3A_415 = arith.constant 0 : i32
        %dma_wait3A_416 = tpu.memref_slice %arg10[%dma_wait3A_414, %dma_wait3A_415] : memref<10240x128xf32, #tpu.memory_space<vmem_shared>> -> memref<10240x128xf32, #tpu.memory_space<vmem_shared>>
        tpu.wait_indirect_dma semaphore(%run_scoped3A_404 : memref<!tpu.dma_semaphore, #tpu.memory_space<semaphore_mem>>) src(%arg9 : memref<128x128xf32, #tpu.memory_space<vmem>>) dst(%dma_wait3A_416 : memref<10240x128xf32, #tpu.memory_space<vmem_shared>>)
        tpu.yield
      }) : () -> ()
      %while3A_403 = arith.constant 0 : i32
      scf.yield %while3A_403 : i32
    }
    %barrier3A_68 = arith.constant 0 : index
    tpu.barrier barrier_id(%barrier3A_68)
    %mul3A_69 = arith.constant 640 : i32
    %mul3A_70 = arith.muli %arg1, %mul3A_69 : i32
    %mul3A_71 = arith.constant 640 : i32
    %mul3A_72 = arith.muli %arg1, %mul3A_71 : i32
    "tpu.region"() ({
      %run_scoped3A = tpu.sem_alloc : memref<!tpu.dma_semaphore, #tpu.memory_space<semaphore_mem>>
      %dma_start3A = arith.constant 0 : i32
      %dma_start3A_73 = tpu.memref_slice %arg5[%arg0, %mul3A_72, %dma_start3A] : memref<2x10240x128xf32, #tpu.memory_space<hbm>> -> memref<1x640x128xf32, #tpu.memory_space<hbm>>
      %dma_start3A_74 = tpu.memref_squeeze %dma_start3A_73 : memref<1x640x128xf32, #tpu.memory_space<hbm>> -> memref<640x128xf32, #tpu.memory_space<hbm>>
      %dma_start3A_75 = arith.constant 0 : i32
      %dma_start3A_76 = tpu.memref_slice %arg10[%mul3A_70, %dma_start3A_75] : memref<10240x128xf32, #tpu.memory_space<vmem_shared>> -> memref<640x128xf32, #tpu.memory_space<vmem_shared>>
      tpu.enqueue_dma source(%dma_start3A_76 : memref<640x128xf32, #tpu.memory_space<vmem_shared>>) target(%dma_start3A_74 : memref<640x128xf32, #tpu.memory_space<hbm>>) target_semaphore(%run_scoped3A : memref<!tpu.dma_semaphore, #tpu.memory_space<semaphore_mem>>)
      %dma_wait3A = arith.constant 0 : i32
      %dma_wait3A_77 = tpu.memref_slice %arg5[%arg0, %mul3A_72, %dma_wait3A] : memref<2x10240x128xf32, #tpu.memory_space<hbm>> -> memref<1x640x128xf32, #tpu.memory_space<hbm>>
      %dma_wait3A_78 = tpu.memref_squeeze %dma_wait3A_77 : memref<1x640x128xf32, #tpu.memory_space<hbm>> -> memref<640x128xf32, #tpu.memory_space<hbm>>
      %dma_wait3A_79 = arith.constant 0 : i32
      %dma_wait3A_80 = tpu.memref_slice %arg10[%mul3A_70, %dma_wait3A_79] : memref<10240x128xf32, #tpu.memory_space<vmem_shared>> -> memref<640x128xf32, #tpu.memory_space<vmem_shared>>
      tpu.wait_dma2 semaphore(%run_scoped3A : memref<!tpu.dma_semaphore, #tpu.memory_space<semaphore_mem>>) src(%dma_wait3A_80 : memref<640x128xf32, #tpu.memory_space<vmem_shared>>) dst(%dma_wait3A_78 : memref<640x128xf32, #tpu.memory_space<hbm>>)
      tpu.yield
    }) : () -> ()
    return
  }
}

#map = affine_map<(d0, d1) -> (0, 0)>
module attributes {stable_mosaic.version = 14 : i64} {
  func.func @deg_kernel(%arg0: i32, %arg1: i32, %arg2: memref<2560x128xi32, #tpu.memory_space<hbm>>, %arg3: memref<2x10240xf32, #tpu.memory_space<hbm>>, %arg4: memref<80x128xi32, #tpu.memory_space<vmem>>, %arg5: memref<128xf32, #tpu.memory_space<vmem>>, %arg6: memref<128xf32, #tpu.memory_space<vmem>>, %arg7: memref<10240xf32, #tpu.memory_space<vmem_shared>>) attributes {dimension_semantics = [#tpu.dimension_semantics<core_parallel>, #tpu.dimension_semantics<subcore_parallel>], iteration_bounds = array<i64: 2, 16>, scalar_prefetch = 0 : i64, scratch_operands = 4 : i64, tpu.core_type = #tpu.core_type<sc_vector_subcore>, window_params = [{transform_indices = #map}, {transform_indices = #map}]} {
    %mul3A = arith.constant 2 : i32
    %mul3A_0 = arith.muli %arg1, %mul3A : i32
    %add3A = arith.addi %mul3A_0, %arg0 : i32
    %broadcast_in_dim3A = arith.constant 1.000000e+00 : f32
    %broadcast_in_dim3A_1 = vector.broadcast %broadcast_in_dim3A : f32 to vector<16xf32>
    %swap3A = arith.constant 0 : index
    %swap3A_2 = tpu.vector_load %arg5[%swap3A] {strides = array<i32>} : memref<128xf32, #tpu.memory_space<vmem>>, vector<16xf32>,
    %swap3A_3 = vector.shape_cast %swap3A_2 : vector<16xf32> to vector<16xf32>
    %swap3A_4 = vector.shape_cast %broadcast_in_dim3A_1 : vector<16xf32> to vector<16xf32>
    tpu.vector_store %arg5[%swap3A], %swap3A_4 {strides = array<i32>} : memref<128xf32, #tpu.memory_space<vmem>>, vector<16xf32>,
    %broadcast_in_dim3A_5 = arith.constant 0.000000e+00 : f32
    %broadcast_in_dim3A_6 = vector.broadcast %broadcast_in_dim3A_5 : f32 to vector<16xf32>
    %swap3A_7 = arith.constant 0 : index
    %swap3A_8 = tpu.vector_load %arg6[%swap3A_7] {strides = array<i32>} : memref<128xf32, #tpu.memory_space<vmem>>, vector<16xf32>,
    %swap3A_9 = vector.shape_cast %swap3A_8 : vector<16xf32> to vector<16xf32>
    %swap3A_10 = vector.shape_cast %broadcast_in_dim3A_6 : vector<16xf32> to vector<16xf32>
    tpu.vector_store %arg6[%swap3A_7], %swap3A_10 {strides = array<i32>} : memref<128xf32, #tpu.memory_space<vmem>>, vector<16xf32>,
    %broadcast_in_dim3A_11 = arith.constant 1.000000e+00 : f32
    %broadcast_in_dim3A_12 = vector.broadcast %broadcast_in_dim3A_11 : f32 to vector<16xf32>
    %swap3A_13 = arith.constant 16 : index
    %swap3A_14 = tpu.vector_load %arg5[%swap3A_13] {strides = array<i32>} : memref<128xf32, #tpu.memory_space<vmem>>, vector<16xf32>,
    %swap3A_15 = vector.shape_cast %swap3A_14 : vector<16xf32> to vector<16xf32>
    %swap3A_16 = vector.shape_cast %broadcast_in_dim3A_12 : vector<16xf32> to vector<16xf32>
    tpu.vector_store %arg5[%swap3A_13], %swap3A_16 {strides = array<i32>} : memref<128xf32, #tpu.memory_space<vmem>>, vector<16xf32>,
    %broadcast_in_dim3A_17 = arith.constant 0.000000e+00 : f32
    %broadcast_in_dim3A_18 = vector.broadcast %broadcast_in_dim3A_17 : f32 to vector<16xf32>
    %swap3A_19 = arith.constant 16 : index
    %swap3A_20 = tpu.vector_load %arg6[%swap3A_19] {strides = array<i32>} : memref<128xf32, #tpu.memory_space<vmem>>, vector<16xf32>,
    %swap3A_21 = vector.shape_cast %swap3A_20 : vector<16xf32> to vector<16xf32>
    %swap3A_22 = vector.shape_cast %broadcast_in_dim3A_18 : vector<16xf32> to vector<16xf32>
    tpu.vector_store %arg6[%swap3A_19], %swap3A_22 {strides = array<i32>} : memref<128xf32, #tpu.memory_space<vmem>>, vector<16xf32>,
    %broadcast_in_dim3A_23 = arith.constant 1.000000e+00 : f32
    %broadcast_in_dim3A_24 = vector.broadcast %broadcast_in_dim3A_23 : f32 to vector<16xf32>
    %swap3A_25 = arith.constant 32 : index
    %swap3A_26 = tpu.vector_load %arg5[%swap3A_25] {strides = array<i32>} : memref<128xf32, #tpu.memory_space<vmem>>, vector<16xf32>,
    %swap3A_27 = vector.shape_cast %swap3A_26 : vector<16xf32> to vector<16xf32>
    %swap3A_28 = vector.shape_cast %broadcast_in_dim3A_24 : vector<16xf32> to vector<16xf32>
    tpu.vector_store %arg5[%swap3A_25], %swap3A_28 {strides = array<i32>} : memref<128xf32, #tpu.memory_space<vmem>>, vector<16xf32>,
    %broadcast_in_dim3A_29 = arith.constant 0.000000e+00 : f32
    %broadcast_in_dim3A_30 = vector.broadcast %broadcast_in_dim3A_29 : f32 to vector<16xf32>
    %swap3A_31 = arith.constant 32 : index
    %swap3A_32 = tpu.vector_load %arg6[%swap3A_31] {strides = array<i32>} : memref<128xf32, #tpu.memory_space<vmem>>, vector<16xf32>,
    %swap3A_33 = vector.shape_cast %swap3A_32 : vector<16xf32> to vector<16xf32>
    %swap3A_34 = vector.shape_cast %broadcast_in_dim3A_30 : vector<16xf32> to vector<16xf32>
    tpu.vector_store %arg6[%swap3A_31], %swap3A_34 {strides = array<i32>} : memref<128xf32, #tpu.memory_space<vmem>>, vector<16xf32>,
    %broadcast_in_dim3A_35 = arith.constant 1.000000e+00 : f32
    %broadcast_in_dim3A_36 = vector.broadcast %broadcast_in_dim3A_35 : f32 to vector<16xf32>
    %swap3A_37 = arith.constant 48 : index
    %swap3A_38 = tpu.vector_load %arg5[%swap3A_37] {strides = array<i32>} : memref<128xf32, #tpu.memory_space<vmem>>, vector<16xf32>,
    %swap3A_39 = vector.shape_cast %swap3A_38 : vector<16xf32> to vector<16xf32>
    %swap3A_40 = vector.shape_cast %broadcast_in_dim3A_36 : vector<16xf32> to vector<16xf32>
    tpu.vector_store %arg5[%swap3A_37], %swap3A_40 {strides = array<i32>} : memref<128xf32, #tpu.memory_space<vmem>>, vector<16xf32>,
    %broadcast_in_dim3A_41 = arith.constant 0.000000e+00 : f32
    %broadcast_in_dim3A_42 = vector.broadcast %broadcast_in_dim3A_41 : f32 to vector<16xf32>
    %swap3A_43 = arith.constant 48 : index
    %swap3A_44 = tpu.vector_load %arg6[%swap3A_43] {strides = array<i32>} : memref<128xf32, #tpu.memory_space<vmem>>, vector<16xf32>,
    %swap3A_45 = vector.shape_cast %swap3A_44 : vector<16xf32> to vector<16xf32>
    %swap3A_46 = vector.shape_cast %broadcast_in_dim3A_42 : vector<16xf32> to vector<16xf32>
    tpu.vector_store %arg6[%swap3A_43], %swap3A_46 {strides = array<i32>} : memref<128xf32, #tpu.memory_space<vmem>>, vector<16xf32>,
    %broadcast_in_dim3A_47 = arith.constant 1.000000e+00 : f32
    %broadcast_in_dim3A_48 = vector.broadcast %broadcast_in_dim3A_47 : f32 to vector<16xf32>
    %swap3A_49 = arith.constant 64 : index
    %swap3A_50 = tpu.vector_load %arg5[%swap3A_49] {strides = array<i32>} : memref<128xf32, #tpu.memory_space<vmem>>, vector<16xf32>,
    %swap3A_51 = vector.shape_cast %swap3A_50 : vector<16xf32> to vector<16xf32>
    %swap3A_52 = vector.shape_cast %broadcast_in_dim3A_48 : vector<16xf32> to vector<16xf32>
    tpu.vector_store %arg5[%swap3A_49], %swap3A_52 {strides = array<i32>} : memref<128xf32, #tpu.memory_space<vmem>>, vector<16xf32>,
    %broadcast_in_dim3A_53 = arith.constant 0.000000e+00 : f32
    %broadcast_in_dim3A_54 = vector.broadcast %broadcast_in_dim3A_53 : f32 to vector<16xf32>
    %swap3A_55 = arith.constant 64 : index
    %swap3A_56 = tpu.vector_load %arg6[%swap3A_55] {strides = array<i32>} : memref<128xf32, #tpu.memory_space<vmem>>, vector<16xf32>,
    %swap3A_57 = vector.shape_cast %swap3A_56 : vector<16xf32> to vector<16xf32>
    %swap3A_58 = vector.shape_cast %broadcast_in_dim3A_54 : vector<16xf32> to vector<16xf32>
    tpu.vector_store %arg6[%swap3A_55], %swap3A_58 {strides = array<i32>} : memref<128xf32, #tpu.memory_space<vmem>>, vector<16xf32>,
    %broadcast_in_dim3A_59 = arith.constant 1.000000e+00 : f32
    %broadcast_in_dim3A_60 = vector.broadcast %broadcast_in_dim3A_59 : f32 to vector<16xf32>
    %swap3A_61 = arith.constant 80 : index
    %swap3A_62 = tpu.vector_load %arg5[%swap3A_61] {strides = array<i32>} : memref<128xf32, #tpu.memory_space<vmem>>, vector<16xf32>,
    %swap3A_63 = vector.shape_cast %swap3A_62 : vector<16xf32> to vector<16xf32>
    %swap3A_64 = vector.shape_cast %broadcast_in_dim3A_60 : vector<16xf32> to vector<16xf32>
    tpu.vector_store %arg5[%swap3A_61], %swap3A_64 {strides = array<i32>} : memref<128xf32, #tpu.memory_space<vmem>>, vector<16xf32>,
    %broadcast_in_dim3A_65 = arith.constant 0.000000e+00 : f32
    %broadcast_in_dim3A_66 = vector.broadcast %broadcast_in_dim3A_65 : f32 to vector<16xf32>
    %swap3A_67 = arith.constant 80 : index
    %swap3A_68 = tpu.vector_load %arg6[%swap3A_67] {strides = array<i32>} : memref<128xf32, #tpu.memory_space<vmem>>, vector<16xf32>,
    %swap3A_69 = vector.shape_cast %swap3A_68 : vector<16xf32> to vector<16xf32>
    %swap3A_70 = vector.shape_cast %broadcast_in_dim3A_66 : vector<16xf32> to vector<16xf32>
    tpu.vector_store %arg6[%swap3A_67], %swap3A_70 {strides = array<i32>} : memref<128xf32, #tpu.memory_space<vmem>>, vector<16xf32>,
    %broadcast_in_dim3A_71 = arith.constant 1.000000e+00 : f32
    %broadcast_in_dim3A_72 = vector.broadcast %broadcast_in_dim3A_71 : f32 to vector<16xf32>
    %swap3A_73 = arith.constant 96 : index
    %swap3A_74 = tpu.vector_load %arg5[%swap3A_73] {strides = array<i32>} : memref<128xf32, #tpu.memory_space<vmem>>, vector<16xf32>,
    %swap3A_75 = vector.shape_cast %swap3A_74 : vector<16xf32> to vector<16xf32>
    %swap3A_76 = vector.shape_cast %broadcast_in_dim3A_72 : vector<16xf32> to vector<16xf32>
    tpu.vector_store %arg5[%swap3A_73], %swap3A_76 {strides = array<i32>} : memref<128xf32, #tpu.memory_space<vmem>>, vector<16xf32>,
    %broadcast_in_dim3A_77 = arith.constant 0.000000e+00 : f32
    %broadcast_in_dim3A_78 = vector.broadcast %broadcast_in_dim3A_77 : f32 to vector<16xf32>
    %swap3A_79 = arith.constant 96 : index
    %swap3A_80 = tpu.vector_load %arg6[%swap3A_79] {strides = array<i32>} : memref<128xf32, #tpu.memory_space<vmem>>, vector<16xf32>,
    %swap3A_81 = vector.shape_cast %swap3A_80 : vector<16xf32> to vector<16xf32>
    %swap3A_82 = vector.shape_cast %broadcast_in_dim3A_78 : vector<16xf32> to vector<16xf32>
    tpu.vector_store %arg6[%swap3A_79], %swap3A_82 {strides = array<i32>} : memref<128xf32, #tpu.memory_space<vmem>>, vector<16xf32>,
    %broadcast_in_dim3A_83 = arith.constant 1.000000e+00 : f32
    %broadcast_in_dim3A_84 = vector.broadcast %broadcast_in_dim3A_83 : f32 to vector<16xf32>
    %swap3A_85 = arith.constant 112 : index
    %swap3A_86 = tpu.vector_load %arg5[%swap3A_85] {strides = array<i32>} : memref<128xf32, #tpu.memory_space<vmem>>, vector<16xf32>,
    %swap3A_87 = vector.shape_cast %swap3A_86 : vector<16xf32> to vector<16xf32>
    %swap3A_88 = vector.shape_cast %broadcast_in_dim3A_84 : vector<16xf32> to vector<16xf32>
    tpu.vector_store %arg5[%swap3A_85], %swap3A_88 {strides = array<i32>} : memref<128xf32, #tpu.memory_space<vmem>>, vector<16xf32>,
    %broadcast_in_dim3A_89 = arith.constant 0.000000e+00 : f32
    %broadcast_in_dim3A_90 = vector.broadcast %broadcast_in_dim3A_89 : f32 to vector<16xf32>
    %swap3A_91 = arith.constant 112 : index
    %swap3A_92 = tpu.vector_load %arg6[%swap3A_91] {strides = array<i32>} : memref<128xf32, #tpu.memory_space<vmem>>, vector<16xf32>,
    %swap3A_93 = vector.shape_cast %swap3A_92 : vector<16xf32> to vector<16xf32>
    %swap3A_94 = vector.shape_cast %broadcast_in_dim3A_90 : vector<16xf32> to vector<16xf32>
    tpu.vector_store %arg6[%swap3A_91], %swap3A_94 {strides = array<i32>} : memref<128xf32, #tpu.memory_space<vmem>>, vector<16xf32>,
    %mul3A_95 = arith.constant 640 : i32
    %mul3A_96 = arith.muli %arg1, %mul3A_95 : i32
    %add3A_97 = arith.constant 0 : i32
    %add3A_98 = arith.addi %mul3A_96, %add3A_97 : i32
    "tpu.region"() ({
      %run_scoped3A = tpu.sem_alloc : memref<!tpu.dma_semaphore, #tpu.memory_space<semaphore_mem>>
      %dma_start3A = tpu.memref_slice %arg7[%add3A_98] : memref<10240xf32, #tpu.memory_space<vmem_shared>> -> memref<128xf32, #tpu.memory_space<vmem_shared>>
      %dma_start3A_144 = tpu.memref_slice %arg7[%add3A_98] : memref<10240xf32, #tpu.memory_space<vmem_shared>> -> memref<128xf32, #tpu.memory_space<vmem_shared>>
      tpu.enqueue_dma source(%arg6 : memref<128xf32, #tpu.memory_space<vmem>>) target(%dma_start3A_144 : memref<128xf32, #tpu.memory_space<vmem_shared>>) target_semaphore(%run_scoped3A : memref<!tpu.dma_semaphore, #tpu.memory_space<semaphore_mem>>)
      %dma_wait3A = tpu.memref_slice %arg7[%add3A_98] : memref<10240xf32, #tpu.memory_space<vmem_shared>> -> memref<128xf32, #tpu.memory_space<vmem_shared>>
      %dma_wait3A_145 = tpu.memref_slice %arg7[%add3A_98] : memref<10240xf32, #tpu.memory_space<vmem_shared>> -> memref<128xf32, #tpu.memory_space<vmem_shared>>
      tpu.wait_dma2 semaphore(%run_scoped3A : memref<!tpu.dma_semaphore, #tpu.memory_space<semaphore_mem>>) src(%arg6 : memref<128xf32, #tpu.memory_space<vmem>>) dst(%dma_wait3A_145 : memref<128xf32, #tpu.memory_space<vmem_shared>>)
      tpu.yield
    }) : () -> ()
    %mul3A_99 = arith.constant 640 : i32
    %mul3A_100 = arith.muli %arg1, %mul3A_99 : i32
    %add3A_101 = arith.constant 128 : i32
    %add3A_102 = arith.addi %mul3A_100, %add3A_101 : i32
    "tpu.region"() ({
      %run_scoped3A = tpu.sem_alloc : memref<!tpu.dma_semaphore, #tpu.memory_space<semaphore_mem>>
      %dma_start3A = tpu.memref_slice %arg7[%add3A_102] : memref<10240xf32, #tpu.memory_space<vmem_shared>> -> memref<128xf32, #tpu.memory_space<vmem_shared>>
      %dma_start3A_144 = tpu.memref_slice %arg7[%add3A_102] : memref<10240xf32, #tpu.memory_space<vmem_shared>> -> memref<128xf32, #tpu.memory_space<vmem_shared>>
      tpu.enqueue_dma source(%arg6 : memref<128xf32, #tpu.memory_space<vmem>>) target(%dma_start3A_144 : memref<128xf32, #tpu.memory_space<vmem_shared>>) target_semaphore(%run_scoped3A : memref<!tpu.dma_semaphore, #tpu.memory_space<semaphore_mem>>)
      %dma_wait3A = tpu.memref_slice %arg7[%add3A_102] : memref<10240xf32, #tpu.memory_space<vmem_shared>> -> memref<128xf32, #tpu.memory_space<vmem_shared>>
      %dma_wait3A_145 = tpu.memref_slice %arg7[%add3A_102] : memref<10240xf32, #tpu.memory_space<vmem_shared>> -> memref<128xf32, #tpu.memory_space<vmem_shared>>
      tpu.wait_dma2 semaphore(%run_scoped3A : memref<!tpu.dma_semaphore, #tpu.memory_space<semaphore_mem>>) src(%arg6 : memref<128xf32, #tpu.memory_space<vmem>>) dst(%dma_wait3A_145 : memref<128xf32, #tpu.memory_space<vmem_shared>>)
      tpu.yield
    }) : () -> ()
    %mul3A_103 = arith.constant 640 : i32
    %mul3A_104 = arith.muli %arg1, %mul3A_103 : i32
    %add3A_105 = arith.constant 256 : i32
    %add3A_106 = arith.addi %mul3A_104, %add3A_105 : i32
    "tpu.region"() ({
      %run_scoped3A = tpu.sem_alloc : memref<!tpu.dma_semaphore, #tpu.memory_space<semaphore_mem>>
      %dma_start3A = tpu.memref_slice %arg7[%add3A_106] : memref<10240xf32, #tpu.memory_space<vmem_shared>> -> memref<128xf32, #tpu.memory_space<vmem_shared>>
      %dma_start3A_144 = tpu.memref_slice %arg7[%add3A_106] : memref<10240xf32, #tpu.memory_space<vmem_shared>> -> memref<128xf32, #tpu.memory_space<vmem_shared>>
      tpu.enqueue_dma source(%arg6 : memref<128xf32, #tpu.memory_space<vmem>>) target(%dma_start3A_144 : memref<128xf32, #tpu.memory_space<vmem_shared>>) target_semaphore(%run_scoped3A : memref<!tpu.dma_semaphore, #tpu.memory_space<semaphore_mem>>)
      %dma_wait3A = tpu.memref_slice %arg7[%add3A_106] : memref<10240xf32, #tpu.memory_space<vmem_shared>> -> memref<128xf32, #tpu.memory_space<vmem_shared>>
      %dma_wait3A_145 = tpu.memref_slice %arg7[%add3A_106] : memref<10240xf32, #tpu.memory_space<vmem_shared>> -> memref<128xf32, #tpu.memory_space<vmem_shared>>
      tpu.wait_dma2 semaphore(%run_scoped3A : memref<!tpu.dma_semaphore, #tpu.memory_space<semaphore_mem>>) src(%arg6 : memref<128xf32, #tpu.memory_space<vmem>>) dst(%dma_wait3A_145 : memref<128xf32, #tpu.memory_space<vmem_shared>>)
      tpu.yield
    }) : () -> ()
    %mul3A_107 = arith.constant 640 : i32
    %mul3A_108 = arith.muli %arg1, %mul3A_107 : i32
    %add3A_109 = arith.constant 384 : i32
    %add3A_110 = arith.addi %mul3A_108, %add3A_109 : i32
    "tpu.region"() ({
      %run_scoped3A = tpu.sem_alloc : memref<!tpu.dma_semaphore, #tpu.memory_space<semaphore_mem>>
      %dma_start3A = tpu.memref_slice %arg7[%add3A_110] : memref<10240xf32, #tpu.memory_space<vmem_shared>> -> memref<128xf32, #tpu.memory_space<vmem_shared>>
      %dma_start3A_144 = tpu.memref_slice %arg7[%add3A_110] : memref<10240xf32, #tpu.memory_space<vmem_shared>> -> memref<128xf32, #tpu.memory_space<vmem_shared>>
      tpu.enqueue_dma source(%arg6 : memref<128xf32, #tpu.memory_space<vmem>>) target(%dma_start3A_144 : memref<128xf32, #tpu.memory_space<vmem_shared>>) target_semaphore(%run_scoped3A : memref<!tpu.dma_semaphore, #tpu.memory_space<semaphore_mem>>)
      %dma_wait3A = tpu.memref_slice %arg7[%add3A_110] : memref<10240xf32, #tpu.memory_space<vmem_shared>> -> memref<128xf32, #tpu.memory_space<vmem_shared>>
      %dma_wait3A_145 = tpu.memref_slice %arg7[%add3A_110] : memref<10240xf32, #tpu.memory_space<vmem_shared>> -> memref<128xf32, #tpu.memory_space<vmem_shared>>
      tpu.wait_dma2 semaphore(%run_scoped3A : memref<!tpu.dma_semaphore, #tpu.memory_space<semaphore_mem>>) src(%arg6 : memref<128xf32, #tpu.memory_space<vmem>>) dst(%dma_wait3A_145 : memref<128xf32, #tpu.memory_space<vmem_shared>>)
      tpu.yield
    }) : () -> ()
    %mul3A_111 = arith.constant 640 : i32
    %mul3A_112 = arith.muli %arg1, %mul3A_111 : i32
    %add3A_113 = arith.constant 512 : i32
    %add3A_114 = arith.addi %mul3A_112, %add3A_113 : i32
    "tpu.region"() ({
      %run_scoped3A = tpu.sem_alloc : memref<!tpu.dma_semaphore, #tpu.memory_space<semaphore_mem>>
      %dma_start3A = tpu.memref_slice %arg7[%add3A_114] : memref<10240xf32, #tpu.memory_space<vmem_shared>> -> memref<128xf32, #tpu.memory_space<vmem_shared>>
      %dma_start3A_144 = tpu.memref_slice %arg7[%add3A_114] : memref<10240xf32, #tpu.memory_space<vmem_shared>> -> memref<128xf32, #tpu.memory_space<vmem_shared>>
      tpu.enqueue_dma source(%arg6 : memref<128xf32, #tpu.memory_space<vmem>>) target(%dma_start3A_144 : memref<128xf32, #tpu.memory_space<vmem_shared>>) target_semaphore(%run_scoped3A : memref<!tpu.dma_semaphore, #tpu.memory_space<semaphore_mem>>)
      %dma_wait3A = tpu.memref_slice %arg7[%add3A_114] : memref<10240xf32, #tpu.memory_space<vmem_shared>> -> memref<128xf32, #tpu.memory_space<vmem_shared>>
      %dma_wait3A_145 = tpu.memref_slice %arg7[%add3A_114] : memref<10240xf32, #tpu.memory_space<vmem_shared>> -> memref<128xf32, #tpu.memory_space<vmem_shared>>
      tpu.wait_dma2 semaphore(%run_scoped3A : memref<!tpu.dma_semaphore, #tpu.memory_space<semaphore_mem>>) src(%arg6 : memref<128xf32, #tpu.memory_space<vmem>>) dst(%dma_wait3A_145 : memref<128xf32, #tpu.memory_space<vmem_shared>>)
      tpu.yield
    }) : () -> ()
    %barrier3A = arith.constant 0 : index
    tpu.barrier barrier_id(%barrier3A)
    %mul3A_115 = arith.constant 80 : i32
    %mul3A_116 = arith.muli %add3A, %mul3A_115 : i32
    "tpu.region"() ({
      %run_scoped3A = tpu.sem_alloc : memref<!tpu.dma_semaphore, #tpu.memory_space<semaphore_mem>>
      %dma_start3A = arith.constant 0 : i32
      %dma_start3A_144 = tpu.memref_slice %arg2[%mul3A_116, %dma_start3A] : memref<2560x128xi32, #tpu.memory_space<hbm>> -> memref<80x128xi32, #tpu.memory_space<hbm>>
      %dma_start3A_145 = arith.constant 0 : i32
      %dma_start3A_146 = tpu.memref_slice %arg2[%mul3A_116, %dma_start3A_145] : memref<2560x128xi32, #tpu.memory_space<hbm>> -> memref<80x128xi32, #tpu.memory_space<hbm>>
      tpu.enqueue_dma source(%dma_start3A_146 : memref<80x128xi32, #tpu.memory_space<hbm>>) target(%arg4 : memref<80x128xi32, #tpu.memory_space<vmem>>) target_semaphore(%run_scoped3A : memref<!tpu.dma_semaphore, #tpu.memory_space<semaphore_mem>>)
      %dma_wait3A = arith.constant 0 : i32
      %dma_wait3A_147 = tpu.memref_slice %arg2[%mul3A_116, %dma_wait3A] : memref<2560x128xi32, #tpu.memory_space<hbm>> -> memref<80x128xi32, #tpu.memory_space<hbm>>
      %dma_wait3A_148 = arith.constant 0 : i32
      %dma_wait3A_149 = tpu.memref_slice %arg2[%mul3A_116, %dma_wait3A_148] : memref<2560x128xi32, #tpu.memory_space<hbm>> -> memref<80x128xi32, #tpu.memory_space<hbm>>
      tpu.wait_dma2 semaphore(%run_scoped3A : memref<!tpu.dma_semaphore, #tpu.memory_space<semaphore_mem>>) src(%dma_wait3A_149 : memref<80x128xi32, #tpu.memory_space<hbm>>) dst(%arg4 : memref<80x128xi32, #tpu.memory_space<vmem>>)
      tpu.yield
    }) : () -> ()
    %scan3A = arith.constant 0 : i32
    %scan3A_117 = arith.constant 0 : i32
    %scan3A_118 = arith.constant 80 : i32
    %scan3A_119 = arith.addi %scan3A_117, %scan3A_118 : i32
    %scan3A_120 = arith.constant 1 : i32
    %scan3A_121 = scf.for %scan3A_144 = %scan3A_117 to %scan3A_119 step %scan3A_120 iter_args(%scan3A_145 = %scan3A) -> (i32)  : i32 {
      "tpu.region"() ({
        %run_scoped3A = tpu.sem_alloc : memref<!tpu.dma_semaphore, #tpu.memory_space<semaphore_mem>>
        %dma_start3A = arith.constant 0 : i32
        %dma_start3A_147 = tpu.memref_slice %arg5[%dma_start3A] : memref<128xf32, #tpu.memory_space<vmem>> -> memref<128xf32, #tpu.memory_space<vmem>>
        %dma_start3A_148 = arith.constant 0 : i32
        %dma_start3A_149 = tpu.memref_slice %arg4[%scan3A_144, %dma_start3A_148] : memref<80x128xi32, #tpu.memory_space<vmem>> -> memref<1x128xi32, #tpu.memory_space<vmem>>
        %dma_start3A_150 = tpu.memref_squeeze %dma_start3A_149 : memref<1x128xi32, #tpu.memory_space<vmem>> -> memref<128xi32, #tpu.memory_space<vmem>>
        %dma_start3A_151 = arith.constant 0 : i32
        %dma_start3A_152 = tpu.memref_slice %arg7[%dma_start3A_151] : memref<10240xf32, #tpu.memory_space<vmem_shared>> -> memref<10240xf32, #tpu.memory_space<vmem_shared>>
        tpu.enqueue_indirect_dma source(%dma_start3A_147 : memref<128xf32, #tpu.memory_space<vmem>>) target(%dma_start3A_152 : memref<10240xf32, #tpu.memory_space<vmem_shared>>) offsets(%dma_start3A_150 : memref<128xi32, #tpu.memory_space<vmem>>) semaphore(%run_scoped3A : memref<!tpu.dma_semaphore, #tpu.memory_space<semaphore_mem>>) {add = true}
        %dma_wait3A = arith.constant 0 : i32
        %dma_wait3A_153 = tpu.memref_slice %arg5[%dma_wait3A] : memref<128xf32, #tpu.memory_space<vmem>> -> memref<128xf32, #tpu.memory_space<vmem>>
        %dma_wait3A_154 = arith.constant 0 : i32
        %dma_wait3A_155 = tpu.memref_slice %arg4[%scan3A_144, %dma_wait3A_154] : memref<80x128xi32, #tpu.memory_space<vmem>> -> memref<1x128xi32, #tpu.memory_space<vmem>>
        %dma_wait3A_156 = tpu.memref_squeeze %dma_wait3A_155 : memref<1x128xi32, #tpu.memory_space<vmem>> -> memref<128xi32, #tpu.memory_space<vmem>>
        %dma_wait3A_157 = arith.constant 0 : i32
        %dma_wait3A_158 = tpu.memref_slice %arg7[%dma_wait3A_157] : memref<10240xf32, #tpu.memory_space<vmem_shared>> -> memref<10240xf32, #tpu.memory_space<vmem_shared>>
        tpu.wait_indirect_dma semaphore(%run_scoped3A : memref<!tpu.dma_semaphore, #tpu.memory_space<semaphore_mem>>) src(%dma_wait3A_153 : memref<128xf32, #tpu.memory_space<vmem>>) dst(%dma_wait3A_158 : memref<10240xf32, #tpu.memory_space<vmem_shared>>)
        tpu.yield
      }) : () -> ()
      %scan3A_146 = arith.constant 0 : i32
      scf.yield %scan3A_146 : i32
    }
    %scan3A_122 = arith.constant 80 : i32
    %barrier3A_123 = arith.constant 0 : index
    tpu.barrier barrier_id(%barrier3A_123)
    %mul3A_124 = arith.constant 640 : i32
    %mul3A_125 = arith.muli %arg1, %mul3A_124 : i32
    %add3A_126 = arith.constant 0 : i32
    %add3A_127 = arith.addi %mul3A_125, %add3A_126 : i32
    "tpu.region"() ({
      %run_scoped3A = tpu.sem_alloc : memref<!tpu.dma_semaphore, #tpu.memory_space<semaphore_mem>>
      %dma_start3A = tpu.memref_slice %arg3[%arg0, %add3A_127] : memref<2x10240xf32, #tpu.memory_space<hbm>> -> memref<1x128xf32, #tpu.memory_space<hbm>>
      %dma_start3A_144 = tpu.memref_squeeze %dma_start3A : memref<1x128xf32, #tpu.memory_space<hbm>> -> memref<128xf32, #tpu.memory_space<hbm>>
      %dma_start3A_145 = tpu.memref_slice %arg7[%add3A_127] : memref<10240xf32, #tpu.memory_space<vmem_shared>> -> memref<128xf32, #tpu.memory_space<vmem_shared>>
      tpu.enqueue_dma source(%dma_start3A_145 : memref<128xf32, #tpu.memory_space<vmem_shared>>) target(%dma_start3A_144 : memref<128xf32, #tpu.memory_space<hbm>>) target_semaphore(%run_scoped3A : memref<!tpu.dma_semaphore, #tpu.memory_space<semaphore_mem>>)
      %dma_wait3A = tpu.memref_slice %arg3[%arg0, %add3A_127] : memref<2x10240xf32, #tpu.memory_space<hbm>> -> memref<1x128xf32, #tpu.memory_space<hbm>>
      %dma_wait3A_146 = tpu.memref_squeeze %dma_wait3A : memref<1x128xf32, #tpu.memory_space<hbm>> -> memref<128xf32, #tpu.memory_space<hbm>>
      %dma_wait3A_147 = tpu.memref_slice %arg7[%add3A_127] : memref<10240xf32, #tpu.memory_space<vmem_shared>> -> memref<128xf32, #tpu.memory_space<vmem_shared>>
      tpu.wait_dma2 semaphore(%run_scoped3A : memref<!tpu.dma_semaphore, #tpu.memory_space<semaphore_mem>>) src(%dma_wait3A_147 : memref<128xf32, #tpu.memory_space<vmem_shared>>) dst(%dma_wait3A_146 : memref<128xf32, #tpu.memory_space<hbm>>)
      tpu.yield
    }) : () -> ()
    %mul3A_128 = arith.constant 640 : i32
    %mul3A_129 = arith.muli %arg1, %mul3A_128 : i32
    %add3A_130 = arith.constant 128 : i32
    %add3A_131 = arith.addi %mul3A_129, %add3A_130 : i32
    "tpu.region"() ({
      %run_scoped3A = tpu.sem_alloc : memref<!tpu.dma_semaphore, #tpu.memory_space<semaphore_mem>>
      %dma_start3A = tpu.memref_slice %arg3[%arg0, %add3A_131] : memref<2x10240xf32, #tpu.memory_space<hbm>> -> memref<1x128xf32, #tpu.memory_space<hbm>>
      %dma_start3A_144 = tpu.memref_squeeze %dma_start3A : memref<1x128xf32, #tpu.memory_space<hbm>> -> memref<128xf32, #tpu.memory_space<hbm>>
      %dma_start3A_145 = tpu.memref_slice %arg7[%add3A_131] : memref<10240xf32, #tpu.memory_space<vmem_shared>> -> memref<128xf32, #tpu.memory_space<vmem_shared>>
      tpu.enqueue_dma source(%dma_start3A_145 : memref<128xf32, #tpu.memory_space<vmem_shared>>) target(%dma_start3A_144 : memref<128xf32, #tpu.memory_space<hbm>>) target_semaphore(%run_scoped3A : memref<!tpu.dma_semaphore, #tpu.memory_space<semaphore_mem>>)
      %dma_wait3A = tpu.memref_slice %arg3[%arg0, %add3A_131] : memref<2x10240xf32, #tpu.memory_space<hbm>> -> memref<1x128xf32, #tpu.memory_space<hbm>>
      %dma_wait3A_146 = tpu.memref_squeeze %dma_wait3A : memref<1x128xf32, #tpu.memory_space<hbm>> -> memref<128xf32, #tpu.memory_space<hbm>>
      %dma_wait3A_147 = tpu.memref_slice %arg7[%add3A_131] : memref<10240xf32, #tpu.memory_space<vmem_shared>> -> memref<128xf32, #tpu.memory_space<vmem_shared>>
      tpu.wait_dma2 semaphore(%run_scoped3A : memref<!tpu.dma_semaphore, #tpu.memory_space<semaphore_mem>>) src(%dma_wait3A_147 : memref<128xf32, #tpu.memory_space<vmem_shared>>) dst(%dma_wait3A_146 : memref<128xf32, #tpu.memory_space<hbm>>)
      tpu.yield
    }) : () -> ()
    %mul3A_132 = arith.constant 640 : i32
    %mul3A_133 = arith.muli %arg1, %mul3A_132 : i32
    %add3A_134 = arith.constant 256 : i32
    %add3A_135 = arith.addi %mul3A_133, %add3A_134 : i32
    "tpu.region"() ({
      %run_scoped3A = tpu.sem_alloc : memref<!tpu.dma_semaphore, #tpu.memory_space<semaphore_mem>>
      %dma_start3A = tpu.memref_slice %arg3[%arg0, %add3A_135] : memref<2x10240xf32, #tpu.memory_space<hbm>> -> memref<1x128xf32, #tpu.memory_space<hbm>>
      %dma_start3A_144 = tpu.memref_squeeze %dma_start3A : memref<1x128xf32, #tpu.memory_space<hbm>> -> memref<128xf32, #tpu.memory_space<hbm>>
      %dma_start3A_145 = tpu.memref_slice %arg7[%add3A_135] : memref<10240xf32, #tpu.memory_space<vmem_shared>> -> memref<128xf32, #tpu.memory_space<vmem_shared>>
      tpu.enqueue_dma source(%dma_start3A_145 : memref<128xf32, #tpu.memory_space<vmem_shared>>) target(%dma_start3A_144 : memref<128xf32, #tpu.memory_space<hbm>>) target_semaphore(%run_scoped3A : memref<!tpu.dma_semaphore, #tpu.memory_space<semaphore_mem>>)
      %dma_wait3A = tpu.memref_slice %arg3[%arg0, %add3A_135] : memref<2x10240xf32, #tpu.memory_space<hbm>> -> memref<1x128xf32, #tpu.memory_space<hbm>>
      %dma_wait3A_146 = tpu.memref_squeeze %dma_wait3A : memref<1x128xf32, #tpu.memory_space<hbm>> -> memref<128xf32, #tpu.memory_space<hbm>>
      %dma_wait3A_147 = tpu.memref_slice %arg7[%add3A_135] : memref<10240xf32, #tpu.memory_space<vmem_shared>> -> memref<128xf32, #tpu.memory_space<vmem_shared>>
      tpu.wait_dma2 semaphore(%run_scoped3A : memref<!tpu.dma_semaphore, #tpu.memory_space<semaphore_mem>>) src(%dma_wait3A_147 : memref<128xf32, #tpu.memory_space<vmem_shared>>) dst(%dma_wait3A_146 : memref<128xf32, #tpu.memory_space<hbm>>)
      tpu.yield
    }) : () -> ()
    %mul3A_136 = arith.constant 640 : i32
    %mul3A_137 = arith.muli %arg1, %mul3A_136 : i32
    %add3A_138 = arith.constant 384 : i32
    %add3A_139 = arith.addi %mul3A_137, %add3A_138 : i32
    "tpu.region"() ({
      %run_scoped3A = tpu.sem_alloc : memref<!tpu.dma_semaphore, #tpu.memory_space<semaphore_mem>>
      %dma_start3A = tpu.memref_slice %arg3[%arg0, %add3A_139] : memref<2x10240xf32, #tpu.memory_space<hbm>> -> memref<1x128xf32, #tpu.memory_space<hbm>>
      %dma_start3A_144 = tpu.memref_squeeze %dma_start3A : memref<1x128xf32, #tpu.memory_space<hbm>> -> memref<128xf32, #tpu.memory_space<hbm>>
      %dma_start3A_145 = tpu.memref_slice %arg7[%add3A_139] : memref<10240xf32, #tpu.memory_space<vmem_shared>> -> memref<128xf32, #tpu.memory_space<vmem_shared>>
      tpu.enqueue_dma source(%dma_start3A_145 : memref<128xf32, #tpu.memory_space<vmem_shared>>) target(%dma_start3A_144 : memref<128xf32, #tpu.memory_space<hbm>>) target_semaphore(%run_scoped3A : memref<!tpu.dma_semaphore, #tpu.memory_space<semaphore_mem>>)
      %dma_wait3A = tpu.memref_slice %arg3[%arg0, %add3A_139] : memref<2x10240xf32, #tpu.memory_space<hbm>> -> memref<1x128xf32, #tpu.memory_space<hbm>>
      %dma_wait3A_146 = tpu.memref_squeeze %dma_wait3A : memref<1x128xf32, #tpu.memory_space<hbm>> -> memref<128xf32, #tpu.memory_space<hbm>>
      %dma_wait3A_147 = tpu.memref_slice %arg7[%add3A_139] : memref<10240xf32, #tpu.memory_space<vmem_shared>> -> memref<128xf32, #tpu.memory_space<vmem_shared>>
      tpu.wait_dma2 semaphore(%run_scoped3A : memref<!tpu.dma_semaphore, #tpu.memory_space<semaphore_mem>>) src(%dma_wait3A_147 : memref<128xf32, #tpu.memory_space<vmem_shared>>) dst(%dma_wait3A_146 : memref<128xf32, #tpu.memory_space<hbm>>)
      tpu.yield
    }) : () -> ()
    %mul3A_140 = arith.constant 640 : i32
    %mul3A_141 = arith.muli %arg1, %mul3A_140 : i32
    %add3A_142 = arith.constant 512 : i32
    %add3A_143 = arith.addi %mul3A_141, %add3A_142 : i32
    "tpu.region"() ({
      %run_scoped3A = tpu.sem_alloc : memref<!tpu.dma_semaphore, #tpu.memory_space<semaphore_mem>>
      %dma_start3A = tpu.memref_slice %arg3[%arg0, %add3A_143] : memref<2x10240xf32, #tpu.memory_space<hbm>> -> memref<1x128xf32, #tpu.memory_space<hbm>>
      %dma_start3A_144 = tpu.memref_squeeze %dma_start3A : memref<1x128xf32, #tpu.memory_space<hbm>> -> memref<128xf32, #tpu.memory_space<hbm>>
      %dma_start3A_145 = tpu.memref_slice %arg7[%add3A_143] : memref<10240xf32, #tpu.memory_space<vmem_shared>> -> memref<128xf32, #tpu.memory_space<vmem_shared>>
      tpu.enqueue_dma source(%dma_start3A_145 : memref<128xf32, #tpu.memory_space<vmem_shared>>) target(%dma_start3A_144 : memref<128xf32, #tpu.memory_space<hbm>>) target_semaphore(%run_scoped3A : memref<!tpu.dma_semaphore, #tpu.memory_space<semaphore_mem>>)
      %dma_wait3A = tpu.memref_slice %arg3[%arg0, %add3A_143] : memref<2x10240xf32, #tpu.memory_space<hbm>> -> memref<1x128xf32, #tpu.memory_space<hbm>>
      %dma_wait3A_146 = tpu.memref_squeeze %dma_wait3A : memref<1x128xf32, #tpu.memory_space<hbm>> -> memref<128xf32, #tpu.memory_space<hbm>>
      %dma_wait3A_147 = tpu.memref_slice %arg7[%add3A_143] : memref<10240xf32, #tpu.memory_space<vmem_shared>> -> memref<128xf32, #tpu.memory_space<vmem_shared>>
      tpu.wait_dma2 semaphore(%run_scoped3A : memref<!tpu.dma_semaphore, #tpu.memory_space<semaphore_mem>>) src(%dma_wait3A_147 : memref<128xf32, #tpu.memory_space<vmem_shared>>) dst(%dma_wait3A_146 : memref<128xf32, #tpu.memory_space<hbm>>)
      tpu.yield
    }) : () -> ()
    return
  }
}

#map = affine_map<(d0, d1) -> (0, 0)>
#map1 = affine_map<(d0, d1) -> (0, 0, 0)>
module attributes {stable_mosaic.version = 14 : i64} {
  func.func @prop_kernel(%arg0: i32, %arg1: i32, %arg2: memref<10240x128xf32, #tpu.memory_space<hbm>>, %arg3: memref<2560x128xi32, #tpu.memory_space<hbm>>, %arg4: memref<2560x128xi32, #tpu.memory_space<hbm>>, %arg5: memref<2x10240x128xf32, #tpu.memory_space<hbm>>, %arg6: memref<8x128xi32, #tpu.memory_space<vmem>>, %arg7: memref<8x128xi32, #tpu.memory_space<vmem>>, %arg8: memref<128x128xf32, #tpu.memory_space<vmem>>, %arg9: memref<128x128xf32, #tpu.memory_space<vmem>>, %arg10: memref<10240x128xf32, #tpu.memory_space<vmem_shared>>, %arg11: memref<!tpu.dma_semaphore, #tpu.memory_space<semaphore_mem>>) attributes {dimension_semantics = [#tpu.dimension_semantics<core_parallel>, #tpu.dimension_semantics<subcore_parallel>], iteration_bounds = array<i64: 2, 16>, scalar_prefetch = 0 : i64, scratch_operands = 6 : i64, tpu.core_type = #tpu.core_type<sc_vector_subcore>, window_params = [{transform_indices = #map}, {transform_indices = #map}, {transform_indices = #map}, {transform_indices = #map1}]} {
    %mul3A = arith.constant 2 : i32
    %mul3A_0 = arith.muli %arg1, %mul3A : i32
    %add3A = arith.addi %mul3A_0, %arg0 : i32
    %broadcast_in_dim3A = arith.constant 0.000000e+00 : f32
    %broadcast_in_dim3A_1 = vector.broadcast %broadcast_in_dim3A : f32 to vector<16xf32>
    %scan3A = arith.constant 0 : i32
    %scan3A_2 = arith.constant 0 : i32
    %scan3A_3 = arith.constant 128 : i32
    %scan3A_4 = arith.addi %scan3A_2, %scan3A_3 : i32
    %scan3A_5 = arith.constant 1 : i32
    %scan3A_6 = scf.for %scan3A_73 = %scan3A_2 to %scan3A_4 step %scan3A_5 iter_args(%scan3A_74 = %scan3A) -> (i32)  : i32 {
      %swap3A = arith.index_cast %scan3A_73 : i32 to index
      %swap3A_75 = arith.constant 0 : index
      %swap3A_76 = tpu.vector_load %arg8[%swap3A, %swap3A_75] {strides = array<i32>} : memref<128x128xf32, #tpu.memory_space<vmem>>, vector<1x16xf32>,
      %swap3A_77 = vector.shape_cast %swap3A_76 : vector<1x16xf32> to vector<16xf32>
      %swap3A_78 = vector.shape_cast %broadcast_in_dim3A_1 : vector<16xf32> to vector<1x16xf32>
      tpu.vector_store %arg8[%swap3A, %swap3A_75], %swap3A_78 {strides = array<i32>} : memref<128x128xf32, #tpu.memory_space<vmem>>, vector<1x16xf32>,
      %swap3A_79 = arith.index_cast %scan3A_73 : i32 to index
      %swap3A_80 = arith.constant 16 : index
      %swap3A_81 = tpu.vector_load %arg8[%swap3A_79, %swap3A_80] {strides = array<i32>} : memref<128x128xf32, #tpu.memory_space<vmem>>, vector<1x16xf32>,
      %swap3A_82 = vector.shape_cast %swap3A_81 : vector<1x16xf32> to vector<16xf32>
      %swap3A_83 = vector.shape_cast %broadcast_in_dim3A_1 : vector<16xf32> to vector<1x16xf32>
      tpu.vector_store %arg8[%swap3A_79, %swap3A_80], %swap3A_83 {strides = array<i32>} : memref<128x128xf32, #tpu.memory_space<vmem>>, vector<1x16xf32>,
      %swap3A_84 = arith.index_cast %scan3A_73 : i32 to index
      %swap3A_85 = arith.constant 32 : index
      %swap3A_86 = tpu.vector_load %arg8[%swap3A_84, %swap3A_85] {strides = array<i32>} : memref<128x128xf32, #tpu.memory_space<vmem>>, vector<1x16xf32>,
      %swap3A_87 = vector.shape_cast %swap3A_86 : vector<1x16xf32> to vector<16xf32>
      %swap3A_88 = vector.shape_cast %broadcast_in_dim3A_1 : vector<16xf32> to vector<1x16xf32>
      tpu.vector_store %arg8[%swap3A_84, %swap3A_85], %swap3A_88 {strides = array<i32>} : memref<128x128xf32, #tpu.memory_space<vmem>>, vector<1x16xf32>,
      %swap3A_89 = arith.index_cast %scan3A_73 : i32 to index
      %swap3A_90 = arith.constant 48 : index
      %swap3A_91 = tpu.vector_load %arg8[%swap3A_89, %swap3A_90] {strides = array<i32>} : memref<128x128xf32, #tpu.memory_space<vmem>>, vector<1x16xf32>,
      %swap3A_92 = vector.shape_cast %swap3A_91 : vector<1x16xf32> to vector<16xf32>
      %swap3A_93 = vector.shape_cast %broadcast_in_dim3A_1 : vector<16xf32> to vector<1x16xf32>
      tpu.vector_store %arg8[%swap3A_89, %swap3A_90], %swap3A_93 {strides = array<i32>} : memref<128x128xf32, #tpu.memory_space<vmem>>, vector<1x16xf32>,
      %swap3A_94 = arith.index_cast %scan3A_73 : i32 to index
      %swap3A_95 = arith.constant 64 : index
      %swap3A_96 = tpu.vector_load %arg8[%swap3A_94, %swap3A_95] {strides = array<i32>} : memref<128x128xf32, #tpu.memory_space<vmem>>, vector<1x16xf32>,
      %swap3A_97 = vector.shape_cast %swap3A_96 : vector<1x16xf32> to vector<16xf32>
      %swap3A_98 = vector.shape_cast %broadcast_in_dim3A_1 : vector<16xf32> to vector<1x16xf32>
      tpu.vector_store %arg8[%swap3A_94, %swap3A_95], %swap3A_98 {strides = array<i32>} : memref<128x128xf32, #tpu.memory_space<vmem>>, vector<1x16xf32>,
      %swap3A_99 = arith.index_cast %scan3A_73 : i32 to index
      %swap3A_100 = arith.constant 80 : index
      %swap3A_101 = tpu.vector_load %arg8[%swap3A_99, %swap3A_100] {strides = array<i32>} : memref<128x128xf32, #tpu.memory_space<vmem>>, vector<1x16xf32>,
      %swap3A_102 = vector.shape_cast %swap3A_101 : vector<1x16xf32> to vector<16xf32>
      %swap3A_103 = vector.shape_cast %broadcast_in_dim3A_1 : vector<16xf32> to vector<1x16xf32>
      tpu.vector_store %arg8[%swap3A_99, %swap3A_100], %swap3A_103 {strides = array<i32>} : memref<128x128xf32, #tpu.memory_space<vmem>>, vector<1x16xf32>,
      %swap3A_104 = arith.index_cast %scan3A_73 : i32 to index
      %swap3A_105 = arith.constant 96 : index
      %swap3A_106 = tpu.vector_load %arg8[%swap3A_104, %swap3A_105] {strides = array<i32>} : memref<128x128xf32, #tpu.memory_space<vmem>>, vector<1x16xf32>,
      %swap3A_107 = vector.shape_cast %swap3A_106 : vector<1x16xf32> to vector<16xf32>
      %swap3A_108 = vector.shape_cast %broadcast_in_dim3A_1 : vector<16xf32> to vector<1x16xf32>
      tpu.vector_store %arg8[%swap3A_104, %swap3A_105], %swap3A_108 {strides = array<i32>} : memref<128x128xf32, #tpu.memory_space<vmem>>, vector<1x16xf32>,
      %swap3A_109 = arith.index_cast %scan3A_73 : i32 to index
      %swap3A_110 = arith.constant 112 : index
      %swap3A_111 = tpu.vector_load %arg8[%swap3A_109, %swap3A_110] {strides = array<i32>} : memref<128x128xf32, #tpu.memory_space<vmem>>, vector<1x16xf32>,
      %swap3A_112 = vector.shape_cast %swap3A_111 : vector<1x16xf32> to vector<16xf32>
      %swap3A_113 = vector.shape_cast %broadcast_in_dim3A_1 : vector<16xf32> to vector<1x16xf32>
      tpu.vector_store %arg8[%swap3A_109, %swap3A_110], %swap3A_113 {strides = array<i32>} : memref<128x128xf32, #tpu.memory_space<vmem>>, vector<1x16xf32>,
      %scan3A_114 = arith.constant 0 : i32
      scf.yield %scan3A_114 : i32
    }
    %scan3A_7 = arith.constant 128 : i32
    %mul3A_8 = arith.constant 640 : i32
    %mul3A_9 = arith.muli %arg1, %mul3A_8 : i32
    %add3A_10 = arith.constant 0 : i32
    %add3A_11 = arith.addi %mul3A_9, %add3A_10 : i32
    "tpu.region"() ({
      %run_scoped3A = tpu.sem_alloc : memref<!tpu.dma_semaphore, #tpu.memory_space<semaphore_mem>>
      %dma_start3A = arith.constant 0 : i32
      %dma_start3A_73 = arith.constant 0 : i32
      %dma_start3A_74 = tpu.memref_slice %arg8[%dma_start3A, %dma_start3A_73] : memref<128x128xf32, #tpu.memory_space<vmem>> -> memref<128x128xf32, #tpu.memory_space<vmem>>
      %dma_start3A_75 = arith.constant 0 : i32
      %dma_start3A_76 = tpu.memref_slice %arg10[%add3A_11, %dma_start3A_75] : memref<10240x128xf32, #tpu.memory_space<vmem_shared>> -> memref<128x128xf32, #tpu.memory_space<vmem_shared>>
      %dma_start3A_77 = arith.constant 0 : i32
      %dma_start3A_78 = tpu.memref_slice %arg10[%add3A_11, %dma_start3A_77] : memref<10240x128xf32, #tpu.memory_space<vmem_shared>> -> memref<128x128xf32, #tpu.memory_space<vmem_shared>>
      %dma_start3A_79 = arith.constant 0 : i32
      %dma_start3A_80 = arith.constant 0 : i32
      %dma_start3A_81 = tpu.memref_slice %arg8[%dma_start3A_79, %dma_start3A_80] : memref<128x128xf32, #tpu.memory_space<vmem>> -> memref<128x128xf32, #tpu.memory_space<vmem>>
      tpu.enqueue_dma source(%dma_start3A_81 : memref<128x128xf32, #tpu.memory_space<vmem>>) target(%dma_start3A_78 : memref<128x128xf32, #tpu.memory_space<vmem_shared>>) target_semaphore(%run_scoped3A : memref<!tpu.dma_semaphore, #tpu.memory_space<semaphore_mem>>)
      %dma_wait3A = arith.constant 0 : i32
      %dma_wait3A_82 = arith.constant 0 : i32
      %dma_wait3A_83 = tpu.memref_slice %arg8[%dma_wait3A, %dma_wait3A_82] : memref<128x128xf32, #tpu.memory_space<vmem>> -> memref<128x128xf32, #tpu.memory_space<vmem>>
      %dma_wait3A_84 = arith.constant 0 : i32
      %dma_wait3A_85 = tpu.memref_slice %arg10[%add3A_11, %dma_wait3A_84] : memref<10240x128xf32, #tpu.memory_space<vmem_shared>> -> memref<128x128xf32, #tpu.memory_space<vmem_shared>>
      %dma_wait3A_86 = arith.constant 0 : i32
      %dma_wait3A_87 = tpu.memref_slice %arg10[%add3A_11, %dma_wait3A_86] : memref<10240x128xf32, #tpu.memory_space<vmem_shared>> -> memref<128x128xf32, #tpu.memory_space<vmem_shared>>
      %dma_wait3A_88 = arith.constant 0 : i32
      %dma_wait3A_89 = arith.constant 0 : i32
      %dma_wait3A_90 = tpu.memref_slice %arg8[%dma_wait3A_88, %dma_wait3A_89] : memref<128x128xf32, #tpu.memory_space<vmem>> -> memref<128x128xf32, #tpu.memory_space<vmem>>
      tpu.wait_dma2 semaphore(%run_scoped3A : memref<!tpu.dma_semaphore, #tpu.memory_space<semaphore_mem>>) src(%dma_wait3A_90 : memref<128x128xf32, #tpu.memory_space<vmem>>) dst(%dma_wait3A_87 : memref<128x128xf32, #tpu.memory_space<vmem_shared>>)
      tpu.yield
    }) : () -> ()
    %mul3A_12 = arith.constant 640 : i32
    %mul3A_13 = arith.muli %arg1, %mul3A_12 : i32
    %add3A_14 = arith.constant 128 : i32
    %add3A_15 = arith.addi %mul3A_13, %add3A_14 : i32
    "tpu.region"() ({
      %run_scoped3A = tpu.sem_alloc : memref<!tpu.dma_semaphore, #tpu.memory_space<semaphore_mem>>
      %dma_start3A = arith.constant 0 : i32
      %dma_start3A_73 = arith.constant 0 : i32
      %dma_start3A_74 = tpu.memref_slice %arg8[%dma_start3A, %dma_start3A_73] : memref<128x128xf32, #tpu.memory_space<vmem>> -> memref<128x128xf32, #tpu.memory_space<vmem>>
      %dma_start3A_75 = arith.constant 0 : i32
      %dma_start3A_76 = tpu.memref_slice %arg10[%add3A_15, %dma_start3A_75] : memref<10240x128xf32, #tpu.memory_space<vmem_shared>> -> memref<128x128xf32, #tpu.memory_space<vmem_shared>>
      %dma_start3A_77 = arith.constant 0 : i32
      %dma_start3A_78 = tpu.memref_slice %arg10[%add3A_15, %dma_start3A_77] : memref<10240x128xf32, #tpu.memory_space<vmem_shared>> -> memref<128x128xf32, #tpu.memory_space<vmem_shared>>
      %dma_start3A_79 = arith.constant 0 : i32
      %dma_start3A_80 = arith.constant 0 : i32
      %dma_start3A_81 = tpu.memref_slice %arg8[%dma_start3A_79, %dma_start3A_80] : memref<128x128xf32, #tpu.memory_space<vmem>> -> memref<128x128xf32, #tpu.memory_space<vmem>>
      tpu.enqueue_dma source(%dma_start3A_81 : memref<128x128xf32, #tpu.memory_space<vmem>>) target(%dma_start3A_78 : memref<128x128xf32, #tpu.memory_space<vmem_shared>>) target_semaphore(%run_scoped3A : memref<!tpu.dma_semaphore, #tpu.memory_space<semaphore_mem>>)
      %dma_wait3A = arith.constant 0 : i32
      %dma_wait3A_82 = arith.constant 0 : i32
      %dma_wait3A_83 = tpu.memref_slice %arg8[%dma_wait3A, %dma_wait3A_82] : memref<128x128xf32, #tpu.memory_space<vmem>> -> memref<128x128xf32, #tpu.memory_space<vmem>>
      %dma_wait3A_84 = arith.constant 0 : i32
      %dma_wait3A_85 = tpu.memref_slice %arg10[%add3A_15, %dma_wait3A_84] : memref<10240x128xf32, #tpu.memory_space<vmem_shared>> -> memref<128x128xf32, #tpu.memory_space<vmem_shared>>
      %dma_wait3A_86 = arith.constant 0 : i32
      %dma_wait3A_87 = tpu.memref_slice %arg10[%add3A_15, %dma_wait3A_86] : memref<10240x128xf32, #tpu.memory_space<vmem_shared>> -> memref<128x128xf32, #tpu.memory_space<vmem_shared>>
      %dma_wait3A_88 = arith.constant 0 : i32
      %dma_wait3A_89 = arith.constant 0 : i32
      %dma_wait3A_90 = tpu.memref_slice %arg8[%dma_wait3A_88, %dma_wait3A_89] : memref<128x128xf32, #tpu.memory_space<vmem>> -> memref<128x128xf32, #tpu.memory_space<vmem>>
      tpu.wait_dma2 semaphore(%run_scoped3A : memref<!tpu.dma_semaphore, #tpu.memory_space<semaphore_mem>>) src(%dma_wait3A_90 : memref<128x128xf32, #tpu.memory_space<vmem>>) dst(%dma_wait3A_87 : memref<128x128xf32, #tpu.memory_space<vmem_shared>>)
      tpu.yield
    }) : () -> ()
    %mul3A_16 = arith.constant 640 : i32
    %mul3A_17 = arith.muli %arg1, %mul3A_16 : i32
    %add3A_18 = arith.constant 256 : i32
    %add3A_19 = arith.addi %mul3A_17, %add3A_18 : i32
    "tpu.region"() ({
      %run_scoped3A = tpu.sem_alloc : memref<!tpu.dma_semaphore, #tpu.memory_space<semaphore_mem>>
      %dma_start3A = arith.constant 0 : i32
      %dma_start3A_73 = arith.constant 0 : i32
      %dma_start3A_74 = tpu.memref_slice %arg8[%dma_start3A, %dma_start3A_73] : memref<128x128xf32, #tpu.memory_space<vmem>> -> memref<128x128xf32, #tpu.memory_space<vmem>>
      %dma_start3A_75 = arith.constant 0 : i32
      %dma_start3A_76 = tpu.memref_slice %arg10[%add3A_19, %dma_start3A_75] : memref<10240x128xf32, #tpu.memory_space<vmem_shared>> -> memref<128x128xf32, #tpu.memory_space<vmem_shared>>
      %dma_start3A_77 = arith.constant 0 : i32
      %dma_start3A_78 = tpu.memref_slice %arg10[%add3A_19, %dma_start3A_77] : memref<10240x128xf32, #tpu.memory_space<vmem_shared>> -> memref<128x128xf32, #tpu.memory_space<vmem_shared>>
      %dma_start3A_79 = arith.constant 0 : i32
      %dma_start3A_80 = arith.constant 0 : i32
      %dma_start3A_81 = tpu.memref_slice %arg8[%dma_start3A_79, %dma_start3A_80] : memref<128x128xf32, #tpu.memory_space<vmem>> -> memref<128x128xf32, #tpu.memory_space<vmem>>
      tpu.enqueue_dma source(%dma_start3A_81 : memref<128x128xf32, #tpu.memory_space<vmem>>) target(%dma_start3A_78 : memref<128x128xf32, #tpu.memory_space<vmem_shared>>) target_semaphore(%run_scoped3A : memref<!tpu.dma_semaphore, #tpu.memory_space<semaphore_mem>>)
      %dma_wait3A = arith.constant 0 : i32
      %dma_wait3A_82 = arith.constant 0 : i32
      %dma_wait3A_83 = tpu.memref_slice %arg8[%dma_wait3A, %dma_wait3A_82] : memref<128x128xf32, #tpu.memory_space<vmem>> -> memref<128x128xf32, #tpu.memory_space<vmem>>
      %dma_wait3A_84 = arith.constant 0 : i32
      %dma_wait3A_85 = tpu.memref_slice %arg10[%add3A_19, %dma_wait3A_84] : memref<10240x128xf32, #tpu.memory_space<vmem_shared>> -> memref<128x128xf32, #tpu.memory_space<vmem_shared>>
      %dma_wait3A_86 = arith.constant 0 : i32
      %dma_wait3A_87 = tpu.memref_slice %arg10[%add3A_19, %dma_wait3A_86] : memref<10240x128xf32, #tpu.memory_space<vmem_shared>> -> memref<128x128xf32, #tpu.memory_space<vmem_shared>>
      %dma_wait3A_88 = arith.constant 0 : i32
      %dma_wait3A_89 = arith.constant 0 : i32
      %dma_wait3A_90 = tpu.memref_slice %arg8[%dma_wait3A_88, %dma_wait3A_89] : memref<128x128xf32, #tpu.memory_space<vmem>> -> memref<128x128xf32, #tpu.memory_space<vmem>>
      tpu.wait_dma2 semaphore(%run_scoped3A : memref<!tpu.dma_semaphore, #tpu.memory_space<semaphore_mem>>) src(%dma_wait3A_90 : memref<128x128xf32, #tpu.memory_space<vmem>>) dst(%dma_wait3A_87 : memref<128x128xf32, #tpu.memory_space<vmem_shared>>)
      tpu.yield
    }) : () -> ()
    %mul3A_20 = arith.constant 640 : i32
    %mul3A_21 = arith.muli %arg1, %mul3A_20 : i32
    %add3A_22 = arith.constant 384 : i32
    %add3A_23 = arith.addi %mul3A_21, %add3A_22 : i32
    "tpu.region"() ({
      %run_scoped3A = tpu.sem_alloc : memref<!tpu.dma_semaphore, #tpu.memory_space<semaphore_mem>>
      %dma_start3A = arith.constant 0 : i32
      %dma_start3A_73 = arith.constant 0 : i32
      %dma_start3A_74 = tpu.memref_slice %arg8[%dma_start3A, %dma_start3A_73] : memref<128x128xf32, #tpu.memory_space<vmem>> -> memref<128x128xf32, #tpu.memory_space<vmem>>
      %dma_start3A_75 = arith.constant 0 : i32
      %dma_start3A_76 = tpu.memref_slice %arg10[%add3A_23, %dma_start3A_75] : memref<10240x128xf32, #tpu.memory_space<vmem_shared>> -> memref<128x128xf32, #tpu.memory_space<vmem_shared>>
      %dma_start3A_77 = arith.constant 0 : i32
      %dma_start3A_78 = tpu.memref_slice %arg10[%add3A_23, %dma_start3A_77] : memref<10240x128xf32, #tpu.memory_space<vmem_shared>> -> memref<128x128xf32, #tpu.memory_space<vmem_shared>>
      %dma_start3A_79 = arith.constant 0 : i32
      %dma_start3A_80 = arith.constant 0 : i32
      %dma_start3A_81 = tpu.memref_slice %arg8[%dma_start3A_79, %dma_start3A_80] : memref<128x128xf32, #tpu.memory_space<vmem>> -> memref<128x128xf32, #tpu.memory_space<vmem>>
      tpu.enqueue_dma source(%dma_start3A_81 : memref<128x128xf32, #tpu.memory_space<vmem>>) target(%dma_start3A_78 : memref<128x128xf32, #tpu.memory_space<vmem_shared>>) target_semaphore(%run_scoped3A : memref<!tpu.dma_semaphore, #tpu.memory_space<semaphore_mem>>)
      %dma_wait3A = arith.constant 0 : i32
      %dma_wait3A_82 = arith.constant 0 : i32
      %dma_wait3A_83 = tpu.memref_slice %arg8[%dma_wait3A, %dma_wait3A_82] : memref<128x128xf32, #tpu.memory_space<vmem>> -> memref<128x128xf32, #tpu.memory_space<vmem>>
      %dma_wait3A_84 = arith.constant 0 : i32
      %dma_wait3A_85 = tpu.memref_slice %arg10[%add3A_23, %dma_wait3A_84] : memref<10240x128xf32, #tpu.memory_space<vmem_shared>> -> memref<128x128xf32, #tpu.memory_space<vmem_shared>>
      %dma_wait3A_86 = arith.constant 0 : i32
      %dma_wait3A_87 = tpu.memref_slice %arg10[%add3A_23, %dma_wait3A_86] : memref<10240x128xf32, #tpu.memory_space<vmem_shared>> -> memref<128x128xf32, #tpu.memory_space<vmem_shared>>
      %dma_wait3A_88 = arith.constant 0 : i32
      %dma_wait3A_89 = arith.constant 0 : i32
      %dma_wait3A_90 = tpu.memref_slice %arg8[%dma_wait3A_88, %dma_wait3A_89] : memref<128x128xf32, #tpu.memory_space<vmem>> -> memref<128x128xf32, #tpu.memory_space<vmem>>
      tpu.wait_dma2 semaphore(%run_scoped3A : memref<!tpu.dma_semaphore, #tpu.memory_space<semaphore_mem>>) src(%dma_wait3A_90 : memref<128x128xf32, #tpu.memory_space<vmem>>) dst(%dma_wait3A_87 : memref<128x128xf32, #tpu.memory_space<vmem_shared>>)
      tpu.yield
    }) : () -> ()
    %mul3A_24 = arith.constant 640 : i32
    %mul3A_25 = arith.muli %arg1, %mul3A_24 : i32
    %add3A_26 = arith.constant 512 : i32
    %add3A_27 = arith.addi %mul3A_25, %add3A_26 : i32
    "tpu.region"() ({
      %run_scoped3A = tpu.sem_alloc : memref<!tpu.dma_semaphore, #tpu.memory_space<semaphore_mem>>
      %dma_start3A = arith.constant 0 : i32
      %dma_start3A_73 = arith.constant 0 : i32
      %dma_start3A_74 = tpu.memref_slice %arg8[%dma_start3A, %dma_start3A_73] : memref<128x128xf32, #tpu.memory_space<vmem>> -> memref<128x128xf32, #tpu.memory_space<vmem>>
      %dma_start3A_75 = arith.constant 0 : i32
      %dma_start3A_76 = tpu.memref_slice %arg10[%add3A_27, %dma_start3A_75] : memref<10240x128xf32, #tpu.memory_space<vmem_shared>> -> memref<128x128xf32, #tpu.memory_space<vmem_shared>>
      %dma_start3A_77 = arith.constant 0 : i32
      %dma_start3A_78 = tpu.memref_slice %arg10[%add3A_27, %dma_start3A_77] : memref<10240x128xf32, #tpu.memory_space<vmem_shared>> -> memref<128x128xf32, #tpu.memory_space<vmem_shared>>
      %dma_start3A_79 = arith.constant 0 : i32
      %dma_start3A_80 = arith.constant 0 : i32
      %dma_start3A_81 = tpu.memref_slice %arg8[%dma_start3A_79, %dma_start3A_80] : memref<128x128xf32, #tpu.memory_space<vmem>> -> memref<128x128xf32, #tpu.memory_space<vmem>>
      tpu.enqueue_dma source(%dma_start3A_81 : memref<128x128xf32, #tpu.memory_space<vmem>>) target(%dma_start3A_78 : memref<128x128xf32, #tpu.memory_space<vmem_shared>>) target_semaphore(%run_scoped3A : memref<!tpu.dma_semaphore, #tpu.memory_space<semaphore_mem>>)
      %dma_wait3A = arith.constant 0 : i32
      %dma_wait3A_82 = arith.constant 0 : i32
      %dma_wait3A_83 = tpu.memref_slice %arg8[%dma_wait3A, %dma_wait3A_82] : memref<128x128xf32, #tpu.memory_space<vmem>> -> memref<128x128xf32, #tpu.memory_space<vmem>>
      %dma_wait3A_84 = arith.constant 0 : i32
      %dma_wait3A_85 = tpu.memref_slice %arg10[%add3A_27, %dma_wait3A_84] : memref<10240x128xf32, #tpu.memory_space<vmem_shared>> -> memref<128x128xf32, #tpu.memory_space<vmem_shared>>
      %dma_wait3A_86 = arith.constant 0 : i32
      %dma_wait3A_87 = tpu.memref_slice %arg10[%add3A_27, %dma_wait3A_86] : memref<10240x128xf32, #tpu.memory_space<vmem_shared>> -> memref<128x128xf32, #tpu.memory_space<vmem_shared>>
      %dma_wait3A_88 = arith.constant 0 : i32
      %dma_wait3A_89 = arith.constant 0 : i32
      %dma_wait3A_90 = tpu.memref_slice %arg8[%dma_wait3A_88, %dma_wait3A_89] : memref<128x128xf32, #tpu.memory_space<vmem>> -> memref<128x128xf32, #tpu.memory_space<vmem>>
      tpu.wait_dma2 semaphore(%run_scoped3A : memref<!tpu.dma_semaphore, #tpu.memory_space<semaphore_mem>>) src(%dma_wait3A_90 : memref<128x128xf32, #tpu.memory_space<vmem>>) dst(%dma_wait3A_87 : memref<128x128xf32, #tpu.memory_space<vmem_shared>>)
      tpu.yield
    }) : () -> ()
    %barrier3A = arith.constant 0 : index
    tpu.barrier barrier_id(%barrier3A)
    %eq3A = arith.constant 0 : i32
    %eq3A_28 = arith.cmpi eq, %arg0, %eq3A : i32
    %jit3A = arith.constant 152 : i32
    %jit3A_29 = arith.constant 8 : i32
    %select_n3A = arith.select %eq3A_28, %jit3A, %jit3A_29 : i32
    %eq3A_30 = arith.constant 0 : i32
    %eq3A_31 = arith.cmpi eq, %arg0, %eq3A_30 : i32
    %mul3A_32 = arith.constant 152 : i32
    %mul3A_33 = arith.muli %arg1, %mul3A_32 : i32
    %mul3A_34 = arith.constant 8 : i32
    %mul3A_35 = arith.muli %arg1, %mul3A_34 : i32
    %add3A_36 = arith.constant 2432 : i32
    %add3A_37 = arith.addi %add3A_36, %mul3A_35 : i32
    %select_n3A_38 = arith.select %eq3A_31, %mul3A_33, %add3A_37 : i32
    %jit3A_39 = arith.constant 8 : i32
    %div3A = arith.divsi %select_n3A, %jit3A_39 : i32
    %sign3A = arith.constant 0 : i32
    %sign3A_40 = arith.cmpi sgt, %select_n3A, %sign3A : i32
    %sign3A_41 = arith.extui %sign3A_40 : i1 to i32
    %sign3A_42 = arith.constant 0 : i32
    %sign3A_43 = arith.cmpi slt, %select_n3A, %sign3A_42 : i32
    %sign3A_44 = arith.extui %sign3A_43 : i1 to i32
    %sign3A_45 = arith.subi %sign3A_41, %sign3A_44 : i32
    %sign3A_46 = arith.constant 0 : i32
    %sign3A_47 = arith.cmpi sgt, %jit3A_39, %sign3A_46 : i32
    %sign3A_48 = arith.extui %sign3A_47 : i1 to i32
    %sign3A_49 = arith.constant 0 : i32
    %sign3A_50 = arith.cmpi slt, %jit3A_39, %sign3A_49 : i32
    %sign3A_51 = arith.extui %sign3A_50 : i1 to i32
    %sign3A_52 = arith.subi %sign3A_48, %sign3A_51 : i32
    %ne3A = arith.cmpi ne, %sign3A_45, %sign3A_52 : i32
    %rem3A = arith.remsi %select_n3A, %jit3A_39 : i32
    %ne3A_53 = arith.constant 0 : i32
    %ne3A_54 = arith.cmpi ne, %rem3A, %ne3A_53 : i32
    %and3A = arith.andi %ne3A, %ne3A_54 : i1
    %sub3A = arith.constant 1 : i32
    %sub3A_55 = arith.subi %div3A, %sub3A : i32
    %select_n3A_56 = arith.select %and3A, %sub3A_55, %div3A : i32
    %while3A = arith.constant 0 : i32
    %while3A_57 = arith.constant 0 : i32
    %while3A_58 = arith.subi %select_n3A_56, %while3A : i32
    %while3A_59 = arith.addi %while3A, %while3A_58 : i32
    %while3A_60 = arith.constant 1 : i32
    %while3A_61 = arith.divsi %while3A_58, %while3A_60 : i32
    %while3A_62 = arith.muli %while3A_61, %while3A_60 : i32
    %while3A_63 = arith.addi %while3A, %while3A_62 : i32
    %while3A_64 = arith.constant 1 : i32
    %while3A_65 = scf.for %while3A_73 = %while3A to %while3A_63 step %while3A_64 iter_args(%while3A_74 = %while3A_57) -> (i32)  : i32 {
      %mul3A_75 = arith.constant 8 : i32
      %mul3A_76 = arith.muli %while3A_73, %mul3A_75 : i32
      %add3A_77 = arith.addi %select_n3A_38, %mul3A_76 : i32
      "tpu.region"() ({
        %run_scoped3A_404 = tpu.sem_alloc : memref<!tpu.dma_semaphore, #tpu.memory_space<semaphore_mem>>
        %dma_start3A_405 = arith.constant 0 : i32
        %dma_start3A_406 = tpu.memref_slice %arg3[%add3A_77, %dma_start3A_405] : memref<2560x128xi32, #tpu.memory_space<hbm>> -> memref<8x128xi32, #tpu.memory_space<hbm>>
        %dma_start3A_407 = arith.constant 0 : i32
        %dma_start3A_408 = tpu.memref_slice %arg3[%add3A_77, %dma_start3A_407] : memref<2560x128xi32, #tpu.memory_space<hbm>> -> memref<8x128xi32, #tpu.memory_space<hbm>>
        tpu.enqueue_dma source(%dma_start3A_408 : memref<8x128xi32, #tpu.memory_space<hbm>>) target(%arg6 : memref<8x128xi32, #tpu.memory_space<vmem>>) target_semaphore(%run_scoped3A_404 : memref<!tpu.dma_semaphore, #tpu.memory_space<semaphore_mem>>)
        %dma_wait3A_409 = arith.constant 0 : i32
        %dma_wait3A_410 = tpu.memref_slice %arg3[%add3A_77, %dma_wait3A_409] : memref<2560x128xi32, #tpu.memory_space<hbm>> -> memref<8x128xi32, #tpu.memory_space<hbm>>
        %dma_wait3A_411 = arith.constant 0 : i32
        %dma_wait3A_412 = tpu.memref_slice %arg3[%add3A_77, %dma_wait3A_411] : memref<2560x128xi32, #tpu.memory_space<hbm>> -> memref<8x128xi32, #tpu.memory_space<hbm>>
        tpu.wait_dma2 semaphore(%run_scoped3A_404 : memref<!tpu.dma_semaphore, #tpu.memory_space<semaphore_mem>>) src(%dma_wait3A_412 : memref<8x128xi32, #tpu.memory_space<hbm>>) dst(%arg6 : memref<8x128xi32, #tpu.memory_space<vmem>>)
        tpu.yield
      }) : () -> ()
      "tpu.region"() ({
        %run_scoped3A_404 = tpu.sem_alloc : memref<!tpu.dma_semaphore, #tpu.memory_space<semaphore_mem>>
        %dma_start3A_405 = arith.constant 0 : i32
        %dma_start3A_406 = tpu.memref_slice %arg4[%add3A_77, %dma_start3A_405] : memref<2560x128xi32, #tpu.memory_space<hbm>> -> memref<8x128xi32, #tpu.memory_space<hbm>>
        %dma_start3A_407 = arith.constant 0 : i32
        %dma_start3A_408 = tpu.memref_slice %arg4[%add3A_77, %dma_start3A_407] : memref<2560x128xi32, #tpu.memory_space<hbm>> -> memref<8x128xi32, #tpu.memory_space<hbm>>
        tpu.enqueue_dma source(%dma_start3A_408 : memref<8x128xi32, #tpu.memory_space<hbm>>) target(%arg7 : memref<8x128xi32, #tpu.memory_space<vmem>>) target_semaphore(%run_scoped3A_404 : memref<!tpu.dma_semaphore, #tpu.memory_space<semaphore_mem>>)
        %dma_wait3A_409 = arith.constant 0 : i32
        %dma_wait3A_410 = tpu.memref_slice %arg4[%add3A_77, %dma_wait3A_409] : memref<2560x128xi32, #tpu.memory_space<hbm>> -> memref<8x128xi32, #tpu.memory_space<hbm>>
        %dma_wait3A_411 = arith.constant 0 : i32
        %dma_wait3A_412 = tpu.memref_slice %arg4[%add3A_77, %dma_wait3A_411] : memref<2560x128xi32, #tpu.memory_space<hbm>> -> memref<8x128xi32, #tpu.memory_space<hbm>>
        tpu.wait_dma2 semaphore(%run_scoped3A_404 : memref<!tpu.dma_semaphore, #tpu.memory_space<semaphore_mem>>) src(%dma_wait3A_412 : memref<8x128xi32, #tpu.memory_space<hbm>>) dst(%arg7 : memref<8x128xi32, #tpu.memory_space<vmem>>)
        tpu.yield
      }) : () -> ()
      %dma_start3A = arith.constant 0 : i32
      %dma_start3A_78 = arith.constant 0 : i32
      %dma_start3A_79 = arith.constant 0 : i32
      %dma_start3A_80 = tpu.memref_slice %arg8[%dma_start3A_78, %dma_start3A_79] : memref<128x128xf32, #tpu.memory_space<vmem>> -> memref<64x128xf32, #tpu.memory_space<vmem>>
      %dma_start3A_81 = arith.constant 0 : i32
      %dma_start3A_82 = tpu.memref_slice %arg6[%dma_start3A, %dma_start3A_81] : memref<8x128xi32, #tpu.memory_space<vmem>> -> memref<1x64xi32, #tpu.memory_space<vmem>>
      %dma_start3A_83 = tpu.memref_squeeze %dma_start3A_82 : memref<1x64xi32, #tpu.memory_space<vmem>> -> memref<64xi32, #tpu.memory_space<vmem>>
      %dma_start3A_84 = arith.constant 0 : i32
      %dma_start3A_85 = arith.constant 0 : i32
      %dma_start3A_86 = tpu.memref_slice %arg2[%dma_start3A_84, %dma_start3A_85] : memref<10240x128xf32, #tpu.memory_space<hbm>> -> memref<10240x128xf32, #tpu.memory_space<hbm>>
      tpu.enqueue_indirect_dma source(%dma_start3A_86 : memref<10240x128xf32, #tpu.memory_space<hbm>>) target(%dma_start3A_80 : memref<64x128xf32, #tpu.memory_space<vmem>>) offsets(%dma_start3A_83 : memref<64xi32, #tpu.memory_space<vmem>>) semaphore(%arg11 : memref<!tpu.dma_semaphore, #tpu.memory_space<semaphore_mem>>)
      %dma_start3A_87 = arith.constant 0 : i32
      %dma_start3A_88 = arith.constant 64 : i32
      %dma_start3A_89 = arith.constant 0 : i32
      %dma_start3A_90 = tpu.memref_slice %arg8[%dma_start3A_88, %dma_start3A_89] : memref<128x128xf32, #tpu.memory_space<vmem>> -> memref<64x128xf32, #tpu.memory_space<vmem>>
      %dma_start3A_91 = arith.constant 64 : i32
      %dma_start3A_92 = tpu.memref_slice %arg6[%dma_start3A_87, %dma_start3A_91] : memref<8x128xi32, #tpu.memory_space<vmem>> -> memref<1x64xi32, #tpu.memory_space<vmem>>
      %dma_start3A_93 = tpu.memref_squeeze %dma_start3A_92 : memref<1x64xi32, #tpu.memory_space<vmem>> -> memref<64xi32, #tpu.memory_space<vmem>>
      %dma_start3A_94 = arith.constant 0 : i32
      %dma_start3A_95 = arith.constant 0 : i32
      %dma_start3A_96 = tpu.memref_slice %arg2[%dma_start3A_94, %dma_start3A_95] : memref<10240x128xf32, #tpu.memory_space<hbm>> -> memref<10240x128xf32, #tpu.memory_space<hbm>>
      tpu.enqueue_indirect_dma source(%dma_start3A_96 : memref<10240x128xf32, #tpu.memory_space<hbm>>) target(%dma_start3A_90 : memref<64x128xf32, #tpu.memory_space<vmem>>) offsets(%dma_start3A_93 : memref<64xi32, #tpu.memory_space<vmem>>) semaphore(%arg11 : memref<!tpu.dma_semaphore, #tpu.memory_space<semaphore_mem>>)
      %dma_start3A_97 = arith.constant 1 : i32
      %dma_start3A_98 = arith.constant 0 : i32
      %dma_start3A_99 = arith.constant 0 : i32
      %dma_start3A_100 = tpu.memref_slice %arg9[%dma_start3A_98, %dma_start3A_99] : memref<128x128xf32, #tpu.memory_space<vmem>> -> memref<64x128xf32, #tpu.memory_space<vmem>>
      %dma_start3A_101 = arith.constant 0 : i32
      %dma_start3A_102 = tpu.memref_slice %arg6[%dma_start3A_97, %dma_start3A_101] : memref<8x128xi32, #tpu.memory_space<vmem>> -> memref<1x64xi32, #tpu.memory_space<vmem>>
      %dma_start3A_103 = tpu.memref_squeeze %dma_start3A_102 : memref<1x64xi32, #tpu.memory_space<vmem>> -> memref<64xi32, #tpu.memory_space<vmem>>
      %dma_start3A_104 = arith.constant 0 : i32
      %dma_start3A_105 = arith.constant 0 : i32
      %dma_start3A_106 = tpu.memref_slice %arg2[%dma_start3A_104, %dma_start3A_105] : memref<10240x128xf32, #tpu.memory_space<hbm>> -> memref<10240x128xf32, #tpu.memory_space<hbm>>
      tpu.enqueue_indirect_dma source(%dma_start3A_106 : memref<10240x128xf32, #tpu.memory_space<hbm>>) target(%dma_start3A_100 : memref<64x128xf32, #tpu.memory_space<vmem>>) offsets(%dma_start3A_103 : memref<64xi32, #tpu.memory_space<vmem>>) semaphore(%arg11 : memref<!tpu.dma_semaphore, #tpu.memory_space<semaphore_mem>>)
      %dma_start3A_107 = arith.constant 1 : i32
      %dma_start3A_108 = arith.constant 64 : i32
      %dma_start3A_109 = arith.constant 0 : i32
      %dma_start3A_110 = tpu.memref_slice %arg9[%dma_start3A_108, %dma_start3A_109] : memref<128x128xf32, #tpu.memory_space<vmem>> -> memref<64x128xf32, #tpu.memory_space<vmem>>
      %dma_start3A_111 = arith.constant 64 : i32
      %dma_start3A_112 = tpu.memref_slice %arg6[%dma_start3A_107, %dma_start3A_111] : memref<8x128xi32, #tpu.memory_space<vmem>> -> memref<1x64xi32, #tpu.memory_space<vmem>>
      %dma_start3A_113 = tpu.memref_squeeze %dma_start3A_112 : memref<1x64xi32, #tpu.memory_space<vmem>> -> memref<64xi32, #tpu.memory_space<vmem>>
      %dma_start3A_114 = arith.constant 0 : i32
      %dma_start3A_115 = arith.constant 0 : i32
      %dma_start3A_116 = tpu.memref_slice %arg2[%dma_start3A_114, %dma_start3A_115] : memref<10240x128xf32, #tpu.memory_space<hbm>> -> memref<10240x128xf32, #tpu.memory_space<hbm>>
      tpu.enqueue_indirect_dma source(%dma_start3A_116 : memref<10240x128xf32, #tpu.memory_space<hbm>>) target(%dma_start3A_110 : memref<64x128xf32, #tpu.memory_space<vmem>>) offsets(%dma_start3A_113 : memref<64xi32, #tpu.memory_space<vmem>>) semaphore(%arg11 : memref<!tpu.dma_semaphore, #tpu.memory_space<semaphore_mem>>)
      %dma_wait3A = arith.constant 0 : i32
      %dma_wait3A_117 = arith.constant 0 : i32
      %dma_wait3A_118 = arith.constant 0 : i32
      %dma_wait3A_119 = tpu.memref_slice %arg8[%dma_wait3A_117, %dma_wait3A_118] : memref<128x128xf32, #tpu.memory_space<vmem>> -> memref<64x128xf32, #tpu.memory_space<vmem>>
      %dma_wait3A_120 = arith.constant 0 : i32
      %dma_wait3A_121 = tpu.memref_slice %arg6[%dma_wait3A, %dma_wait3A_120] : memref<8x128xi32, #tpu.memory_space<vmem>> -> memref<1x64xi32, #tpu.memory_space<vmem>>
      %dma_wait3A_122 = tpu.memref_squeeze %dma_wait3A_121 : memref<1x64xi32, #tpu.memory_space<vmem>> -> memref<64xi32, #tpu.memory_space<vmem>>
      %dma_wait3A_123 = arith.constant 0 : i32
      %dma_wait3A_124 = arith.constant 0 : i32
      %dma_wait3A_125 = tpu.memref_slice %arg2[%dma_wait3A_123, %dma_wait3A_124] : memref<10240x128xf32, #tpu.memory_space<hbm>> -> memref<10240x128xf32, #tpu.memory_space<hbm>>
      tpu.wait_indirect_dma semaphore(%arg11 : memref<!tpu.dma_semaphore, #tpu.memory_space<semaphore_mem>>) src(%dma_wait3A_125 : memref<10240x128xf32, #tpu.memory_space<hbm>>) dst(%dma_wait3A_119 : memref<64x128xf32, #tpu.memory_space<vmem>>)
      %dma_wait3A_126 = arith.constant 0 : i32
      %dma_wait3A_127 = arith.constant 64 : i32
      %dma_wait3A_128 = arith.constant 0 : i32
      %dma_wait3A_129 = tpu.memref_slice %arg8[%dma_wait3A_127, %dma_wait3A_128] : memref<128x128xf32, #tpu.memory_space<vmem>> -> memref<64x128xf32, #tpu.memory_space<vmem>>
      %dma_wait3A_130 = arith.constant 64 : i32
      %dma_wait3A_131 = tpu.memref_slice %arg6[%dma_wait3A_126, %dma_wait3A_130] : memref<8x128xi32, #tpu.memory_space<vmem>> -> memref<1x64xi32, #tpu.memory_space<vmem>>
      %dma_wait3A_132 = tpu.memref_squeeze %dma_wait3A_131 : memref<1x64xi32, #tpu.memory_space<vmem>> -> memref<64xi32, #tpu.memory_space<vmem>>
      %dma_wait3A_133 = arith.constant 0 : i32
      %dma_wait3A_134 = arith.constant 0 : i32
      %dma_wait3A_135 = tpu.memref_slice %arg2[%dma_wait3A_133, %dma_wait3A_134] : memref<10240x128xf32, #tpu.memory_space<hbm>> -> memref<10240x128xf32, #tpu.memory_space<hbm>>
      tpu.wait_indirect_dma semaphore(%arg11 : memref<!tpu.dma_semaphore, #tpu.memory_space<semaphore_mem>>) src(%dma_wait3A_135 : memref<10240x128xf32, #tpu.memory_space<hbm>>) dst(%dma_wait3A_129 : memref<64x128xf32, #tpu.memory_space<vmem>>)
      %run_scoped3A = arith.constant 0 : i32
      "tpu.region"() ({
        %run_scoped3A_404 = tpu.sem_alloc : memref<!tpu.dma_semaphore, #tpu.memory_space<semaphore_mem>>
        %dma_start3A_405 = arith.constant 0 : i32
        %dma_start3A_406 = tpu.memref_slice %arg7[%run_scoped3A, %dma_start3A_405] : memref<8x128xi32, #tpu.memory_space<vmem>> -> memref<1x128xi32, #tpu.memory_space<vmem>>
        %dma_start3A_407 = tpu.memref_squeeze %dma_start3A_406 : memref<1x128xi32, #tpu.memory_space<vmem>> -> memref<128xi32, #tpu.memory_space<vmem>>
        %dma_start3A_408 = arith.constant 0 : i32
        %dma_start3A_409 = arith.constant 0 : i32
        %dma_start3A_410 = tpu.memref_slice %arg10[%dma_start3A_408, %dma_start3A_409] : memref<10240x128xf32, #tpu.memory_space<vmem_shared>> -> memref<10240x128xf32, #tpu.memory_space<vmem_shared>>
        tpu.enqueue_indirect_dma source(%arg8 : memref<128x128xf32, #tpu.memory_space<vmem>>) target(%dma_start3A_410 : memref<10240x128xf32, #tpu.memory_space<vmem_shared>>) offsets(%dma_start3A_407 : memref<128xi32, #tpu.memory_space<vmem>>) semaphore(%run_scoped3A_404 : memref<!tpu.dma_semaphore, #tpu.memory_space<semaphore_mem>>) {add = true}
        %dma_wait3A_411 = arith.constant 0 : i32
        %dma_wait3A_412 = tpu.memref_slice %arg7[%run_scoped3A, %dma_wait3A_411] : memref<8x128xi32, #tpu.memory_space<vmem>> -> memref<1x128xi32, #tpu.memory_space<vmem>>
        %dma_wait3A_413 = tpu.memref_squeeze %dma_wait3A_412 : memref<1x128xi32, #tpu.memory_space<vmem>> -> memref<128xi32, #tpu.memory_space<vmem>>
        %dma_wait3A_414 = arith.constant 0 : i32
        %dma_wait3A_415 = arith.constant 0 : i32
        %dma_wait3A_416 = tpu.memref_slice %arg10[%dma_wait3A_414, %dma_wait3A_415] : memref<10240x128xf32, #tpu.memory_space<vmem_shared>> -> memref<10240x128xf32, #tpu.memory_space<vmem_shared>>
        tpu.wait_indirect_dma semaphore(%run_scoped3A_404 : memref<!tpu.dma_semaphore, #tpu.memory_space<semaphore_mem>>) src(%arg8 : memref<128x128xf32, #tpu.memory_space<vmem>>) dst(%dma_wait3A_416 : memref<10240x128xf32, #tpu.memory_space<vmem_shared>>)
        tpu.yield
      }) : () -> ()
      %dma_start3A_136 = arith.constant 2 : i32
      %dma_start3A_137 = arith.constant 0 : i32
      %dma_start3A_138 = arith.constant 0 : i32
      %dma_start3A_139 = tpu.memref_slice %arg8[%dma_start3A_137, %dma_start3A_138] : memref<128x128xf32, #tpu.memory_space<vmem>> -> memref<64x128xf32, #tpu.memory_space<vmem>>
      %dma_start3A_140 = arith.constant 0 : i32
      %dma_start3A_141 = tpu.memref_slice %arg6[%dma_start3A_136, %dma_start3A_140] : memref<8x128xi32, #tpu.memory_space<vmem>> -> memref<1x64xi32, #tpu.memory_space<vmem>>
      %dma_start3A_142 = tpu.memref_squeeze %dma_start3A_141 : memref<1x64xi32, #tpu.memory_space<vmem>> -> memref<64xi32, #tpu.memory_space<vmem>>
      %dma_start3A_143 = arith.constant 0 : i32
      %dma_start3A_144 = arith.constant 0 : i32
      %dma_start3A_145 = tpu.memref_slice %arg2[%dma_start3A_143, %dma_start3A_144] : memref<10240x128xf32, #tpu.memory_space<hbm>> -> memref<10240x128xf32, #tpu.memory_space<hbm>>
      tpu.enqueue_indirect_dma source(%dma_start3A_145 : memref<10240x128xf32, #tpu.memory_space<hbm>>) target(%dma_start3A_139 : memref<64x128xf32, #tpu.memory_space<vmem>>) offsets(%dma_start3A_142 : memref<64xi32, #tpu.memory_space<vmem>>) semaphore(%arg11 : memref<!tpu.dma_semaphore, #tpu.memory_space<semaphore_mem>>)
      %dma_start3A_146 = arith.constant 2 : i32
      %dma_start3A_147 = arith.constant 64 : i32
      %dma_start3A_148 = arith.constant 0 : i32
      %dma_start3A_149 = tpu.memref_slice %arg8[%dma_start3A_147, %dma_start3A_148] : memref<128x128xf32, #tpu.memory_space<vmem>> -> memref<64x128xf32, #tpu.memory_space<vmem>>
      %dma_start3A_150 = arith.constant 64 : i32
      %dma_start3A_151 = tpu.memref_slice %arg6[%dma_start3A_146, %dma_start3A_150] : memref<8x128xi32, #tpu.memory_space<vmem>> -> memref<1x64xi32, #tpu.memory_space<vmem>>
      %dma_start3A_152 = tpu.memref_squeeze %dma_start3A_151 : memref<1x64xi32, #tpu.memory_space<vmem>> -> memref<64xi32, #tpu.memory_space<vmem>>
      %dma_start3A_153 = arith.constant 0 : i32
      %dma_start3A_154 = arith.constant 0 : i32
      %dma_start3A_155 = tpu.memref_slice %arg2[%dma_start3A_153, %dma_start3A_154] : memref<10240x128xf32, #tpu.memory_space<hbm>> -> memref<10240x128xf32, #tpu.memory_space<hbm>>
      tpu.enqueue_indirect_dma source(%dma_start3A_155 : memref<10240x128xf32, #tpu.memory_space<hbm>>) target(%dma_start3A_149 : memref<64x128xf32, #tpu.memory_space<vmem>>) offsets(%dma_start3A_152 : memref<64xi32, #tpu.memory_space<vmem>>) semaphore(%arg11 : memref<!tpu.dma_semaphore, #tpu.memory_space<semaphore_mem>>)
      %dma_wait3A_156 = arith.constant 1 : i32
      %dma_wait3A_157 = arith.constant 0 : i32
      %dma_wait3A_158 = arith.constant 0 : i32
      %dma_wait3A_159 = tpu.memref_slice %arg9[%dma_wait3A_157, %dma_wait3A_158] : memref<128x128xf32, #tpu.memory_space<vmem>> -> memref<64x128xf32, #tpu.memory_space<vmem>>
      %dma_wait3A_160 = arith.constant 0 : i32
      %dma_wait3A_161 = tpu.memref_slice %arg6[%dma_wait3A_156, %dma_wait3A_160] : memref<8x128xi32, #tpu.memory_space<vmem>> -> memref<1x64xi32, #tpu.memory_space<vmem>>
      %dma_wait3A_162 = tpu.memref_squeeze %dma_wait3A_161 : memref<1x64xi32, #tpu.memory_space<vmem>> -> memref<64xi32, #tpu.memory_space<vmem>>
      %dma_wait3A_163 = arith.constant 0 : i32
      %dma_wait3A_164 = arith.constant 0 : i32
      %dma_wait3A_165 = tpu.memref_slice %arg2[%dma_wait3A_163, %dma_wait3A_164] : memref<10240x128xf32, #tpu.memory_space<hbm>> -> memref<10240x128xf32, #tpu.memory_space<hbm>>
      tpu.wait_indirect_dma semaphore(%arg11 : memref<!tpu.dma_semaphore, #tpu.memory_space<semaphore_mem>>) src(%dma_wait3A_165 : memref<10240x128xf32, #tpu.memory_space<hbm>>) dst(%dma_wait3A_159 : memref<64x128xf32, #tpu.memory_space<vmem>>)
      %dma_wait3A_166 = arith.constant 1 : i32
      %dma_wait3A_167 = arith.constant 64 : i32
      %dma_wait3A_168 = arith.constant 0 : i32
      %dma_wait3A_169 = tpu.memref_slice %arg9[%dma_wait3A_167, %dma_wait3A_168] : memref<128x128xf32, #tpu.memory_space<vmem>> -> memref<64x128xf32, #tpu.memory_space<vmem>>
      %dma_wait3A_170 = arith.constant 64 : i32
      %dma_wait3A_171 = tpu.memref_slice %arg6[%dma_wait3A_166, %dma_wait3A_170] : memref<8x128xi32, #tpu.memory_space<vmem>> -> memref<1x64xi32, #tpu.memory_space<vmem>>
      %dma_wait3A_172 = tpu.memref_squeeze %dma_wait3A_171 : memref<1x64xi32, #tpu.memory_space<vmem>> -> memref<64xi32, #tpu.memory_space<vmem>>
      %dma_wait3A_173 = arith.constant 0 : i32
      %dma_wait3A_174 = arith.constant 0 : i32
      %dma_wait3A_175 = tpu.memref_slice %arg2[%dma_wait3A_173, %dma_wait3A_174] : memref<10240x128xf32, #tpu.memory_space<hbm>> -> memref<10240x128xf32, #tpu.memory_space<hbm>>
      tpu.wait_indirect_dma semaphore(%arg11 : memref<!tpu.dma_semaphore, #tpu.memory_space<semaphore_mem>>) src(%dma_wait3A_175 : memref<10240x128xf32, #tpu.memory_space<hbm>>) dst(%dma_wait3A_169 : memref<64x128xf32, #tpu.memory_space<vmem>>)
      %run_scoped3A_176 = arith.constant 1 : i32
      "tpu.region"() ({
        %run_scoped3A_404 = tpu.sem_alloc : memref<!tpu.dma_semaphore, #tpu.memory_space<semaphore_mem>>
        %dma_start3A_405 = arith.constant 0 : i32
        %dma_start3A_406 = tpu.memref_slice %arg7[%run_scoped3A_176, %dma_start3A_405] : memref<8x128xi32, #tpu.memory_space<vmem>> -> memref<1x128xi32, #tpu.memory_space<vmem>>
        %dma_start3A_407 = tpu.memref_squeeze %dma_start3A_406 : memref<1x128xi32, #tpu.memory_space<vmem>> -> memref<128xi32, #tpu.memory_space<vmem>>
        %dma_start3A_408 = arith.constant 0 : i32
        %dma_start3A_409 = arith.constant 0 : i32
        %dma_start3A_410 = tpu.memref_slice %arg10[%dma_start3A_408, %dma_start3A_409] : memref<10240x128xf32, #tpu.memory_space<vmem_shared>> -> memref<10240x128xf32, #tpu.memory_space<vmem_shared>>
        tpu.enqueue_indirect_dma source(%arg9 : memref<128x128xf32, #tpu.memory_space<vmem>>) target(%dma_start3A_410 : memref<10240x128xf32, #tpu.memory_space<vmem_shared>>) offsets(%dma_start3A_407 : memref<128xi32, #tpu.memory_space<vmem>>) semaphore(%run_scoped3A_404 : memref<!tpu.dma_semaphore, #tpu.memory_space<semaphore_mem>>) {add = true}
        %dma_wait3A_411 = arith.constant 0 : i32
        %dma_wait3A_412 = tpu.memref_slice %arg7[%run_scoped3A_176, %dma_wait3A_411] : memref<8x128xi32, #tpu.memory_space<vmem>> -> memref<1x128xi32, #tpu.memory_space<vmem>>
        %dma_wait3A_413 = tpu.memref_squeeze %dma_wait3A_412 : memref<1x128xi32, #tpu.memory_space<vmem>> -> memref<128xi32, #tpu.memory_space<vmem>>
        %dma_wait3A_414 = arith.constant 0 : i32
        %dma_wait3A_415 = arith.constant 0 : i32
        %dma_wait3A_416 = tpu.memref_slice %arg10[%dma_wait3A_414, %dma_wait3A_415] : memref<10240x128xf32, #tpu.memory_space<vmem_shared>> -> memref<10240x128xf32, #tpu.memory_space<vmem_shared>>
        tpu.wait_indirect_dma semaphore(%run_scoped3A_404 : memref<!tpu.dma_semaphore, #tpu.memory_space<semaphore_mem>>) src(%arg9 : memref<128x128xf32, #tpu.memory_space<vmem>>) dst(%dma_wait3A_416 : memref<10240x128xf32, #tpu.memory_space<vmem_shared>>)
        tpu.yield
      }) : () -> ()
      %dma_start3A_177 = arith.constant 3 : i32
      %dma_start3A_178 = arith.constant 0 : i32
      %dma_start3A_179 = arith.constant 0 : i32
      %dma_start3A_180 = tpu.memref_slice %arg9[%dma_start3A_178, %dma_start3A_179] : memref<128x128xf32, #tpu.memory_space<vmem>> -> memref<64x128xf32, #tpu.memory_space<vmem>>
      %dma_start3A_181 = arith.constant 0 : i32
      %dma_start3A_182 = tpu.memref_slice %arg6[%dma_start3A_177, %dma_start3A_181] : memref<8x128xi32, #tpu.memory_space<vmem>> -> memref<1x64xi32, #tpu.memory_space<vmem>>
      %dma_start3A_183 = tpu.memref_squeeze %dma_start3A_182 : memref<1x64xi32, #tpu.memory_space<vmem>> -> memref<64xi32, #tpu.memory_space<vmem>>
      %dma_start3A_184 = arith.constant 0 : i32
      %dma_start3A_185 = arith.constant 0 : i32
      %dma_start3A_186 = tpu.memref_slice %arg2[%dma_start3A_184, %dma_start3A_185] : memref<10240x128xf32, #tpu.memory_space<hbm>> -> memref<10240x128xf32, #tpu.memory_space<hbm>>
      tpu.enqueue_indirect_dma source(%dma_start3A_186 : memref<10240x128xf32, #tpu.memory_space<hbm>>) target(%dma_start3A_180 : memref<64x128xf32, #tpu.memory_space<vmem>>) offsets(%dma_start3A_183 : memref<64xi32, #tpu.memory_space<vmem>>) semaphore(%arg11 : memref<!tpu.dma_semaphore, #tpu.memory_space<semaphore_mem>>)
      %dma_start3A_187 = arith.constant 3 : i32
      %dma_start3A_188 = arith.constant 64 : i32
      %dma_start3A_189 = arith.constant 0 : i32
      %dma_start3A_190 = tpu.memref_slice %arg9[%dma_start3A_188, %dma_start3A_189] : memref<128x128xf32, #tpu.memory_space<vmem>> -> memref<64x128xf32, #tpu.memory_space<vmem>>
      %dma_start3A_191 = arith.constant 64 : i32
      %dma_start3A_192 = tpu.memref_slice %arg6[%dma_start3A_187, %dma_start3A_191] : memref<8x128xi32, #tpu.memory_space<vmem>> -> memref<1x64xi32, #tpu.memory_space<vmem>>
      %dma_start3A_193 = tpu.memref_squeeze %dma_start3A_192 : memref<1x64xi32, #tpu.memory_space<vmem>> -> memref<64xi32, #tpu.memory_space<vmem>>
      %dma_start3A_194 = arith.constant 0 : i32
      %dma_start3A_195 = arith.constant 0 : i32
      %dma_start3A_196 = tpu.memref_slice %arg2[%dma_start3A_194, %dma_start3A_195] : memref<10240x128xf32, #tpu.memory_space<hbm>> -> memref<10240x128xf32, #tpu.memory_space<hbm>>
      tpu.enqueue_indirect_dma source(%dma_start3A_196 : memref<10240x128xf32, #tpu.memory_space<hbm>>) target(%dma_start3A_190 : memref<64x128xf32, #tpu.memory_space<vmem>>) offsets(%dma_start3A_193 : memref<64xi32, #tpu.memory_space<vmem>>) semaphore(%arg11 : memref<!tpu.dma_semaphore, #tpu.memory_space<semaphore_mem>>)
      %dma_wait3A_197 = arith.constant 2 : i32
      %dma_wait3A_198 = arith.constant 0 : i32
      %dma_wait3A_199 = arith.constant 0 : i32
      %dma_wait3A_200 = tpu.memref_slice %arg8[%dma_wait3A_198, %dma_wait3A_199] : memref<128x128xf32, #tpu.memory_space<vmem>> -> memref<64x128xf32, #tpu.memory_space<vmem>>
      %dma_wait3A_201 = arith.constant 0 : i32
      %dma_wait3A_202 = tpu.memref_slice %arg6[%dma_wait3A_197, %dma_wait3A_201] : memref<8x128xi32, #tpu.memory_space<vmem>> -> memref<1x64xi32, #tpu.memory_space<vmem>>
      %dma_wait3A_203 = tpu.memref_squeeze %dma_wait3A_202 : memref<1x64xi32, #tpu.memory_space<vmem>> -> memref<64xi32, #tpu.memory_space<vmem>>
      %dma_wait3A_204 = arith.constant 0 : i32
      %dma_wait3A_205 = arith.constant 0 : i32
      %dma_wait3A_206 = tpu.memref_slice %arg2[%dma_wait3A_204, %dma_wait3A_205] : memref<10240x128xf32, #tpu.memory_space<hbm>> -> memref<10240x128xf32, #tpu.memory_space<hbm>>
      tpu.wait_indirect_dma semaphore(%arg11 : memref<!tpu.dma_semaphore, #tpu.memory_space<semaphore_mem>>) src(%dma_wait3A_206 : memref<10240x128xf32, #tpu.memory_space<hbm>>) dst(%dma_wait3A_200 : memref<64x128xf32, #tpu.memory_space<vmem>>)
      %dma_wait3A_207 = arith.constant 2 : i32
      %dma_wait3A_208 = arith.constant 64 : i32
      %dma_wait3A_209 = arith.constant 0 : i32
      %dma_wait3A_210 = tpu.memref_slice %arg8[%dma_wait3A_208, %dma_wait3A_209] : memref<128x128xf32, #tpu.memory_space<vmem>> -> memref<64x128xf32, #tpu.memory_space<vmem>>
      %dma_wait3A_211 = arith.constant 64 : i32
      %dma_wait3A_212 = tpu.memref_slice %arg6[%dma_wait3A_207, %dma_wait3A_211] : memref<8x128xi32, #tpu.memory_space<vmem>> -> memref<1x64xi32, #tpu.memory_space<vmem>>
      %dma_wait3A_213 = tpu.memref_squeeze %dma_wait3A_212 : memref<1x64xi32, #tpu.memory_space<vmem>> -> memref<64xi32, #tpu.memory_space<vmem>>
      %dma_wait3A_214 = arith.constant 0 : i32
      %dma_wait3A_215 = arith.constant 0 : i32
      %dma_wait3A_216 = tpu.memref_slice %arg2[%dma_wait3A_214, %dma_wait3A_215] : memref<10240x128xf32, #tpu.memory_space<hbm>> -> memref<10240x128xf32, #tpu.memory_space<hbm>>
      tpu.wait_indirect_dma semaphore(%arg11 : memref<!tpu.dma_semaphore, #tpu.memory_space<semaphore_mem>>) src(%dma_wait3A_216 : memref<10240x128xf32, #tpu.memory_space<hbm>>) dst(%dma_wait3A_210 : memref<64x128xf32, #tpu.memory_space<vmem>>)
      %run_scoped3A_217 = arith.constant 2 : i32
      "tpu.region"() ({
        %run_scoped3A_404 = tpu.sem_alloc : memref<!tpu.dma_semaphore, #tpu.memory_space<semaphore_mem>>
        %dma_start3A_405 = arith.constant 0 : i32
        %dma_start3A_406 = tpu.memref_slice %arg7[%run_scoped3A_217, %dma_start3A_405] : memref<8x128xi32, #tpu.memory_space<vmem>> -> memref<1x128xi32, #tpu.memory_space<vmem>>
        %dma_start3A_407 = tpu.memref_squeeze %dma_start3A_406 : memref<1x128xi32, #tpu.memory_space<vmem>> -> memref<128xi32, #tpu.memory_space<vmem>>
        %dma_start3A_408 = arith.constant 0 : i32
        %dma_start3A_409 = arith.constant 0 : i32
        %dma_start3A_410 = tpu.memref_slice %arg10[%dma_start3A_408, %dma_start3A_409] : memref<10240x128xf32, #tpu.memory_space<vmem_shared>> -> memref<10240x128xf32, #tpu.memory_space<vmem_shared>>
        tpu.enqueue_indirect_dma source(%arg8 : memref<128x128xf32, #tpu.memory_space<vmem>>) target(%dma_start3A_410 : memref<10240x128xf32, #tpu.memory_space<vmem_shared>>) offsets(%dma_start3A_407 : memref<128xi32, #tpu.memory_space<vmem>>) semaphore(%run_scoped3A_404 : memref<!tpu.dma_semaphore, #tpu.memory_space<semaphore_mem>>) {add = true}
        %dma_wait3A_411 = arith.constant 0 : i32
        %dma_wait3A_412 = tpu.memref_slice %arg7[%run_scoped3A_217, %dma_wait3A_411] : memref<8x128xi32, #tpu.memory_space<vmem>> -> memref<1x128xi32, #tpu.memory_space<vmem>>
        %dma_wait3A_413 = tpu.memref_squeeze %dma_wait3A_412 : memref<1x128xi32, #tpu.memory_space<vmem>> -> memref<128xi32, #tpu.memory_space<vmem>>
        %dma_wait3A_414 = arith.constant 0 : i32
        %dma_wait3A_415 = arith.constant 0 : i32
        %dma_wait3A_416 = tpu.memref_slice %arg10[%dma_wait3A_414, %dma_wait3A_415] : memref<10240x128xf32, #tpu.memory_space<vmem_shared>> -> memref<10240x128xf32, #tpu.memory_space<vmem_shared>>
        tpu.wait_indirect_dma semaphore(%run_scoped3A_404 : memref<!tpu.dma_semaphore, #tpu.memory_space<semaphore_mem>>) src(%arg8 : memref<128x128xf32, #tpu.memory_space<vmem>>) dst(%dma_wait3A_416 : memref<10240x128xf32, #tpu.memory_space<vmem_shared>>)
        tpu.yield
      }) : () -> ()
      %dma_start3A_218 = arith.constant 4 : i32
      %dma_start3A_219 = arith.constant 0 : i32
      %dma_start3A_220 = arith.constant 0 : i32
      %dma_start3A_221 = tpu.memref_slice %arg8[%dma_start3A_219, %dma_start3A_220] : memref<128x128xf32, #tpu.memory_space<vmem>> -> memref<64x128xf32, #tpu.memory_space<vmem>>
      %dma_start3A_222 = arith.constant 0 : i32
      %dma_start3A_223 = tpu.memref_slice %arg6[%dma_start3A_218, %dma_start3A_222] : memref<8x128xi32, #tpu.memory_space<vmem>> -> memref<1x64xi32, #tpu.memory_space<vmem>>
      %dma_start3A_224 = tpu.memref_squeeze %dma_start3A_223 : memref<1x64xi32, #tpu.memory_space<vmem>> -> memref<64xi32, #tpu.memory_space<vmem>>
      %dma_start3A_225 = arith.constant 0 : i32
      %dma_start3A_226 = arith.constant 0 : i32
      %dma_start3A_227 = tpu.memref_slice %arg2[%dma_start3A_225, %dma_start3A_226] : memref<10240x128xf32, #tpu.memory_space<hbm>> -> memref<10240x128xf32, #tpu.memory_space<hbm>>
      tpu.enqueue_indirect_dma source(%dma_start3A_227 : memref<10240x128xf32, #tpu.memory_space<hbm>>) target(%dma_start3A_221 : memref<64x128xf32, #tpu.memory_space<vmem>>) offsets(%dma_start3A_224 : memref<64xi32, #tpu.memory_space<vmem>>) semaphore(%arg11 : memref<!tpu.dma_semaphore, #tpu.memory_space<semaphore_mem>>)
      %dma_start3A_228 = arith.constant 4 : i32
      %dma_start3A_229 = arith.constant 64 : i32
      %dma_start3A_230 = arith.constant 0 : i32
      %dma_start3A_231 = tpu.memref_slice %arg8[%dma_start3A_229, %dma_start3A_230] : memref<128x128xf32, #tpu.memory_space<vmem>> -> memref<64x128xf32, #tpu.memory_space<vmem>>
      %dma_start3A_232 = arith.constant 64 : i32
      %dma_start3A_233 = tpu.memref_slice %arg6[%dma_start3A_228, %dma_start3A_232] : memref<8x128xi32, #tpu.memory_space<vmem>> -> memref<1x64xi32, #tpu.memory_space<vmem>>
      %dma_start3A_234 = tpu.memref_squeeze %dma_start3A_233 : memref<1x64xi32, #tpu.memory_space<vmem>> -> memref<64xi32, #tpu.memory_space<vmem>>
      %dma_start3A_235 = arith.constant 0 : i32
      %dma_start3A_236 = arith.constant 0 : i32
      %dma_start3A_237 = tpu.memref_slice %arg2[%dma_start3A_235, %dma_start3A_236] : memref<10240x128xf32, #tpu.memory_space<hbm>> -> memref<10240x128xf32, #tpu.memory_space<hbm>>
      tpu.enqueue_indirect_dma source(%dma_start3A_237 : memref<10240x128xf32, #tpu.memory_space<hbm>>) target(%dma_start3A_231 : memref<64x128xf32, #tpu.memory_space<vmem>>) offsets(%dma_start3A_234 : memref<64xi32, #tpu.memory_space<vmem>>) semaphore(%arg11 : memref<!tpu.dma_semaphore, #tpu.memory_space<semaphore_mem>>)
      %dma_wait3A_238 = arith.constant 3 : i32
      %dma_wait3A_239 = arith.constant 0 : i32
      %dma_wait3A_240 = arith.constant 0 : i32
      %dma_wait3A_241 = tpu.memref_slice %arg9[%dma_wait3A_239, %dma_wait3A_240] : memref<128x128xf32, #tpu.memory_space<vmem>> -> memref<64x128xf32, #tpu.memory_space<vmem>>
      %dma_wait3A_242 = arith.constant 0 : i32
      %dma_wait3A_243 = tpu.memref_slice %arg6[%dma_wait3A_238, %dma_wait3A_242] : memref<8x128xi32, #tpu.memory_space<vmem>> -> memref<1x64xi32, #tpu.memory_space<vmem>>
      %dma_wait3A_244 = tpu.memref_squeeze %dma_wait3A_243 : memref<1x64xi32, #tpu.memory_space<vmem>> -> memref<64xi32, #tpu.memory_space<vmem>>
      %dma_wait3A_245 = arith.constant 0 : i32
      %dma_wait3A_246 = arith.constant 0 : i32
      %dma_wait3A_247 = tpu.memref_slice %arg2[%dma_wait3A_245, %dma_wait3A_246] : memref<10240x128xf32, #tpu.memory_space<hbm>> -> memref<10240x128xf32, #tpu.memory_space<hbm>>
      tpu.wait_indirect_dma semaphore(%arg11 : memref<!tpu.dma_semaphore, #tpu.memory_space<semaphore_mem>>) src(%dma_wait3A_247 : memref<10240x128xf32, #tpu.memory_space<hbm>>) dst(%dma_wait3A_241 : memref<64x128xf32, #tpu.memory_space<vmem>>)
      %dma_wait3A_248 = arith.constant 3 : i32
      %dma_wait3A_249 = arith.constant 64 : i32
      %dma_wait3A_250 = arith.constant 0 : i32
      %dma_wait3A_251 = tpu.memref_slice %arg9[%dma_wait3A_249, %dma_wait3A_250] : memref<128x128xf32, #tpu.memory_space<vmem>> -> memref<64x128xf32, #tpu.memory_space<vmem>>
      %dma_wait3A_252 = arith.constant 64 : i32
      %dma_wait3A_253 = tpu.memref_slice %arg6[%dma_wait3A_248, %dma_wait3A_252] : memref<8x128xi32, #tpu.memory_space<vmem>> -> memref<1x64xi32, #tpu.memory_space<vmem>>
      %dma_wait3A_254 = tpu.memref_squeeze %dma_wait3A_253 : memref<1x64xi32, #tpu.memory_space<vmem>> -> memref<64xi32, #tpu.memory_space<vmem>>
      %dma_wait3A_255 = arith.constant 0 : i32
      %dma_wait3A_256 = arith.constant 0 : i32
      %dma_wait3A_257 = tpu.memref_slice %arg2[%dma_wait3A_255, %dma_wait3A_256] : memref<10240x128xf32, #tpu.memory_space<hbm>> -> memref<10240x128xf32, #tpu.memory_space<hbm>>
      tpu.wait_indirect_dma semaphore(%arg11 : memref<!tpu.dma_semaphore, #tpu.memory_space<semaphore_mem>>) src(%dma_wait3A_257 : memref<10240x128xf32, #tpu.memory_space<hbm>>) dst(%dma_wait3A_251 : memref<64x128xf32, #tpu.memory_space<vmem>>)
      %run_scoped3A_258 = arith.constant 3 : i32
      "tpu.region"() ({
        %run_scoped3A_404 = tpu.sem_alloc : memref<!tpu.dma_semaphore, #tpu.memory_space<semaphore_mem>>
        %dma_start3A_405 = arith.constant 0 : i32
        %dma_start3A_406 = tpu.memref_slice %arg7[%run_scoped3A_258, %dma_start3A_405] : memref<8x128xi32, #tpu.memory_space<vmem>> -> memref<1x128xi32, #tpu.memory_space<vmem>>
        %dma_start3A_407 = tpu.memref_squeeze %dma_start3A_406 : memref<1x128xi32, #tpu.memory_space<vmem>> -> memref<128xi32, #tpu.memory_space<vmem>>
        %dma_start3A_408 = arith.constant 0 : i32
        %dma_start3A_409 = arith.constant 0 : i32
        %dma_start3A_410 = tpu.memref_slice %arg10[%dma_start3A_408, %dma_start3A_409] : memref<10240x128xf32, #tpu.memory_space<vmem_shared>> -> memref<10240x128xf32, #tpu.memory_space<vmem_shared>>
        tpu.enqueue_indirect_dma source(%arg9 : memref<128x128xf32, #tpu.memory_space<vmem>>) target(%dma_start3A_410 : memref<10240x128xf32, #tpu.memory_space<vmem_shared>>) offsets(%dma_start3A_407 : memref<128xi32, #tpu.memory_space<vmem>>) semaphore(%run_scoped3A_404 : memref<!tpu.dma_semaphore, #tpu.memory_space<semaphore_mem>>) {add = true}
        %dma_wait3A_411 = arith.constant 0 : i32
        %dma_wait3A_412 = tpu.memref_slice %arg7[%run_scoped3A_258, %dma_wait3A_411] : memref<8x128xi32, #tpu.memory_space<vmem>> -> memref<1x128xi32, #tpu.memory_space<vmem>>
        %dma_wait3A_413 = tpu.memref_squeeze %dma_wait3A_412 : memref<1x128xi32, #tpu.memory_space<vmem>> -> memref<128xi32, #tpu.memory_space<vmem>>
        %dma_wait3A_414 = arith.constant 0 : i32
        %dma_wait3A_415 = arith.constant 0 : i32
        %dma_wait3A_416 = tpu.memref_slice %arg10[%dma_wait3A_414, %dma_wait3A_415] : memref<10240x128xf32, #tpu.memory_space<vmem_shared>> -> memref<10240x128xf32, #tpu.memory_space<vmem_shared>>
        tpu.wait_indirect_dma semaphore(%run_scoped3A_404 : memref<!tpu.dma_semaphore, #tpu.memory_space<semaphore_mem>>) src(%arg9 : memref<128x128xf32, #tpu.memory_space<vmem>>) dst(%dma_wait3A_416 : memref<10240x128xf32, #tpu.memory_space<vmem_shared>>)
        tpu.yield
      }) : () -> ()
      %dma_start3A_259 = arith.constant 5 : i32
      %dma_start3A_260 = arith.constant 0 : i32
      %dma_start3A_261 = arith.constant 0 : i32
      %dma_start3A_262 = tpu.memref_slice %arg9[%dma_start3A_260, %dma_start3A_261] : memref<128x128xf32, #tpu.memory_space<vmem>> -> memref<64x128xf32, #tpu.memory_space<vmem>>
      %dma_start3A_263 = arith.constant 0 : i32
      %dma_start3A_264 = tpu.memref_slice %arg6[%dma_start3A_259, %dma_start3A_263] : memref<8x128xi32, #tpu.memory_space<vmem>> -> memref<1x64xi32, #tpu.memory_space<vmem>>
      %dma_start3A_265 = tpu.memref_squeeze %dma_start3A_264 : memref<1x64xi32, #tpu.memory_space<vmem>> -> memref<64xi32, #tpu.memory_space<vmem>>
      %dma_start3A_266 = arith.constant 0 : i32
      %dma_start3A_267 = arith.constant 0 : i32
      %dma_start3A_268 = tpu.memref_slice %arg2[%dma_start3A_266, %dma_start3A_267] : memref<10240x128xf32, #tpu.memory_space<hbm>> -> memref<10240x128xf32, #tpu.memory_space<hbm>>
      tpu.enqueue_indirect_dma source(%dma_start3A_268 : memref<10240x128xf32, #tpu.memory_space<hbm>>) target(%dma_start3A_262 : memref<64x128xf32, #tpu.memory_space<vmem>>) offsets(%dma_start3A_265 : memref<64xi32, #tpu.memory_space<vmem>>) semaphore(%arg11 : memref<!tpu.dma_semaphore, #tpu.memory_space<semaphore_mem>>)
      %dma_start3A_269 = arith.constant 5 : i32
      %dma_start3A_270 = arith.constant 64 : i32
      %dma_start3A_271 = arith.constant 0 : i32
      %dma_start3A_272 = tpu.memref_slice %arg9[%dma_start3A_270, %dma_start3A_271] : memref<128x128xf32, #tpu.memory_space<vmem>> -> memref<64x128xf32, #tpu.memory_space<vmem>>
      %dma_start3A_273 = arith.constant 64 : i32
      %dma_start3A_274 = tpu.memref_slice %arg6[%dma_start3A_269, %dma_start3A_273] : memref<8x128xi32, #tpu.memory_space<vmem>> -> memref<1x64xi32, #tpu.memory_space<vmem>>
      %dma_start3A_275 = tpu.memref_squeeze %dma_start3A_274 : memref<1x64xi32, #tpu.memory_space<vmem>> -> memref<64xi32, #tpu.memory_space<vmem>>
      %dma_start3A_276 = arith.constant 0 : i32
      %dma_start3A_277 = arith.constant 0 : i32
      %dma_start3A_278 = tpu.memref_slice %arg2[%dma_start3A_276, %dma_start3A_277] : memref<10240x128xf32, #tpu.memory_space<hbm>> -> memref<10240x128xf32, #tpu.memory_space<hbm>>
      tpu.enqueue_indirect_dma source(%dma_start3A_278 : memref<10240x128xf32, #tpu.memory_space<hbm>>) target(%dma_start3A_272 : memref<64x128xf32, #tpu.memory_space<vmem>>) offsets(%dma_start3A_275 : memref<64xi32, #tpu.memory_space<vmem>>) semaphore(%arg11 : memref<!tpu.dma_semaphore, #tpu.memory_space<semaphore_mem>>)
      %dma_wait3A_279 = arith.constant 4 : i32
      %dma_wait3A_280 = arith.constant 0 : i32
      %dma_wait3A_281 = arith.constant 0 : i32
      %dma_wait3A_282 = tpu.memref_slice %arg8[%dma_wait3A_280, %dma_wait3A_281] : memref<128x128xf32, #tpu.memory_space<vmem>> -> memref<64x128xf32, #tpu.memory_space<vmem>>
      %dma_wait3A_283 = arith.constant 0 : i32
      %dma_wait3A_284 = tpu.memref_slice %arg6[%dma_wait3A_279, %dma_wait3A_283] : memref<8x128xi32, #tpu.memory_space<vmem>> -> memref<1x64xi32, #tpu.memory_space<vmem>>
      %dma_wait3A_285 = tpu.memref_squeeze %dma_wait3A_284 : memref<1x64xi32, #tpu.memory_space<vmem>> -> memref<64xi32, #tpu.memory_space<vmem>>
      %dma_wait3A_286 = arith.constant 0 : i32
      %dma_wait3A_287 = arith.constant 0 : i32
      %dma_wait3A_288 = tpu.memref_slice %arg2[%dma_wait3A_286, %dma_wait3A_287] : memref<10240x128xf32, #tpu.memory_space<hbm>> -> memref<10240x128xf32, #tpu.memory_space<hbm>>
      tpu.wait_indirect_dma semaphore(%arg11 : memref<!tpu.dma_semaphore, #tpu.memory_space<semaphore_mem>>) src(%dma_wait3A_288 : memref<10240x128xf32, #tpu.memory_space<hbm>>) dst(%dma_wait3A_282 : memref<64x128xf32, #tpu.memory_space<vmem>>)
      %dma_wait3A_289 = arith.constant 4 : i32
      %dma_wait3A_290 = arith.constant 64 : i32
      %dma_wait3A_291 = arith.constant 0 : i32
      %dma_wait3A_292 = tpu.memref_slice %arg8[%dma_wait3A_290, %dma_wait3A_291] : memref<128x128xf32, #tpu.memory_space<vmem>> -> memref<64x128xf32, #tpu.memory_space<vmem>>
      %dma_wait3A_293 = arith.constant 64 : i32
      %dma_wait3A_294 = tpu.memref_slice %arg6[%dma_wait3A_289, %dma_wait3A_293] : memref<8x128xi32, #tpu.memory_space<vmem>> -> memref<1x64xi32, #tpu.memory_space<vmem>>
      %dma_wait3A_295 = tpu.memref_squeeze %dma_wait3A_294 : memref<1x64xi32, #tpu.memory_space<vmem>> -> memref<64xi32, #tpu.memory_space<vmem>>
      %dma_wait3A_296 = arith.constant 0 : i32
      %dma_wait3A_297 = arith.constant 0 : i32
      %dma_wait3A_298 = tpu.memref_slice %arg2[%dma_wait3A_296, %dma_wait3A_297] : memref<10240x128xf32, #tpu.memory_space<hbm>> -> memref<10240x128xf32, #tpu.memory_space<hbm>>
      tpu.wait_indirect_dma semaphore(%arg11 : memref<!tpu.dma_semaphore, #tpu.memory_space<semaphore_mem>>) src(%dma_wait3A_298 : memref<10240x128xf32, #tpu.memory_space<hbm>>) dst(%dma_wait3A_292 : memref<64x128xf32, #tpu.memory_space<vmem>>)
      %run_scoped3A_299 = arith.constant 4 : i32
      "tpu.region"() ({
        %run_scoped3A_404 = tpu.sem_alloc : memref<!tpu.dma_semaphore, #tpu.memory_space<semaphore_mem>>
        %dma_start3A_405 = arith.constant 0 : i32
        %dma_start3A_406 = tpu.memref_slice %arg7[%run_scoped3A_299, %dma_start3A_405] : memref<8x128xi32, #tpu.memory_space<vmem>> -> memref<1x128xi32, #tpu.memory_space<vmem>>
        %dma_start3A_407 = tpu.memref_squeeze %dma_start3A_406 : memref<1x128xi32, #tpu.memory_space<vmem>> -> memref<128xi32, #tpu.memory_space<vmem>>
        %dma_start3A_408 = arith.constant 0 : i32
        %dma_start3A_409 = arith.constant 0 : i32
        %dma_start3A_410 = tpu.memref_slice %arg10[%dma_start3A_408, %dma_start3A_409] : memref<10240x128xf32, #tpu.memory_space<vmem_shared>> -> memref<10240x128xf32, #tpu.memory_space<vmem_shared>>
        tpu.enqueue_indirect_dma source(%arg8 : memref<128x128xf32, #tpu.memory_space<vmem>>) target(%dma_start3A_410 : memref<10240x128xf32, #tpu.memory_space<vmem_shared>>) offsets(%dma_start3A_407 : memref<128xi32, #tpu.memory_space<vmem>>) semaphore(%run_scoped3A_404 : memref<!tpu.dma_semaphore, #tpu.memory_space<semaphore_mem>>) {add = true}
        %dma_wait3A_411 = arith.constant 0 : i32
        %dma_wait3A_412 = tpu.memref_slice %arg7[%run_scoped3A_299, %dma_wait3A_411] : memref<8x128xi32, #tpu.memory_space<vmem>> -> memref<1x128xi32, #tpu.memory_space<vmem>>
        %dma_wait3A_413 = tpu.memref_squeeze %dma_wait3A_412 : memref<1x128xi32, #tpu.memory_space<vmem>> -> memref<128xi32, #tpu.memory_space<vmem>>
        %dma_wait3A_414 = arith.constant 0 : i32
        %dma_wait3A_415 = arith.constant 0 : i32
        %dma_wait3A_416 = tpu.memref_slice %arg10[%dma_wait3A_414, %dma_wait3A_415] : memref<10240x128xf32, #tpu.memory_space<vmem_shared>> -> memref<10240x128xf32, #tpu.memory_space<vmem_shared>>
        tpu.wait_indirect_dma semaphore(%run_scoped3A_404 : memref<!tpu.dma_semaphore, #tpu.memory_space<semaphore_mem>>) src(%arg8 : memref<128x128xf32, #tpu.memory_space<vmem>>) dst(%dma_wait3A_416 : memref<10240x128xf32, #tpu.memory_space<vmem_shared>>)
        tpu.yield
      }) : () -> ()
      %dma_start3A_300 = arith.constant 6 : i32
      %dma_start3A_301 = arith.constant 0 : i32
      %dma_start3A_302 = arith.constant 0 : i32
      %dma_start3A_303 = tpu.memref_slice %arg8[%dma_start3A_301, %dma_start3A_302] : memref<128x128xf32, #tpu.memory_space<vmem>> -> memref<64x128xf32, #tpu.memory_space<vmem>>
      %dma_start3A_304 = arith.constant 0 : i32
      %dma_start3A_305 = tpu.memref_slice %arg6[%dma_start3A_300, %dma_start3A_304] : memref<8x128xi32, #tpu.memory_space<vmem>> -> memref<1x64xi32, #tpu.memory_space<vmem>>
      %dma_start3A_306 = tpu.memref_squeeze %dma_start3A_305 : memref<1x64xi32, #tpu.memory_space<vmem>> -> memref<64xi32, #tpu.memory_space<vmem>>
      %dma_start3A_307 = arith.constant 0 : i32
      %dma_start3A_308 = arith.constant 0 : i32
      %dma_start3A_309 = tpu.memref_slice %arg2[%dma_start3A_307, %dma_start3A_308] : memref<10240x128xf32, #tpu.memory_space<hbm>> -> memref<10240x128xf32, #tpu.memory_space<hbm>>
      tpu.enqueue_indirect_dma source(%dma_start3A_309 : memref<10240x128xf32, #tpu.memory_space<hbm>>) target(%dma_start3A_303 : memref<64x128xf32, #tpu.memory_space<vmem>>) offsets(%dma_start3A_306 : memref<64xi32, #tpu.memory_space<vmem>>) semaphore(%arg11 : memref<!tpu.dma_semaphore, #tpu.memory_space<semaphore_mem>>)
      %dma_start3A_310 = arith.constant 6 : i32
      %dma_start3A_311 = arith.constant 64 : i32
      %dma_start3A_312 = arith.constant 0 : i32
      %dma_start3A_313 = tpu.memref_slice %arg8[%dma_start3A_311, %dma_start3A_312] : memref<128x128xf32, #tpu.memory_space<vmem>> -> memref<64x128xf32, #tpu.memory_space<vmem>>
      %dma_start3A_314 = arith.constant 64 : i32
      %dma_start3A_315 = tpu.memref_slice %arg6[%dma_start3A_310, %dma_start3A_314] : memref<8x128xi32, #tpu.memory_space<vmem>> -> memref<1x64xi32, #tpu.memory_space<vmem>>
      %dma_start3A_316 = tpu.memref_squeeze %dma_start3A_315 : memref<1x64xi32, #tpu.memory_space<vmem>> -> memref<64xi32, #tpu.memory_space<vmem>>
      %dma_start3A_317 = arith.constant 0 : i32
      %dma_start3A_318 = arith.constant 0 : i32
      %dma_start3A_319 = tpu.memref_slice %arg2[%dma_start3A_317, %dma_start3A_318] : memref<10240x128xf32, #tpu.memory_space<hbm>> -> memref<10240x128xf32, #tpu.memory_space<hbm>>
      tpu.enqueue_indirect_dma source(%dma_start3A_319 : memref<10240x128xf32, #tpu.memory_space<hbm>>) target(%dma_start3A_313 : memref<64x128xf32, #tpu.memory_space<vmem>>) offsets(%dma_start3A_316 : memref<64xi32, #tpu.memory_space<vmem>>) semaphore(%arg11 : memref<!tpu.dma_semaphore, #tpu.memory_space<semaphore_mem>>)
      %dma_wait3A_320 = arith.constant 5 : i32
      %dma_wait3A_321 = arith.constant 0 : i32
      %dma_wait3A_322 = arith.constant 0 : i32
      %dma_wait3A_323 = tpu.memref_slice %arg9[%dma_wait3A_321, %dma_wait3A_322] : memref<128x128xf32, #tpu.memory_space<vmem>> -> memref<64x128xf32, #tpu.memory_space<vmem>>
      %dma_wait3A_324 = arith.constant 0 : i32
      %dma_wait3A_325 = tpu.memref_slice %arg6[%dma_wait3A_320, %dma_wait3A_324] : memref<8x128xi32, #tpu.memory_space<vmem>> -> memref<1x64xi32, #tpu.memory_space<vmem>>
      %dma_wait3A_326 = tpu.memref_squeeze %dma_wait3A_325 : memref<1x64xi32, #tpu.memory_space<vmem>> -> memref<64xi32, #tpu.memory_space<vmem>>
      %dma_wait3A_327 = arith.constant 0 : i32
      %dma_wait3A_328 = arith.constant 0 : i32
      %dma_wait3A_329 = tpu.memref_slice %arg2[%dma_wait3A_327, %dma_wait3A_328] : memref<10240x128xf32, #tpu.memory_space<hbm>> -> memref<10240x128xf32, #tpu.memory_space<hbm>>
      tpu.wait_indirect_dma semaphore(%arg11 : memref<!tpu.dma_semaphore, #tpu.memory_space<semaphore_mem>>) src(%dma_wait3A_329 : memref<10240x128xf32, #tpu.memory_space<hbm>>) dst(%dma_wait3A_323 : memref<64x128xf32, #tpu.memory_space<vmem>>)
      %dma_wait3A_330 = arith.constant 5 : i32
      %dma_wait3A_331 = arith.constant 64 : i32
      %dma_wait3A_332 = arith.constant 0 : i32
      %dma_wait3A_333 = tpu.memref_slice %arg9[%dma_wait3A_331, %dma_wait3A_332] : memref<128x128xf32, #tpu.memory_space<vmem>> -> memref<64x128xf32, #tpu.memory_space<vmem>>
      %dma_wait3A_334 = arith.constant 64 : i32
      %dma_wait3A_335 = tpu.memref_slice %arg6[%dma_wait3A_330, %dma_wait3A_334] : memref<8x128xi32, #tpu.memory_space<vmem>> -> memref<1x64xi32, #tpu.memory_space<vmem>>
      %dma_wait3A_336 = tpu.memref_squeeze %dma_wait3A_335 : memref<1x64xi32, #tpu.memory_space<vmem>> -> memref<64xi32, #tpu.memory_space<vmem>>
      %dma_wait3A_337 = arith.constant 0 : i32
      %dma_wait3A_338 = arith.constant 0 : i32
      %dma_wait3A_339 = tpu.memref_slice %arg2[%dma_wait3A_337, %dma_wait3A_338] : memref<10240x128xf32, #tpu.memory_space<hbm>> -> memref<10240x128xf32, #tpu.memory_space<hbm>>
      tpu.wait_indirect_dma semaphore(%arg11 : memref<!tpu.dma_semaphore, #tpu.memory_space<semaphore_mem>>) src(%dma_wait3A_339 : memref<10240x128xf32, #tpu.memory_space<hbm>>) dst(%dma_wait3A_333 : memref<64x128xf32, #tpu.memory_space<vmem>>)
      %run_scoped3A_340 = arith.constant 5 : i32
      "tpu.region"() ({
        %run_scoped3A_404 = tpu.sem_alloc : memref<!tpu.dma_semaphore, #tpu.memory_space<semaphore_mem>>
        %dma_start3A_405 = arith.constant 0 : i32
        %dma_start3A_406 = tpu.memref_slice %arg7[%run_scoped3A_340, %dma_start3A_405] : memref<8x128xi32, #tpu.memory_space<vmem>> -> memref<1x128xi32, #tpu.memory_space<vmem>>
        %dma_start3A_407 = tpu.memref_squeeze %dma_start3A_406 : memref<1x128xi32, #tpu.memory_space<vmem>> -> memref<128xi32, #tpu.memory_space<vmem>>
        %dma_start3A_408 = arith.constant 0 : i32
        %dma_start3A_409 = arith.constant 0 : i32
        %dma_start3A_410 = tpu.memref_slice %arg10[%dma_start3A_408, %dma_start3A_409] : memref<10240x128xf32, #tpu.memory_space<vmem_shared>> -> memref<10240x128xf32, #tpu.memory_space<vmem_shared>>
        tpu.enqueue_indirect_dma source(%arg9 : memref<128x128xf32, #tpu.memory_space<vmem>>) target(%dma_start3A_410 : memref<10240x128xf32, #tpu.memory_space<vmem_shared>>) offsets(%dma_start3A_407 : memref<128xi32, #tpu.memory_space<vmem>>) semaphore(%run_scoped3A_404 : memref<!tpu.dma_semaphore, #tpu.memory_space<semaphore_mem>>) {add = true}
        %dma_wait3A_411 = arith.constant 0 : i32
        %dma_wait3A_412 = tpu.memref_slice %arg7[%run_scoped3A_340, %dma_wait3A_411] : memref<8x128xi32, #tpu.memory_space<vmem>> -> memref<1x128xi32, #tpu.memory_space<vmem>>
        %dma_wait3A_413 = tpu.memref_squeeze %dma_wait3A_412 : memref<1x128xi32, #tpu.memory_space<vmem>> -> memref<128xi32, #tpu.memory_space<vmem>>
        %dma_wait3A_414 = arith.constant 0 : i32
        %dma_wait3A_415 = arith.constant 0 : i32
        %dma_wait3A_416 = tpu.memref_slice %arg10[%dma_wait3A_414, %dma_wait3A_415] : memref<10240x128xf32, #tpu.memory_space<vmem_shared>> -> memref<10240x128xf32, #tpu.memory_space<vmem_shared>>
        tpu.wait_indirect_dma semaphore(%run_scoped3A_404 : memref<!tpu.dma_semaphore, #tpu.memory_space<semaphore_mem>>) src(%arg9 : memref<128x128xf32, #tpu.memory_space<vmem>>) dst(%dma_wait3A_416 : memref<10240x128xf32, #tpu.memory_space<vmem_shared>>)
        tpu.yield
      }) : () -> ()
      %dma_start3A_341 = arith.constant 7 : i32
      %dma_start3A_342 = arith.constant 0 : i32
      %dma_start3A_343 = arith.constant 0 : i32
      %dma_start3A_344 = tpu.memref_slice %arg9[%dma_start3A_342, %dma_start3A_343] : memref<128x128xf32, #tpu.memory_space<vmem>> -> memref<64x128xf32, #tpu.memory_space<vmem>>
      %dma_start3A_345 = arith.constant 0 : i32
      %dma_start3A_346 = tpu.memref_slice %arg6[%dma_start3A_341, %dma_start3A_345] : memref<8x128xi32, #tpu.memory_space<vmem>> -> memref<1x64xi32, #tpu.memory_space<vmem>>
      %dma_start3A_347 = tpu.memref_squeeze %dma_start3A_346 : memref<1x64xi32, #tpu.memory_space<vmem>> -> memref<64xi32, #tpu.memory_space<vmem>>
      %dma_start3A_348 = arith.constant 0 : i32
      %dma_start3A_349 = arith.constant 0 : i32
      %dma_start3A_350 = tpu.memref_slice %arg2[%dma_start3A_348, %dma_start3A_349] : memref<10240x128xf32, #tpu.memory_space<hbm>> -> memref<10240x128xf32, #tpu.memory_space<hbm>>
      tpu.enqueue_indirect_dma source(%dma_start3A_350 : memref<10240x128xf32, #tpu.memory_space<hbm>>) target(%dma_start3A_344 : memref<64x128xf32, #tpu.memory_space<vmem>>) offsets(%dma_start3A_347 : memref<64xi32, #tpu.memory_space<vmem>>) semaphore(%arg11 : memref<!tpu.dma_semaphore, #tpu.memory_space<semaphore_mem>>)
      %dma_start3A_351 = arith.constant 7 : i32
      %dma_start3A_352 = arith.constant 64 : i32
      %dma_start3A_353 = arith.constant 0 : i32
      %dma_start3A_354 = tpu.memref_slice %arg9[%dma_start3A_352, %dma_start3A_353] : memref<128x128xf32, #tpu.memory_space<vmem>> -> memref<64x128xf32, #tpu.memory_space<vmem>>
      %dma_start3A_355 = arith.constant 64 : i32
      %dma_start3A_356 = tpu.memref_slice %arg6[%dma_start3A_351, %dma_start3A_355] : memref<8x128xi32, #tpu.memory_space<vmem>> -> memref<1x64xi32, #tpu.memory_space<vmem>>
      %dma_start3A_357 = tpu.memref_squeeze %dma_start3A_356 : memref<1x64xi32, #tpu.memory_space<vmem>> -> memref<64xi32, #tpu.memory_space<vmem>>
      %dma_start3A_358 = arith.constant 0 : i32
      %dma_start3A_359 = arith.constant 0 : i32
      %dma_start3A_360 = tpu.memref_slice %arg2[%dma_start3A_358, %dma_start3A_359] : memref<10240x128xf32, #tpu.memory_space<hbm>> -> memref<10240x128xf32, #tpu.memory_space<hbm>>
      tpu.enqueue_indirect_dma source(%dma_start3A_360 : memref<10240x128xf32, #tpu.memory_space<hbm>>) target(%dma_start3A_354 : memref<64x128xf32, #tpu.memory_space<vmem>>) offsets(%dma_start3A_357 : memref<64xi32, #tpu.memory_space<vmem>>) semaphore(%arg11 : memref<!tpu.dma_semaphore, #tpu.memory_space<semaphore_mem>>)
      %dma_wait3A_361 = arith.constant 6 : i32
      %dma_wait3A_362 = arith.constant 0 : i32
      %dma_wait3A_363 = arith.constant 0 : i32
      %dma_wait3A_364 = tpu.memref_slice %arg8[%dma_wait3A_362, %dma_wait3A_363] : memref<128x128xf32, #tpu.memory_space<vmem>> -> memref<64x128xf32, #tpu.memory_space<vmem>>
      %dma_wait3A_365 = arith.constant 0 : i32
      %dma_wait3A_366 = tpu.memref_slice %arg6[%dma_wait3A_361, %dma_wait3A_365] : memref<8x128xi32, #tpu.memory_space<vmem>> -> memref<1x64xi32, #tpu.memory_space<vmem>>
      %dma_wait3A_367 = tpu.memref_squeeze %dma_wait3A_366 : memref<1x64xi32, #tpu.memory_space<vmem>> -> memref<64xi32, #tpu.memory_space<vmem>>
      %dma_wait3A_368 = arith.constant 0 : i32
      %dma_wait3A_369 = arith.constant 0 : i32
      %dma_wait3A_370 = tpu.memref_slice %arg2[%dma_wait3A_368, %dma_wait3A_369] : memref<10240x128xf32, #tpu.memory_space<hbm>> -> memref<10240x128xf32, #tpu.memory_space<hbm>>
      tpu.wait_indirect_dma semaphore(%arg11 : memref<!tpu.dma_semaphore, #tpu.memory_space<semaphore_mem>>) src(%dma_wait3A_370 : memref<10240x128xf32, #tpu.memory_space<hbm>>) dst(%dma_wait3A_364 : memref<64x128xf32, #tpu.memory_space<vmem>>)
      %dma_wait3A_371 = arith.constant 6 : i32
      %dma_wait3A_372 = arith.constant 64 : i32
      %dma_wait3A_373 = arith.constant 0 : i32
      %dma_wait3A_374 = tpu.memref_slice %arg8[%dma_wait3A_372, %dma_wait3A_373] : memref<128x128xf32, #tpu.memory_space<vmem>> -> memref<64x128xf32, #tpu.memory_space<vmem>>
      %dma_wait3A_375 = arith.constant 64 : i32
      %dma_wait3A_376 = tpu.memref_slice %arg6[%dma_wait3A_371, %dma_wait3A_375] : memref<8x128xi32, #tpu.memory_space<vmem>> -> memref<1x64xi32, #tpu.memory_space<vmem>>
      %dma_wait3A_377 = tpu.memref_squeeze %dma_wait3A_376 : memref<1x64xi32, #tpu.memory_space<vmem>> -> memref<64xi32, #tpu.memory_space<vmem>>
      %dma_wait3A_378 = arith.constant 0 : i32
      %dma_wait3A_379 = arith.constant 0 : i32
      %dma_wait3A_380 = tpu.memref_slice %arg2[%dma_wait3A_378, %dma_wait3A_379] : memref<10240x128xf32, #tpu.memory_space<hbm>> -> memref<10240x128xf32, #tpu.memory_space<hbm>>
      tpu.wait_indirect_dma semaphore(%arg11 : memref<!tpu.dma_semaphore, #tpu.memory_space<semaphore_mem>>) src(%dma_wait3A_380 : memref<10240x128xf32, #tpu.memory_space<hbm>>) dst(%dma_wait3A_374 : memref<64x128xf32, #tpu.memory_space<vmem>>)
      %run_scoped3A_381 = arith.constant 6 : i32
      "tpu.region"() ({
        %run_scoped3A_404 = tpu.sem_alloc : memref<!tpu.dma_semaphore, #tpu.memory_space<semaphore_mem>>
        %dma_start3A_405 = arith.constant 0 : i32
        %dma_start3A_406 = tpu.memref_slice %arg7[%run_scoped3A_381, %dma_start3A_405] : memref<8x128xi32, #tpu.memory_space<vmem>> -> memref<1x128xi32, #tpu.memory_space<vmem>>
        %dma_start3A_407 = tpu.memref_squeeze %dma_start3A_406 : memref<1x128xi32, #tpu.memory_space<vmem>> -> memref<128xi32, #tpu.memory_space<vmem>>
        %dma_start3A_408 = arith.constant 0 : i32
        %dma_start3A_409 = arith.constant 0 : i32
        %dma_start3A_410 = tpu.memref_slice %arg10[%dma_start3A_408, %dma_start3A_409] : memref<10240x128xf32, #tpu.memory_space<vmem_shared>> -> memref<10240x128xf32, #tpu.memory_space<vmem_shared>>
        tpu.enqueue_indirect_dma source(%arg8 : memref<128x128xf32, #tpu.memory_space<vmem>>) target(%dma_start3A_410 : memref<10240x128xf32, #tpu.memory_space<vmem_shared>>) offsets(%dma_start3A_407 : memref<128xi32, #tpu.memory_space<vmem>>) semaphore(%run_scoped3A_404 : memref<!tpu.dma_semaphore, #tpu.memory_space<semaphore_mem>>) {add = true}
        %dma_wait3A_411 = arith.constant 0 : i32
        %dma_wait3A_412 = tpu.memref_slice %arg7[%run_scoped3A_381, %dma_wait3A_411] : memref<8x128xi32, #tpu.memory_space<vmem>> -> memref<1x128xi32, #tpu.memory_space<vmem>>
        %dma_wait3A_413 = tpu.memref_squeeze %dma_wait3A_412 : memref<1x128xi32, #tpu.memory_space<vmem>> -> memref<128xi32, #tpu.memory_space<vmem>>
        %dma_wait3A_414 = arith.constant 0 : i32
        %dma_wait3A_415 = arith.constant 0 : i32
        %dma_wait3A_416 = tpu.memref_slice %arg10[%dma_wait3A_414, %dma_wait3A_415] : memref<10240x128xf32, #tpu.memory_space<vmem_shared>> -> memref<10240x128xf32, #tpu.memory_space<vmem_shared>>
        tpu.wait_indirect_dma semaphore(%run_scoped3A_404 : memref<!tpu.dma_semaphore, #tpu.memory_space<semaphore_mem>>) src(%arg8 : memref<128x128xf32, #tpu.memory_space<vmem>>) dst(%dma_wait3A_416 : memref<10240x128xf32, #tpu.memory_space<vmem_shared>>)
        tpu.yield
      }) : () -> ()
      %dma_wait3A_382 = arith.constant 7 : i32
      %dma_wait3A_383 = arith.constant 0 : i32
      %dma_wait3A_384 = arith.constant 0 : i32
      %dma_wait3A_385 = tpu.memref_slice %arg9[%dma_wait3A_383, %dma_wait3A_384] : memref<128x128xf32, #tpu.memory_space<vmem>> -> memref<64x128xf32, #tpu.memory_space<vmem>>
      %dma_wait3A_386 = arith.constant 0 : i32
      %dma_wait3A_387 = tpu.memref_slice %arg6[%dma_wait3A_382, %dma_wait3A_386] : memref<8x128xi32, #tpu.memory_space<vmem>> -> memref<1x64xi32, #tpu.memory_space<vmem>>
      %dma_wait3A_388 = tpu.memref_squeeze %dma_wait3A_387 : memref<1x64xi32, #tpu.memory_space<vmem>> -> memref<64xi32, #tpu.memory_space<vmem>>
      %dma_wait3A_389 = arith.constant 0 : i32
      %dma_wait3A_390 = arith.constant 0 : i32
      %dma_wait3A_391 = tpu.memref_slice %arg2[%dma_wait3A_389, %dma_wait3A_390] : memref<10240x128xf32, #tpu.memory_space<hbm>> -> memref<10240x128xf32, #tpu.memory_space<hbm>>
      tpu.wait_indirect_dma semaphore(%arg11 : memref<!tpu.dma_semaphore, #tpu.memory_space<semaphore_mem>>) src(%dma_wait3A_391 : memref<10240x128xf32, #tpu.memory_space<hbm>>) dst(%dma_wait3A_385 : memref<64x128xf32, #tpu.memory_space<vmem>>)
      %dma_wait3A_392 = arith.constant 7 : i32
      %dma_wait3A_393 = arith.constant 64 : i32
      %dma_wait3A_394 = arith.constant 0 : i32
      %dma_wait3A_395 = tpu.memref_slice %arg9[%dma_wait3A_393, %dma_wait3A_394] : memref<128x128xf32, #tpu.memory_space<vmem>> -> memref<64x128xf32, #tpu.memory_space<vmem>>
      %dma_wait3A_396 = arith.constant 64 : i32
      %dma_wait3A_397 = tpu.memref_slice %arg6[%dma_wait3A_392, %dma_wait3A_396] : memref<8x128xi32, #tpu.memory_space<vmem>> -> memref<1x64xi32, #tpu.memory_space<vmem>>
      %dma_wait3A_398 = tpu.memref_squeeze %dma_wait3A_397 : memref<1x64xi32, #tpu.memory_space<vmem>> -> memref<64xi32, #tpu.memory_space<vmem>>
      %dma_wait3A_399 = arith.constant 0 : i32
      %dma_wait3A_400 = arith.constant 0 : i32
      %dma_wait3A_401 = tpu.memref_slice %arg2[%dma_wait3A_399, %dma_wait3A_400] : memref<10240x128xf32, #tpu.memory_space<hbm>> -> memref<10240x128xf32, #tpu.memory_space<hbm>>
      tpu.wait_indirect_dma semaphore(%arg11 : memref<!tpu.dma_semaphore, #tpu.memory_space<semaphore_mem>>) src(%dma_wait3A_401 : memref<10240x128xf32, #tpu.memory_space<hbm>>) dst(%dma_wait3A_395 : memref<64x128xf32, #tpu.memory_space<vmem>>)
      %run_scoped3A_402 = arith.constant 7 : i32
      "tpu.region"() ({
        %run_scoped3A_404 = tpu.sem_alloc : memref<!tpu.dma_semaphore, #tpu.memory_space<semaphore_mem>>
        %dma_start3A_405 = arith.constant 0 : i32
        %dma_start3A_406 = tpu.memref_slice %arg7[%run_scoped3A_402, %dma_start3A_405] : memref<8x128xi32, #tpu.memory_space<vmem>> -> memref<1x128xi32, #tpu.memory_space<vmem>>
        %dma_start3A_407 = tpu.memref_squeeze %dma_start3A_406 : memref<1x128xi32, #tpu.memory_space<vmem>> -> memref<128xi32, #tpu.memory_space<vmem>>
        %dma_start3A_408 = arith.constant 0 : i32
        %dma_start3A_409 = arith.constant 0 : i32
        %dma_start3A_410 = tpu.memref_slice %arg10[%dma_start3A_408, %dma_start3A_409] : memref<10240x128xf32, #tpu.memory_space<vmem_shared>> -> memref<10240x128xf32, #tpu.memory_space<vmem_shared>>
        tpu.enqueue_indirect_dma source(%arg9 : memref<128x128xf32, #tpu.memory_space<vmem>>) target(%dma_start3A_410 : memref<10240x128xf32, #tpu.memory_space<vmem_shared>>) offsets(%dma_start3A_407 : memref<128xi32, #tpu.memory_space<vmem>>) semaphore(%run_scoped3A_404 : memref<!tpu.dma_semaphore, #tpu.memory_space<semaphore_mem>>) {add = true}
        %dma_wait3A_411 = arith.constant 0 : i32
        %dma_wait3A_412 = tpu.memref_slice %arg7[%run_scoped3A_402, %dma_wait3A_411] : memref<8x128xi32, #tpu.memory_space<vmem>> -> memref<1x128xi32, #tpu.memory_space<vmem>>
        %dma_wait3A_413 = tpu.memref_squeeze %dma_wait3A_412 : memref<1x128xi32, #tpu.memory_space<vmem>> -> memref<128xi32, #tpu.memory_space<vmem>>
        %dma_wait3A_414 = arith.constant 0 : i32
        %dma_wait3A_415 = arith.constant 0 : i32
        %dma_wait3A_416 = tpu.memref_slice %arg10[%dma_wait3A_414, %dma_wait3A_415] : memref<10240x128xf32, #tpu.memory_space<vmem_shared>> -> memref<10240x128xf32, #tpu.memory_space<vmem_shared>>
        tpu.wait_indirect_dma semaphore(%run_scoped3A_404 : memref<!tpu.dma_semaphore, #tpu.memory_space<semaphore_mem>>) src(%arg9 : memref<128x128xf32, #tpu.memory_space<vmem>>) dst(%dma_wait3A_416 : memref<10240x128xf32, #tpu.memory_space<vmem_shared>>)
        tpu.yield
      }) : () -> ()
      %while3A_403 = arith.constant 0 : i32
      scf.yield %while3A_403 : i32
    }
    %while3A_66 = arith.constant 1 : i32
    %while3A_67 = scf.for %while3A_73 = %while3A_63 to %while3A_59 step %while3A_66 iter_args(%while3A_74 = %while3A_65) -> (i32)  : i32 {
      %mul3A_75 = arith.constant 8 : i32
      %mul3A_76 = arith.muli %while3A_73, %mul3A_75 : i32
      %add3A_77 = arith.addi %select_n3A_38, %mul3A_76 : i32
      "tpu.region"() ({
        %run_scoped3A_404 = tpu.sem_alloc : memref<!tpu.dma_semaphore, #tpu.memory_space<semaphore_mem>>
        %dma_start3A_405 = arith.constant 0 : i32
        %dma_start3A_406 = tpu.memref_slice %arg3[%add3A_77, %dma_start3A_405] : memref<2560x128xi32, #tpu.memory_space<hbm>> -> memref<8x128xi32, #tpu.memory_space<hbm>>
        %dma_start3A_407 = arith.constant 0 : i32
        %dma_start3A_408 = tpu.memref_slice %arg3[%add3A_77, %dma_start3A_407] : memref<2560x128xi32, #tpu.memory_space<hbm>> -> memref<8x128xi32, #tpu.memory_space<hbm>>
        tpu.enqueue_dma source(%dma_start3A_408 : memref<8x128xi32, #tpu.memory_space<hbm>>) target(%arg6 : memref<8x128xi32, #tpu.memory_space<vmem>>) target_semaphore(%run_scoped3A_404 : memref<!tpu.dma_semaphore, #tpu.memory_space<semaphore_mem>>)
        %dma_wait3A_409 = arith.constant 0 : i32
        %dma_wait3A_410 = tpu.memref_slice %arg3[%add3A_77, %dma_wait3A_409] : memref<2560x128xi32, #tpu.memory_space<hbm>> -> memref<8x128xi32, #tpu.memory_space<hbm>>
        %dma_wait3A_411 = arith.constant 0 : i32
        %dma_wait3A_412 = tpu.memref_slice %arg3[%add3A_77, %dma_wait3A_411] : memref<2560x128xi32, #tpu.memory_space<hbm>> -> memref<8x128xi32, #tpu.memory_space<hbm>>
        tpu.wait_dma2 semaphore(%run_scoped3A_404 : memref<!tpu.dma_semaphore, #tpu.memory_space<semaphore_mem>>) src(%dma_wait3A_412 : memref<8x128xi32, #tpu.memory_space<hbm>>) dst(%arg6 : memref<8x128xi32, #tpu.memory_space<vmem>>)
        tpu.yield
      }) : () -> ()
      "tpu.region"() ({
        %run_scoped3A_404 = tpu.sem_alloc : memref<!tpu.dma_semaphore, #tpu.memory_space<semaphore_mem>>
        %dma_start3A_405 = arith.constant 0 : i32
        %dma_start3A_406 = tpu.memref_slice %arg4[%add3A_77, %dma_start3A_405] : memref<2560x128xi32, #tpu.memory_space<hbm>> -> memref<8x128xi32, #tpu.memory_space<hbm>>
        %dma_start3A_407 = arith.constant 0 : i32
        %dma_start3A_408 = tpu.memref_slice %arg4[%add3A_77, %dma_start3A_407] : memref<2560x128xi32, #tpu.memory_space<hbm>> -> memref<8x128xi32, #tpu.memory_space<hbm>>
        tpu.enqueue_dma source(%dma_start3A_408 : memref<8x128xi32, #tpu.memory_space<hbm>>) target(%arg7 : memref<8x128xi32, #tpu.memory_space<vmem>>) target_semaphore(%run_scoped3A_404 : memref<!tpu.dma_semaphore, #tpu.memory_space<semaphore_mem>>)
        %dma_wait3A_409 = arith.constant 0 : i32
        %dma_wait3A_410 = tpu.memref_slice %arg4[%add3A_77, %dma_wait3A_409] : memref<2560x128xi32, #tpu.memory_space<hbm>> -> memref<8x128xi32, #tpu.memory_space<hbm>>
        %dma_wait3A_411 = arith.constant 0 : i32
        %dma_wait3A_412 = tpu.memref_slice %arg4[%add3A_77, %dma_wait3A_411] : memref<2560x128xi32, #tpu.memory_space<hbm>> -> memref<8x128xi32, #tpu.memory_space<hbm>>
        tpu.wait_dma2 semaphore(%run_scoped3A_404 : memref<!tpu.dma_semaphore, #tpu.memory_space<semaphore_mem>>) src(%dma_wait3A_412 : memref<8x128xi32, #tpu.memory_space<hbm>>) dst(%arg7 : memref<8x128xi32, #tpu.memory_space<vmem>>)
        tpu.yield
      }) : () -> ()
      %dma_start3A = arith.constant 0 : i32
      %dma_start3A_78 = arith.constant 0 : i32
      %dma_start3A_79 = arith.constant 0 : i32
      %dma_start3A_80 = tpu.memref_slice %arg8[%dma_start3A_78, %dma_start3A_79] : memref<128x128xf32, #tpu.memory_space<vmem>> -> memref<64x128xf32, #tpu.memory_space<vmem>>
      %dma_start3A_81 = arith.constant 0 : i32
      %dma_start3A_82 = tpu.memref_slice %arg6[%dma_start3A, %dma_start3A_81] : memref<8x128xi32, #tpu.memory_space<vmem>> -> memref<1x64xi32, #tpu.memory_space<vmem>>
      %dma_start3A_83 = tpu.memref_squeeze %dma_start3A_82 : memref<1x64xi32, #tpu.memory_space<vmem>> -> memref<64xi32, #tpu.memory_space<vmem>>
      %dma_start3A_84 = arith.constant 0 : i32
      %dma_start3A_85 = arith.constant 0 : i32
      %dma_start3A_86 = tpu.memref_slice %arg2[%dma_start3A_84, %dma_start3A_85] : memref<10240x128xf32, #tpu.memory_space<hbm>> -> memref<10240x128xf32, #tpu.memory_space<hbm>>
      tpu.enqueue_indirect_dma source(%dma_start3A_86 : memref<10240x128xf32, #tpu.memory_space<hbm>>) target(%dma_start3A_80 : memref<64x128xf32, #tpu.memory_space<vmem>>) offsets(%dma_start3A_83 : memref<64xi32, #tpu.memory_space<vmem>>) semaphore(%arg11 : memref<!tpu.dma_semaphore, #tpu.memory_space<semaphore_mem>>)
      %dma_start3A_87 = arith.constant 0 : i32
      %dma_start3A_88 = arith.constant 64 : i32
      %dma_start3A_89 = arith.constant 0 : i32
      %dma_start3A_90 = tpu.memref_slice %arg8[%dma_start3A_88, %dma_start3A_89] : memref<128x128xf32, #tpu.memory_space<vmem>> -> memref<64x128xf32, #tpu.memory_space<vmem>>
      %dma_start3A_91 = arith.constant 64 : i32
      %dma_start3A_92 = tpu.memref_slice %arg6[%dma_start3A_87, %dma_start3A_91] : memref<8x128xi32, #tpu.memory_space<vmem>> -> memref<1x64xi32, #tpu.memory_space<vmem>>
      %dma_start3A_93 = tpu.memref_squeeze %dma_start3A_92 : memref<1x64xi32, #tpu.memory_space<vmem>> -> memref<64xi32, #tpu.memory_space<vmem>>
      %dma_start3A_94 = arith.constant 0 : i32
      %dma_start3A_95 = arith.constant 0 : i32
      %dma_start3A_96 = tpu.memref_slice %arg2[%dma_start3A_94, %dma_start3A_95] : memref<10240x128xf32, #tpu.memory_space<hbm>> -> memref<10240x128xf32, #tpu.memory_space<hbm>>
      tpu.enqueue_indirect_dma source(%dma_start3A_96 : memref<10240x128xf32, #tpu.memory_space<hbm>>) target(%dma_start3A_90 : memref<64x128xf32, #tpu.memory_space<vmem>>) offsets(%dma_start3A_93 : memref<64xi32, #tpu.memory_space<vmem>>) semaphore(%arg11 : memref<!tpu.dma_semaphore, #tpu.memory_space<semaphore_mem>>)
      %dma_start3A_97 = arith.constant 1 : i32
      %dma_start3A_98 = arith.constant 0 : i32
      %dma_start3A_99 = arith.constant 0 : i32
      %dma_start3A_100 = tpu.memref_slice %arg9[%dma_start3A_98, %dma_start3A_99] : memref<128x128xf32, #tpu.memory_space<vmem>> -> memref<64x128xf32, #tpu.memory_space<vmem>>
      %dma_start3A_101 = arith.constant 0 : i32
      %dma_start3A_102 = tpu.memref_slice %arg6[%dma_start3A_97, %dma_start3A_101] : memref<8x128xi32, #tpu.memory_space<vmem>> -> memref<1x64xi32, #tpu.memory_space<vmem>>
      %dma_start3A_103 = tpu.memref_squeeze %dma_start3A_102 : memref<1x64xi32, #tpu.memory_space<vmem>> -> memref<64xi32, #tpu.memory_space<vmem>>
      %dma_start3A_104 = arith.constant 0 : i32
      %dma_start3A_105 = arith.constant 0 : i32
      %dma_start3A_106 = tpu.memref_slice %arg2[%dma_start3A_104, %dma_start3A_105] : memref<10240x128xf32, #tpu.memory_space<hbm>> -> memref<10240x128xf32, #tpu.memory_space<hbm>>
      tpu.enqueue_indirect_dma source(%dma_start3A_106 : memref<10240x128xf32, #tpu.memory_space<hbm>>) target(%dma_start3A_100 : memref<64x128xf32, #tpu.memory_space<vmem>>) offsets(%dma_start3A_103 : memref<64xi32, #tpu.memory_space<vmem>>) semaphore(%arg11 : memref<!tpu.dma_semaphore, #tpu.memory_space<semaphore_mem>>)
      %dma_start3A_107 = arith.constant 1 : i32
      %dma_start3A_108 = arith.constant 64 : i32
      %dma_start3A_109 = arith.constant 0 : i32
      %dma_start3A_110 = tpu.memref_slice %arg9[%dma_start3A_108, %dma_start3A_109] : memref<128x128xf32, #tpu.memory_space<vmem>> -> memref<64x128xf32, #tpu.memory_space<vmem>>
      %dma_start3A_111 = arith.constant 64 : i32
      %dma_start3A_112 = tpu.memref_slice %arg6[%dma_start3A_107, %dma_start3A_111] : memref<8x128xi32, #tpu.memory_space<vmem>> -> memref<1x64xi32, #tpu.memory_space<vmem>>
      %dma_start3A_113 = tpu.memref_squeeze %dma_start3A_112 : memref<1x64xi32, #tpu.memory_space<vmem>> -> memref<64xi32, #tpu.memory_space<vmem>>
      %dma_start3A_114 = arith.constant 0 : i32
      %dma_start3A_115 = arith.constant 0 : i32
      %dma_start3A_116 = tpu.memref_slice %arg2[%dma_start3A_114, %dma_start3A_115] : memref<10240x128xf32, #tpu.memory_space<hbm>> -> memref<10240x128xf32, #tpu.memory_space<hbm>>
      tpu.enqueue_indirect_dma source(%dma_start3A_116 : memref<10240x128xf32, #tpu.memory_space<hbm>>) target(%dma_start3A_110 : memref<64x128xf32, #tpu.memory_space<vmem>>) offsets(%dma_start3A_113 : memref<64xi32, #tpu.memory_space<vmem>>) semaphore(%arg11 : memref<!tpu.dma_semaphore, #tpu.memory_space<semaphore_mem>>)
      %dma_wait3A = arith.constant 0 : i32
      %dma_wait3A_117 = arith.constant 0 : i32
      %dma_wait3A_118 = arith.constant 0 : i32
      %dma_wait3A_119 = tpu.memref_slice %arg8[%dma_wait3A_117, %dma_wait3A_118] : memref<128x128xf32, #tpu.memory_space<vmem>> -> memref<64x128xf32, #tpu.memory_space<vmem>>
      %dma_wait3A_120 = arith.constant 0 : i32
      %dma_wait3A_121 = tpu.memref_slice %arg6[%dma_wait3A, %dma_wait3A_120] : memref<8x128xi32, #tpu.memory_space<vmem>> -> memref<1x64xi32, #tpu.memory_space<vmem>>
      %dma_wait3A_122 = tpu.memref_squeeze %dma_wait3A_121 : memref<1x64xi32, #tpu.memory_space<vmem>> -> memref<64xi32, #tpu.memory_space<vmem>>
      %dma_wait3A_123 = arith.constant 0 : i32
      %dma_wait3A_124 = arith.constant 0 : i32
      %dma_wait3A_125 = tpu.memref_slice %arg2[%dma_wait3A_123, %dma_wait3A_124] : memref<10240x128xf32, #tpu.memory_space<hbm>> -> memref<10240x128xf32, #tpu.memory_space<hbm>>
      tpu.wait_indirect_dma semaphore(%arg11 : memref<!tpu.dma_semaphore, #tpu.memory_space<semaphore_mem>>) src(%dma_wait3A_125 : memref<10240x128xf32, #tpu.memory_space<hbm>>) dst(%dma_wait3A_119 : memref<64x128xf32, #tpu.memory_space<vmem>>)
      %dma_wait3A_126 = arith.constant 0 : i32
      %dma_wait3A_127 = arith.constant 64 : i32
      %dma_wait3A_128 = arith.constant 0 : i32
      %dma_wait3A_129 = tpu.memref_slice %arg8[%dma_wait3A_127, %dma_wait3A_128] : memref<128x128xf32, #tpu.memory_space<vmem>> -> memref<64x128xf32, #tpu.memory_space<vmem>>
      %dma_wait3A_130 = arith.constant 64 : i32
      %dma_wait3A_131 = tpu.memref_slice %arg6[%dma_wait3A_126, %dma_wait3A_130] : memref<8x128xi32, #tpu.memory_space<vmem>> -> memref<1x64xi32, #tpu.memory_space<vmem>>
      %dma_wait3A_132 = tpu.memref_squeeze %dma_wait3A_131 : memref<1x64xi32, #tpu.memory_space<vmem>> -> memref<64xi32, #tpu.memory_space<vmem>>
      %dma_wait3A_133 = arith.constant 0 : i32
      %dma_wait3A_134 = arith.constant 0 : i32
      %dma_wait3A_135 = tpu.memref_slice %arg2[%dma_wait3A_133, %dma_wait3A_134] : memref<10240x128xf32, #tpu.memory_space<hbm>> -> memref<10240x128xf32, #tpu.memory_space<hbm>>
      tpu.wait_indirect_dma semaphore(%arg11 : memref<!tpu.dma_semaphore, #tpu.memory_space<semaphore_mem>>) src(%dma_wait3A_135 : memref<10240x128xf32, #tpu.memory_space<hbm>>) dst(%dma_wait3A_129 : memref<64x128xf32, #tpu.memory_space<vmem>>)
      %run_scoped3A = arith.constant 0 : i32
      "tpu.region"() ({
        %run_scoped3A_404 = tpu.sem_alloc : memref<!tpu.dma_semaphore, #tpu.memory_space<semaphore_mem>>
        %dma_start3A_405 = arith.constant 0 : i32
        %dma_start3A_406 = tpu.memref_slice %arg7[%run_scoped3A, %dma_start3A_405] : memref<8x128xi32, #tpu.memory_space<vmem>> -> memref<1x128xi32, #tpu.memory_space<vmem>>
        %dma_start3A_407 = tpu.memref_squeeze %dma_start3A_406 : memref<1x128xi32, #tpu.memory_space<vmem>> -> memref<128xi32, #tpu.memory_space<vmem>>
        %dma_start3A_408 = arith.constant 0 : i32
        %dma_start3A_409 = arith.constant 0 : i32
        %dma_start3A_410 = tpu.memref_slice %arg10[%dma_start3A_408, %dma_start3A_409] : memref<10240x128xf32, #tpu.memory_space<vmem_shared>> -> memref<10240x128xf32, #tpu.memory_space<vmem_shared>>
        tpu.enqueue_indirect_dma source(%arg8 : memref<128x128xf32, #tpu.memory_space<vmem>>) target(%dma_start3A_410 : memref<10240x128xf32, #tpu.memory_space<vmem_shared>>) offsets(%dma_start3A_407 : memref<128xi32, #tpu.memory_space<vmem>>) semaphore(%run_scoped3A_404 : memref<!tpu.dma_semaphore, #tpu.memory_space<semaphore_mem>>) {add = true}
        %dma_wait3A_411 = arith.constant 0 : i32
        %dma_wait3A_412 = tpu.memref_slice %arg7[%run_scoped3A, %dma_wait3A_411] : memref<8x128xi32, #tpu.memory_space<vmem>> -> memref<1x128xi32, #tpu.memory_space<vmem>>
        %dma_wait3A_413 = tpu.memref_squeeze %dma_wait3A_412 : memref<1x128xi32, #tpu.memory_space<vmem>> -> memref<128xi32, #tpu.memory_space<vmem>>
        %dma_wait3A_414 = arith.constant 0 : i32
        %dma_wait3A_415 = arith.constant 0 : i32
        %dma_wait3A_416 = tpu.memref_slice %arg10[%dma_wait3A_414, %dma_wait3A_415] : memref<10240x128xf32, #tpu.memory_space<vmem_shared>> -> memref<10240x128xf32, #tpu.memory_space<vmem_shared>>
        tpu.wait_indirect_dma semaphore(%run_scoped3A_404 : memref<!tpu.dma_semaphore, #tpu.memory_space<semaphore_mem>>) src(%arg8 : memref<128x128xf32, #tpu.memory_space<vmem>>) dst(%dma_wait3A_416 : memref<10240x128xf32, #tpu.memory_space<vmem_shared>>)
        tpu.yield
      }) : () -> ()
      %dma_start3A_136 = arith.constant 2 : i32
      %dma_start3A_137 = arith.constant 0 : i32
      %dma_start3A_138 = arith.constant 0 : i32
      %dma_start3A_139 = tpu.memref_slice %arg8[%dma_start3A_137, %dma_start3A_138] : memref<128x128xf32, #tpu.memory_space<vmem>> -> memref<64x128xf32, #tpu.memory_space<vmem>>
      %dma_start3A_140 = arith.constant 0 : i32
      %dma_start3A_141 = tpu.memref_slice %arg6[%dma_start3A_136, %dma_start3A_140] : memref<8x128xi32, #tpu.memory_space<vmem>> -> memref<1x64xi32, #tpu.memory_space<vmem>>
      %dma_start3A_142 = tpu.memref_squeeze %dma_start3A_141 : memref<1x64xi32, #tpu.memory_space<vmem>> -> memref<64xi32, #tpu.memory_space<vmem>>
      %dma_start3A_143 = arith.constant 0 : i32
      %dma_start3A_144 = arith.constant 0 : i32
      %dma_start3A_145 = tpu.memref_slice %arg2[%dma_start3A_143, %dma_start3A_144] : memref<10240x128xf32, #tpu.memory_space<hbm>> -> memref<10240x128xf32, #tpu.memory_space<hbm>>
      tpu.enqueue_indirect_dma source(%dma_start3A_145 : memref<10240x128xf32, #tpu.memory_space<hbm>>) target(%dma_start3A_139 : memref<64x128xf32, #tpu.memory_space<vmem>>) offsets(%dma_start3A_142 : memref<64xi32, #tpu.memory_space<vmem>>) semaphore(%arg11 : memref<!tpu.dma_semaphore, #tpu.memory_space<semaphore_mem>>)
      %dma_start3A_146 = arith.constant 2 : i32
      %dma_start3A_147 = arith.constant 64 : i32
      %dma_start3A_148 = arith.constant 0 : i32
      %dma_start3A_149 = tpu.memref_slice %arg8[%dma_start3A_147, %dma_start3A_148] : memref<128x128xf32, #tpu.memory_space<vmem>> -> memref<64x128xf32, #tpu.memory_space<vmem>>
      %dma_start3A_150 = arith.constant 64 : i32
      %dma_start3A_151 = tpu.memref_slice %arg6[%dma_start3A_146, %dma_start3A_150] : memref<8x128xi32, #tpu.memory_space<vmem>> -> memref<1x64xi32, #tpu.memory_space<vmem>>
      %dma_start3A_152 = tpu.memref_squeeze %dma_start3A_151 : memref<1x64xi32, #tpu.memory_space<vmem>> -> memref<64xi32, #tpu.memory_space<vmem>>
      %dma_start3A_153 = arith.constant 0 : i32
      %dma_start3A_154 = arith.constant 0 : i32
      %dma_start3A_155 = tpu.memref_slice %arg2[%dma_start3A_153, %dma_start3A_154] : memref<10240x128xf32, #tpu.memory_space<hbm>> -> memref<10240x128xf32, #tpu.memory_space<hbm>>
      tpu.enqueue_indirect_dma source(%dma_start3A_155 : memref<10240x128xf32, #tpu.memory_space<hbm>>) target(%dma_start3A_149 : memref<64x128xf32, #tpu.memory_space<vmem>>) offsets(%dma_start3A_152 : memref<64xi32, #tpu.memory_space<vmem>>) semaphore(%arg11 : memref<!tpu.dma_semaphore, #tpu.memory_space<semaphore_mem>>)
      %dma_wait3A_156 = arith.constant 1 : i32
      %dma_wait3A_157 = arith.constant 0 : i32
      %dma_wait3A_158 = arith.constant 0 : i32
      %dma_wait3A_159 = tpu.memref_slice %arg9[%dma_wait3A_157, %dma_wait3A_158] : memref<128x128xf32, #tpu.memory_space<vmem>> -> memref<64x128xf32, #tpu.memory_space<vmem>>
      %dma_wait3A_160 = arith.constant 0 : i32
      %dma_wait3A_161 = tpu.memref_slice %arg6[%dma_wait3A_156, %dma_wait3A_160] : memref<8x128xi32, #tpu.memory_space<vmem>> -> memref<1x64xi32, #tpu.memory_space<vmem>>
      %dma_wait3A_162 = tpu.memref_squeeze %dma_wait3A_161 : memref<1x64xi32, #tpu.memory_space<vmem>> -> memref<64xi32, #tpu.memory_space<vmem>>
      %dma_wait3A_163 = arith.constant 0 : i32
      %dma_wait3A_164 = arith.constant 0 : i32
      %dma_wait3A_165 = tpu.memref_slice %arg2[%dma_wait3A_163, %dma_wait3A_164] : memref<10240x128xf32, #tpu.memory_space<hbm>> -> memref<10240x128xf32, #tpu.memory_space<hbm>>
      tpu.wait_indirect_dma semaphore(%arg11 : memref<!tpu.dma_semaphore, #tpu.memory_space<semaphore_mem>>) src(%dma_wait3A_165 : memref<10240x128xf32, #tpu.memory_space<hbm>>) dst(%dma_wait3A_159 : memref<64x128xf32, #tpu.memory_space<vmem>>)
      %dma_wait3A_166 = arith.constant 1 : i32
      %dma_wait3A_167 = arith.constant 64 : i32
      %dma_wait3A_168 = arith.constant 0 : i32
      %dma_wait3A_169 = tpu.memref_slice %arg9[%dma_wait3A_167, %dma_wait3A_168] : memref<128x128xf32, #tpu.memory_space<vmem>> -> memref<64x128xf32, #tpu.memory_space<vmem>>
      %dma_wait3A_170 = arith.constant 64 : i32
      %dma_wait3A_171 = tpu.memref_slice %arg6[%dma_wait3A_166, %dma_wait3A_170] : memref<8x128xi32, #tpu.memory_space<vmem>> -> memref<1x64xi32, #tpu.memory_space<vmem>>
      %dma_wait3A_172 = tpu.memref_squeeze %dma_wait3A_171 : memref<1x64xi32, #tpu.memory_space<vmem>> -> memref<64xi32, #tpu.memory_space<vmem>>
      %dma_wait3A_173 = arith.constant 0 : i32
      %dma_wait3A_174 = arith.constant 0 : i32
      %dma_wait3A_175 = tpu.memref_slice %arg2[%dma_wait3A_173, %dma_wait3A_174] : memref<10240x128xf32, #tpu.memory_space<hbm>> -> memref<10240x128xf32, #tpu.memory_space<hbm>>
      tpu.wait_indirect_dma semaphore(%arg11 : memref<!tpu.dma_semaphore, #tpu.memory_space<semaphore_mem>>) src(%dma_wait3A_175 : memref<10240x128xf32, #tpu.memory_space<hbm>>) dst(%dma_wait3A_169 : memref<64x128xf32, #tpu.memory_space<vmem>>)
      %run_scoped3A_176 = arith.constant 1 : i32
      "tpu.region"() ({
        %run_scoped3A_404 = tpu.sem_alloc : memref<!tpu.dma_semaphore, #tpu.memory_space<semaphore_mem>>
        %dma_start3A_405 = arith.constant 0 : i32
        %dma_start3A_406 = tpu.memref_slice %arg7[%run_scoped3A_176, %dma_start3A_405] : memref<8x128xi32, #tpu.memory_space<vmem>> -> memref<1x128xi32, #tpu.memory_space<vmem>>
        %dma_start3A_407 = tpu.memref_squeeze %dma_start3A_406 : memref<1x128xi32, #tpu.memory_space<vmem>> -> memref<128xi32, #tpu.memory_space<vmem>>
        %dma_start3A_408 = arith.constant 0 : i32
        %dma_start3A_409 = arith.constant 0 : i32
        %dma_start3A_410 = tpu.memref_slice %arg10[%dma_start3A_408, %dma_start3A_409] : memref<10240x128xf32, #tpu.memory_space<vmem_shared>> -> memref<10240x128xf32, #tpu.memory_space<vmem_shared>>
        tpu.enqueue_indirect_dma source(%arg9 : memref<128x128xf32, #tpu.memory_space<vmem>>) target(%dma_start3A_410 : memref<10240x128xf32, #tpu.memory_space<vmem_shared>>) offsets(%dma_start3A_407 : memref<128xi32, #tpu.memory_space<vmem>>) semaphore(%run_scoped3A_404 : memref<!tpu.dma_semaphore, #tpu.memory_space<semaphore_mem>>) {add = true}
        %dma_wait3A_411 = arith.constant 0 : i32
        %dma_wait3A_412 = tpu.memref_slice %arg7[%run_scoped3A_176, %dma_wait3A_411] : memref<8x128xi32, #tpu.memory_space<vmem>> -> memref<1x128xi32, #tpu.memory_space<vmem>>
        %dma_wait3A_413 = tpu.memref_squeeze %dma_wait3A_412 : memref<1x128xi32, #tpu.memory_space<vmem>> -> memref<128xi32, #tpu.memory_space<vmem>>
        %dma_wait3A_414 = arith.constant 0 : i32
        %dma_wait3A_415 = arith.constant 0 : i32
        %dma_wait3A_416 = tpu.memref_slice %arg10[%dma_wait3A_414, %dma_wait3A_415] : memref<10240x128xf32, #tpu.memory_space<vmem_shared>> -> memref<10240x128xf32, #tpu.memory_space<vmem_shared>>
        tpu.wait_indirect_dma semaphore(%run_scoped3A_404 : memref<!tpu.dma_semaphore, #tpu.memory_space<semaphore_mem>>) src(%arg9 : memref<128x128xf32, #tpu.memory_space<vmem>>) dst(%dma_wait3A_416 : memref<10240x128xf32, #tpu.memory_space<vmem_shared>>)
        tpu.yield
      }) : () -> ()
      %dma_start3A_177 = arith.constant 3 : i32
      %dma_start3A_178 = arith.constant 0 : i32
      %dma_start3A_179 = arith.constant 0 : i32
      %dma_start3A_180 = tpu.memref_slice %arg9[%dma_start3A_178, %dma_start3A_179] : memref<128x128xf32, #tpu.memory_space<vmem>> -> memref<64x128xf32, #tpu.memory_space<vmem>>
      %dma_start3A_181 = arith.constant 0 : i32
      %dma_start3A_182 = tpu.memref_slice %arg6[%dma_start3A_177, %dma_start3A_181] : memref<8x128xi32, #tpu.memory_space<vmem>> -> memref<1x64xi32, #tpu.memory_space<vmem>>
      %dma_start3A_183 = tpu.memref_squeeze %dma_start3A_182 : memref<1x64xi32, #tpu.memory_space<vmem>> -> memref<64xi32, #tpu.memory_space<vmem>>
      %dma_start3A_184 = arith.constant 0 : i32
      %dma_start3A_185 = arith.constant 0 : i32
      %dma_start3A_186 = tpu.memref_slice %arg2[%dma_start3A_184, %dma_start3A_185] : memref<10240x128xf32, #tpu.memory_space<hbm>> -> memref<10240x128xf32, #tpu.memory_space<hbm>>
      tpu.enqueue_indirect_dma source(%dma_start3A_186 : memref<10240x128xf32, #tpu.memory_space<hbm>>) target(%dma_start3A_180 : memref<64x128xf32, #tpu.memory_space<vmem>>) offsets(%dma_start3A_183 : memref<64xi32, #tpu.memory_space<vmem>>) semaphore(%arg11 : memref<!tpu.dma_semaphore, #tpu.memory_space<semaphore_mem>>)
      %dma_start3A_187 = arith.constant 3 : i32
      %dma_start3A_188 = arith.constant 64 : i32
      %dma_start3A_189 = arith.constant 0 : i32
      %dma_start3A_190 = tpu.memref_slice %arg9[%dma_start3A_188, %dma_start3A_189] : memref<128x128xf32, #tpu.memory_space<vmem>> -> memref<64x128xf32, #tpu.memory_space<vmem>>
      %dma_start3A_191 = arith.constant 64 : i32
      %dma_start3A_192 = tpu.memref_slice %arg6[%dma_start3A_187, %dma_start3A_191] : memref<8x128xi32, #tpu.memory_space<vmem>> -> memref<1x64xi32, #tpu.memory_space<vmem>>
      %dma_start3A_193 = tpu.memref_squeeze %dma_start3A_192 : memref<1x64xi32, #tpu.memory_space<vmem>> -> memref<64xi32, #tpu.memory_space<vmem>>
      %dma_start3A_194 = arith.constant 0 : i32
      %dma_start3A_195 = arith.constant 0 : i32
      %dma_start3A_196 = tpu.memref_slice %arg2[%dma_start3A_194, %dma_start3A_195] : memref<10240x128xf32, #tpu.memory_space<hbm>> -> memref<10240x128xf32, #tpu.memory_space<hbm>>
      tpu.enqueue_indirect_dma source(%dma_start3A_196 : memref<10240x128xf32, #tpu.memory_space<hbm>>) target(%dma_start3A_190 : memref<64x128xf32, #tpu.memory_space<vmem>>) offsets(%dma_start3A_193 : memref<64xi32, #tpu.memory_space<vmem>>) semaphore(%arg11 : memref<!tpu.dma_semaphore, #tpu.memory_space<semaphore_mem>>)
      %dma_wait3A_197 = arith.constant 2 : i32
      %dma_wait3A_198 = arith.constant 0 : i32
      %dma_wait3A_199 = arith.constant 0 : i32
      %dma_wait3A_200 = tpu.memref_slice %arg8[%dma_wait3A_198, %dma_wait3A_199] : memref<128x128xf32, #tpu.memory_space<vmem>> -> memref<64x128xf32, #tpu.memory_space<vmem>>
      %dma_wait3A_201 = arith.constant 0 : i32
      %dma_wait3A_202 = tpu.memref_slice %arg6[%dma_wait3A_197, %dma_wait3A_201] : memref<8x128xi32, #tpu.memory_space<vmem>> -> memref<1x64xi32, #tpu.memory_space<vmem>>
      %dma_wait3A_203 = tpu.memref_squeeze %dma_wait3A_202 : memref<1x64xi32, #tpu.memory_space<vmem>> -> memref<64xi32, #tpu.memory_space<vmem>>
      %dma_wait3A_204 = arith.constant 0 : i32
      %dma_wait3A_205 = arith.constant 0 : i32
      %dma_wait3A_206 = tpu.memref_slice %arg2[%dma_wait3A_204, %dma_wait3A_205] : memref<10240x128xf32, #tpu.memory_space<hbm>> -> memref<10240x128xf32, #tpu.memory_space<hbm>>
      tpu.wait_indirect_dma semaphore(%arg11 : memref<!tpu.dma_semaphore, #tpu.memory_space<semaphore_mem>>) src(%dma_wait3A_206 : memref<10240x128xf32, #tpu.memory_space<hbm>>) dst(%dma_wait3A_200 : memref<64x128xf32, #tpu.memory_space<vmem>>)
      %dma_wait3A_207 = arith.constant 2 : i32
      %dma_wait3A_208 = arith.constant 64 : i32
      %dma_wait3A_209 = arith.constant 0 : i32
      %dma_wait3A_210 = tpu.memref_slice %arg8[%dma_wait3A_208, %dma_wait3A_209] : memref<128x128xf32, #tpu.memory_space<vmem>> -> memref<64x128xf32, #tpu.memory_space<vmem>>
      %dma_wait3A_211 = arith.constant 64 : i32
      %dma_wait3A_212 = tpu.memref_slice %arg6[%dma_wait3A_207, %dma_wait3A_211] : memref<8x128xi32, #tpu.memory_space<vmem>> -> memref<1x64xi32, #tpu.memory_space<vmem>>
      %dma_wait3A_213 = tpu.memref_squeeze %dma_wait3A_212 : memref<1x64xi32, #tpu.memory_space<vmem>> -> memref<64xi32, #tpu.memory_space<vmem>>
      %dma_wait3A_214 = arith.constant 0 : i32
      %dma_wait3A_215 = arith.constant 0 : i32
      %dma_wait3A_216 = tpu.memref_slice %arg2[%dma_wait3A_214, %dma_wait3A_215] : memref<10240x128xf32, #tpu.memory_space<hbm>> -> memref<10240x128xf32, #tpu.memory_space<hbm>>
      tpu.wait_indirect_dma semaphore(%arg11 : memref<!tpu.dma_semaphore, #tpu.memory_space<semaphore_mem>>) src(%dma_wait3A_216 : memref<10240x128xf32, #tpu.memory_space<hbm>>) dst(%dma_wait3A_210 : memref<64x128xf32, #tpu.memory_space<vmem>>)
      %run_scoped3A_217 = arith.constant 2 : i32
      "tpu.region"() ({
        %run_scoped3A_404 = tpu.sem_alloc : memref<!tpu.dma_semaphore, #tpu.memory_space<semaphore_mem>>
        %dma_start3A_405 = arith.constant 0 : i32
        %dma_start3A_406 = tpu.memref_slice %arg7[%run_scoped3A_217, %dma_start3A_405] : memref<8x128xi32, #tpu.memory_space<vmem>> -> memref<1x128xi32, #tpu.memory_space<vmem>>
        %dma_start3A_407 = tpu.memref_squeeze %dma_start3A_406 : memref<1x128xi32, #tpu.memory_space<vmem>> -> memref<128xi32, #tpu.memory_space<vmem>>
        %dma_start3A_408 = arith.constant 0 : i32
        %dma_start3A_409 = arith.constant 0 : i32
        %dma_start3A_410 = tpu.memref_slice %arg10[%dma_start3A_408, %dma_start3A_409] : memref<10240x128xf32, #tpu.memory_space<vmem_shared>> -> memref<10240x128xf32, #tpu.memory_space<vmem_shared>>
        tpu.enqueue_indirect_dma source(%arg8 : memref<128x128xf32, #tpu.memory_space<vmem>>) target(%dma_start3A_410 : memref<10240x128xf32, #tpu.memory_space<vmem_shared>>) offsets(%dma_start3A_407 : memref<128xi32, #tpu.memory_space<vmem>>) semaphore(%run_scoped3A_404 : memref<!tpu.dma_semaphore, #tpu.memory_space<semaphore_mem>>) {add = true}
        %dma_wait3A_411 = arith.constant 0 : i32
        %dma_wait3A_412 = tpu.memref_slice %arg7[%run_scoped3A_217, %dma_wait3A_411] : memref<8x128xi32, #tpu.memory_space<vmem>> -> memref<1x128xi32, #tpu.memory_space<vmem>>
        %dma_wait3A_413 = tpu.memref_squeeze %dma_wait3A_412 : memref<1x128xi32, #tpu.memory_space<vmem>> -> memref<128xi32, #tpu.memory_space<vmem>>
        %dma_wait3A_414 = arith.constant 0 : i32
        %dma_wait3A_415 = arith.constant 0 : i32
        %dma_wait3A_416 = tpu.memref_slice %arg10[%dma_wait3A_414, %dma_wait3A_415] : memref<10240x128xf32, #tpu.memory_space<vmem_shared>> -> memref<10240x128xf32, #tpu.memory_space<vmem_shared>>
        tpu.wait_indirect_dma semaphore(%run_scoped3A_404 : memref<!tpu.dma_semaphore, #tpu.memory_space<semaphore_mem>>) src(%arg8 : memref<128x128xf32, #tpu.memory_space<vmem>>) dst(%dma_wait3A_416 : memref<10240x128xf32, #tpu.memory_space<vmem_shared>>)
        tpu.yield
      }) : () -> ()
      %dma_start3A_218 = arith.constant 4 : i32
      %dma_start3A_219 = arith.constant 0 : i32
      %dma_start3A_220 = arith.constant 0 : i32
      %dma_start3A_221 = tpu.memref_slice %arg8[%dma_start3A_219, %dma_start3A_220] : memref<128x128xf32, #tpu.memory_space<vmem>> -> memref<64x128xf32, #tpu.memory_space<vmem>>
      %dma_start3A_222 = arith.constant 0 : i32
      %dma_start3A_223 = tpu.memref_slice %arg6[%dma_start3A_218, %dma_start3A_222] : memref<8x128xi32, #tpu.memory_space<vmem>> -> memref<1x64xi32, #tpu.memory_space<vmem>>
      %dma_start3A_224 = tpu.memref_squeeze %dma_start3A_223 : memref<1x64xi32, #tpu.memory_space<vmem>> -> memref<64xi32, #tpu.memory_space<vmem>>
      %dma_start3A_225 = arith.constant 0 : i32
      %dma_start3A_226 = arith.constant 0 : i32
      %dma_start3A_227 = tpu.memref_slice %arg2[%dma_start3A_225, %dma_start3A_226] : memref<10240x128xf32, #tpu.memory_space<hbm>> -> memref<10240x128xf32, #tpu.memory_space<hbm>>
      tpu.enqueue_indirect_dma source(%dma_start3A_227 : memref<10240x128xf32, #tpu.memory_space<hbm>>) target(%dma_start3A_221 : memref<64x128xf32, #tpu.memory_space<vmem>>) offsets(%dma_start3A_224 : memref<64xi32, #tpu.memory_space<vmem>>) semaphore(%arg11 : memref<!tpu.dma_semaphore, #tpu.memory_space<semaphore_mem>>)
      %dma_start3A_228 = arith.constant 4 : i32
      %dma_start3A_229 = arith.constant 64 : i32
      %dma_start3A_230 = arith.constant 0 : i32
      %dma_start3A_231 = tpu.memref_slice %arg8[%dma_start3A_229, %dma_start3A_230] : memref<128x128xf32, #tpu.memory_space<vmem>> -> memref<64x128xf32, #tpu.memory_space<vmem>>
      %dma_start3A_232 = arith.constant 64 : i32
      %dma_start3A_233 = tpu.memref_slice %arg6[%dma_start3A_228, %dma_start3A_232] : memref<8x128xi32, #tpu.memory_space<vmem>> -> memref<1x64xi32, #tpu.memory_space<vmem>>
      %dma_start3A_234 = tpu.memref_squeeze %dma_start3A_233 : memref<1x64xi32, #tpu.memory_space<vmem>> -> memref<64xi32, #tpu.memory_space<vmem>>
      %dma_start3A_235 = arith.constant 0 : i32
      %dma_start3A_236 = arith.constant 0 : i32
      %dma_start3A_237 = tpu.memref_slice %arg2[%dma_start3A_235, %dma_start3A_236] : memref<10240x128xf32, #tpu.memory_space<hbm>> -> memref<10240x128xf32, #tpu.memory_space<hbm>>
      tpu.enqueue_indirect_dma source(%dma_start3A_237 : memref<10240x128xf32, #tpu.memory_space<hbm>>) target(%dma_start3A_231 : memref<64x128xf32, #tpu.memory_space<vmem>>) offsets(%dma_start3A_234 : memref<64xi32, #tpu.memory_space<vmem>>) semaphore(%arg11 : memref<!tpu.dma_semaphore, #tpu.memory_space<semaphore_mem>>)
      %dma_wait3A_238 = arith.constant 3 : i32
      %dma_wait3A_239 = arith.constant 0 : i32
      %dma_wait3A_240 = arith.constant 0 : i32
      %dma_wait3A_241 = tpu.memref_slice %arg9[%dma_wait3A_239, %dma_wait3A_240] : memref<128x128xf32, #tpu.memory_space<vmem>> -> memref<64x128xf32, #tpu.memory_space<vmem>>
      %dma_wait3A_242 = arith.constant 0 : i32
      %dma_wait3A_243 = tpu.memref_slice %arg6[%dma_wait3A_238, %dma_wait3A_242] : memref<8x128xi32, #tpu.memory_space<vmem>> -> memref<1x64xi32, #tpu.memory_space<vmem>>
      %dma_wait3A_244 = tpu.memref_squeeze %dma_wait3A_243 : memref<1x64xi32, #tpu.memory_space<vmem>> -> memref<64xi32, #tpu.memory_space<vmem>>
      %dma_wait3A_245 = arith.constant 0 : i32
      %dma_wait3A_246 = arith.constant 0 : i32
      %dma_wait3A_247 = tpu.memref_slice %arg2[%dma_wait3A_245, %dma_wait3A_246] : memref<10240x128xf32, #tpu.memory_space<hbm>> -> memref<10240x128xf32, #tpu.memory_space<hbm>>
      tpu.wait_indirect_dma semaphore(%arg11 : memref<!tpu.dma_semaphore, #tpu.memory_space<semaphore_mem>>) src(%dma_wait3A_247 : memref<10240x128xf32, #tpu.memory_space<hbm>>) dst(%dma_wait3A_241 : memref<64x128xf32, #tpu.memory_space<vmem>>)
      %dma_wait3A_248 = arith.constant 3 : i32
      %dma_wait3A_249 = arith.constant 64 : i32
      %dma_wait3A_250 = arith.constant 0 : i32
      %dma_wait3A_251 = tpu.memref_slice %arg9[%dma_wait3A_249, %dma_wait3A_250] : memref<128x128xf32, #tpu.memory_space<vmem>> -> memref<64x128xf32, #tpu.memory_space<vmem>>
      %dma_wait3A_252 = arith.constant 64 : i32
      %dma_wait3A_253 = tpu.memref_slice %arg6[%dma_wait3A_248, %dma_wait3A_252] : memref<8x128xi32, #tpu.memory_space<vmem>> -> memref<1x64xi32, #tpu.memory_space<vmem>>
      %dma_wait3A_254 = tpu.memref_squeeze %dma_wait3A_253 : memref<1x64xi32, #tpu.memory_space<vmem>> -> memref<64xi32, #tpu.memory_space<vmem>>
      %dma_wait3A_255 = arith.constant 0 : i32
      %dma_wait3A_256 = arith.constant 0 : i32
      %dma_wait3A_257 = tpu.memref_slice %arg2[%dma_wait3A_255, %dma_wait3A_256] : memref<10240x128xf32, #tpu.memory_space<hbm>> -> memref<10240x128xf32, #tpu.memory_space<hbm>>
      tpu.wait_indirect_dma semaphore(%arg11 : memref<!tpu.dma_semaphore, #tpu.memory_space<semaphore_mem>>) src(%dma_wait3A_257 : memref<10240x128xf32, #tpu.memory_space<hbm>>) dst(%dma_wait3A_251 : memref<64x128xf32, #tpu.memory_space<vmem>>)
      %run_scoped3A_258 = arith.constant 3 : i32
      "tpu.region"() ({
        %run_scoped3A_404 = tpu.sem_alloc : memref<!tpu.dma_semaphore, #tpu.memory_space<semaphore_mem>>
        %dma_start3A_405 = arith.constant 0 : i32
        %dma_start3A_406 = tpu.memref_slice %arg7[%run_scoped3A_258, %dma_start3A_405] : memref<8x128xi32, #tpu.memory_space<vmem>> -> memref<1x128xi32, #tpu.memory_space<vmem>>
        %dma_start3A_407 = tpu.memref_squeeze %dma_start3A_406 : memref<1x128xi32, #tpu.memory_space<vmem>> -> memref<128xi32, #tpu.memory_space<vmem>>
        %dma_start3A_408 = arith.constant 0 : i32
        %dma_start3A_409 = arith.constant 0 : i32
        %dma_start3A_410 = tpu.memref_slice %arg10[%dma_start3A_408, %dma_start3A_409] : memref<10240x128xf32, #tpu.memory_space<vmem_shared>> -> memref<10240x128xf32, #tpu.memory_space<vmem_shared>>
        tpu.enqueue_indirect_dma source(%arg9 : memref<128x128xf32, #tpu.memory_space<vmem>>) target(%dma_start3A_410 : memref<10240x128xf32, #tpu.memory_space<vmem_shared>>) offsets(%dma_start3A_407 : memref<128xi32, #tpu.memory_space<vmem>>) semaphore(%run_scoped3A_404 : memref<!tpu.dma_semaphore, #tpu.memory_space<semaphore_mem>>) {add = true}
        %dma_wait3A_411 = arith.constant 0 : i32
        %dma_wait3A_412 = tpu.memref_slice %arg7[%run_scoped3A_258, %dma_wait3A_411] : memref<8x128xi32, #tpu.memory_space<vmem>> -> memref<1x128xi32, #tpu.memory_space<vmem>>
        %dma_wait3A_413 = tpu.memref_squeeze %dma_wait3A_412 : memref<1x128xi32, #tpu.memory_space<vmem>> -> memref<128xi32, #tpu.memory_space<vmem>>
        %dma_wait3A_414 = arith.constant 0 : i32
        %dma_wait3A_415 = arith.constant 0 : i32
        %dma_wait3A_416 = tpu.memref_slice %arg10[%dma_wait3A_414, %dma_wait3A_415] : memref<10240x128xf32, #tpu.memory_space<vmem_shared>> -> memref<10240x128xf32, #tpu.memory_space<vmem_shared>>
        tpu.wait_indirect_dma semaphore(%run_scoped3A_404 : memref<!tpu.dma_semaphore, #tpu.memory_space<semaphore_mem>>) src(%arg9 : memref<128x128xf32, #tpu.memory_space<vmem>>) dst(%dma_wait3A_416 : memref<10240x128xf32, #tpu.memory_space<vmem_shared>>)
        tpu.yield
      }) : () -> ()
      %dma_start3A_259 = arith.constant 5 : i32
      %dma_start3A_260 = arith.constant 0 : i32
      %dma_start3A_261 = arith.constant 0 : i32
      %dma_start3A_262 = tpu.memref_slice %arg9[%dma_start3A_260, %dma_start3A_261] : memref<128x128xf32, #tpu.memory_space<vmem>> -> memref<64x128xf32, #tpu.memory_space<vmem>>
      %dma_start3A_263 = arith.constant 0 : i32
      %dma_start3A_264 = tpu.memref_slice %arg6[%dma_start3A_259, %dma_start3A_263] : memref<8x128xi32, #tpu.memory_space<vmem>> -> memref<1x64xi32, #tpu.memory_space<vmem>>
      %dma_start3A_265 = tpu.memref_squeeze %dma_start3A_264 : memref<1x64xi32, #tpu.memory_space<vmem>> -> memref<64xi32, #tpu.memory_space<vmem>>
      %dma_start3A_266 = arith.constant 0 : i32
      %dma_start3A_267 = arith.constant 0 : i32
      %dma_start3A_268 = tpu.memref_slice %arg2[%dma_start3A_266, %dma_start3A_267] : memref<10240x128xf32, #tpu.memory_space<hbm>> -> memref<10240x128xf32, #tpu.memory_space<hbm>>
      tpu.enqueue_indirect_dma source(%dma_start3A_268 : memref<10240x128xf32, #tpu.memory_space<hbm>>) target(%dma_start3A_262 : memref<64x128xf32, #tpu.memory_space<vmem>>) offsets(%dma_start3A_265 : memref<64xi32, #tpu.memory_space<vmem>>) semaphore(%arg11 : memref<!tpu.dma_semaphore, #tpu.memory_space<semaphore_mem>>)
      %dma_start3A_269 = arith.constant 5 : i32
      %dma_start3A_270 = arith.constant 64 : i32
      %dma_start3A_271 = arith.constant 0 : i32
      %dma_start3A_272 = tpu.memref_slice %arg9[%dma_start3A_270, %dma_start3A_271] : memref<128x128xf32, #tpu.memory_space<vmem>> -> memref<64x128xf32, #tpu.memory_space<vmem>>
      %dma_start3A_273 = arith.constant 64 : i32
      %dma_start3A_274 = tpu.memref_slice %arg6[%dma_start3A_269, %dma_start3A_273] : memref<8x128xi32, #tpu.memory_space<vmem>> -> memref<1x64xi32, #tpu.memory_space<vmem>>
      %dma_start3A_275 = tpu.memref_squeeze %dma_start3A_274 : memref<1x64xi32, #tpu.memory_space<vmem>> -> memref<64xi32, #tpu.memory_space<vmem>>
      %dma_start3A_276 = arith.constant 0 : i32
      %dma_start3A_277 = arith.constant 0 : i32
      %dma_start3A_278 = tpu.memref_slice %arg2[%dma_start3A_276, %dma_start3A_277] : memref<10240x128xf32, #tpu.memory_space<hbm>> -> memref<10240x128xf32, #tpu.memory_space<hbm>>
      tpu.enqueue_indirect_dma source(%dma_start3A_278 : memref<10240x128xf32, #tpu.memory_space<hbm>>) target(%dma_start3A_272 : memref<64x128xf32, #tpu.memory_space<vmem>>) offsets(%dma_start3A_275 : memref<64xi32, #tpu.memory_space<vmem>>) semaphore(%arg11 : memref<!tpu.dma_semaphore, #tpu.memory_space<semaphore_mem>>)
      %dma_wait3A_279 = arith.constant 4 : i32
      %dma_wait3A_280 = arith.constant 0 : i32
      %dma_wait3A_281 = arith.constant 0 : i32
      %dma_wait3A_282 = tpu.memref_slice %arg8[%dma_wait3A_280, %dma_wait3A_281] : memref<128x128xf32, #tpu.memory_space<vmem>> -> memref<64x128xf32, #tpu.memory_space<vmem>>
      %dma_wait3A_283 = arith.constant 0 : i32
      %dma_wait3A_284 = tpu.memref_slice %arg6[%dma_wait3A_279, %dma_wait3A_283] : memref<8x128xi32, #tpu.memory_space<vmem>> -> memref<1x64xi32, #tpu.memory_space<vmem>>
      %dma_wait3A_285 = tpu.memref_squeeze %dma_wait3A_284 : memref<1x64xi32, #tpu.memory_space<vmem>> -> memref<64xi32, #tpu.memory_space<vmem>>
      %dma_wait3A_286 = arith.constant 0 : i32
      %dma_wait3A_287 = arith.constant 0 : i32
      %dma_wait3A_288 = tpu.memref_slice %arg2[%dma_wait3A_286, %dma_wait3A_287] : memref<10240x128xf32, #tpu.memory_space<hbm>> -> memref<10240x128xf32, #tpu.memory_space<hbm>>
      tpu.wait_indirect_dma semaphore(%arg11 : memref<!tpu.dma_semaphore, #tpu.memory_space<semaphore_mem>>) src(%dma_wait3A_288 : memref<10240x128xf32, #tpu.memory_space<hbm>>) dst(%dma_wait3A_282 : memref<64x128xf32, #tpu.memory_space<vmem>>)
      %dma_wait3A_289 = arith.constant 4 : i32
      %dma_wait3A_290 = arith.constant 64 : i32
      %dma_wait3A_291 = arith.constant 0 : i32
      %dma_wait3A_292 = tpu.memref_slice %arg8[%dma_wait3A_290, %dma_wait3A_291] : memref<128x128xf32, #tpu.memory_space<vmem>> -> memref<64x128xf32, #tpu.memory_space<vmem>>
      %dma_wait3A_293 = arith.constant 64 : i32
      %dma_wait3A_294 = tpu.memref_slice %arg6[%dma_wait3A_289, %dma_wait3A_293] : memref<8x128xi32, #tpu.memory_space<vmem>> -> memref<1x64xi32, #tpu.memory_space<vmem>>
      %dma_wait3A_295 = tpu.memref_squeeze %dma_wait3A_294 : memref<1x64xi32, #tpu.memory_space<vmem>> -> memref<64xi32, #tpu.memory_space<vmem>>
      %dma_wait3A_296 = arith.constant 0 : i32
      %dma_wait3A_297 = arith.constant 0 : i32
      %dma_wait3A_298 = tpu.memref_slice %arg2[%dma_wait3A_296, %dma_wait3A_297] : memref<10240x128xf32, #tpu.memory_space<hbm>> -> memref<10240x128xf32, #tpu.memory_space<hbm>>
      tpu.wait_indirect_dma semaphore(%arg11 : memref<!tpu.dma_semaphore, #tpu.memory_space<semaphore_mem>>) src(%dma_wait3A_298 : memref<10240x128xf32, #tpu.memory_space<hbm>>) dst(%dma_wait3A_292 : memref<64x128xf32, #tpu.memory_space<vmem>>)
      %run_scoped3A_299 = arith.constant 4 : i32
      "tpu.region"() ({
        %run_scoped3A_404 = tpu.sem_alloc : memref<!tpu.dma_semaphore, #tpu.memory_space<semaphore_mem>>
        %dma_start3A_405 = arith.constant 0 : i32
        %dma_start3A_406 = tpu.memref_slice %arg7[%run_scoped3A_299, %dma_start3A_405] : memref<8x128xi32, #tpu.memory_space<vmem>> -> memref<1x128xi32, #tpu.memory_space<vmem>>
        %dma_start3A_407 = tpu.memref_squeeze %dma_start3A_406 : memref<1x128xi32, #tpu.memory_space<vmem>> -> memref<128xi32, #tpu.memory_space<vmem>>
        %dma_start3A_408 = arith.constant 0 : i32
        %dma_start3A_409 = arith.constant 0 : i32
        %dma_start3A_410 = tpu.memref_slice %arg10[%dma_start3A_408, %dma_start3A_409] : memref<10240x128xf32, #tpu.memory_space<vmem_shared>> -> memref<10240x128xf32, #tpu.memory_space<vmem_shared>>
        tpu.enqueue_indirect_dma source(%arg8 : memref<128x128xf32, #tpu.memory_space<vmem>>) target(%dma_start3A_410 : memref<10240x128xf32, #tpu.memory_space<vmem_shared>>) offsets(%dma_start3A_407 : memref<128xi32, #tpu.memory_space<vmem>>) semaphore(%run_scoped3A_404 : memref<!tpu.dma_semaphore, #tpu.memory_space<semaphore_mem>>) {add = true}
        %dma_wait3A_411 = arith.constant 0 : i32
        %dma_wait3A_412 = tpu.memref_slice %arg7[%run_scoped3A_299, %dma_wait3A_411] : memref<8x128xi32, #tpu.memory_space<vmem>> -> memref<1x128xi32, #tpu.memory_space<vmem>>
        %dma_wait3A_413 = tpu.memref_squeeze %dma_wait3A_412 : memref<1x128xi32, #tpu.memory_space<vmem>> -> memref<128xi32, #tpu.memory_space<vmem>>
        %dma_wait3A_414 = arith.constant 0 : i32
        %dma_wait3A_415 = arith.constant 0 : i32
        %dma_wait3A_416 = tpu.memref_slice %arg10[%dma_wait3A_414, %dma_wait3A_415] : memref<10240x128xf32, #tpu.memory_space<vmem_shared>> -> memref<10240x128xf32, #tpu.memory_space<vmem_shared>>
        tpu.wait_indirect_dma semaphore(%run_scoped3A_404 : memref<!tpu.dma_semaphore, #tpu.memory_space<semaphore_mem>>) src(%arg8 : memref<128x128xf32, #tpu.memory_space<vmem>>) dst(%dma_wait3A_416 : memref<10240x128xf32, #tpu.memory_space<vmem_shared>>)
        tpu.yield
      }) : () -> ()
      %dma_start3A_300 = arith.constant 6 : i32
      %dma_start3A_301 = arith.constant 0 : i32
      %dma_start3A_302 = arith.constant 0 : i32
      %dma_start3A_303 = tpu.memref_slice %arg8[%dma_start3A_301, %dma_start3A_302] : memref<128x128xf32, #tpu.memory_space<vmem>> -> memref<64x128xf32, #tpu.memory_space<vmem>>
      %dma_start3A_304 = arith.constant 0 : i32
      %dma_start3A_305 = tpu.memref_slice %arg6[%dma_start3A_300, %dma_start3A_304] : memref<8x128xi32, #tpu.memory_space<vmem>> -> memref<1x64xi32, #tpu.memory_space<vmem>>
      %dma_start3A_306 = tpu.memref_squeeze %dma_start3A_305 : memref<1x64xi32, #tpu.memory_space<vmem>> -> memref<64xi32, #tpu.memory_space<vmem>>
      %dma_start3A_307 = arith.constant 0 : i32
      %dma_start3A_308 = arith.constant 0 : i32
      %dma_start3A_309 = tpu.memref_slice %arg2[%dma_start3A_307, %dma_start3A_308] : memref<10240x128xf32, #tpu.memory_space<hbm>> -> memref<10240x128xf32, #tpu.memory_space<hbm>>
      tpu.enqueue_indirect_dma source(%dma_start3A_309 : memref<10240x128xf32, #tpu.memory_space<hbm>>) target(%dma_start3A_303 : memref<64x128xf32, #tpu.memory_space<vmem>>) offsets(%dma_start3A_306 : memref<64xi32, #tpu.memory_space<vmem>>) semaphore(%arg11 : memref<!tpu.dma_semaphore, #tpu.memory_space<semaphore_mem>>)
      %dma_start3A_310 = arith.constant 6 : i32
      %dma_start3A_311 = arith.constant 64 : i32
      %dma_start3A_312 = arith.constant 0 : i32
      %dma_start3A_313 = tpu.memref_slice %arg8[%dma_start3A_311, %dma_start3A_312] : memref<128x128xf32, #tpu.memory_space<vmem>> -> memref<64x128xf32, #tpu.memory_space<vmem>>
      %dma_start3A_314 = arith.constant 64 : i32
      %dma_start3A_315 = tpu.memref_slice %arg6[%dma_start3A_310, %dma_start3A_314] : memref<8x128xi32, #tpu.memory_space<vmem>> -> memref<1x64xi32, #tpu.memory_space<vmem>>
      %dma_start3A_316 = tpu.memref_squeeze %dma_start3A_315 : memref<1x64xi32, #tpu.memory_space<vmem>> -> memref<64xi32, #tpu.memory_space<vmem>>
      %dma_start3A_317 = arith.constant 0 : i32
      %dma_start3A_318 = arith.constant 0 : i32
      %dma_start3A_319 = tpu.memref_slice %arg2[%dma_start3A_317, %dma_start3A_318] : memref<10240x128xf32, #tpu.memory_space<hbm>> -> memref<10240x128xf32, #tpu.memory_space<hbm>>
      tpu.enqueue_indirect_dma source(%dma_start3A_319 : memref<10240x128xf32, #tpu.memory_space<hbm>>) target(%dma_start3A_313 : memref<64x128xf32, #tpu.memory_space<vmem>>) offsets(%dma_start3A_316 : memref<64xi32, #tpu.memory_space<vmem>>) semaphore(%arg11 : memref<!tpu.dma_semaphore, #tpu.memory_space<semaphore_mem>>)
      %dma_wait3A_320 = arith.constant 5 : i32
      %dma_wait3A_321 = arith.constant 0 : i32
      %dma_wait3A_322 = arith.constant 0 : i32
      %dma_wait3A_323 = tpu.memref_slice %arg9[%dma_wait3A_321, %dma_wait3A_322] : memref<128x128xf32, #tpu.memory_space<vmem>> -> memref<64x128xf32, #tpu.memory_space<vmem>>
      %dma_wait3A_324 = arith.constant 0 : i32
      %dma_wait3A_325 = tpu.memref_slice %arg6[%dma_wait3A_320, %dma_wait3A_324] : memref<8x128xi32, #tpu.memory_space<vmem>> -> memref<1x64xi32, #tpu.memory_space<vmem>>
      %dma_wait3A_326 = tpu.memref_squeeze %dma_wait3A_325 : memref<1x64xi32, #tpu.memory_space<vmem>> -> memref<64xi32, #tpu.memory_space<vmem>>
      %dma_wait3A_327 = arith.constant 0 : i32
      %dma_wait3A_328 = arith.constant 0 : i32
      %dma_wait3A_329 = tpu.memref_slice %arg2[%dma_wait3A_327, %dma_wait3A_328] : memref<10240x128xf32, #tpu.memory_space<hbm>> -> memref<10240x128xf32, #tpu.memory_space<hbm>>
      tpu.wait_indirect_dma semaphore(%arg11 : memref<!tpu.dma_semaphore, #tpu.memory_space<semaphore_mem>>) src(%dma_wait3A_329 : memref<10240x128xf32, #tpu.memory_space<hbm>>) dst(%dma_wait3A_323 : memref<64x128xf32, #tpu.memory_space<vmem>>)
      %dma_wait3A_330 = arith.constant 5 : i32
      %dma_wait3A_331 = arith.constant 64 : i32
      %dma_wait3A_332 = arith.constant 0 : i32
      %dma_wait3A_333 = tpu.memref_slice %arg9[%dma_wait3A_331, %dma_wait3A_332] : memref<128x128xf32, #tpu.memory_space<vmem>> -> memref<64x128xf32, #tpu.memory_space<vmem>>
      %dma_wait3A_334 = arith.constant 64 : i32
      %dma_wait3A_335 = tpu.memref_slice %arg6[%dma_wait3A_330, %dma_wait3A_334] : memref<8x128xi32, #tpu.memory_space<vmem>> -> memref<1x64xi32, #tpu.memory_space<vmem>>
      %dma_wait3A_336 = tpu.memref_squeeze %dma_wait3A_335 : memref<1x64xi32, #tpu.memory_space<vmem>> -> memref<64xi32, #tpu.memory_space<vmem>>
      %dma_wait3A_337 = arith.constant 0 : i32
      %dma_wait3A_338 = arith.constant 0 : i32
      %dma_wait3A_339 = tpu.memref_slice %arg2[%dma_wait3A_337, %dma_wait3A_338] : memref<10240x128xf32, #tpu.memory_space<hbm>> -> memref<10240x128xf32, #tpu.memory_space<hbm>>
      tpu.wait_indirect_dma semaphore(%arg11 : memref<!tpu.dma_semaphore, #tpu.memory_space<semaphore_mem>>) src(%dma_wait3A_339 : memref<10240x128xf32, #tpu.memory_space<hbm>>) dst(%dma_wait3A_333 : memref<64x128xf32, #tpu.memory_space<vmem>>)
      %run_scoped3A_340 = arith.constant 5 : i32
      "tpu.region"() ({
        %run_scoped3A_404 = tpu.sem_alloc : memref<!tpu.dma_semaphore, #tpu.memory_space<semaphore_mem>>
        %dma_start3A_405 = arith.constant 0 : i32
        %dma_start3A_406 = tpu.memref_slice %arg7[%run_scoped3A_340, %dma_start3A_405] : memref<8x128xi32, #tpu.memory_space<vmem>> -> memref<1x128xi32, #tpu.memory_space<vmem>>
        %dma_start3A_407 = tpu.memref_squeeze %dma_start3A_406 : memref<1x128xi32, #tpu.memory_space<vmem>> -> memref<128xi32, #tpu.memory_space<vmem>>
        %dma_start3A_408 = arith.constant 0 : i32
        %dma_start3A_409 = arith.constant 0 : i32
        %dma_start3A_410 = tpu.memref_slice %arg10[%dma_start3A_408, %dma_start3A_409] : memref<10240x128xf32, #tpu.memory_space<vmem_shared>> -> memref<10240x128xf32, #tpu.memory_space<vmem_shared>>
        tpu.enqueue_indirect_dma source(%arg9 : memref<128x128xf32, #tpu.memory_space<vmem>>) target(%dma_start3A_410 : memref<10240x128xf32, #tpu.memory_space<vmem_shared>>) offsets(%dma_start3A_407 : memref<128xi32, #tpu.memory_space<vmem>>) semaphore(%run_scoped3A_404 : memref<!tpu.dma_semaphore, #tpu.memory_space<semaphore_mem>>) {add = true}
        %dma_wait3A_411 = arith.constant 0 : i32
        %dma_wait3A_412 = tpu.memref_slice %arg7[%run_scoped3A_340, %dma_wait3A_411] : memref<8x128xi32, #tpu.memory_space<vmem>> -> memref<1x128xi32, #tpu.memory_space<vmem>>
        %dma_wait3A_413 = tpu.memref_squeeze %dma_wait3A_412 : memref<1x128xi32, #tpu.memory_space<vmem>> -> memref<128xi32, #tpu.memory_space<vmem>>
        %dma_wait3A_414 = arith.constant 0 : i32
        %dma_wait3A_415 = arith.constant 0 : i32
        %dma_wait3A_416 = tpu.memref_slice %arg10[%dma_wait3A_414, %dma_wait3A_415] : memref<10240x128xf32, #tpu.memory_space<vmem_shared>> -> memref<10240x128xf32, #tpu.memory_space<vmem_shared>>
        tpu.wait_indirect_dma semaphore(%run_scoped3A_404 : memref<!tpu.dma_semaphore, #tpu.memory_space<semaphore_mem>>) src(%arg9 : memref<128x128xf32, #tpu.memory_space<vmem>>) dst(%dma_wait3A_416 : memref<10240x128xf32, #tpu.memory_space<vmem_shared>>)
        tpu.yield
      }) : () -> ()
      %dma_start3A_341 = arith.constant 7 : i32
      %dma_start3A_342 = arith.constant 0 : i32
      %dma_start3A_343 = arith.constant 0 : i32
      %dma_start3A_344 = tpu.memref_slice %arg9[%dma_start3A_342, %dma_start3A_343] : memref<128x128xf32, #tpu.memory_space<vmem>> -> memref<64x128xf32, #tpu.memory_space<vmem>>
      %dma_start3A_345 = arith.constant 0 : i32
      %dma_start3A_346 = tpu.memref_slice %arg6[%dma_start3A_341, %dma_start3A_345] : memref<8x128xi32, #tpu.memory_space<vmem>> -> memref<1x64xi32, #tpu.memory_space<vmem>>
      %dma_start3A_347 = tpu.memref_squeeze %dma_start3A_346 : memref<1x64xi32, #tpu.memory_space<vmem>> -> memref<64xi32, #tpu.memory_space<vmem>>
      %dma_start3A_348 = arith.constant 0 : i32
      %dma_start3A_349 = arith.constant 0 : i32
      %dma_start3A_350 = tpu.memref_slice %arg2[%dma_start3A_348, %dma_start3A_349] : memref<10240x128xf32, #tpu.memory_space<hbm>> -> memref<10240x128xf32, #tpu.memory_space<hbm>>
      tpu.enqueue_indirect_dma source(%dma_start3A_350 : memref<10240x128xf32, #tpu.memory_space<hbm>>) target(%dma_start3A_344 : memref<64x128xf32, #tpu.memory_space<vmem>>) offsets(%dma_start3A_347 : memref<64xi32, #tpu.memory_space<vmem>>) semaphore(%arg11 : memref<!tpu.dma_semaphore, #tpu.memory_space<semaphore_mem>>)
      %dma_start3A_351 = arith.constant 7 : i32
      %dma_start3A_352 = arith.constant 64 : i32
      %dma_start3A_353 = arith.constant 0 : i32
      %dma_start3A_354 = tpu.memref_slice %arg9[%dma_start3A_352, %dma_start3A_353] : memref<128x128xf32, #tpu.memory_space<vmem>> -> memref<64x128xf32, #tpu.memory_space<vmem>>
      %dma_start3A_355 = arith.constant 64 : i32
      %dma_start3A_356 = tpu.memref_slice %arg6[%dma_start3A_351, %dma_start3A_355] : memref<8x128xi32, #tpu.memory_space<vmem>> -> memref<1x64xi32, #tpu.memory_space<vmem>>
      %dma_start3A_357 = tpu.memref_squeeze %dma_start3A_356 : memref<1x64xi32, #tpu.memory_space<vmem>> -> memref<64xi32, #tpu.memory_space<vmem>>
      %dma_start3A_358 = arith.constant 0 : i32
      %dma_start3A_359 = arith.constant 0 : i32
      %dma_start3A_360 = tpu.memref_slice %arg2[%dma_start3A_358, %dma_start3A_359] : memref<10240x128xf32, #tpu.memory_space<hbm>> -> memref<10240x128xf32, #tpu.memory_space<hbm>>
      tpu.enqueue_indirect_dma source(%dma_start3A_360 : memref<10240x128xf32, #tpu.memory_space<hbm>>) target(%dma_start3A_354 : memref<64x128xf32, #tpu.memory_space<vmem>>) offsets(%dma_start3A_357 : memref<64xi32, #tpu.memory_space<vmem>>) semaphore(%arg11 : memref<!tpu.dma_semaphore, #tpu.memory_space<semaphore_mem>>)
      %dma_wait3A_361 = arith.constant 6 : i32
      %dma_wait3A_362 = arith.constant 0 : i32
      %dma_wait3A_363 = arith.constant 0 : i32
      %dma_wait3A_364 = tpu.memref_slice %arg8[%dma_wait3A_362, %dma_wait3A_363] : memref<128x128xf32, #tpu.memory_space<vmem>> -> memref<64x128xf32, #tpu.memory_space<vmem>>
      %dma_wait3A_365 = arith.constant 0 : i32
      %dma_wait3A_366 = tpu.memref_slice %arg6[%dma_wait3A_361, %dma_wait3A_365] : memref<8x128xi32, #tpu.memory_space<vmem>> -> memref<1x64xi32, #tpu.memory_space<vmem>>
      %dma_wait3A_367 = tpu.memref_squeeze %dma_wait3A_366 : memref<1x64xi32, #tpu.memory_space<vmem>> -> memref<64xi32, #tpu.memory_space<vmem>>
      %dma_wait3A_368 = arith.constant 0 : i32
      %dma_wait3A_369 = arith.constant 0 : i32
      %dma_wait3A_370 = tpu.memref_slice %arg2[%dma_wait3A_368, %dma_wait3A_369] : memref<10240x128xf32, #tpu.memory_space<hbm>> -> memref<10240x128xf32, #tpu.memory_space<hbm>>
      tpu.wait_indirect_dma semaphore(%arg11 : memref<!tpu.dma_semaphore, #tpu.memory_space<semaphore_mem>>) src(%dma_wait3A_370 : memref<10240x128xf32, #tpu.memory_space<hbm>>) dst(%dma_wait3A_364 : memref<64x128xf32, #tpu.memory_space<vmem>>)
      %dma_wait3A_371 = arith.constant 6 : i32
      %dma_wait3A_372 = arith.constant 64 : i32
      %dma_wait3A_373 = arith.constant 0 : i32
      %dma_wait3A_374 = tpu.memref_slice %arg8[%dma_wait3A_372, %dma_wait3A_373] : memref<128x128xf32, #tpu.memory_space<vmem>> -> memref<64x128xf32, #tpu.memory_space<vmem>>
      %dma_wait3A_375 = arith.constant 64 : i32
      %dma_wait3A_376 = tpu.memref_slice %arg6[%dma_wait3A_371, %dma_wait3A_375] : memref<8x128xi32, #tpu.memory_space<vmem>> -> memref<1x64xi32, #tpu.memory_space<vmem>>
      %dma_wait3A_377 = tpu.memref_squeeze %dma_wait3A_376 : memref<1x64xi32, #tpu.memory_space<vmem>> -> memref<64xi32, #tpu.memory_space<vmem>>
      %dma_wait3A_378 = arith.constant 0 : i32
      %dma_wait3A_379 = arith.constant 0 : i32
      %dma_wait3A_380 = tpu.memref_slice %arg2[%dma_wait3A_378, %dma_wait3A_379] : memref<10240x128xf32, #tpu.memory_space<hbm>> -> memref<10240x128xf32, #tpu.memory_space<hbm>>
      tpu.wait_indirect_dma semaphore(%arg11 : memref<!tpu.dma_semaphore, #tpu.memory_space<semaphore_mem>>) src(%dma_wait3A_380 : memref<10240x128xf32, #tpu.memory_space<hbm>>) dst(%dma_wait3A_374 : memref<64x128xf32, #tpu.memory_space<vmem>>)
      %run_scoped3A_381 = arith.constant 6 : i32
      "tpu.region"() ({
        %run_scoped3A_404 = tpu.sem_alloc : memref<!tpu.dma_semaphore, #tpu.memory_space<semaphore_mem>>
        %dma_start3A_405 = arith.constant 0 : i32
        %dma_start3A_406 = tpu.memref_slice %arg7[%run_scoped3A_381, %dma_start3A_405] : memref<8x128xi32, #tpu.memory_space<vmem>> -> memref<1x128xi32, #tpu.memory_space<vmem>>
        %dma_start3A_407 = tpu.memref_squeeze %dma_start3A_406 : memref<1x128xi32, #tpu.memory_space<vmem>> -> memref<128xi32, #tpu.memory_space<vmem>>
        %dma_start3A_408 = arith.constant 0 : i32
        %dma_start3A_409 = arith.constant 0 : i32
        %dma_start3A_410 = tpu.memref_slice %arg10[%dma_start3A_408, %dma_start3A_409] : memref<10240x128xf32, #tpu.memory_space<vmem_shared>> -> memref<10240x128xf32, #tpu.memory_space<vmem_shared>>
        tpu.enqueue_indirect_dma source(%arg8 : memref<128x128xf32, #tpu.memory_space<vmem>>) target(%dma_start3A_410 : memref<10240x128xf32, #tpu.memory_space<vmem_shared>>) offsets(%dma_start3A_407 : memref<128xi32, #tpu.memory_space<vmem>>) semaphore(%run_scoped3A_404 : memref<!tpu.dma_semaphore, #tpu.memory_space<semaphore_mem>>) {add = true}
        %dma_wait3A_411 = arith.constant 0 : i32
        %dma_wait3A_412 = tpu.memref_slice %arg7[%run_scoped3A_381, %dma_wait3A_411] : memref<8x128xi32, #tpu.memory_space<vmem>> -> memref<1x128xi32, #tpu.memory_space<vmem>>
        %dma_wait3A_413 = tpu.memref_squeeze %dma_wait3A_412 : memref<1x128xi32, #tpu.memory_space<vmem>> -> memref<128xi32, #tpu.memory_space<vmem>>
        %dma_wait3A_414 = arith.constant 0 : i32
        %dma_wait3A_415 = arith.constant 0 : i32
        %dma_wait3A_416 = tpu.memref_slice %arg10[%dma_wait3A_414, %dma_wait3A_415] : memref<10240x128xf32, #tpu.memory_space<vmem_shared>> -> memref<10240x128xf32, #tpu.memory_space<vmem_shared>>
        tpu.wait_indirect_dma semaphore(%run_scoped3A_404 : memref<!tpu.dma_semaphore, #tpu.memory_space<semaphore_mem>>) src(%arg8 : memref<128x128xf32, #tpu.memory_space<vmem>>) dst(%dma_wait3A_416 : memref<10240x128xf32, #tpu.memory_space<vmem_shared>>)
        tpu.yield
      }) : () -> ()
      %dma_wait3A_382 = arith.constant 7 : i32
      %dma_wait3A_383 = arith.constant 0 : i32
      %dma_wait3A_384 = arith.constant 0 : i32
      %dma_wait3A_385 = tpu.memref_slice %arg9[%dma_wait3A_383, %dma_wait3A_384] : memref<128x128xf32, #tpu.memory_space<vmem>> -> memref<64x128xf32, #tpu.memory_space<vmem>>
      %dma_wait3A_386 = arith.constant 0 : i32
      %dma_wait3A_387 = tpu.memref_slice %arg6[%dma_wait3A_382, %dma_wait3A_386] : memref<8x128xi32, #tpu.memory_space<vmem>> -> memref<1x64xi32, #tpu.memory_space<vmem>>
      %dma_wait3A_388 = tpu.memref_squeeze %dma_wait3A_387 : memref<1x64xi32, #tpu.memory_space<vmem>> -> memref<64xi32, #tpu.memory_space<vmem>>
      %dma_wait3A_389 = arith.constant 0 : i32
      %dma_wait3A_390 = arith.constant 0 : i32
      %dma_wait3A_391 = tpu.memref_slice %arg2[%dma_wait3A_389, %dma_wait3A_390] : memref<10240x128xf32, #tpu.memory_space<hbm>> -> memref<10240x128xf32, #tpu.memory_space<hbm>>
      tpu.wait_indirect_dma semaphore(%arg11 : memref<!tpu.dma_semaphore, #tpu.memory_space<semaphore_mem>>) src(%dma_wait3A_391 : memref<10240x128xf32, #tpu.memory_space<hbm>>) dst(%dma_wait3A_385 : memref<64x128xf32, #tpu.memory_space<vmem>>)
      %dma_wait3A_392 = arith.constant 7 : i32
      %dma_wait3A_393 = arith.constant 64 : i32
      %dma_wait3A_394 = arith.constant 0 : i32
      %dma_wait3A_395 = tpu.memref_slice %arg9[%dma_wait3A_393, %dma_wait3A_394] : memref<128x128xf32, #tpu.memory_space<vmem>> -> memref<64x128xf32, #tpu.memory_space<vmem>>
      %dma_wait3A_396 = arith.constant 64 : i32
      %dma_wait3A_397 = tpu.memref_slice %arg6[%dma_wait3A_392, %dma_wait3A_396] : memref<8x128xi32, #tpu.memory_space<vmem>> -> memref<1x64xi32, #tpu.memory_space<vmem>>
      %dma_wait3A_398 = tpu.memref_squeeze %dma_wait3A_397 : memref<1x64xi32, #tpu.memory_space<vmem>> -> memref<64xi32, #tpu.memory_space<vmem>>
      %dma_wait3A_399 = arith.constant 0 : i32
      %dma_wait3A_400 = arith.constant 0 : i32
      %dma_wait3A_401 = tpu.memref_slice %arg2[%dma_wait3A_399, %dma_wait3A_400] : memref<10240x128xf32, #tpu.memory_space<hbm>> -> memref<10240x128xf32, #tpu.memory_space<hbm>>
      tpu.wait_indirect_dma semaphore(%arg11 : memref<!tpu.dma_semaphore, #tpu.memory_space<semaphore_mem>>) src(%dma_wait3A_401 : memref<10240x128xf32, #tpu.memory_space<hbm>>) dst(%dma_wait3A_395 : memref<64x128xf32, #tpu.memory_space<vmem>>)
      %run_scoped3A_402 = arith.constant 7 : i32
      "tpu.region"() ({
        %run_scoped3A_404 = tpu.sem_alloc : memref<!tpu.dma_semaphore, #tpu.memory_space<semaphore_mem>>
        %dma_start3A_405 = arith.constant 0 : i32
        %dma_start3A_406 = tpu.memref_slice %arg7[%run_scoped3A_402, %dma_start3A_405] : memref<8x128xi32, #tpu.memory_space<vmem>> -> memref<1x128xi32, #tpu.memory_space<vmem>>
        %dma_start3A_407 = tpu.memref_squeeze %dma_start3A_406 : memref<1x128xi32, #tpu.memory_space<vmem>> -> memref<128xi32, #tpu.memory_space<vmem>>
        %dma_start3A_408 = arith.constant 0 : i32
        %dma_start3A_409 = arith.constant 0 : i32
        %dma_start3A_410 = tpu.memref_slice %arg10[%dma_start3A_408, %dma_start3A_409] : memref<10240x128xf32, #tpu.memory_space<vmem_shared>> -> memref<10240x128xf32, #tpu.memory_space<vmem_shared>>
        tpu.enqueue_indirect_dma source(%arg9 : memref<128x128xf32, #tpu.memory_space<vmem>>) target(%dma_start3A_410 : memref<10240x128xf32, #tpu.memory_space<vmem_shared>>) offsets(%dma_start3A_407 : memref<128xi32, #tpu.memory_space<vmem>>) semaphore(%run_scoped3A_404 : memref<!tpu.dma_semaphore, #tpu.memory_space<semaphore_mem>>) {add = true}
        %dma_wait3A_411 = arith.constant 0 : i32
        %dma_wait3A_412 = tpu.memref_slice %arg7[%run_scoped3A_402, %dma_wait3A_411] : memref<8x128xi32, #tpu.memory_space<vmem>> -> memref<1x128xi32, #tpu.memory_space<vmem>>
        %dma_wait3A_413 = tpu.memref_squeeze %dma_wait3A_412 : memref<1x128xi32, #tpu.memory_space<vmem>> -> memref<128xi32, #tpu.memory_space<vmem>>
        %dma_wait3A_414 = arith.constant 0 : i32
        %dma_wait3A_415 = arith.constant 0 : i32
        %dma_wait3A_416 = tpu.memref_slice %arg10[%dma_wait3A_414, %dma_wait3A_415] : memref<10240x128xf32, #tpu.memory_space<vmem_shared>> -> memref<10240x128xf32, #tpu.memory_space<vmem_shared>>
        tpu.wait_indirect_dma semaphore(%run_scoped3A_404 : memref<!tpu.dma_semaphore, #tpu.memory_space<semaphore_mem>>) src(%arg9 : memref<128x128xf32, #tpu.memory_space<vmem>>) dst(%dma_wait3A_416 : memref<10240x128xf32, #tpu.memory_space<vmem_shared>>)
        tpu.yield
      }) : () -> ()
      %while3A_403 = arith.constant 0 : i32
      scf.yield %while3A_403 : i32
    }
    %barrier3A_68 = arith.constant 0 : index
    tpu.barrier barrier_id(%barrier3A_68)
    %mul3A_69 = arith.constant 640 : i32
    %mul3A_70 = arith.muli %arg1, %mul3A_69 : i32
    %mul3A_71 = arith.constant 640 : i32
    %mul3A_72 = arith.muli %arg1, %mul3A_71 : i32
    "tpu.region"() ({
      %run_scoped3A = tpu.sem_alloc : memref<!tpu.dma_semaphore, #tpu.memory_space<semaphore_mem>>
      %dma_start3A = arith.constant 0 : i32
      %dma_start3A_73 = tpu.memref_slice %arg5[%arg0, %mul3A_72, %dma_start3A] : memref<2x10240x128xf32, #tpu.memory_space<hbm>> -> memref<1x640x128xf32, #tpu.memory_space<hbm>>
      %dma_start3A_74 = tpu.memref_squeeze %dma_start3A_73 : memref<1x640x128xf32, #tpu.memory_space<hbm>> -> memref<640x128xf32, #tpu.memory_space<hbm>>
      %dma_start3A_75 = arith.constant 0 : i32
      %dma_start3A_76 = tpu.memref_slice %arg10[%mul3A_70, %dma_start3A_75] : memref<10240x128xf32, #tpu.memory_space<vmem_shared>> -> memref<640x128xf32, #tpu.memory_space<vmem_shared>>
      tpu.enqueue_dma source(%dma_start3A_76 : memref<640x128xf32, #tpu.memory_space<vmem_shared>>) target(%dma_start3A_74 : memref<640x128xf32, #tpu.memory_space<hbm>>) target_semaphore(%run_scoped3A : memref<!tpu.dma_semaphore, #tpu.memory_space<semaphore_mem>>)
      %dma_wait3A = arith.constant 0 : i32
      %dma_wait3A_77 = tpu.memref_slice %arg5[%arg0, %mul3A_72, %dma_wait3A] : memref<2x10240x128xf32, #tpu.memory_space<hbm>> -> memref<1x640x128xf32, #tpu.memory_space<hbm>>
      %dma_wait3A_78 = tpu.memref_squeeze %dma_wait3A_77 : memref<1x640x128xf32, #tpu.memory_space<hbm>> -> memref<640x128xf32, #tpu.memory_space<hbm>>
      %dma_wait3A_79 = arith.constant 0 : i32
      %dma_wait3A_80 = tpu.memref_slice %arg10[%mul3A_70, %dma_wait3A_79] : memref<10240x128xf32, #tpu.memory_space<vmem_shared>> -> memref<640x128xf32, #tpu.memory_space<vmem_shared>>
      tpu.wait_dma2 semaphore(%run_scoped3A : memref<!tpu.dma_semaphore, #tpu.memory_space<semaphore_mem>>) src(%dma_wait3A_80 : memref<640x128xf32, #tpu.memory_space<vmem_shared>>) dst(%dma_wait3A_78 : memref<640x128xf32, #tpu.memory_space<hbm>>)
      tpu.yield
    }) : () -> ()
    return
  }
}

module attributes {stable_mosaic.version = 14 : i64} {
  func.func @body(%arg0: memref<2x10240xf32, #tpu.memory_space<vmem>>, %arg1: memref<10240x128xf32, #tpu.memory_space<vmem>>, %arg2: memref<10240x128xf32, #tpu.memory_space<vmem>>, %arg3: memref<10240x128xf32, #tpu.memory_space<vmem>>) attributes {dimension_semantics = [], scalar_prefetch = 0 : i64, scratch_operands = 0 : i64, tpu.core_type = #tpu.core_type<tc>} {
    %get3A = arith.constant 0 : index
    %get3A_0 = arith.constant 0 : index
    %get3A_1 = vector.load %arg0[%get3A, %get3A_0] : memref<2x10240xf32, #tpu.memory_space<vmem>>, vector<1x10240xf32>
    %get3A_2 = vector.shape_cast %get3A_1 : vector<1x10240xf32> to vector<10240xf32>
    %get3A_3 = arith.constant 1 : index
    %get3A_4 = arith.constant 0 : index
    %get3A_5 = vector.load %arg0[%get3A_3, %get3A_4] : memref<2x10240xf32, #tpu.memory_space<vmem>>, vector<1x10240xf32>
    %get3A_6 = vector.shape_cast %get3A_5 : vector<1x10240xf32> to vector<10240xf32>
    %add3A = arith.addf %get3A_2, %get3A_6 : vector<10240xf32>
    %add3A_7 = arith.constant 1.000000e+00 : f32
    %add3A_8 = vector.broadcast %add3A_7 : f32 to vector<10240xf32>
    %add3A_9 = arith.addf %add3A, %add3A_8 : vector<10240xf32>
    %max3A = arith.constant 1.000000e+00 : f32
    %max3A_10 = vector.broadcast %max3A : f32 to vector<10240xf32>
    %max3A_11 = arith.maximumf %add3A_9, %max3A_10 : vector<10240xf32>
    %rsqrt3A = math.rsqrt %max3A_11 : vector<10240xf32>
    %broadcast_in_dim3A = vector.shape_cast %rsqrt3A : vector<10240xf32> to vector<10240x1xf32>
    %broadcast_in_dim3A_12 = vector.shape_cast %broadcast_in_dim3A : vector<10240x1xf32> to vector<10240x1xf32>
    %broadcast_in_dim3A_13 = vector.broadcast %broadcast_in_dim3A_12 : vector<10240x1xf32> to vector<10240x128xf32>
    %swap3A = arith.constant 0 : index
    %swap3A_14 = arith.constant 0 : index
    %swap3A_15 = vector.load %arg2[%swap3A, %swap3A_14] : memref<10240x128xf32, #tpu.memory_space<vmem>>, vector<10240x128xf32>
    tpu.vector_store %arg2[%swap3A, %swap3A_14], %broadcast_in_dim3A_13 {strides = array<i32>} : memref<10240x128xf32, #tpu.memory_space<vmem>>, vector<10240x128xf32>,
    %get3A_16 = arith.constant 0 : index
    %get3A_17 = arith.constant 0 : index
    %get3A_18 = vector.load %arg1[%get3A_16, %get3A_17] : memref<10240x128xf32, #tpu.memory_space<vmem>>, vector<10240x128xf32>
    %mul3A = arith.mulf %get3A_18, %broadcast_in_dim3A_13 : vector<10240x128xf32>
    %swap3A_19 = arith.constant 0 : index
    %swap3A_20 = arith.constant 0 : index
    %swap3A_21 = vector.load %arg3[%swap3A_19, %swap3A_20] : memref<10240x128xf32, #tpu.memory_space<vmem>>, vector<10240x128xf32>
    tpu.vector_store %arg3[%swap3A_19, %swap3A_20], %mul3A {strides = array<i32>} : memref<10240x128xf32, #tpu.memory_space<vmem>>, vector<10240x128xf32>,
    return
  }
}

module attributes {stable_mosaic.version = 14 : i64} {
  func.func @body(%arg0: i32, %arg1: memref<2x1024x128xf32, #tpu.memory_space<vmem>>, %arg2: memref<1024x128xf32, #tpu.memory_space<vmem>>, %arg3: memref<1024x128xf32, #tpu.memory_space<vmem>>, %arg4: memref<128x128xf32, #tpu.memory_space<vmem>>, %arg5: memref<1024x128xf32, #tpu.memory_space<vmem>>) attributes {dimension_semantics = [#tpu.dimension_semantics<arbitrary>], iteration_bounds = array<i64: 10>, scalar_prefetch = 0 : i64, scratch_operands = 0 : i64, tpu.core_type = #tpu.core_type<tc>, window_params = [{transform_indices = @transform_0, window_bounds = array<i64: 2, 1024, 128>}, {transform_indices = @transform_1, window_bounds = array<i64: 1024, 128>}, {transform_indices = @transform_2, window_bounds = array<i64: 1024, 128>}, {pipeline_mode = #tpu.pipeline_mode<synchronous>, transform_indices = @transform_3, window_bounds = array<i64: 128, 128>}, {transform_indices = @transform_4, window_bounds = array<i64: 1024, 128>}]} {
    %get3A = arith.constant 0 : index
    %get3A_0 = arith.constant 0 : index
    %get3A_1 = arith.constant 0 : index
    %get3A_2 = vector.load %arg1[%get3A, %get3A_0, %get3A_1] : memref<2x1024x128xf32, #tpu.memory_space<vmem>>, vector<1x1024x128xf32>
    %get3A_3 = vector.shape_cast %get3A_2 : vector<1x1024x128xf32> to vector<1024x128xf32>
    %get3A_4 = arith.constant 1 : index
    %get3A_5 = arith.constant 0 : index
    %get3A_6 = arith.constant 0 : index
    %get3A_7 = vector.load %arg1[%get3A_4, %get3A_5, %get3A_6] : memref<2x1024x128xf32, #tpu.memory_space<vmem>>, vector<1x1024x128xf32>
    %get3A_8 = vector.shape_cast %get3A_7 : vector<1x1024x128xf32> to vector<1024x128xf32>
    %add3A = arith.addf %get3A_3, %get3A_8 : vector<1024x128xf32>
    %get3A_9 = arith.constant 0 : index
    %get3A_10 = arith.constant 0 : index
    %get3A_11 = vector.load %arg2[%get3A_9, %get3A_10] : memref<1024x128xf32, #tpu.memory_space<vmem>>, vector<1024x128xf32>
    %add3A_12 = arith.addf %add3A, %get3A_11 : vector<1024x128xf32>
    %get3A_13 = arith.constant 0 : index
    %get3A_14 = arith.constant 0 : index
    %get3A_15 = vector.load %arg3[%get3A_13, %get3A_14] : memref<1024x128xf32, #tpu.memory_space<vmem>>, vector<1024x128xf32>
    %mul3A = arith.mulf %add3A_12, %get3A_15 : vector<1024x128xf32>
    %get3A_16 = arith.constant 0 : index
    %get3A_17 = arith.constant 0 : index
    %get3A_18 = vector.load %arg4[%get3A_16, %get3A_17] : memref<128x128xf32, #tpu.memory_space<vmem>>, vector<128x128xf32>
    %dot_general3A = arith.constant dense<0.000000e+00> : vector<1024x128xf32>
    %dot_general3A_19 = tpu.matmul %mul3A, %get3A_18, %dot_general3A {dimension_numbers = #tpu.dot_dimension_numbers<[1], [0], [0], [1], [0, 0, 1, 1], [], []>, transpose_lhs_hint = false} : vector<1024x128xf32>, vector<128x128xf32>, vector<1024x128xf32> -> vector<1024x128xf32>
    %max3A = arith.constant 0.000000e+00 : f32
    %max3A_20 = vector.broadcast %max3A : f32 to vector<1024x128xf32>
    %max3A_21 = arith.maximumf %dot_general3A_19, %max3A_20 : vector<1024x128xf32>
    %get3A_22 = arith.constant 0 : index
    %get3A_23 = arith.constant 0 : index
    %get3A_24 = vector.load %arg3[%get3A_22, %get3A_23] : memref<1024x128xf32, #tpu.memory_space<vmem>>, vector<1024x128xf32>
    %mul3A_25 = arith.mulf %max3A_21, %get3A_24 : vector<1024x128xf32>
    %swap3A = arith.constant 0 : index
    %swap3A_26 = arith.constant 0 : index
    %swap3A_27 = vector.load %arg5[%swap3A, %swap3A_26] : memref<1024x128xf32, #tpu.memory_space<vmem>>, vector<1024x128xf32>
    tpu.vector_store %arg5[%swap3A, %swap3A_26], %mul3A_25 {strides = array<i32>} : memref<1024x128xf32, #tpu.memory_space<vmem>>, vector<1024x128xf32>,
    return
  }
  func.func @transform_0(%arg0: i32) -> (i32, i32, i32) {
    %c0_i32 = arith.constant 0 : i32
    %c0_i32_0 = arith.constant 0 : i32
    %c0_i32_1 = arith.constant 0 : i32
    return %c0_i32, %arg0, %c0_i32_0 : i32, i32, i32
  }
  func.func @transform_1(%arg0: i32) -> (i32, i32) {
    %c0_i32 = arith.constant 0 : i32
    %c0_i32_0 = arith.constant 0 : i32
    return %arg0, %c0_i32 : i32, i32
  }
  func.func @transform_2(%arg0: i32) -> (i32, i32) {
    %c0_i32 = arith.constant 0 : i32
    %c0_i32_0 = arith.constant 0 : i32
    return %arg0, %c0_i32 : i32, i32
  }
  func.func @transform_3(%arg0: i32) -> (i32, i32) {
    %c0_i32 = arith.constant 0 : i32
    %c0_i32_0 = arith.constant 0 : i32
    %c0_i32_1 = arith.constant 0 : i32
    return %c0_i32, %c0_i32_0 : i32, i32
  }
  func.func @transform_4(%arg0: i32) -> (i32, i32) {
    %c0_i32 = arith.constant 0 : i32
    %c0_i32_0 = arith.constant 0 : i32
    return %arg0, %c0_i32 : i32, i32
  }
}

module attributes {stable_mosaic.version = 14 : i64} {
  func.func @body(%arg0: i32, %arg1: memref<2x1024x128xf32, #tpu.memory_space<vmem>>, %arg2: memref<1024x128xf32, #tpu.memory_space<vmem>>, %arg3: memref<1024x128xf32, #tpu.memory_space<vmem>>, %arg4: memref<128x128xf32, #tpu.memory_space<vmem>>, %arg5: memref<1024x128xf32, #tpu.memory_space<vmem>>, %arg6: memref<1024x1024xf32, #tpu.memory_space<vmem>>) attributes {dimension_semantics = [#tpu.dimension_semantics<arbitrary>], iteration_bounds = array<i64: 10>, scalar_prefetch = 0 : i64, scratch_operands = 0 : i64, tpu.core_type = #tpu.core_type<tc>, window_params = [{transform_indices = @transform_0, window_bounds = array<i64: 2, 1024, 128>}, {transform_indices = @transform_1, window_bounds = array<i64: 1024, 128>}, {transform_indices = @transform_2, window_bounds = array<i64: 1024, 128>}, {pipeline_mode = #tpu.pipeline_mode<synchronous>, transform_indices = @transform_3, window_bounds = array<i64: 128, 128>}, {pipeline_mode = #tpu.pipeline_mode<synchronous>, transform_indices = @transform_4, window_bounds = array<i64: 1024, 128>}, {transform_indices = @transform_5, window_bounds = array<i64: 1024, 1024>}]} {
    %get3A = arith.constant 0 : index
    %get3A_0 = arith.constant 0 : index
    %get3A_1 = arith.constant 0 : index
    %get3A_2 = vector.load %arg1[%get3A, %get3A_0, %get3A_1] : memref<2x1024x128xf32, #tpu.memory_space<vmem>>, vector<1x1024x128xf32>
    %get3A_3 = vector.shape_cast %get3A_2 : vector<1x1024x128xf32> to vector<1024x128xf32>
    %get3A_4 = arith.constant 1 : index
    %get3A_5 = arith.constant 0 : index
    %get3A_6 = arith.constant 0 : index
    %get3A_7 = vector.load %arg1[%get3A_4, %get3A_5, %get3A_6] : memref<2x1024x128xf32, #tpu.memory_space<vmem>>, vector<1x1024x128xf32>
    %get3A_8 = vector.shape_cast %get3A_7 : vector<1x1024x128xf32> to vector<1024x128xf32>
    %add3A = arith.addf %get3A_3, %get3A_8 : vector<1024x128xf32>
    %get3A_9 = arith.constant 0 : index
    %get3A_10 = arith.constant 0 : index
    %get3A_11 = vector.load %arg2[%get3A_9, %get3A_10] : memref<1024x128xf32, #tpu.memory_space<vmem>>, vector<1024x128xf32>
    %add3A_12 = arith.addf %add3A, %get3A_11 : vector<1024x128xf32>
    %get3A_13 = arith.constant 0 : index
    %get3A_14 = arith.constant 0 : index
    %get3A_15 = vector.load %arg3[%get3A_13, %get3A_14] : memref<1024x128xf32, #tpu.memory_space<vmem>>, vector<1024x128xf32>
    %mul3A = arith.mulf %add3A_12, %get3A_15 : vector<1024x128xf32>
    %get3A_16 = arith.constant 0 : index
    %get3A_17 = arith.constant 0 : index
    %get3A_18 = vector.load %arg4[%get3A_16, %get3A_17] : memref<128x128xf32, #tpu.memory_space<vmem>>, vector<128x128xf32>
    %dot_general3A = arith.constant dense<0.000000e+00> : vector<1024x128xf32>
    %dot_general3A_19 = tpu.matmul %mul3A, %get3A_18, %dot_general3A {dimension_numbers = #tpu.dot_dimension_numbers<[1], [0], [0], [1], [0, 0, 1, 1], [], []>, transpose_lhs_hint = false} : vector<1024x128xf32>, vector<128x128xf32>, vector<1024x128xf32> -> vector<1024x128xf32>
    %get3A_20 = arith.constant 0 : index
    %get3A_21 = arith.constant 0 : index
    %get3A_22 = vector.load %arg5[%get3A_20, %get3A_21] : memref<1024x128xf32, #tpu.memory_space<vmem>>, vector<1024x128xf32>
    %dot_general3A_23 = arith.constant dense<0.000000e+00> : vector<1024x1024xf32>
    %dot_general3A_24 = tpu.matmul %get3A_22, %dot_general3A_19, %dot_general3A_23 {dimension_numbers = #tpu.dot_dimension_numbers<[1], [1], [0], [0], [0, 0, 1, 0], [], []>, transpose_lhs_hint = false} : vector<1024x128xf32>, vector<1024x128xf32>, vector<1024x1024xf32> -> vector<1024x1024xf32>
    %swap3A = arith.constant 0 : index
    %swap3A_25 = arith.constant 0 : index
    %swap3A_26 = vector.load %arg6[%swap3A, %swap3A_25] : memref<1024x1024xf32, #tpu.memory_space<vmem>>, vector<1024x1024xf32>
    tpu.vector_store %arg6[%swap3A, %swap3A_25], %dot_general3A_24 {strides = array<i32>} : memref<1024x1024xf32, #tpu.memory_space<vmem>>, vector<1024x1024xf32>,
    return
  }
  func.func @transform_0(%arg0: i32) -> (i32, i32, i32) {
    %c0_i32 = arith.constant 0 : i32
    %c0_i32_0 = arith.constant 0 : i32
    %c0_i32_1 = arith.constant 0 : i32
    return %c0_i32, %arg0, %c0_i32_0 : i32, i32, i32
  }
  func.func @transform_1(%arg0: i32) -> (i32, i32) {
    %c0_i32 = arith.constant 0 : i32
    %c0_i32_0 = arith.constant 0 : i32
    return %arg0, %c0_i32 : i32, i32
  }
  func.func @transform_2(%arg0: i32) -> (i32, i32) {
    %c0_i32 = arith.constant 0 : i32
    %c0_i32_0 = arith.constant 0 : i32
    return %arg0, %c0_i32 : i32, i32
  }
  func.func @transform_3(%arg0: i32) -> (i32, i32) {
    %c0_i32 = arith.constant 0 : i32
    %c0_i32_0 = arith.constant 0 : i32
    %c0_i32_1 = arith.constant 0 : i32
    return %c0_i32, %c0_i32_0 : i32, i32
  }
  func.func @transform_4(%arg0: i32) -> (i32, i32) {
    %c0_i32 = arith.constant 0 : i32
    %c0_i32_0 = arith.constant 0 : i32
    %c0_i32_1 = arith.constant 0 : i32
    return %c0_i32, %c0_i32_0 : i32, i32
  }
  func.func @transform_5(%arg0: i32) -> (i32, i32) {
    %c0_i32 = arith.constant 0 : i32
    %c0_i32_0 = arith.constant 0 : i32
    return %c0_i32, %arg0 : i32, i32
  }
}

</mosaic_0001>

<sc_bundles>
// kernel: _run.11.cloned.1.call-start
scs
__scs_entry_jumppad:
0x0: {  	(pc) =	sbr.rel $0x88, $3  }
0x1: {  	(tag) =	ssettag $0x0;
	lr =	simm.s32 $0x1  }
0x2: {  	[smem:$0x3F9C] =	sst lr;
	_ =	strace $0xD0000000  }
0x3: {  	_ = 	snop  }
0x4: {  	_ = 	snop  }
0x5: {  	_ = 	snop  }
0x6: {  	_ = 	snop  }
0x7: {  	_ = 	snop  }
__scs_overlays_trampoline_lowered:
0x8: {  	[smem:$0x3FAB] =	sst s0  }
0x9: {  	[smem:$0x3FAC] =	sst s1  }
0xa: {  	[smem:$0x3FAD] =	sst s2  }
0xb: {  	[smem:$0x3FAE] =	sst s3  }
0xc: {  	[smem:$0x3FAF] =	sst s4  }
0xd: {  	[smem:$0x3FB0] =	sst s5  }
0xe: {  	[smem:$0x3FB1] =	sst s6  }
0xf: {  	[smem:$0x3FB2] =	sst s7  }
0x10: {  	[smem:$0x3FB3] =	sst s8  }
0x11: {  	[smem:$0x3FB4] =	sst s9;
	s0 =	simm.s32 @!p0 $0x0  }
0x12: {  	s1 =	sld [smem:$0x3F9A];
	s0 =	simm.s32 @p0 $0x1  }
0x13: {  	[smem:$0x3FB5] =	sst s0;
	s0 =	simm.s32 @!p1 $0x0  }
0x14: {  	s2 =	sld [smem:$0x3F99];
	s0 =	simm.s32 @p1 $0x1  }
0x15: {  	[smem:$0x3FB6] =	sst s0;
	s0 =	simm.s32 @!p2 $0x0  }
0x16: {  	s3 =	sld [smem:$0x3FDB];
	s0 =	simm.s32 @p2 $0x1  }
0x17: {  	s4 =	simm.s32 $0x1BF5;
	[smem:$0x3FB8] =	sst s0  }
0x18: {  	s0 =	sld [smem:$0x3F9B];
	_ =	swait.ge [sflag:s4], $0x0  }
0x19: {  	s7 =	sld [smem:$0x3F9C]  }
0x1a: {  	s8 =	sadd.s32 $0xFFFFE003, lr  }
0x1b: {  	s9 =	sadd.s32 $0xFFFFFEF7, lr;
	s5 =	simm.s32 $0xFFFFFFFF;
	p2 =	slt.u32 s8, $0xFFFFF086  }
0x1c: {  	p1 =	slt.u32 s9, $0xF7A;
	s5 =	simm.s32 @!p2 $0x0  }
0x1d: {  	s5 =	simm.s32 @p1 $0x1;
	p0 =	seq.s32 s7, s2  }
0x1e: {  	s7 =	smul.u32 @!p0 $0xF7A, s2;
	p2 =	seq.s32 @!p0 s5, $0x0  }
0x1f: {  	s9 =	smul.u32 $0xF7A, s1;
	s8 =	simm.s32 @!p0 $0x1BF5;
	p2 =	por !p2, p0  }
0x20: {  	[sflag:s8] =	ssyncset.s32 @!p0 $0xFFFFF086;
	s6 =	sadd.s32 @!p0 s3, s7;
	s7 =	simm.s32 @!p0 $0x108  }
0x21: {  	s3 =	sadd.s32 s3, s9;
	s6 =	sadd.s32 @!p0 $0x88, s6;
	s7 =	simm.s32 @p2 $0x1082  }
0x22: {  	[simem:s7], [sflag:s8] =	dma.local @!p0 [hbm:s6], $0xF7A  }
0x23: {  	s9 =	sor.u32 $0xD0000000, s2;
	s6 =	simm.s32 $0x108;
	_ =	swait.ge @!p0 [sflag:s8], $0x0  }
0x24: {  	s3 =	sadd.s32 $0x88, s3;
	s6 =	simm.s32 @!p1 $0x1082;
	[sflag:s4] =	ssyncset.s32 $0xFFFFF086  }
0x25: {  	[simem:s6], [sflag:s4] =	dma.local [hbm:s3], $0xF7A  }
0x26: {  	[smem:$0x3F9C] =	sst s1;
	(tag) =	ssettag s2;
	_ =	strace s9  }
0x27: {  	s1 =	sld [smem:$0x3FAC]  }
0x28: {  	s2 =	sld [smem:$0x3FAD]  }
0x29: {  	s4 =	sld [smem:$0x3FAF]  }
0x2a: {  	p0 =	seq.s32 s5, $0x0;
	s5 =	sld [smem:$0x3FB0]  }
0x2b: {  	s6 =	sld [smem:$0x3FB1]  }
0x2c: {  	s7 =	sld [smem:$0x3FB2]  }
0x2d: {  	s3 =	simm.s32 $0x108;
	s8 =	sld [smem:$0x3FB3]  }
0x2e: {  	s3 =	simm.s32 @!p0 $0x1082;
	s9 =	sld [smem:$0x3FB4]  }
0x2f: {  	lr =	sadd.s32 s0, s3;
	s0 =	sld [smem:$0x3FAB]  }
0x30: {  	s3 =	sld [smem:$0x3FAE]  }
0x31: {  	[smem:$0x3FB7] =	sst s10  }
0x32: {  	s10 =	sld [smem:$0x3FB5];
	_ =	sdelay $0x3  }
0x33: {  	p0 =	seq.s32 s10, $0x1;
	s10 =	sld [smem:$0x3FB7];
	_ =	sdelay $0x3  }
0x34: {  	[smem:$0x3FB7] =	sst s10  }
0x35: {  	s10 =	sld [smem:$0x3FB6];
	_ =	sdelay $0x3  }
0x36: {  	p1 =	seq.s32 s10, $0x1;
	s10 =	sld [smem:$0x3FB7];
	_ =	sdelay $0x3  }
0x37: {  	[smem:$0x3FB7] =	sst s10  }
0x38: {  	s10 =	sld [smem:$0x3FB8]  }
0x39: {  	_ = 	snop;
	(pc) =	sbr.ind lr, $3  }
0x3a: {  	_ = 	snop  }
0x3b: {  	_ = 	snop  }
0x3c: {  	p2 =	seq.s32 s10, $0x1;
	s10 =	sld [smem:$0x3FB7]  }
0x3d: {  	_ =	shalt  }
0x3e: {  	_ =	shalt  }
0x3f: {  	_ =	shalt  }
0x40: {  	_ =	shalt  }
0x41: {  	_ =	shalt  }
0x42: {  	_ =	shalt  }
0x43: {  	_ =	shalt  }
0x44: {  	_ =	shalt  }
0x45: {  	_ =	shalt  }
0x46: {  	_ =	shalt  }
0x47: {  	_ =	shalt  }
0x48: {  	_ =	shalt  }
0x49: {  	_ =	shalt  }
0x4a: {  	_ =	shalt  }
0x4b: {  	_ =	shalt  }
0x4c: {  	_ =	shalt  }
0x4d: {  	_ =	shalt  }
0x4e: {  	_ =	shalt  }
0x4f: {  	_ =	shalt  }
0x50: {  	_ =	shalt  }
0x51: {  	_ =	shalt  }
0x52: {  	_ =	shalt  }
0x53: {  	_ =	shalt  }
0x54: {  	_ =	shalt  }
0x55: {  	_ =	shalt  }
0x56: {  	_ =	shalt  }
0x57: {  	_ =	shalt  }
0x58: {  	_ =	shalt  }
0x59: {  	_ =	shalt  }
0x5a: {  	_ =	shalt  }
0x5b: {  	_ =	shalt  }
0x5c: {  	_ =	shalt  }
0x5d: {  	_ =	shalt  }
0x5e: {  	_ =	shalt  }
0x5f: {  	_ =	shalt  }
0x60: {  	_ =	shalt  }
0x61: {  	_ =	shalt  }
0x62: {  	_ =	shalt  }
0x63: {  	_ =	shalt  }
0x64: {  	_ =	shalt  }
0x65: {  	_ =	shalt  }
0x66: {  	_ =	shalt  }
0x67: {  	_ =	shalt  }
0x68: {  	_ =	shalt  }
0x69: {  	_ =	shalt  }
0x6a: {  	_ =	shalt  }
0x6b: {  	_ =	shalt  }
0x6c: {  	_ =	shalt  }
0x6d: {  	_ =	shalt  }
0x6e: {  	_ =	shalt  }
0x6f: {  	_ =	shalt  }
0x70: {  	_ =	shalt  }
0x71: {  	_ =	shalt  }
0x72: {  	_ =	shalt  }
0x73: {  	_ =	shalt  }
0x74: {  	_ =	shalt  }
0x75: {  	_ =	shalt  }
0x76: {  	_ =	shalt  }
0x77: {  	_ =	shalt  }
0x78: {  	_ =	shalt  }
0x79: {  	_ =	shalt  }
0x7a: {  	_ =	shalt  }
0x7b: {  	_ =	shalt  }
0x7c: {  	_ =	shalt  }
0x7d: {  	_ =	shalt  }
0x7e: {  	_ =	shalt  }
0x7f: {  	_ =	shalt  }
0x80: {  	_ =	shalt  }
0x81: {  	_ =	shalt  }
0x82: {  	_ =	shalt  }
0x83: {  	_ =	shalt  }
0x84: {  	_ =	shalt  }
0x85: {  	_ =	shalt  }
0x86: {  	_ =	shalt  }
0x87: {  	_ =	shalt  }
.Lfunc_end0:
.L_simem_size_0:
called_computation.2_lowered:
.L_overlay_start_0:
0x88: {  	s2 =	sld [smem:$0x3FD9]  }
0x89: {  	s3 =	sld [smem:$0x3FFE];
	_ =	sdelay $0x1  }
0x8a: {  	s1 =	srdreg.scid  }
0x8b: {  	s0 =	sand.u32 $0x1, s1  }
0x8c: {  	s17 =	sshll.u32 s0, $0xA;
	s2 =	sadd.s32 s3, s2  }
0x8d: {  	s2 =	sadd.s32 s2, s17  }
0x8e: {  	[smem:$0x3FC3] =	sst s2  }
0x8f: {  	_ = 	snop  }
0x90: {  	s2 =	sld [smem:$0x3FD0];
	(tm) =	ssettm $0x1  }
0x91: {  	s18 =	sld [smem:$0x3FFB];
	_ =	sdelay $0x3  }
0x92: {  	_ =	strace s18  }
0x93: {  	s3 =	sld [smem:$0x3FFC];
	_ =	sdelay $0x3  }
0x94: {  	_ =	strace s3  }
0x95: {  	s3 =	sld [smem:$0x3FFD];
	_ =	sdelay $0x3  }
0x96: {  	_ =	strace s3  }
0x97: {  	_ =	strace $0x8FFFFFFF  }
0x98: {  	s19 =	sld [smem:$0x3FDB];
	_ =	sdelay $0x1  }
0x99: {  	s4 =	simm.s32 $_scs_section_size  }
0x9a: {  	s5 =	simm.s32 $_size__tile_overlayer_lowered;
	s6 =	simm.s32 $_tile_overlayer_lowered  }
0x9b: {  	s22 =	simm.s32 $0x1BFF;
	s21 =	sshll.u32 s6, $0x1;
	s3 =	sadd.s32 s4, s19  }
0x9c: {  	s7 =	simm.s32 $0x0;
	s20 =	sshll.u32 s5, $0x1;
	s5 =	sadd.s32 s21, s3  }
0x9d: {  	[timem:s7], [sflag:s22] =	dma.local [hbm:s5], s20  }
0x9e: {  	_ =	swait.ge [sflag:s22], s20  }
0x9f: {  	s4 =	ssub.s32 $0x0, s20;
	[sflag:s22] =	ssyncset.done $0x0  }
0xa0: {  	[sflag:s22] =	ssyncadd.s32 s4;
	_ =	sdelay $0x1  }
0xa1: {  	s23 =	simm.s32 $0x1B8B  }
0xa2: {  	_ =	swait.ge [sflag:s23], $0x1  }
0xa3: {  	[sflag:s23] =	ssyncset.done $0x0  }
0xa4: {  	s25 =	simm.s32 $0x1B8E;
	s24 =	sld [smem:$0x3FFE];
	[sflag:s23] =	ssyncadd.s32 $0xFFFFFFFF  }
0xa5: {  	s26 =	simm.s32 $execute0_lowered;
	[smem:$0x3FD2] =	sst s25  }
0xa6: {  	s5 =	sshll.u32 s26, $0x1;
	_ =	strace $0x80000049;
	[dreg:$0x1] =	wrdreg $0xFFFFFFFF  }
0xa7: {  	s28 =	simm.s32 $_size_execute0_lowered;
	s3 =	sadd.s32 s3, s5;
	[dreg:$0x0] =	wrdreg $0x0  }
0xa8: {  	s5 =	sshll.u32 s28, $0x1;
	[dreg:$0x2] =	wrdreg s3  }
0xa9: {  	[dreg:$0x3] =	wrdreg s5  }
0xaa: {  	[dreg:$0x4] =	wrdreg $0xC0  }
0xab: {  	_ =	task [dreg:s7], $0x5FFFF  }
0xac: {  	[dreg:$0x1] =	wrdreg $0xFFFFFFFF  }
0xad: {  	[dreg:$0x0] =	wrdreg $0x60  }
0xae: {  	[dreg:$0x2] =	wrdreg s24  }
0xaf: {  	[dreg:$0x3] =	wrdreg s2  }
0xb0: {  	[dreg:$0x4] =	wrdreg $0x88000  }
0xb1: {  	[dreg:$0x5] =	wrdreg $0x9  }
0xb2: {  	_ =	task.clear_ibuf [dreg:s7], $0x6FFFF;
	_ =	strace $0x90000049  }
0xb3: {  	s29 =	simm.s32 $0x9;
	_ =	strace $0x8000004B  }
0xb4: {  	_ =	swait.ge [sflag:s29], $0x1  }
0xb5: {  	[sflag:s29] =	ssyncadd.s32 $0xFFFFFFFF  }
0xb6: {  	_ =	strace $0x9000004B  }
0xb7: {  	_ =	sfence  }
0xb8: {  	s30 =	sld [smem:$0x0];
	_ =	sdelay $0x2  }
0xb9: {  	s31 =	sshll.u32 s1, $0xD;
	s1 =	sshrl.u32 s1, $0x2  }
0xba: {  	s3 =	sand.u32 $0x4000, s31;
	s1 =	sadd.s32 s1, s30  }
0xbb: {  	s0 =	sor.u32 s3, s0;
	s1 =	sshll.u32 s1, $0x11  }
0xbc: {  	s0 =	sor.u32 s1, s0  }
0xbd: {  	s0 =	sadd.s32 $0x8F2B, s0  }
0xbe: {  	[sflag:s0] =	ssyncadd.remote.s32 $0x1  }
0xbf: {  	_ =	sfence.sel $0xFFFF  }
0xc0: {  	[dreg:$0x0] =	wrdreg $0xFFFFFFFF;
	(pc) =	sbr.abs _section_cstart, $3  }
0xc1: {  	[dreg:$0x1] =	wrdreg $0xFFFFFFFF  }
0xc2: {  	_ =	task.clear_ibuf [dreg:s7], $0x2FFFF;
	_ =	strace $0x9FFFFFFF  }
0xc3: {  	(tm) =	ssettm $0x7FFFFFFF  }
tec
execute0_lowered:
.L_overlay_start_1:
0x0: {  	(tag) =	ssettag $0x1  }
0x1: {  	s0 =	rddreg [dreg:$0x0]  }
0x2: {  	s1 =	rddreg [dreg:$0x1]  }
0x3: {  	s2 =	rddreg [dreg:$0x2]  }
0x4: {  	s3 =	simm.s32 $0x0;
	s4 =	srdreg.scid;
	s10 =	stileid.u32  }
0x5: {  	s14 =	simm.s32 $0x800;
	s15 =	simm.s32 $0x2;
	s16 =	simm.s32 $0x400  }
0x6: {  	s17 =	simm.s32 $0x40;
	s18 =	simm.s32 $0x2800;
	s19 =	simm.s32 $0x80  }
0x7: {  	s12 =	simm.s32 $0x600;
	s13 =	simm.s32 $0x300;
	s28 =	simm.s32 $0x380  }
0x8: {  	s29 =	simm.s32 $0x3C0;
	s5 =	sand.u32 $0x1, s4;
	s4 =	smul.u32 $0x98, s10  }
0x9: {  	s30 =	simm.s32 $0x700;
	s31 =	simm.s32 $0x780;
	s7 =	smul.u32 $0x50000, s10  }
0xa: {  	s6 =	sshll.u32 s10, $0x3;
	[smem:$0x7FF] =	sst s3;
	s10 =	smul.u32 $0x14000, s10  }
0xb: {  	p0 =	seq.s32 s5, $0x0;
	s6 =	sor.u32 $0x980, s6;
	_ =	strace $0x8000004A  }
0xc: {  	s8 =	smul.u32 $0x140000, s5;
	s9 =	ssub.s32 $0x2, s5;
	s6 =	smov.u32 @p0 s4  }
0xd: {  	s4 =	sadd.s32 $0x16C00, s0;
	s7 =	sshrl.u32 s7, $0x2;
	s20 =	sshrl.u32 s9, $0x1  }
0xe: {  	p0 =	sne.s32 s5, $0x0;
	s5 =	simm.s32 $0x340;
	s6 =	sshll.u32 s6, $0x4  }
0xf: {  	s11 =	sadd.s32 s7, s2;
	s21 =	sadd.s32 s10, s8;
	s8 =	simm.s32 $0x240  }
0x10: {  	s10 =	simm.s32 $0x280;
	s7 =	sadd.s32 $0x4000, s11;
	[dreg:$0x4] =	wrdreg s11  }
0x11: {  	s0 =	sadd.s32 s6, s0;
	s22 =	sadd.s32 $0x8000, s11;
	[dreg:$0x5] =	wrdreg s7  }
0x12: {  	s6 =	ssub.s32 s9, s20;
	s23 =	sadd.s32 $0xC000, s11;
	[dreg:$0x6] =	wrdreg s22  }
0x13: {  	s24 =	sadd.s32 $0x10000, s11;
	s20 =	simm.s32 $0x4800;
	[dreg:$0x7] =	wrdreg s23  }
0x14: {  	s9 =	simm.s32 $0x580;
	s7 =	sshrl.u32 s21, $0x3;
	[dreg:$0x8] =	wrdreg s24  }
0x15: {  	s25 =	smax.u32 s6, $0x1;
	s26 =	sadd.s32 $0xCC00, s0;
	s0 =	sadd.s32 $0x2C00, s0  }
0x16: {  	s22 =	simm.s32 $0x6800;
	s23 =	simm.s32 $0x1;
	[dreg:$0xa] =	wrdreg s25  }
0x17: {  	s6 =	simm.s32 $0x500;
	s21 =	simm.s32 $0x680;
	[dreg:$0xb] =	wrdreg s26  }
0x18: {  	s1 =	sadd.s32 s1, s7;
	[dreg:$0xc] =	wrdreg s0;
	s0 =	simm.s32 $0x0  }
0x19: {  	v0 =	vimm.f32 $0.0e+00;
	s7 =	simm.s32 $0x200;
	[dreg:$0x9] =	wrdreg s1;
	s1 =	simm.s32 $0x1C0  }
.LBB2_1:
0x1a: {  	[dreg:$0xd] =	wrdreg s0;
	s24 =	simm.s32 $0x0;
	s25 =	simm.s32 $0x200  }
.LBB2_2:
0x1b: {  	p1 =	sne.s32 s25, $0xFE00;
	[tilespmem:s24+$0x870] =	vst v0  }
0x1c: {  	[tilespmem:s24+$0x800] =	vst v0  }
0x1d: {  	[tilespmem:s24+$0x810] =	vst v0  }
.Ltmp0:
0x1e: {  	[tilespmem:s24+$0x820] =	vst v0;
	(pc) =	sbr.rel @p1 .LBB2_2-.Ltmp0, $4  }
0x1f: {  	[tilespmem:s24+$0x830] =	vst v0  }
0x20: {  	[tilespmem:s24+$0x840] =	vst v0  }
0x21: {  	[tilespmem:s24+$0x850] =	vst v0  }
0x22: {  	[tilespmem:s24+$0x860] =	vst v0;
	s24 =	sshra.s32 s25, $0x2;
	s25 =	sadd.s32 $0x200, s25  }
0x23: {  	[tilespmem:s24+$0x870] =	vst v0  }
0x24: {  	[tilespmem:s24+$0x800] =	vst v0  }
0x25: {  	[tilespmem:s24+$0x810] =	vst v0  }
0x26: {  	[tilespmem:s24+$0x820] =	vst v0  }
0x27: {  	[tilespmem:s24+$0x830] =	vst v0  }
0x28: {  	[tilespmem:s24+$0x840] =	vst v0  }
0x29: {  	[tilespmem:s24+$0x850] =	vst v0  }
0x2a: {  	[tilespmem:s24+$0x860] =	vst v0  }
0x2b: {  	[spmem:s11] =	stream.linear.scatter [tilespmem:s14], [sflag:$0x2], $0x4000, $0x38;
	[tilespmem:$0x1C800] =	vst v63  }
0x2c: {  	_ =	swait.ge [sflag:s15], $0x4000  }
0x2d: {  	[sflag:s15] =	ssyncset.done $0x0  }
0x2e: {  	s0 =	rddreg [dreg:$0x5];
	[sflag:s15] =	ssyncadd.s32 $0xFFFFC000  }
0x2f: {  	[spmem:s0] =	stream.linear.scatter [tilespmem:s14], [sflag:$0x2], $0x4000, $0x38;
	[tilespmem:$0x1C800] =	vst v63  }
0x30: {  	_ =	swait.ge [sflag:s15], $0x4000  }
0x31: {  	[sflag:s15] =	ssyncset.done $0x0  }
0x32: {  	s11 =	rddreg [dreg:$0x6];
	[sflag:s15] =	ssyncadd.s32 $0xFFFFC000  }
0x33: {  	[spmem:s11] =	stream.linear.scatter [tilespmem:s14], [sflag:$0x2], $0x4000, $0x38;
	[tilespmem:$0x1C800] =	vst v63  }
0x34: {  	_ =	swait.ge [sflag:s15], $0x4000  }
0x35: {  	[sflag:s15] =	ssyncset.done $0x0  }
0x36: {  	s25 =	rddreg [dreg:$0x7];
	[sflag:s15] =	ssyncadd.s32 $0xFFFFC000  }
0x37: {  	[spmem:s25] =	stream.linear.scatter [tilespmem:s14], [sflag:$0x2], $0x4000, $0x38;
	[tilespmem:$0x1C800] =	vst v63  }
0x38: {  	_ =	swait.ge [sflag:s15], $0x4000  }
0x39: {  	[sflag:s15] =	ssyncset.done $0x0  }
0x3a: {  	s26 =	rddreg [dreg:$0x8];
	[sflag:s15] =	ssyncadd.s32 $0xFFFFC000  }
0x3b: {  	[spmem:s26] =	stream.linear.scatter [tilespmem:s14], [sflag:$0x2], $0x4000, $0x38;
	[tilespmem:$0x1C800] =	vst v63  }
0x3c: {  	_ =	swait.ge [sflag:s15], $0x4000  }
0x3d: {  	[sflag:s15] =	ssyncset.done $0x0  }
0x3e: {  	[sflag:s15] =	ssyncadd.s32 $0xFFFFC000  }
0x3f: {  	[bflag:$0x0] =	sbarrier.arrive $0xFFFF  }
0x40: {  	s24 =	rddreg [dreg:$0xc]  }
0x41: {  	s11 =	simm.s32 $0x2C0;
	s26 =	simm.s32 $0x0;
	s25 =	rddreg [dreg:$0xb]  }
.LBB2_4:
0x42: {  	[tilespmem:s3], [sflag:$0x2] =	stream.linear.gather [hbm4b:s24+s3], $0x400, $0x38;
	[tilespmem:$0x1C800] =	vst v63  }
0x43: {  	_ =	swait.ge [sflag:s15], $0x400  }
0x44: {  	[sflag:s15] =	ssyncset.done $0x0  }
0x45: {  	[sflag:s15] =	ssyncadd.s32 $0xFFFFFC00  }
0x46: {  	[tilespmem:s16], [sflag:$0x2] =	stream.linear.gather [hbm4b:s25+s3], $0x400, $0x38;
	[tilespmem:$0x1C800] =	vst v63  }
0x47: {  	_ =	swait.ge [sflag:s15], $0x400  }
0x48: {  	[sflag:s15] =	ssyncset.done $0x0  }
0x49: {  	[sflag:s15] =	ssyncadd.s32 $0xFFFFFC00  }
0x4a: {  	[tilespmem:s14], [sflag:$0x1] =	stream.indirect.gather [hbm4b:s4+s17], $0x80, s3, s17, $0xb8;
	[tilespmem:$0x1C800] =	vst v63  }
0x4b: {  	_ = 	snop  }
0x4c: {  	[tilespmem:s18], [sflag:$0x1] =	stream.indirect.gather [hbm4b:s4+s17], $0x80, s17, s17, $0xb8;
	[tilespmem:$0x1C800] =	vst v63  }
0x4d: {  	_ = 	snop  }
0x4e: {  	[tilespmem:s20], [sflag:$0x1] =	stream.indirect.gather [hbm4b:s4+s17], $0x80, s19, s17, $0xb8;
	[tilespmem:$0x1C800] =	vst v63  }
0x4f: {  	s0 =	simm.s32 $0xC0  }
0x50: {  	[tilespmem:s22], [sflag:$0x1] =	stream.indirect.gather [hbm4b:s4+s17], $0x80, s0, s17, $0xb8;
	[tilespmem:$0x1C800] =	vst v63  }
0x51: {  	_ =	swait.ge [sflag:s23], $0x2000  }
0x52: {  	[sflag:s23] =	ssyncset.done $0x0  }
0x53: {  	[sflag:s23] =	ssyncadd.s32 $0xFFFFE000  }
0x54: {  	_ =	swait.ge [sflag:s23], $0x2000  }
0x55: {  	[sflag:s23] =	ssyncset.done $0x0  }
0x56: {  	[sflag:s23] =	ssyncadd.s32 $0xFFFFE000  }
0x57: {  	[spmem:s2] =	stream.indirect.scatter.add.f32 [tilespmem:s14], [sflag:$0x2], $0x80, s16, s19, $0xb8;
	[tilespmem:$0x1C800] =	vst v63  }
0x58: {  	_ =	swait.ge [sflag:s15], $0x4000  }
0x59: {  	[sflag:s15] =	ssyncset.done $0x0  }
0x5a: {  	s0 =	simm.s32 $0x100;
	[sflag:s15] =	ssyncadd.s32 $0xFFFFC000  }
0x5b: {  	[tilespmem:s14], [sflag:$0x1] =	stream.indirect.gather [hbm4b:s4+s17], $0x80, s0, s17, $0xb8;
	[tilespmem:$0x1C800] =	vst v63  }
0x5c: {  	s0 =	simm.s32 $0x140  }
0x5d: {  	[tilespmem:s18], [sflag:$0x1] =	stream.indirect.gather [hbm4b:s4+s17], $0x80, s0, s17, $0xb8;
	[tilespmem:$0x1C800] =	vst v63  }
0x5e: {  	_ =	swait.ge [sflag:s23], $0x2000  }
0x5f: {  	[sflag:s23] =	ssyncset.done $0x0  }
0x60: {  	[sflag:s23] =	ssyncadd.s32 $0xFFFFE000  }
0x61: {  	_ =	swait.ge [sflag:s23], $0x2000  }
0x62: {  	[sflag:s23] =	ssyncset.done $0x0  }
0x63: {  	s0 =	simm.s32 $0x480;
	[sflag:s23] =	ssyncadd.s32 $0xFFFFE000  }
0x64: {  	[spmem:s2] =	stream.indirect.scatter.add.f32 [tilespmem:s20], [sflag:$0x2], $0x80, s0, s19, $0xb8;
	[tilespmem:$0x1C800] =	vst v63  }
0x65: {  	_ =	swait.ge [sflag:s15], $0x4000  }
0x66: {  	[sflag:s15] =	ssyncset.done $0x0  }
0x67: {  	s0 =	simm.s32 $0x180;
	[sflag:s15] =	ssyncadd.s32 $0xFFFFC000  }
0x68: {  	[tilespmem:s20], [sflag:$0x1] =	stream.indirect.gather [hbm4b:s4+s17], $0x80, s0, s17, $0xb8;
	[tilespmem:$0x1C800] =	vst v63  }
0x69: {  	_ = 	snop  }
0x6a: {  	[tilespmem:s22], [sflag:$0x1] =	stream.indirect.gather [hbm4b:s4+s17], $0x80, s1, s17, $0xb8;
	[tilespmem:$0x1C800] =	vst v63  }
0x6b: {  	_ =	swait.ge [sflag:s23], $0x2000  }
0x6c: {  	[sflag:s23] =	ssyncset.done $0x0  }
0x6d: {  	[sflag:s23] =	ssyncadd.s32 $0xFFFFE000  }
0x6e: {  	_ =	swait.ge [sflag:s23], $0x2000  }
0x6f: {  	[sflag:s23] =	ssyncset.done $0x0  }
0x70: {  	[sflag:s23] =	ssyncadd.s32 $0xFFFFE000  }
0x71: {  	[spmem:s2] =	stream.indirect.scatter.add.f32 [tilespmem:s14], [sflag:$0x2], $0x80, s6, s19, $0xb8;
	[tilespmem:$0x1C800] =	vst v63  }
0x72: {  	_ =	swait.ge [sflag:s15], $0x4000  }
0x73: {  	[sflag:s15] =	ssyncset.done $0x0  }
0x74: {  	[sflag:s15] =	ssyncadd.s32 $0xFFFFC000  }
0x75: {  	[tilespmem:s14], [sflag:$0x1] =	stream.indirect.gather [hbm4b:s4+s17], $0x80, s7, s17, $0xb8;
	[tilespmem:$0x1C800] =	vst v63  }
0x76: {  	_ = 	snop  }
0x77: {  	[tilespmem:s18], [sflag:$0x1] =	stream.indirect.gather [hbm4b:s4+s17], $0x80, s8, s17, $0xb8;
	[tilespmem:$0x1C800] =	vst v63  }
0x78: {  	_ =	swait.ge [sflag:s23], $0x2000  }
0x79: {  	[sflag:s23] =	ssyncset.done $0x0  }
0x7a: {  	[sflag:s23] =	ssyncadd.s32 $0xFFFFE000  }
0x7b: {  	_ =	swait.ge [sflag:s23], $0x2000  }
0x7c: {  	[sflag:s23] =	ssyncset.done $0x0  }
0x7d: {  	[sflag:s23] =	ssyncadd.s32 $0xFFFFE000  }
0x7e: {  	[spmem:s2] =	stream.indirect.scatter.add.f32 [tilespmem:s20], [sflag:$0x2], $0x80, s9, s19, $0xb8;
	[tilespmem:$0x1C800] =	vst v63  }
0x7f: {  	_ =	swait.ge [sflag:s15], $0x4000  }
0x80: {  	[sflag:s15] =	ssyncset.done $0x0  }
0x81: {  	[sflag:s15] =	ssyncadd.s32 $0xFFFFC000  }
0x82: {  	[tilespmem:s20], [sflag:$0x1] =	stream.indirect.gather [hbm4b:s4+s17], $0x80, s10, s17, $0xb8;
	[tilespmem:$0x1C800] =	vst v63  }
0x83: {  	_ = 	snop  }
0x84: {  	[tilespmem:s22], [sflag:$0x1] =	stream.indirect.gather [hbm4b:s4+s17], $0x80, s11, s17, $0xb8;
	[tilespmem:$0x1C800] =	vst v63  }
0x85: {  	_ =	swait.ge [sflag:s23], $0x2000  }
0x86: {  	[sflag:s23] =	ssyncset.done $0x0  }
0x87: {  	[sflag:s23] =	ssyncadd.s32 $0xFFFFE000  }
0x88: {  	_ =	swait.ge [sflag:s23], $0x2000  }
0x89: {  	[sflag:s23] =	ssyncset.done $0x0  }
0x8a: {  	[sflag:s23] =	ssyncadd.s32 $0xFFFFE000  }
0x8b: {  	[spmem:s2] =	stream.indirect.scatter.add.f32 [tilespmem:s14], [sflag:$0x2], $0x80, s12, s19, $0xb8;
	[tilespmem:$0x1C800] =	vst v63  }
0x8c: {  	_ =	swait.ge [sflag:s15], $0x4000  }
0x8d: {  	[sflag:s15] =	ssyncset.done $0x0  }
0x8e: {  	[sflag:s15] =	ssyncadd.s32 $0xFFFFC000  }
0x8f: {  	[tilespmem:s14], [sflag:$0x1] =	stream.indirect.gather [hbm4b:s4+s17], $0x80, s13, s17, $0xb8;
	[tilespmem:$0x1C800] =	vst v63  }
0x90: {  	_ = 	snop  }
0x91: {  	[tilespmem:s18], [sflag:$0x1] =	stream.indirect.gather [hbm4b:s4+s17], $0x80, s5, s17, $0xb8;
	[tilespmem:$0x1C800] =	vst v63  }
0x92: {  	_ =	swait.ge [sflag:s23], $0x2000  }
0x93: {  	[sflag:s23] =	ssyncset.done $0x0  }
0x94: {  	[sflag:s23] =	ssyncadd.s32 $0xFFFFE000  }
0x95: {  	_ =	swait.ge [sflag:s23], $0x2000  }
0x96: {  	[sflag:s23] =	ssyncset.done $0x0  }
0x97: {  	[sflag:s23] =	ssyncadd.s32 $0xFFFFE000  }
0x98: {  	[spmem:s2] =	stream.indirect.scatter.add.f32 [tilespmem:s20], [sflag:$0x2], $0x80, s21, s19, $0xb8;
	[tilespmem:$0x1C800] =	vst v63  }
0x99: {  	_ =	swait.ge [sflag:s15], $0x4000  }
0x9a: {  	[sflag:s15] =	ssyncset.done $0x0  }
0x9b: {  	[sflag:s15] =	ssyncadd.s32 $0xFFFFC000  }
0x9c: {  	[tilespmem:s20], [sflag:$0x1] =	stream.indirect.gather [hbm4b:s4+s17], $0x80, s28, s17, $0xb8;
	[tilespmem:$0x1C800] =	vst v63  }
0x9d: {  	_ = 	snop  }
0x9e: {  	[tilespmem:s22], [sflag:$0x1] =	stream.indirect.gather [hbm4b:s4+s17], $0x80, s29, s17, $0xb8;
	[tilespmem:$0x1C800] =	vst v63  }
0x9f: {  	_ =	swait.ge [sflag:s23], $0x2000  }
0xa0: {  	[sflag:s23] =	ssyncset.done $0x0  }
0xa1: {  	[sflag:s23] =	ssyncadd.s32 $0xFFFFE000  }
0xa2: {  	_ =	swait.ge [sflag:s23], $0x2000  }
0xa3: {  	[sflag:s23] =	ssyncset.done $0x0  }
0xa4: {  	[sflag:s23] =	ssyncadd.s32 $0xFFFFE000  }
0xa5: {  	[spmem:s2] =	stream.indirect.scatter.add.f32 [tilespmem:s14], [sflag:$0x2], $0x80, s30, s19, $0xb8;
	[tilespmem:$0x1C800] =	vst v63  }
0xa6: {  	_ =	swait.ge [sflag:s15], $0x4000  }
0xa7: {  	[sflag:s15] =	ssyncset.done $0x0  }
0xa8: {  	[sflag:s15] =	ssyncadd.s32 $0xFFFFC000  }
0xa9: {  	_ =	swait.ge [sflag:s23], $0x2000  }
0xaa: {  	[sflag:s23] =	ssyncset.done $0x0  }
0xab: {  	[sflag:s23] =	ssyncadd.s32 $0xFFFFE000  }
0xac: {  	p1 =	slt.u32 @!p0 s26, $0x12;
	_ =	swait.ge [sflag:s23], $0x2000  }
0xad: {  	p1 =	por p0, !p1;
	[sflag:s23] =	ssyncset.done $0x0  }
.Ltmp1:
0xae: {  	[sflag:s23] =	ssyncadd.s32 $0xFFFFE000;
	(pc) =	sbr.rel @!p1 .LBB2_4-.Ltmp1, $4  }
0xaf: {  	[spmem:s2] =	stream.indirect.scatter.add.f32 [tilespmem:s20], [sflag:$0x2], $0x80, s31, s19, $0xb8;
	[tilespmem:$0x1C800] =	vst v63  }
0xb0: {  	_ =	swait.ge [sflag:s15], $0x4000  }
0xb1: {  	s26 =	sadd.s32 $0x1, s26;
	[sflag:s15] =	ssyncset.done $0x0  }
0xb2: {  	s24 =	sadd.s32 $0x80, s24;
	s25 =	sadd.s32 $0x80, s25;
	[sflag:s15] =	ssyncadd.s32 $0xFFFFC000  }
0xb3: {  	s24 =	stileid.u32;
	[bflag:$0x0] =	sbarrier.arrive $0xFFFF  }
0xb4: {  	s24 =	sshll.u32 s24, $0x6;
	s11 =	rddreg [dreg:$0x4]  }
0xb5: {  	s26 =	rddreg [dreg:$0x9];
	s24 =	sor.u32 $0x1C02, s24;
	s25 =	sshrl.u32 s11, $0x3  }
0xb6: {  	[hbm:s26], [sflag:s24] =	dma.local [spmem:s25], $0x2800  }
0xb7: {  	_ =	swait.ge [sflag:s15], $0x2800  }
0xb8: {  	s0 =	rddreg [dreg:$0xd]  }
0xb9: {  	s26 =	rddreg [dreg:$0xa];
	s0 =	sadd.s32 $0x1, s0  }
0xba: {  	p1 =	sne.s32 s0, s26  }
.Ltmp2:
0xbb: {  	_ = 	snop;
	(pc) =	sbr.rel @p1 .LBB2_1-.Ltmp2, $3  }
0xbc: {  	_ =	sdelay $0x1  }
0xbd: {  	[sflag:s15] =	ssyncset.done $0x0  }
0xbe: {  	[sflag:s15] =	ssyncadd.s32 $0xFFFFD800  }
0xbf: {  	_ =	sfence.sel $0x180000  }
0xc0: {  	[bflag:$0x0] =	sbarrier.arrive $0xFFFF  }
0xc1: {  	_ =	strace $0x9000004A  }
0xc2: {  	s0 =	stileid.u32;
	[bflag:$0x2] =	sbarrier.arrive $0xFFFF  }
0xc3: {  	p0 =	sne.s32 s0, $0x0;
	s0 =	rddreg [dreg:$0x3]  }
0xc4: {  	s0 =	sadd.s32 @!p0 $0x100000, s0  }
0xc5: {  	[sflag:s0] =	ssyncadd.tile.s32 @!p0 $0x1;
	_ =	shalt  }
.Lfunc_end2:
_tile_overlayer_lowered:
.L_overlay_start_2:
0xc6: {  	(tag) =	ssettag $0x2  }
0xc7: {  	s0 =	rddreg [dreg:$0x0];
	s2 =	stileid.u32  }
0xc8: {  	s1 =	rddreg [dreg:$0x1];
	p0 =	sne.s32 s2, $0x0  }
0xc9: {  	s3 =	rddreg [dreg:$0x2];
	[bflag:$0x3] =	sbarrier.arrive $0xFFFF;
	s2 =	simm.s32 @!p0 $0x1C02  }
0xca: {  	[timem:s3], [sflag:s2] =	dma.local @!p0 [hbm:s0], s1  }
0xcb: {  	s0 =	simm.s32 @!p0 $0x2  }
0xcc: {  	_ =	swait.ge @!p0 [sflag:s0], s1  }
0xcd: {  	s1 =	ssub.s32 @!p0 $0x0, s1;
	[sflag:s0] =	ssyncset.done @!p0 $0x0  }
0xce: {  	[sflag:s0] =	ssyncadd.s32 @!p0 s1  }
0xcf: {  	[bflag:$0x3] =	sbarrier.arrive $0xFFFF  }
0xd0: {  	_ =	shalt  }

// kernel: _run.14.cloned.1.call-start
scs
__scs_entry_jumppad:
0x0: {  	(pc) =	sbr.rel $0x88, $3  }
0x1: {  	(tag) =	ssettag $0x0;
	lr =	simm.s32 $0x1  }
0x2: {  	[smem:$0x3F9C] =	sst lr;
	_ =	strace $0xD0000000  }
0x3: {  	_ = 	snop  }
0x4: {  	_ = 	snop  }
0x5: {  	_ = 	snop  }
0x6: {  	_ = 	snop  }
0x7: {  	_ = 	snop  }
__scs_overlays_trampoline_lowered:
0x8: {  	[smem:$0x3FAB] =	sst s0  }
0x9: {  	[smem:$0x3FAC] =	sst s1  }
0xa: {  	[smem:$0x3FAD] =	sst s2  }
0xb: {  	[smem:$0x3FAE] =	sst s3  }
0xc: {  	[smem:$0x3FAF] =	sst s4  }
0xd: {  	[smem:$0x3FB0] =	sst s5  }
0xe: {  	[smem:$0x3FB1] =	sst s6  }
0xf: {  	[smem:$0x3FB2] =	sst s7  }
0x10: {  	[smem:$0x3FB3] =	sst s8  }
0x11: {  	[smem:$0x3FB4] =	sst s9;
	s0 =	simm.s32 @!p0 $0x0  }
0x12: {  	s1 =	sld [smem:$0x3F9A];
	s0 =	simm.s32 @p0 $0x1  }
0x13: {  	[smem:$0x3FB5] =	sst s0;
	s0 =	simm.s32 @!p1 $0x0  }
0x14: {  	s2 =	sld [smem:$0x3F99];
	s0 =	simm.s32 @p1 $0x1  }
0x15: {  	[smem:$0x3FB6] =	sst s0;
	s0 =	simm.s32 @!p2 $0x0  }
0x16: {  	s3 =	sld [smem:$0x3FDB];
	s0 =	simm.s32 @p2 $0x1  }
0x17: {  	s4 =	simm.s32 $0x1BF5;
	[smem:$0x3FB8] =	sst s0  }
0x18: {  	s0 =	sld [smem:$0x3F9B];
	_ =	swait.ge [sflag:s4], $0x0  }
0x19: {  	s7 =	sld [smem:$0x3F9C]  }
0x1a: {  	s8 =	sadd.s32 $0xFFFFE003, lr  }
0x1b: {  	s9 =	sadd.s32 $0xFFFFFEF7, lr;
	s5 =	simm.s32 $0xFFFFFFFF;
	p2 =	slt.u32 s8, $0xFFFFF086  }
0x1c: {  	p1 =	slt.u32 s9, $0xF7A;
	s5 =	simm.s32 @!p2 $0x0  }
0x1d: {  	s5 =	simm.s32 @p1 $0x1;
	p0 =	seq.s32 s7, s2  }
0x1e: {  	s7 =	smul.u32 @!p0 $0xF7A, s2;
	p2 =	seq.s32 @!p0 s5, $0x0  }
0x1f: {  	s9 =	smul.u32 $0xF7A, s1;
	s8 =	simm.s32 @!p0 $0x1BF5;
	p2 =	por !p2, p0  }
0x20: {  	[sflag:s8] =	ssyncset.s32 @!p0 $0xFFFFF086;
	s6 =	sadd.s32 @!p0 s3, s7;
	s7 =	simm.s32 @!p0 $0x108  }
0x21: {  	s3 =	sadd.s32 s3, s9;
	s6 =	sadd.s32 @!p0 $0x88, s6;
	s7 =	simm.s32 @p2 $0x1082  }
0x22: {  	[simem:s7], [sflag:s8] =	dma.local @!p0 [hbm:s6], $0xF7A  }
0x23: {  	s9 =	sor.u32 $0xD0000000, s2;
	s6 =	simm.s32 $0x108;
	_ =	swait.ge @!p0 [sflag:s8], $0x0  }
0x24: {  	s3 =	sadd.s32 $0x88, s3;
	s6 =	simm.s32 @!p1 $0x1082;
	[sflag:s4] =	ssyncset.s32 $0xFFFFF086  }
0x25: {  	[simem:s6], [sflag:s4] =	dma.local [hbm:s3], $0xF7A  }
0x26: {  	[smem:$0x3F9C] =	sst s1;
	(tag) =	ssettag s2;
	_ =	strace s9  }
0x27: {  	s1 =	sld [smem:$0x3FAC]  }
0x28: {  	s2 =	sld [smem:$0x3FAD]  }
0x29: {  	s4 =	sld [smem:$0x3FAF]  }
0x2a: {  	p0 =	seq.s32 s5, $0x0;
	s5 =	sld [smem:$0x3FB0]  }
0x2b: {  	s6 =	sld [smem:$0x3FB1]  }
0x2c: {  	s7 =	sld [smem:$0x3FB2]  }
0x2d: {  	s3 =	simm.s32 $0x108;
	s8 =	sld [smem:$0x3FB3]  }
0x2e: {  	s3 =	simm.s32 @!p0 $0x1082;
	s9 =	sld [smem:$0x3FB4]  }
0x2f: {  	lr =	sadd.s32 s0, s3;
	s0 =	sld [smem:$0x3FAB]  }
0x30: {  	s3 =	sld [smem:$0x3FAE]  }
0x31: {  	[smem:$0x3FB7] =	sst s10  }
0x32: {  	s10 =	sld [smem:$0x3FB5];
	_ =	sdelay $0x3  }
0x33: {  	p0 =	seq.s32 s10, $0x1;
	s10 =	sld [smem:$0x3FB7];
	_ =	sdelay $0x3  }
0x34: {  	[smem:$0x3FB7] =	sst s10  }
0x35: {  	s10 =	sld [smem:$0x3FB6];
	_ =	sdelay $0x3  }
0x36: {  	p1 =	seq.s32 s10, $0x1;
	s10 =	sld [smem:$0x3FB7];
	_ =	sdelay $0x3  }
0x37: {  	[smem:$0x3FB7] =	sst s10  }
0x38: {  	s10 =	sld [smem:$0x3FB8]  }
0x39: {  	_ = 	snop;
	(pc) =	sbr.ind lr, $3  }
0x3a: {  	_ = 	snop  }
0x3b: {  	_ = 	snop  }
0x3c: {  	p2 =	seq.s32 s10, $0x1;
	s10 =	sld [smem:$0x3FB7]  }
0x3d: {  	_ =	shalt  }
0x3e: {  	_ =	shalt  }
0x3f: {  	_ =	shalt  }
0x40: {  	_ =	shalt  }
0x41: {  	_ =	shalt  }
0x42: {  	_ =	shalt  }
0x43: {  	_ =	shalt  }
0x44: {  	_ =	shalt  }
0x45: {  	_ =	shalt  }
0x46: {  	_ =	shalt  }
0x47: {  	_ =	shalt  }
0x48: {  	_ =	shalt  }
0x49: {  	_ =	shalt  }
0x4a: {  	_ =	shalt  }
0x4b: {  	_ =	shalt  }
0x4c: {  	_ =	shalt  }
0x4d: {  	_ =	shalt  }
0x4e: {  	_ =	shalt  }
0x4f: {  	_ =	shalt  }
0x50: {  	_ =	shalt  }
0x51: {  	_ =	shalt  }
0x52: {  	_ =	shalt  }
0x53: {  	_ =	shalt  }
0x54: {  	_ =	shalt  }
0x55: {  	_ =	shalt  }
0x56: {  	_ =	shalt  }
0x57: {  	_ =	shalt  }
0x58: {  	_ =	shalt  }
0x59: {  	_ =	shalt  }
0x5a: {  	_ =	shalt  }
0x5b: {  	_ =	shalt  }
0x5c: {  	_ =	shalt  }
0x5d: {  	_ =	shalt  }
0x5e: {  	_ =	shalt  }
0x5f: {  	_ =	shalt  }
0x60: {  	_ =	shalt  }
0x61: {  	_ =	shalt  }
0x62: {  	_ =	shalt  }
0x63: {  	_ =	shalt  }
0x64: {  	_ =	shalt  }
0x65: {  	_ =	shalt  }
0x66: {  	_ =	shalt  }
0x67: {  	_ =	shalt  }
0x68: {  	_ =	shalt  }
0x69: {  	_ =	shalt  }
0x6a: {  	_ =	shalt  }
0x6b: {  	_ =	shalt  }
0x6c: {  	_ =	shalt  }
0x6d: {  	_ =	shalt  }
0x6e: {  	_ =	shalt  }
0x6f: {  	_ =	shalt  }
0x70: {  	_ =	shalt  }
0x71: {  	_ =	shalt  }
0x72: {  	_ =	shalt  }
0x73: {  	_ =	shalt  }
0x74: {  	_ =	shalt  }
0x75: {  	_ =	shalt  }
0x76: {  	_ =	shalt  }
0x77: {  	_ =	shalt  }
0x78: {  	_ =	shalt  }
0x79: {  	_ =	shalt  }
0x7a: {  	_ =	shalt  }
0x7b: {  	_ =	shalt  }
0x7c: {  	_ =	shalt  }
0x7d: {  	_ =	shalt  }
0x7e: {  	_ =	shalt  }
0x7f: {  	_ =	shalt  }
0x80: {  	_ =	shalt  }
0x81: {  	_ =	shalt  }
0x82: {  	_ =	shalt  }
0x83: {  	_ =	shalt  }
0x84: {  	_ =	shalt  }
0x85: {  	_ =	shalt  }
0x86: {  	_ =	shalt  }
0x87: {  	_ =	shalt  }
.Lfunc_end0:
.L_simem_size_0:
called_computation.3_lowered:
.L_overlay_start_0:
0x88: {  	s2 =	sld [smem:$0x3FD9]  }
0x89: {  	s3 =	sld [smem:$0x3FFE];
	_ =	sdelay $0x1  }
0x8a: {  	s1 =	srdreg.scid  }
0x8b: {  	s0 =	sand.u32 $0x1, s1  }
0x8c: {  	s17 =	sshll.u32 s0, $0xA;
	s2 =	sadd.s32 s3, s2  }
0x8d: {  	s2 =	sadd.s32 s2, s17  }
0x8e: {  	[smem:$0x3FC3] =	sst s2  }
0x8f: {  	_ = 	snop  }
0x90: {  	s2 =	sld [smem:$0x3FD0];
	(tm) =	ssettm $0x1  }
0x91: {  	s18 =	sld [smem:$0x3FFB];
	_ =	sdelay $0x3  }
0x92: {  	_ =	strace s18  }
0x93: {  	s3 =	sld [smem:$0x3FFC];
	_ =	sdelay $0x3  }
0x94: {  	_ =	strace s3  }
0x95: {  	s3 =	sld [smem:$0x3FFD];
	_ =	sdelay $0x3  }
0x96: {  	_ =	strace s3  }
0x97: {  	_ =	strace $0x8FFFFFFF  }
0x98: {  	s19 =	sld [smem:$0x3FDB];
	_ =	sdelay $0x1  }
0x99: {  	s4 =	simm.s32 $_scs_section_size  }
0x9a: {  	s5 =	simm.s32 $_size__tile_overlayer_lowered;
	s6 =	simm.s32 $_tile_overlayer_lowered  }
0x9b: {  	s22 =	simm.s32 $0x1BFF;
	s21 =	sshll.u32 s6, $0x1;
	s3 =	sadd.s32 s4, s19  }
0x9c: {  	s7 =	simm.s32 $0x0;
	s20 =	sshll.u32 s5, $0x1;
	s5 =	sadd.s32 s21, s3  }
0x9d: {  	[timem:s7], [sflag:s22] =	dma.local [hbm:s5], s20  }
0x9e: {  	_ =	swait.ge [sflag:s22], s20  }
0x9f: {  	s4 =	ssub.s32 $0x0, s20;
	[sflag:s22] =	ssyncset.done $0x0  }
0xa0: {  	[sflag:s22] =	ssyncadd.s32 s4;
	_ =	sdelay $0x1  }
0xa1: {  	s23 =	simm.s32 $0x1B8B  }
0xa2: {  	_ =	swait.ge [sflag:s23], $0x1  }
0xa3: {  	[sflag:s23] =	ssyncset.done $0x0  }
0xa4: {  	s25 =	simm.s32 $0x1B8E;
	s24 =	sld [smem:$0x3FFE];
	[sflag:s23] =	ssyncadd.s32 $0xFFFFFFFF  }
0xa5: {  	s26 =	simm.s32 $execute0_lowered;
	[smem:$0x3FD2] =	sst s25  }
0xa6: {  	s5 =	sshll.u32 s26, $0x1;
	_ =	strace $0x8000004C;
	[dreg:$0x1] =	wrdreg $0xFFFFFFFF  }
0xa7: {  	s28 =	simm.s32 $_size_execute0_lowered;
	s3 =	sadd.s32 s3, s5;
	[dreg:$0x0] =	wrdreg $0x0  }
0xa8: {  	s5 =	sshll.u32 s28, $0x1;
	[dreg:$0x2] =	wrdreg s3  }
0xa9: {  	[dreg:$0x3] =	wrdreg s5  }
0xaa: {  	[dreg:$0x4] =	wrdreg $0xC0  }
0xab: {  	_ =	task [dreg:s7], $0x5FFFF  }
0xac: {  	[dreg:$0x1] =	wrdreg $0xFFFFFFFF  }
0xad: {  	[dreg:$0x0] =	wrdreg $0x60  }
0xae: {  	[dreg:$0x2] =	wrdreg s24  }
0xaf: {  	[dreg:$0x3] =	wrdreg s2  }
0xb0: {  	[dreg:$0x4] =	wrdreg $0x88000  }
0xb1: {  	[dreg:$0x5] =	wrdreg $0x9  }
0xb2: {  	_ =	task.clear_ibuf [dreg:s7], $0x6FFFF;
	_ =	strace $0x9000004C  }
0xb3: {  	s29 =	simm.s32 $0x9;
	_ =	strace $0x8000004E  }
0xb4: {  	_ =	swait.ge [sflag:s29], $0x1  }
0xb5: {  	[sflag:s29] =	ssyncadd.s32 $0xFFFFFFFF  }
0xb6: {  	_ =	strace $0x9000004E  }
0xb7: {  	_ =	sfence  }
0xb8: {  	s30 =	sld [smem:$0x0];
	_ =	sdelay $0x2  }
0xb9: {  	s31 =	sshll.u32 s1, $0xD;
	s1 =	sshrl.u32 s1, $0x2  }
0xba: {  	s3 =	sand.u32 $0x4000, s31;
	s1 =	sadd.s32 s1, s30  }
0xbb: {  	s0 =	sor.u32 s3, s0;
	s1 =	sshll.u32 s1, $0x11  }
0xbc: {  	s0 =	sor.u32 s1, s0  }
0xbd: {  	s0 =	sadd.s32 $0x8F2B, s0  }
0xbe: {  	[sflag:s0] =	ssyncadd.remote.s32 $0x1  }
0xbf: {  	_ =	sfence.sel $0xFFFF  }
0xc0: {  	[dreg:$0x0] =	wrdreg $0xFFFFFFFF;
	(pc) =	sbr.abs _section_cstart, $3  }
0xc1: {  	[dreg:$0x1] =	wrdreg $0xFFFFFFFF  }
0xc2: {  	_ =	task.clear_ibuf [dreg:s7], $0x2FFFF;
	_ =	strace $0x9FFFFFFF  }
0xc3: {  	(tm) =	ssettm $0x7FFFFFFF  }
tec
execute0_lowered:
.L_overlay_start_1:
0x0: {  	(tag) =	ssettag $0x1  }
0x1: {  	s0 =	rddreg [dreg:$0x0]  }
0x2: {  	s1 =	rddreg [dreg:$0x1]  }
0x3: {  	s2 =	rddreg [dreg:$0x2]  }
0x4: {  	s3 =	simm.s32 $0x0;
	s4 =	srdreg.scid;
	s10 =	stileid.u32  }
0x5: {  	s14 =	simm.s32 $0x800;
	s15 =	simm.s32 $0x2;
	s16 =	simm.s32 $0x400  }
0x6: {  	s17 =	simm.s32 $0x40;
	s18 =	simm.s32 $0x2800;
	s19 =	simm.s32 $0x80  }
0x7: {  	s12 =	simm.s32 $0x600;
	s13 =	simm.s32 $0x300;
	s28 =	simm.s32 $0x380  }
0x8: {  	s29 =	simm.s32 $0x3C0;
	s5 =	sand.u32 $0x1, s4;
	s4 =	smul.u32 $0x98, s10  }
0x9: {  	s30 =	simm.s32 $0x700;
	s31 =	simm.s32 $0x780;
	s7 =	smul.u32 $0x50000, s10  }
0xa: {  	s6 =	sshll.u32 s10, $0x3;
	[smem:$0x7FF] =	sst s3;
	s10 =	smul.u32 $0x14000, s10  }
0xb: {  	p0 =	seq.s32 s5, $0x0;
	s6 =	sor.u32 $0x980, s6;
	_ =	strace $0x8000004D  }
0xc: {  	s8 =	smul.u32 $0x140000, s5;
	s9 =	ssub.s32 $0x2, s5;
	s6 =	smov.u32 @p0 s4  }
0xd: {  	s4 =	sadd.s32 $0x16C00, s0;
	s7 =	sshrl.u32 s7, $0x2;
	s20 =	sshrl.u32 s9, $0x1  }
0xe: {  	p0 =	sne.s32 s5, $0x0;
	s5 =	simm.s32 $0x340;
	s6 =	sshll.u32 s6, $0x4  }
0xf: {  	s11 =	sadd.s32 s7, s2;
	s21 =	sadd.s32 s10, s8;
	s8 =	simm.s32 $0x240  }
0x10: {  	s10 =	simm.s32 $0x280;
	s7 =	sadd.s32 $0x4000, s11;
	[dreg:$0x4] =	wrdreg s11  }
0x11: {  	s0 =	sadd.s32 s6, s0;
	s22 =	sadd.s32 $0x8000, s11;
	[dreg:$0x5] =	wrdreg s7  }
0x12: {  	s6 =	ssub.s32 s9, s20;
	s23 =	sadd.s32 $0xC000, s11;
	[dreg:$0x6] =	wrdreg s22  }
0x13: {  	s24 =	sadd.s32 $0x10000, s11;
	s20 =	simm.s32 $0x4800;
	[dreg:$0x7] =	wrdreg s23  }
0x14: {  	s9 =	simm.s32 $0x580;
	s7 =	sshrl.u32 s21, $0x3;
	[dreg:$0x8] =	wrdreg s24  }
0x15: {  	s25 =	smax.u32 s6, $0x1;
	s26 =	sadd.s32 $0xCC00, s0;
	s0 =	sadd.s32 $0x2C00, s0  }
0x16: {  	s22 =	simm.s32 $0x6800;
	s23 =	simm.s32 $0x1;
	[dreg:$0xa] =	wrdreg s25  }
0x17: {  	s6 =	simm.s32 $0x500;
	s21 =	simm.s32 $0x680;
	[dreg:$0xb] =	wrdreg s26  }
0x18: {  	s1 =	sadd.s32 s1, s7;
	[dreg:$0xc] =	wrdreg s0;
	s0 =	simm.s32 $0x0  }
0x19: {  	v0 =	vimm.f32 $0.0e+00;
	s7 =	simm.s32 $0x200;
	[dreg:$0x9] =	wrdreg s1;
	s1 =	simm.s32 $0x1C0  }
.LBB2_1:
0x1a: {  	[dreg:$0xd] =	wrdreg s0;
	s24 =	simm.s32 $0x0;
	s25 =	simm.s32 $0x200  }
.LBB2_2:
0x1b: {  	p1 =	sne.s32 s25, $0xFE00;
	[tilespmem:s24+$0x870] =	vst v0  }
0x1c: {  	[tilespmem:s24+$0x800] =	vst v0  }
0x1d: {  	[tilespmem:s24+$0x810] =	vst v0  }
.Ltmp0:
0x1e: {  	[tilespmem:s24+$0x820] =	vst v0;
	(pc) =	sbr.rel @p1 .LBB2_2-.Ltmp0, $4  }
0x1f: {  	[tilespmem:s24+$0x830] =	vst v0  }
0x20: {  	[tilespmem:s24+$0x840] =	vst v0  }
0x21: {  	[tilespmem:s24+$0x850] =	vst v0  }
0x22: {  	[tilespmem:s24+$0x860] =	vst v0;
	s24 =	sshra.s32 s25, $0x2;
	s25 =	sadd.s32 $0x200, s25  }
0x23: {  	[tilespmem:s24+$0x870] =	vst v0  }
0x24: {  	[tilespmem:s24+$0x800] =	vst v0  }
0x25: {  	[tilespmem:s24+$0x810] =	vst v0  }
0x26: {  	[tilespmem:s24+$0x820] =	vst v0  }
0x27: {  	[tilespmem:s24+$0x830] =	vst v0  }
0x28: {  	[tilespmem:s24+$0x840] =	vst v0  }
0x29: {  	[tilespmem:s24+$0x850] =	vst v0  }
0x2a: {  	[tilespmem:s24+$0x860] =	vst v0  }
0x2b: {  	[spmem:s11] =	stream.linear.scatter [tilespmem:s14], [sflag:$0x2], $0x4000, $0x38;
	[tilespmem:$0x1C800] =	vst v63  }
0x2c: {  	_ =	swait.ge [sflag:s15], $0x4000  }
0x2d: {  	[sflag:s15] =	ssyncset.done $0x0  }
0x2e: {  	s0 =	rddreg [dreg:$0x5];
	[sflag:s15] =	ssyncadd.s32 $0xFFFFC000  }
0x2f: {  	[spmem:s0] =	stream.linear.scatter [tilespmem:s14], [sflag:$0x2], $0x4000, $0x38;
	[tilespmem:$0x1C800] =	vst v63  }
0x30: {  	_ =	swait.ge [sflag:s15], $0x4000  }
0x31: {  	[sflag:s15] =	ssyncset.done $0x0  }
0x32: {  	s11 =	rddreg [dreg:$0x6];
	[sflag:s15] =	ssyncadd.s32 $0xFFFFC000  }
0x33: {  	[spmem:s11] =	stream.linear.scatter [tilespmem:s14], [sflag:$0x2], $0x4000, $0x38;
	[tilespmem:$0x1C800] =	vst v63  }
0x34: {  	_ =	swait.ge [sflag:s15], $0x4000  }
0x35: {  	[sflag:s15] =	ssyncset.done $0x0  }
0x36: {  	s25 =	rddreg [dreg:$0x7];
	[sflag:s15] =	ssyncadd.s32 $0xFFFFC000  }
0x37: {  	[spmem:s25] =	stream.linear.scatter [tilespmem:s14], [sflag:$0x2], $0x4000, $0x38;
	[tilespmem:$0x1C800] =	vst v63  }
0x38: {  	_ =	swait.ge [sflag:s15], $0x4000  }
0x39: {  	[sflag:s15] =	ssyncset.done $0x0  }
0x3a: {  	s26 =	rddreg [dreg:$0x8];
	[sflag:s15] =	ssyncadd.s32 $0xFFFFC000  }
0x3b: {  	[spmem:s26] =	stream.linear.scatter [tilespmem:s14], [sflag:$0x2], $0x4000, $0x38;
	[tilespmem:$0x1C800] =	vst v63  }
0x3c: {  	_ =	swait.ge [sflag:s15], $0x4000  }
0x3d: {  	[sflag:s15] =	ssyncset.done $0x0  }
0x3e: {  	[sflag:s15] =	ssyncadd.s32 $0xFFFFC000  }
0x3f: {  	[bflag:$0x0] =	sbarrier.arrive $0xFFFF  }
0x40: {  	s24 =	rddreg [dreg:$0xc]  }
0x41: {  	s11 =	simm.s32 $0x2C0;
	s26 =	simm.s32 $0x0;
	s25 =	rddreg [dreg:$0xb]  }
.LBB2_4:
0x42: {  	[tilespmem:s3], [sflag:$0x2] =	stream.linear.gather [hbm4b:s24+s3], $0x400, $0x38;
	[tilespmem:$0x1C800] =	vst v63  }
0x43: {  	_ =	swait.ge [sflag:s15], $0x400  }
0x44: {  	[sflag:s15] =	ssyncset.done $0x0  }
0x45: {  	[sflag:s15] =	ssyncadd.s32 $0xFFFFFC00  }
0x46: {  	[tilespmem:s16], [sflag:$0x2] =	stream.linear.gather [hbm4b:s25+s3], $0x400, $0x38;
	[tilespmem:$0x1C800] =	vst v63  }
0x47: {  	_ =	swait.ge [sflag:s15], $0x400  }
0x48: {  	[sflag:s15] =	ssyncset.done $0x0  }
0x49: {  	[sflag:s15] =	ssyncadd.s32 $0xFFFFFC00  }
0x4a: {  	[tilespmem:s14], [sflag:$0x1] =	stream.indirect.gather [hbm4b:s4+s17], $0x80, s3, s17, $0xb8;
	[tilespmem:$0x1C800] =	vst v63  }
0x4b: {  	_ = 	snop  }
0x4c: {  	[tilespmem:s18], [sflag:$0x1] =	stream.indirect.gather [hbm4b:s4+s17], $0x80, s17, s17, $0xb8;
	[tilespmem:$0x1C800] =	vst v63  }
0x4d: {  	_ = 	snop  }
0x4e: {  	[tilespmem:s20], [sflag:$0x1] =	stream.indirect.gather [hbm4b:s4+s17], $0x80, s19, s17, $0xb8;
	[tilespmem:$0x1C800] =	vst v63  }
0x4f: {  	s0 =	simm.s32 $0xC0  }
0x50: {  	[tilespmem:s22], [sflag:$0x1] =	stream.indirect.gather [hbm4b:s4+s17], $0x80, s0, s17, $0xb8;
	[tilespmem:$0x1C800] =	vst v63  }
0x51: {  	_ =	swait.ge [sflag:s23], $0x2000  }
0x52: {  	[sflag:s23] =	ssyncset.done $0x0  }
0x53: {  	[sflag:s23] =	ssyncadd.s32 $0xFFFFE000  }
0x54: {  	_ =	swait.ge [sflag:s23], $0x2000  }
0x55: {  	[sflag:s23] =	ssyncset.done $0x0  }
0x56: {  	[sflag:s23] =	ssyncadd.s32 $0xFFFFE000  }
0x57: {  	[spmem:s2] =	stream.indirect.scatter.add.f32 [tilespmem:s14], [sflag:$0x2], $0x80, s16, s19, $0xb8;
	[tilespmem:$0x1C800] =	vst v63  }
0x58: {  	_ =	swait.ge [sflag:s15], $0x4000  }
0x59: {  	[sflag:s15] =	ssyncset.done $0x0  }
0x5a: {  	s0 =	simm.s32 $0x100;
	[sflag:s15] =	ssyncadd.s32 $0xFFFFC000  }
0x5b: {  	[tilespmem:s14], [sflag:$0x1] =	stream.indirect.gather [hbm4b:s4+s17], $0x80, s0, s17, $0xb8;
	[tilespmem:$0x1C800] =	vst v63  }
0x5c: {  	s0 =	simm.s32 $0x140  }
0x5d: {  	[tilespmem:s18], [sflag:$0x1] =	stream.indirect.gather [hbm4b:s4+s17], $0x80, s0, s17, $0xb8;
	[tilespmem:$0x1C800] =	vst v63  }
0x5e: {  	_ =	swait.ge [sflag:s23], $0x2000  }
0x5f: {  	[sflag:s23] =	ssyncset.done $0x0  }
0x60: {  	[sflag:s23] =	ssyncadd.s32 $0xFFFFE000  }
0x61: {  	_ =	swait.ge [sflag:s23], $0x2000  }
0x62: {  	[sflag:s23] =	ssyncset.done $0x0  }
0x63: {  	s0 =	simm.s32 $0x480;
	[sflag:s23] =	ssyncadd.s32 $0xFFFFE000  }
0x64: {  	[spmem:s2] =	stream.indirect.scatter.add.f32 [tilespmem:s20], [sflag:$0x2], $0x80, s0, s19, $0xb8;
	[tilespmem:$0x1C800] =	vst v63  }
0x65: {  	_ =	swait.ge [sflag:s15], $0x4000  }
0x66: {  	[sflag:s15] =	ssyncset.done $0x0  }
0x67: {  	s0 =	simm.s32 $0x180;
	[sflag:s15] =	ssyncadd.s32 $0xFFFFC000  }
0x68: {  	[tilespmem:s20], [sflag:$0x1] =	stream.indirect.gather [hbm4b:s4+s17], $0x80, s0, s17, $0xb8;
	[tilespmem:$0x1C800] =	vst v63  }
0x69: {  	_ = 	snop  }
0x6a: {  	[tilespmem:s22], [sflag:$0x1] =	stream.indirect.gather [hbm4b:s4+s17], $0x80, s1, s17, $0xb8;
	[tilespmem:$0x1C800] =	vst v63  }
0x6b: {  	_ =	swait.ge [sflag:s23], $0x2000  }
0x6c: {  	[sflag:s23] =	ssyncset.done $0x0  }
0x6d: {  	[sflag:s23] =	ssyncadd.s32 $0xFFFFE000  }
0x6e: {  	_ =	swait.ge [sflag:s23], $0x2000  }
0x6f: {  	[sflag:s23] =	ssyncset.done $0x0  }
0x70: {  	[sflag:s23] =	ssyncadd.s32 $0xFFFFE000  }
0x71: {  	[spmem:s2] =	stream.indirect.scatter.add.f32 [tilespmem:s14], [sflag:$0x2], $0x80, s6, s19, $0xb8;
	[tilespmem:$0x1C800] =	vst v63  }
0x72: {  	_ =	swait.ge [sflag:s15], $0x4000  }
0x73: {  	[sflag:s15] =	ssyncset.done $0x0  }
0x74: {  	[sflag:s15] =	ssyncadd.s32 $0xFFFFC000  }
0x75: {  	[tilespmem:s14], [sflag:$0x1] =	stream.indirect.gather [hbm4b:s4+s17], $0x80, s7, s17, $0xb8;
	[tilespmem:$0x1C800] =	vst v63  }
0x76: {  	_ = 	snop  }
0x77: {  	[tilespmem:s18], [sflag:$0x1] =	stream.indirect.gather [hbm4b:s4+s17], $0x80, s8, s17, $0xb8;
	[tilespmem:$0x1C800] =	vst v63  }
0x78: {  	_ =	swait.ge [sflag:s23], $0x2000  }
0x79: {  	[sflag:s23] =	ssyncset.done $0x0  }
0x7a: {  	[sflag:s23] =	ssyncadd.s32 $0xFFFFE000  }
0x7b: {  	_ =	swait.ge [sflag:s23], $0x2000  }
0x7c: {  	[sflag:s23] =	ssyncset.done $0x0  }
0x7d: {  	[sflag:s23] =	ssyncadd.s32 $0xFFFFE000  }
0x7e: {  	[spmem:s2] =	stream.indirect.scatter.add.f32 [tilespmem:s20], [sflag:$0x2], $0x80, s9, s19, $0xb8;
	[tilespmem:$0x1C800] =	vst v63  }
0x7f: {  	_ =	swait.ge [sflag:s15], $0x4000  }
0x80: {  	[sflag:s15] =	ssyncset.done $0x0  }
0x81: {  	[sflag:s15] =	ssyncadd.s32 $0xFFFFC000  }
0x82: {  	[tilespmem:s20], [sflag:$0x1] =	stream.indirect.gather [hbm4b:s4+s17], $0x80, s10, s17, $0xb8;
	[tilespmem:$0x1C800] =	vst v63  }
0x83: {  	_ = 	snop  }
0x84: {  	[tilespmem:s22], [sflag:$0x1] =	stream.indirect.gather [hbm4b:s4+s17], $0x80, s11, s17, $0xb8;
	[tilespmem:$0x1C800] =	vst v63  }
0x85: {  	_ =	swait.ge [sflag:s23], $0x2000  }
0x86: {  	[sflag:s23] =	ssyncset.done $0x0  }
0x87: {  	[sflag:s23] =	ssyncadd.s32 $0xFFFFE000  }
0x88: {  	_ =	swait.ge [sflag:s23], $0x2000  }
0x89: {  	[sflag:s23] =	ssyncset.done $0x0  }
0x8a: {  	[sflag:s23] =	ssyncadd.s32 $0xFFFFE000  }
0x8b: {  	[spmem:s2] =	stream.indirect.scatter.add.f32 [tilespmem:s14], [sflag:$0x2], $0x80, s12, s19, $0xb8;
	[tilespmem:$0x1C800] =	vst v63  }
0x8c: {  	_ =	swait.ge [sflag:s15], $0x4000  }
0x8d: {  	[sflag:s15] =	ssyncset.done $0x0  }
0x8e: {  	[sflag:s15] =	ssyncadd.s32 $0xFFFFC000  }
0x8f: {  	[tilespmem:s14], [sflag:$0x1] =	stream.indirect.gather [hbm4b:s4+s17], $0x80, s13, s17, $0xb8;
	[tilespmem:$0x1C800] =	vst v63  }
0x90: {  	_ = 	snop  }
0x91: {  	[tilespmem:s18], [sflag:$0x1] =	stream.indirect.gather [hbm4b:s4+s17], $0x80, s5, s17, $0xb8;
	[tilespmem:$0x1C800] =	vst v63  }
0x92: {  	_ =	swait.ge [sflag:s23], $0x2000  }
0x93: {  	[sflag:s23] =	ssyncset.done $0x0  }
0x94: {  	[sflag:s23] =	ssyncadd.s32 $0xFFFFE000  }
0x95: {  	_ =	swait.ge [sflag:s23], $0x2000  }
0x96: {  	[sflag:s23] =	ssyncset.done $0x0  }
0x97: {  	[sflag:s23] =	ssyncadd.s32 $0xFFFFE000  }
0x98: {  	[spmem:s2] =	stream.indirect.scatter.add.f32 [tilespmem:s20], [sflag:$0x2], $0x80, s21, s19, $0xb8;
	[tilespmem:$0x1C800] =	vst v63  }
0x99: {  	_ =	swait.ge [sflag:s15], $0x4000  }
0x9a: {  	[sflag:s15] =	ssyncset.done $0x0  }
0x9b: {  	[sflag:s15] =	ssyncadd.s32 $0xFFFFC000  }
0x9c: {  	[tilespmem:s20], [sflag:$0x1] =	stream.indirect.gather [hbm4b:s4+s17], $0x80, s28, s17, $0xb8;
	[tilespmem:$0x1C800] =	vst v63  }
0x9d: {  	_ = 	snop  }
0x9e: {  	[tilespmem:s22], [sflag:$0x1] =	stream.indirect.gather [hbm4b:s4+s17], $0x80, s29, s17, $0xb8;
	[tilespmem:$0x1C800] =	vst v63  }
0x9f: {  	_ =	swait.ge [sflag:s23], $0x2000  }
0xa0: {  	[sflag:s23] =	ssyncset.done $0x0  }
0xa1: {  	[sflag:s23] =	ssyncadd.s32 $0xFFFFE000  }
0xa2: {  	_ =	swait.ge [sflag:s23], $0x2000  }
0xa3: {  	[sflag:s23] =	ssyncset.done $0x0  }
0xa4: {  	[sflag:s23] =	ssyncadd.s32 $0xFFFFE000  }
0xa5: {  	[spmem:s2] =	stream.indirect.scatter.add.f32 [tilespmem:s14], [sflag:$0x2], $0x80, s30, s19, $0xb8;
	[tilespmem:$0x1C800] =	vst v63  }
0xa6: {  	_ =	swait.ge [sflag:s15], $0x4000  }
0xa7: {  	[sflag:s15] =	ssyncset.done $0x0  }
0xa8: {  	[sflag:s15] =	ssyncadd.s32 $0xFFFFC000  }
0xa9: {  	_ =	swait.ge [sflag:s23], $0x2000  }
0xaa: {  	[sflag:s23] =	ssyncset.done $0x0  }
0xab: {  	[sflag:s23] =	ssyncadd.s32 $0xFFFFE000  }
0xac: {  	p1 =	slt.u32 @!p0 s26, $0x12;
	_ =	swait.ge [sflag:s23], $0x2000  }
0xad: {  	p1 =	por p0, !p1;
	[sflag:s23] =	ssyncset.done $0x0  }
.Ltmp1:
0xae: {  	[sflag:s23] =	ssyncadd.s32 $0xFFFFE000;
	(pc) =	sbr.rel @!p1 .LBB2_4-.Ltmp1, $4  }
0xaf: {  	[spmem:s2] =	stream.indirect.scatter.add.f32 [tilespmem:s20], [sflag:$0x2], $0x80, s31, s19, $0xb8;
	[tilespmem:$0x1C800] =	vst v63  }
0xb0: {  	_ =	swait.ge [sflag:s15], $0x4000  }
0xb1: {  	s26 =	sadd.s32 $0x1, s26;
	[sflag:s15] =	ssyncset.done $0x0  }
0xb2: {  	s24 =	sadd.s32 $0x80, s24;
	s25 =	sadd.s32 $0x80, s25;
	[sflag:s15] =	ssyncadd.s32 $0xFFFFC000  }
0xb3: {  	s24 =	stileid.u32;
	[bflag:$0x0] =	sbarrier.arrive $0xFFFF  }
0xb4: {  	s24 =	sshll.u32 s24, $0x6;
	s11 =	rddreg [dreg:$0x4]  }
0xb5: {  	s26 =	rddreg [dreg:$0x9];
	s24 =	sor.u32 $0x1C02, s24;
	s25 =	sshrl.u32 s11, $0x3  }
0xb6: {  	[hbm:s26], [sflag:s24] =	dma.local [spmem:s25], $0x2800  }
0xb7: {  	_ =	swait.ge [sflag:s15], $0x2800  }
0xb8: {  	s0 =	rddreg [dreg:$0xd]  }
0xb9: {  	s26 =	rddreg [dreg:$0xa];
	s0 =	sadd.s32 $0x1, s0  }
0xba: {  	p1 =	sne.s32 s0, s26  }
.Ltmp2:
0xbb: {  	_ = 	snop;
	(pc) =	sbr.rel @p1 .LBB2_1-.Ltmp2, $3  }
0xbc: {  	_ =	sdelay $0x1  }
0xbd: {  	[sflag:s15] =	ssyncset.done $0x0  }
0xbe: {  	[sflag:s15] =	ssyncadd.s32 $0xFFFFD800  }
0xbf: {  	_ =	sfence.sel $0x180000  }
0xc0: {  	[bflag:$0x0] =	sbarrier.arrive $0xFFFF  }
0xc1: {  	_ =	strace $0x9000004D  }
0xc2: {  	s0 =	stileid.u32;
	[bflag:$0x2] =	sbarrier.arrive $0xFFFF  }
0xc3: {  	p0 =	sne.s32 s0, $0x0;
	s0 =	rddreg [dreg:$0x3]  }
0xc4: {  	s0 =	sadd.s32 @!p0 $0x100000, s0  }
0xc5: {  	[sflag:s0] =	ssyncadd.tile.s32 @!p0 $0x1;
	_ =	shalt  }
.Lfunc_end2:
_tile_overlayer_lowered:
.L_overlay_start_2:
0xc6: {  	(tag) =	ssettag $0x2  }
0xc7: {  	s0 =	rddreg [dreg:$0x0];
	s2 =	stileid.u32  }
0xc8: {  	s1 =	rddreg [dreg:$0x1];
	p0 =	sne.s32 s2, $0x0  }
0xc9: {  	s3 =	rddreg [dreg:$0x2];
	[bflag:$0x3] =	sbarrier.arrive $0xFFFF;
	s2 =	simm.s32 @!p0 $0x1C02  }
0xca: {  	[timem:s3], [sflag:s2] =	dma.local @!p0 [hbm:s0], s1  }
0xcb: {  	s0 =	simm.s32 @!p0 $0x2  }
0xcc: {  	_ =	swait.ge @!p0 [sflag:s0], s1  }
0xcd: {  	s1 =	ssub.s32 @!p0 $0x0, s1;
	[sflag:s0] =	ssyncset.done @!p0 $0x0  }
0xce: {  	[sflag:s0] =	ssyncadd.s32 @!p0 s1  }
0xcf: {  	[bflag:$0x3] =	sbarrier.arrive $0xFFFF  }
0xd0: {  	_ =	shalt  }

// kernel: _run.8.cloned.1.call-start
scs
__scs_entry_jumppad:
0x0: {  	(pc) =	sbr.rel $0x88, $3  }
0x1: {  	(tag) =	ssettag $0x0;
	lr =	simm.s32 $0x1  }
0x2: {  	[smem:$0x3F9C] =	sst lr;
	_ =	strace $0xD0000000  }
0x3: {  	_ = 	snop  }
0x4: {  	_ = 	snop  }
0x5: {  	_ = 	snop  }
0x6: {  	_ = 	snop  }
0x7: {  	_ = 	snop  }
__scs_overlays_trampoline_lowered:
0x8: {  	[smem:$0x3FAB] =	sst s0  }
0x9: {  	[smem:$0x3FAC] =	sst s1  }
0xa: {  	[smem:$0x3FAD] =	sst s2  }
0xb: {  	[smem:$0x3FAE] =	sst s3  }
0xc: {  	[smem:$0x3FAF] =	sst s4  }
0xd: {  	[smem:$0x3FB0] =	sst s5  }
0xe: {  	[smem:$0x3FB1] =	sst s6  }
0xf: {  	[smem:$0x3FB2] =	sst s7  }
0x10: {  	[smem:$0x3FB3] =	sst s8  }
0x11: {  	[smem:$0x3FB4] =	sst s9;
	s0 =	simm.s32 @!p0 $0x0  }
0x12: {  	s1 =	sld [smem:$0x3F9A];
	s0 =	simm.s32 @p0 $0x1  }
0x13: {  	[smem:$0x3FB5] =	sst s0;
	s0 =	simm.s32 @!p1 $0x0  }
0x14: {  	s2 =	sld [smem:$0x3F99];
	s0 =	simm.s32 @p1 $0x1  }
0x15: {  	[smem:$0x3FB6] =	sst s0;
	s0 =	simm.s32 @!p2 $0x0  }
0x16: {  	s3 =	sld [smem:$0x3FDB];
	s0 =	simm.s32 @p2 $0x1  }
0x17: {  	s4 =	simm.s32 $0x1BF5;
	[smem:$0x3FB8] =	sst s0  }
0x18: {  	s0 =	sld [smem:$0x3F9B];
	_ =	swait.ge [sflag:s4], $0x0  }
0x19: {  	s7 =	sld [smem:$0x3F9C]  }
0x1a: {  	s8 =	sadd.s32 $0xFFFFE003, lr  }
0x1b: {  	s9 =	sadd.s32 $0xFFFFFEF7, lr;
	s5 =	simm.s32 $0xFFFFFFFF;
	p2 =	slt.u32 s8, $0xFFFFF086  }
0x1c: {  	p1 =	slt.u32 s9, $0xF7A;
	s5 =	simm.s32 @!p2 $0x0  }
0x1d: {  	s5 =	simm.s32 @p1 $0x1;
	p0 =	seq.s32 s7, s2  }
0x1e: {  	s7 =	smul.u32 @!p0 $0xF7A, s2;
	p2 =	seq.s32 @!p0 s5, $0x0  }
0x1f: {  	s9 =	smul.u32 $0xF7A, s1;
	s8 =	simm.s32 @!p0 $0x1BF5;
	p2 =	por !p2, p0  }
0x20: {  	[sflag:s8] =	ssyncset.s32 @!p0 $0xFFFFF086;
	s6 =	sadd.s32 @!p0 s3, s7;
	s7 =	simm.s32 @!p0 $0x108  }
0x21: {  	s3 =	sadd.s32 s3, s9;
	s6 =	sadd.s32 @!p0 $0x88, s6;
	s7 =	simm.s32 @p2 $0x1082  }
0x22: {  	[simem:s7], [sflag:s8] =	dma.local @!p0 [hbm:s6], $0xF7A  }
0x23: {  	s9 =	sor.u32 $0xD0000000, s2;
	s6 =	simm.s32 $0x108;
	_ =	swait.ge @!p0 [sflag:s8], $0x0  }
0x24: {  	s3 =	sadd.s32 $0x88, s3;
	s6 =	simm.s32 @!p1 $0x1082;
	[sflag:s4] =	ssyncset.s32 $0xFFFFF086  }
0x25: {  	[simem:s6], [sflag:s4] =	dma.local [hbm:s3], $0xF7A  }
0x26: {  	[smem:$0x3F9C] =	sst s1;
	(tag) =	ssettag s2;
	_ =	strace s9  }
0x27: {  	s1 =	sld [smem:$0x3FAC]  }
0x28: {  	s2 =	sld [smem:$0x3FAD]  }
0x29: {  	s4 =	sld [smem:$0x3FAF]  }
0x2a: {  	p0 =	seq.s32 s5, $0x0;
	s5 =	sld [smem:$0x3FB0]  }
0x2b: {  	s6 =	sld [smem:$0x3FB1]  }
0x2c: {  	s7 =	sld [smem:$0x3FB2]  }
0x2d: {  	s3 =	simm.s32 $0x108;
	s8 =	sld [smem:$0x3FB3]  }
0x2e: {  	s3 =	simm.s32 @!p0 $0x1082;
	s9 =	sld [smem:$0x3FB4]  }
0x2f: {  	lr =	sadd.s32 s0, s3;
	s0 =	sld [smem:$0x3FAB]  }
0x30: {  	s3 =	sld [smem:$0x3FAE]  }
0x31: {  	[smem:$0x3FB7] =	sst s10  }
0x32: {  	s10 =	sld [smem:$0x3FB5];
	_ =	sdelay $0x3  }
0x33: {  	p0 =	seq.s32 s10, $0x1;
	s10 =	sld [smem:$0x3FB7];
	_ =	sdelay $0x3  }
0x34: {  	[smem:$0x3FB7] =	sst s10  }
0x35: {  	s10 =	sld [smem:$0x3FB6];
	_ =	sdelay $0x3  }
0x36: {  	p1 =	seq.s32 s10, $0x1;
	s10 =	sld [smem:$0x3FB7];
	_ =	sdelay $0x3  }
0x37: {  	[smem:$0x3FB7] =	sst s10  }
0x38: {  	s10 =	sld [smem:$0x3FB8]  }
0x39: {  	_ = 	snop;
	(pc) =	sbr.ind lr, $3  }
0x3a: {  	_ = 	snop  }
0x3b: {  	_ = 	snop  }
0x3c: {  	p2 =	seq.s32 s10, $0x1;
	s10 =	sld [smem:$0x3FB7]  }
0x3d: {  	_ =	shalt  }
0x3e: {  	_ =	shalt  }
0x3f: {  	_ =	shalt  }
0x40: {  	_ =	shalt  }
0x41: {  	_ =	shalt  }
0x42: {  	_ =	shalt  }
0x43: {  	_ =	shalt  }
0x44: {  	_ =	shalt  }
0x45: {  	_ =	shalt  }
0x46: {  	_ =	shalt  }
0x47: {  	_ =	shalt  }
0x48: {  	_ =	shalt  }
0x49: {  	_ =	shalt  }
0x4a: {  	_ =	shalt  }
0x4b: {  	_ =	shalt  }
0x4c: {  	_ =	shalt  }
0x4d: {  	_ =	shalt  }
0x4e: {  	_ =	shalt  }
0x4f: {  	_ =	shalt  }
0x50: {  	_ =	shalt  }
0x51: {  	_ =	shalt  }
0x52: {  	_ =	shalt  }
0x53: {  	_ =	shalt  }
0x54: {  	_ =	shalt  }
0x55: {  	_ =	shalt  }
0x56: {  	_ =	shalt  }
0x57: {  	_ =	shalt  }
0x58: {  	_ =	shalt  }
0x59: {  	_ =	shalt  }
0x5a: {  	_ =	shalt  }
0x5b: {  	_ =	shalt  }
0x5c: {  	_ =	shalt  }
0x5d: {  	_ =	shalt  }
0x5e: {  	_ =	shalt  }
0x5f: {  	_ =	shalt  }
0x60: {  	_ =	shalt  }
0x61: {  	_ =	shalt  }
0x62: {  	_ =	shalt  }
0x63: {  	_ =	shalt  }
0x64: {  	_ =	shalt  }
0x65: {  	_ =	shalt  }
0x66: {  	_ =	shalt  }
0x67: {  	_ =	shalt  }
0x68: {  	_ =	shalt  }
0x69: {  	_ =	shalt  }
0x6a: {  	_ =	shalt  }
0x6b: {  	_ =	shalt  }
0x6c: {  	_ =	shalt  }
0x6d: {  	_ =	shalt  }
0x6e: {  	_ =	shalt  }
0x6f: {  	_ =	shalt  }
0x70: {  	_ =	shalt  }
0x71: {  	_ =	shalt  }
0x72: {  	_ =	shalt  }
0x73: {  	_ =	shalt  }
0x74: {  	_ =	shalt  }
0x75: {  	_ =	shalt  }
0x76: {  	_ =	shalt  }
0x77: {  	_ =	shalt  }
0x78: {  	_ =	shalt  }
0x79: {  	_ =	shalt  }
0x7a: {  	_ =	shalt  }
0x7b: {  	_ =	shalt  }
0x7c: {  	_ =	shalt  }
0x7d: {  	_ =	shalt  }
0x7e: {  	_ =	shalt  }
0x7f: {  	_ =	shalt  }
0x80: {  	_ =	shalt  }
0x81: {  	_ =	shalt  }
0x82: {  	_ =	shalt  }
0x83: {  	_ =	shalt  }
0x84: {  	_ =	shalt  }
0x85: {  	_ =	shalt  }
0x86: {  	_ =	shalt  }
0x87: {  	_ =	shalt  }
.Lfunc_end0:
.L_simem_size_0:
called_computation.1_lowered:
.L_overlay_start_0:
0x88: {  	s2 =	sld [smem:$0x3FD9]  }
0x89: {  	s3 =	sld [smem:$0x3FFE];
	_ =	sdelay $0x1  }
0x8a: {  	s1 =	srdreg.scid  }
0x8b: {  	s0 =	sand.u32 $0x1, s1  }
0x8c: {  	s17 =	sshll.u32 s0, $0xA;
	s2 =	sadd.s32 s3, s2  }
0x8d: {  	s2 =	sadd.s32 s2, s17  }
0x8e: {  	[smem:$0x3FC3] =	sst s2  }
0x8f: {  	_ = 	snop  }
0x90: {  	s2 =	sld [smem:$0x3FD0];
	(tm) =	ssettm $0x1  }
0x91: {  	s18 =	sld [smem:$0x3FFB];
	_ =	sdelay $0x3  }
0x92: {  	_ =	strace s18  }
0x93: {  	s3 =	sld [smem:$0x3FFC];
	_ =	sdelay $0x3  }
0x94: {  	_ =	strace s3  }
0x95: {  	s3 =	sld [smem:$0x3FFD];
	_ =	sdelay $0x3  }
0x96: {  	_ =	strace s3  }
0x97: {  	_ =	strace $0x8FFFFFFF  }
0x98: {  	s19 =	sld [smem:$0x3FDB];
	_ =	sdelay $0x1  }
0x99: {  	s4 =	simm.s32 $_scs_section_size  }
0x9a: {  	s5 =	simm.s32 $_size__tile_overlayer_lowered;
	s6 =	simm.s32 $_tile_overlayer_lowered  }
0x9b: {  	s22 =	simm.s32 $0x1BFF;
	s21 =	sshll.u32 s6, $0x1;
	s3 =	sadd.s32 s4, s19  }
0x9c: {  	s7 =	simm.s32 $0x0;
	s20 =	sshll.u32 s5, $0x1;
	s5 =	sadd.s32 s21, s3  }
0x9d: {  	[timem:s7], [sflag:s22] =	dma.local [hbm:s5], s20  }
0x9e: {  	_ =	swait.ge [sflag:s22], s20  }
0x9f: {  	s4 =	ssub.s32 $0x0, s20;
	[sflag:s22] =	ssyncset.done $0x0  }
0xa0: {  	[sflag:s22] =	ssyncadd.s32 s4;
	_ =	sdelay $0x1  }
0xa1: {  	s23 =	simm.s32 $0x1B8B  }
0xa2: {  	_ =	swait.ge [sflag:s23], $0x1  }
0xa3: {  	[sflag:s23] =	ssyncset.done $0x0  }
0xa4: {  	s25 =	simm.s32 $0x1B8E;
	s24 =	sld [smem:$0x3FFE];
	[sflag:s23] =	ssyncadd.s32 $0xFFFFFFFF  }
0xa5: {  	s26 =	simm.s32 $execute0_lowered;
	[smem:$0x3FD2] =	sst s25  }
0xa6: {  	s5 =	sshll.u32 s26, $0x1;
	_ =	strace $0x80000046;
	[dreg:$0x1] =	wrdreg $0xFFFFFFFF  }
0xa7: {  	s28 =	simm.s32 $_size_execute0_lowered;
	s3 =	sadd.s32 s3, s5;
	[dreg:$0x0] =	wrdreg $0x0  }
0xa8: {  	s5 =	sshll.u32 s28, $0x1;
	[dreg:$0x2] =	wrdreg s3  }
0xa9: {  	[dreg:$0x3] =	wrdreg s5  }
0xaa: {  	[dreg:$0x4] =	wrdreg $0xC0  }
0xab: {  	_ =	task [dreg:s7], $0x5FFFF  }
0xac: {  	[dreg:$0x1] =	wrdreg $0xFFFFFFFF  }
0xad: {  	[dreg:$0x0] =	wrdreg $0x60  }
0xae: {  	[dreg:$0x2] =	wrdreg s24  }
0xaf: {  	[dreg:$0x3] =	wrdreg s2  }
0xb0: {  	[dreg:$0x4] =	wrdreg $0x29000  }
0xb1: {  	[dreg:$0x5] =	wrdreg $0x9  }
0xb2: {  	_ =	task.clear_ibuf [dreg:s7], $0x6FFFF;
	_ =	strace $0x90000046  }
0xb3: {  	s29 =	simm.s32 $0x9;
	_ =	strace $0x80000048  }
0xb4: {  	_ =	swait.ge [sflag:s29], $0x1  }
0xb5: {  	[sflag:s29] =	ssyncadd.s32 $0xFFFFFFFF  }
0xb6: {  	_ =	strace $0x90000048  }
0xb7: {  	_ =	sfence  }
0xb8: {  	s30 =	sld [smem:$0x0];
	_ =	sdelay $0x2  }
0xb9: {  	s31 =	sshll.u32 s1, $0xD;
	s1 =	sshrl.u32 s1, $0x2  }
0xba: {  	s3 =	sand.u32 $0x4000, s31;
	s1 =	sadd.s32 s1, s30  }
0xbb: {  	s0 =	sor.u32 s3, s0;
	s1 =	sshll.u32 s1, $0x11  }
0xbc: {  	s0 =	sor.u32 s1, s0  }
0xbd: {  	s0 =	sadd.s32 $0x8F2B, s0  }
0xbe: {  	[sflag:s0] =	ssyncadd.remote.s32 $0x1  }
0xbf: {  	_ =	sfence.sel $0xFFFF  }
0xc0: {  	[dreg:$0x0] =	wrdreg $0xFFFFFFFF;
	(pc) =	sbr.abs _section_cstart, $3  }
0xc1: {  	[dreg:$0x1] =	wrdreg $0xFFFFFFFF  }
0xc2: {  	_ =	task.clear_ibuf [dreg:s7], $0x2FFFF;
	_ =	strace $0x9FFFFFFF  }
0xc3: {  	(tm) =	ssettm $0x7FFFFFFF  }
tec
execute0_lowered:
.L_overlay_start_1:
0x0: {  	(tag) =	ssettag $0x1  }
0x1: {  	s4 =	rddreg [dreg:$0x0]  }
0x2: {  	s1 =	srdreg.scid;
	s14 =	rddreg [dreg:$0x1]  }
0x3: {  	s0 =	stileid.u32;
	s2 =	rddreg [dreg:$0x2];
	s3 =	simm.s32 $0x0  }
0x4: {  	s19 =	simm.s32 $0x2800;
	s21 =	simm.s32 $0x0;
	s8 =	sand.u32 $0x1, s1  }
0x5: {  	s28 =	sshll.u32 s0, $0x1;
	s1 =	rddreg [dreg:$0x3];
	s9 =	smul.u32 $0x280, s0  }
0x6: {  	[smem:$0x7FF] =	sst s3;
	s16 =	smul.u32 $0x500, s0;
	s20 =	sshll.u32 s0, $0x6  }
0x7: {  	s5 =	sor.u32 s8, s28;
	_ =	strace $0x80000047;
	s6 =	ssub.s32 $0x2, s8  }
0x8: {  	s17 =	sshll.u32 s8, $0x7;
	s20 =	sor.u32 $0x1C01, s20;
	s5 =	smul.u32 $0x500, s5  }
0x9: {  	s29 =	sshrl.u32 s6, $0x1;
	s11 =	sadd.s32 $0x80, s9;
	s12 =	sadd.s32 $0x100, s9  }
0xa: {  	s13 =	sadd.s32 $0x180, s9;
	s18 =	sadd.s32 $0x200, s9;
	s30 =	sor.u32 s17, s16  }
0xb: {  	s15 =	ssub.s32 s6, s29;
	s6 =	sadd.s32 s12, s2;
	s7 =	sadd.s32 s13, s2  }
0xc: {  	s8 =	sadd.s32 s18, s2;
	s16 =	sshrl.u32 s30, $0x3;
	s12 =	sshll.u32 s12, $0x1  }
0xd: {  	s13 =	sshll.u32 s13, $0x1;
	s31 =	sshll.u32 s18, $0x1;
	s18 =	simm.s32 $0x80  }
0xe: {  	s10 =	sadd.s32 s5, s4;
	s4 =	sadd.s32 s9, s2;
	s5 =	sadd.s32 s11, s2  }
0xf: {  	s11 =	sshll.u32 s11, $0x1;
	s12 =	sor.u32 s17, s12;
	s13 =	sor.u32 s17, s13  }
0x10: {  	s15 =	smax.u32 s15, $0x1;
	s11 =	sor.u32 s17, s11;
	s9 =	sadd.s32 $0xCC00, s10  }
0x11: {  	s10 =	sadd.s32 s14, s16;
	s12 =	sshrl.u32 s12, $0x3;
	s13 =	sshrl.u32 s13, $0x3  }
0x12: {  	s16 =	sor.u32 s17, s31;
	s17 =	simm.s32 $0x1;
	s11 =	sshrl.u32 s11, $0x3  }
0x13: {  	s12 =	sadd.s32 s14, s12;
	s13 =	sadd.s32 s14, s13;
	s16 =	sshrl.u32 s16, $0x3  }
0x14: {  	v0 =	vimm.f32 $1.000000000e+00;
	v1 =	vimm.f32 $0.0e+00;
	s11 =	sadd.s32 s14, s11;
	s14 =	sadd.s32 s14, s16;
	s16 =	simm.s32 $0x2880  }
.LBB2_1:
0x15: {  	[tilespmem:$0x2800] =	vst v0  }
0x16: {  	[tilespmem:$0x2880] =	vst v1  }
0x17: {  	[tilespmem:$0x2810] =	vst v0  }
0x18: {  	[tilespmem:$0x2890] =	vst v1  }
0x19: {  	[tilespmem:$0x2820] =	vst v0  }
0x1a: {  	[tilespmem:$0x28A0] =	vst v1  }
0x1b: {  	[tilespmem:$0x2830] =	vst v0  }
0x1c: {  	[tilespmem:$0x28B0] =	vst v1  }
0x1d: {  	[tilespmem:$0x2840] =	vst v0  }
0x1e: {  	[tilespmem:$0x28C0] =	vst v1  }
0x1f: {  	[tilespmem:$0x2850] =	vst v0  }
0x20: {  	[tilespmem:$0x28D0] =	vst v1  }
0x21: {  	[tilespmem:$0x2860] =	vst v0  }
0x22: {  	[tilespmem:$0x28E0] =	vst v1  }
0x23: {  	[tilespmem:$0x2870] =	vst v0  }
0x24: {  	[tilespmem:$0x28F0] =	vst v1  }
0x25: {  	[spmem:s4] =	stream.linear.scatter [tilespmem:s16], [sflag:$0x1], $0x80, $0x38;
	[tilespmem:$0x2B80] =	vst v63  }
0x26: {  	_ =	swait.ge [sflag:s17], $0x80  }
0x27: {  	[sflag:s17] =	ssyncset.done $0x0  }
0x28: {  	[sflag:s17] =	ssyncadd.s32 $0xFFFFFF80  }
0x29: {  	[spmem:s5] =	stream.linear.scatter [tilespmem:s16], [sflag:$0x1], $0x80, $0x38;
	[tilespmem:$0x2B80] =	vst v63  }
0x2a: {  	_ =	swait.ge [sflag:s17], $0x80  }
0x2b: {  	[sflag:s17] =	ssyncset.done $0x0  }
0x2c: {  	[sflag:s17] =	ssyncadd.s32 $0xFFFFFF80  }
0x2d: {  	[spmem:s6] =	stream.linear.scatter [tilespmem:s16], [sflag:$0x1], $0x80, $0x38;
	[tilespmem:$0x2B80] =	vst v63  }
0x2e: {  	_ =	swait.ge [sflag:s17], $0x80  }
0x2f: {  	[sflag:s17] =	ssyncset.done $0x0  }
0x30: {  	[sflag:s17] =	ssyncadd.s32 $0xFFFFFF80  }
0x31: {  	[spmem:s7] =	stream.linear.scatter [tilespmem:s16], [sflag:$0x1], $0x80, $0x38;
	[tilespmem:$0x2B80] =	vst v63  }
0x32: {  	_ =	swait.ge [sflag:s17], $0x80  }
0x33: {  	[sflag:s17] =	ssyncset.done $0x0  }
0x34: {  	[sflag:s17] =	ssyncadd.s32 $0xFFFFFF80  }
0x35: {  	[spmem:s8] =	stream.linear.scatter [tilespmem:s16], [sflag:$0x1], $0x80, $0x38;
	[tilespmem:$0x2B80] =	vst v63  }
0x36: {  	_ =	swait.ge [sflag:s17], $0x80  }
0x37: {  	[sflag:s17] =	ssyncset.done $0x0  }
0x38: {  	[sflag:s17] =	ssyncadd.s32 $0xFFFFFF80  }
0x39: {  	[bflag:$0x0] =	sbarrier.arrive $0xFFFF  }
0x3a: {  	[tilespmem:s3], [sflag:$0x1] =	stream.linear.gather [hbm4b:s9+s3], $0x2800, $0x38;
	[tilespmem:$0x2B80] =	vst v63  }
0x3b: {  	_ =	swait.ge [sflag:s17], $0x2800  }
0x3c: {  	[sflag:s17] =	ssyncset.done $0x0  }
0x3d: {  	s22 =	simm.s32 $0x0;
	[sflag:s17] =	ssyncadd.s32 $0xFFFFD800  }
0x3e: {  	[spmem:s2] =	stream.indirect.scatter.add.f32 [tilespmem:s19], [sflag:$0x1], $0x1, s22, s18, $0xb8;
	[tilespmem:$0x2B80] =	vst v63  }
0x3f: {  	_ =	swait.ge [sflag:s17], $0x80  }
0x40: {  	s22 =	simm.s32 $0x200;
	[sflag:s17] =	ssyncset.done $0x0  }
.LBB2_2:
0x41: {  	s23 =	sshra.s32 s22, $0x2;
	[sflag:s17] =	ssyncadd.s32 $0xFFFFFF80;
	p0 =	sne.s32 s22, $0x9E00  }
0x42: {  	[spmem:s2] =	stream.indirect.scatter.add.f32 [tilespmem:s19], [sflag:$0x1], $0x1, s23, s18, $0xb8;
	[tilespmem:$0x2B80] =	vst v63  }
.Ltmp0:
0x43: {  	_ = 	snop;
	(pc) =	sbr.rel @p0 .LBB2_2-.Ltmp0, $4  }
0x44: {  	_ = 	snop  }
0x45: {  	s22 =	sadd.s32 $0x200, s22  }
0x46: {  	_ =	swait.ge [sflag:s17], $0x80  }
0x47: {  	[sflag:s17] =	ssyncset.done $0x0  }
0x48: {  	[sflag:s17] =	ssyncadd.s32 $0xFFFFFF80  }
0x49: {  	s22 =	sshrl.u32 s4, $0x3;
	[bflag:$0x0] =	sbarrier.arrive $0xFFFF  }
0x4a: {  	[hbm:s10], [sflag:s20] =	dma.local [spmem:s22], $0x10  }
0x4b: {  	_ =	swait.ge [sflag:s17], $0x10  }
0x4c: {  	[sflag:s17] =	ssyncset.done $0x0  }
0x4d: {  	s28 =	sshrl.u32 s5, $0x3;
	[sflag:s17] =	ssyncadd.s32 $0xFFFFFFF0  }
0x4e: {  	[hbm:s11], [sflag:s20] =	dma.local [spmem:s28], $0x10  }
0x4f: {  	_ =	swait.ge [sflag:s17], $0x10  }
0x50: {  	[sflag:s17] =	ssyncset.done $0x0  }
0x51: {  	s29 =	sshrl.u32 s6, $0x3;
	[sflag:s17] =	ssyncadd.s32 $0xFFFFFFF0  }
0x52: {  	[hbm:s12], [sflag:s20] =	dma.local [spmem:s29], $0x10  }
0x53: {  	_ =	swait.ge [sflag:s17], $0x10  }
0x54: {  	[sflag:s17] =	ssyncset.done $0x0  }
0x55: {  	s30 =	sshrl.u32 s7, $0x3;
	[sflag:s17] =	ssyncadd.s32 $0xFFFFFFF0  }
0x56: {  	[hbm:s13], [sflag:s20] =	dma.local [spmem:s30], $0x10  }
0x57: {  	s21 =	sadd.s32 $0x1, s21;
	_ =	swait.ge [sflag:s17], $0x10  }
0x58: {  	p0 =	sne.s32 s21, s15;
	[sflag:s17] =	ssyncset.done $0x0  }
.Ltmp1:
0x59: {  	s31 =	sshrl.u32 s8, $0x3;
	[sflag:s17] =	ssyncadd.s32 $0xFFFFFFF0;
	(pc) =	sbr.rel @p0 .LBB2_1-.Ltmp1, $4  }
0x5a: {  	[hbm:s14], [sflag:s20] =	dma.local [spmem:s31], $0x10  }
0x5b: {  	_ =	swait.ge [sflag:s17], $0x10  }
0x5c: {  	[sflag:s17] =	ssyncset.done $0x0  }
0x5d: {  	[sflag:s17] =	ssyncadd.s32 $0xFFFFFFF0  }
0x5e: {  	_ =	sfence.sel $0x180000  }
0x5f: {  	[bflag:$0x0] =	sbarrier.arrive $0xFFFF  }
0x60: {  	p0 =	sne.s32 s0, $0x0;
	_ =	strace $0x90000047  }
0x61: {  	s0 =	sadd.s32 @!p0 $0x100000, s1;
	[bflag:$0x2] =	sbarrier.arrive $0xFFFF  }
0x62: {  	[sflag:s0] =	ssyncadd.tile.s32 @!p0 $0x1;
	_ =	shalt  }
.Lfunc_end2:
_tile_overlayer_lowered:
.L_overlay_start_2:
0x63: {  	(tag) =	ssettag $0x2  }
0x64: {  	s0 =	rddreg [dreg:$0x0];
	s2 =	stileid.u32  }
0x65: {  	s1 =	rddreg [dreg:$0x1];
	p0 =	sne.s32 s2, $0x0  }
0x66: {  	s3 =	rddreg [dreg:$0x2];
	[bflag:$0x3] =	sbarrier.arrive $0xFFFF;
	s2 =	simm.s32 @!p0 $0x1C01  }
0x67: {  	[timem:s3], [sflag:s2] =	dma.local @!p0 [hbm:s0], s1  }
0x68: {  	s0 =	simm.s32 @!p0 $0x1  }
0x69: {  	_ =	swait.ge @!p0 [sflag:s0], s1  }
0x6a: {  	s1 =	ssub.s32 @!p0 $0x0, s1;
	[sflag:s0] =	ssyncset.done @!p0 $0x0  }
0x6b: {  	[sflag:s0] =	ssyncadd.s32 @!p0 s1  }
0x6c: {  	[bflag:$0x3] =	sbarrier.arrive $0xFFFF  }
0x6d: {  	_ =	shalt  }

// kernel: sparse-core-data-format-call.cloned.1.call-start
scs
called_computation_lowered:
.L_overlay_start_0:
0x0: {  	s2 =	sld [smem:$0x3FD9]  }
0x1: {  	s3 =	sld [smem:$0x3FFE];
	_ =	sdelay $0x1  }
0x2: {  	s1 =	srdreg.scid  }
0x3: {  	s0 =	sand.u32 $0x1, s1  }
0x4: {  	s18 =	sshll.u32 s0, $0xA;
	s2 =	sadd.s32 s3, s2  }
0x5: {  	s2 =	sadd.s32 s2, s18  }
0x6: {  	[smem:$0x3FC3] =	sst s2  }
0x7: {  	_ = 	snop  }
0x8: {  	s2 =	sld [smem:$0x3FD0];
	(tm) =	ssettm $0x1  }
0x9: {  	s19 =	sld [smem:$0x3FFB];
	_ =	sdelay $0x3  }
0xa: {  	_ =	strace s19  }
0xb: {  	s3 =	sld [smem:$0x3FFC];
	_ =	sdelay $0x3  }
0xc: {  	_ =	strace s3  }
0xd: {  	s3 =	sld [smem:$0x3FFD];
	_ =	sdelay $0x3  }
0xe: {  	_ =	strace s3  }
0xf: {  	_ =	strace $0x8FFFFFFF  }
0x10: {  	s20 =	sld [smem:$0x3FDB];
	_ =	sdelay $0x1  }
0x11: {  	s4 =	simm.s32 $_scs_section_size  }
0x12: {  	s5 =	simm.s32 $_size__tile_overlayer_lowered;
	s6 =	simm.s32 $_tile_overlayer_lowered  }
0x13: {  	s23 =	simm.s32 $0x1BFF;
	s22 =	sshll.u32 s6, $0x1;
	s3 =	sadd.s32 s4, s20  }
0x14: {  	s7 =	simm.s32 $0x0;
	s21 =	sshll.u32 s5, $0x1;
	s5 =	sadd.s32 s22, s3  }
0x15: {  	[timem:s7], [sflag:s23] =	dma.local [hbm:s5], s21  }
0x16: {  	_ =	swait.ge [sflag:s23], s21  }
0x17: {  	s4 =	ssub.s32 $0x0, s21;
	[sflag:s23] =	ssyncset.done $0x0  }
0x18: {  	[sflag:s23] =	ssyncadd.s32 s4;
	_ =	sdelay $0x1  }
0x19: {  	s24 =	simm.s32 $0x1B8B  }
0x1a: {  	_ =	swait.ge [sflag:s24], $0x1  }
0x1b: {  	[sflag:s24] =	ssyncset.done $0x0  }
0x1c: {  	s26 =	simm.s32 $0x1B8E;
	s25 =	sld [smem:$0x3FFE];
	[sflag:s24] =	ssyncadd.s32 $0xFFFFFFFF  }
0x1d: {  	s27 =	simm.s32 $execute0_lowered;
	[smem:$0x3FD2] =	sst s26  }
0x1e: {  	s5 =	sshll.u32 s27, $0x1;
	_ =	strace $0x8000004F;
	[dreg:$0x1] =	wrdreg $0xFFFFFFFF  }
0x1f: {  	s28 =	simm.s32 $_size_execute0_lowered;
	s3 =	sadd.s32 s3, s5;
	[dreg:$0x0] =	wrdreg $0x0  }
0x20: {  	s5 =	sshll.u32 s28, $0x1;
	[dreg:$0x2] =	wrdreg s3  }
0x21: {  	[dreg:$0x3] =	wrdreg s5  }
0x22: {  	[dreg:$0x4] =	wrdreg $0xC0  }
0x23: {  	_ =	task [dreg:s7], $0x5FFFF  }
0x24: {  	[dreg:$0x1] =	wrdreg $0xFFFFFFFF  }
0x25: {  	[dreg:$0x0] =	wrdreg $0x60  }
0x26: {  	[dreg:$0x2] =	wrdreg s25  }
0x27: {  	[dreg:$0x3] =	wrdreg s2  }
0x28: {  	[dreg:$0x4] =	wrdreg $0x9  }
0x29: {  	_ =	task.clear_ibuf [dreg:s7], $0x5FFFF;
	_ =	strace $0x9000004F  }
0x2a: {  	s29 =	simm.s32 $0x9;
	_ =	strace $0x80000051  }
0x2b: {  	_ =	swait.ge [sflag:s29], $0x1  }
0x2c: {  	[sflag:s29] =	ssyncadd.s32 $0xFFFFFFFF  }
0x2d: {  	_ =	strace $0x90000051  }
0x2e: {  	_ =	sfence  }
0x2f: {  	s30 =	sld [smem:$0x0];
	_ =	sdelay $0x2  }
0x30: {  	s31 =	sshll.u32 s1, $0xD;
	s1 =	sshrl.u32 s1, $0x2  }
0x31: {  	s3 =	sand.u32 $0x4000, s31;
	s1 =	sadd.s32 s1, s30  }
0x32: {  	s0 =	sor.u32 s3, s0;
	s1 =	sshll.u32 s1, $0x11  }
0x33: {  	s0 =	sor.u32 s1, s0  }
0x34: {  	s0 =	sadd.s32 $0x8F2B, s0  }
0x35: {  	[sflag:s0] =	ssyncadd.remote.s32 $0x1  }
0x36: {  	_ =	sfence.sel $0xFFFF  }
0x37: {  	[dreg:$0x0] =	wrdreg $0xFFFFFFFF;
	(pc) =	sbr.abs _section_cstart, $3  }
0x38: {  	[dreg:$0x1] =	wrdreg $0xFFFFFFFF  }
0x39: {  	_ =	task.clear_ibuf [dreg:s7], $0x2FFFF;
	_ =	strace $0x9FFFFFFF  }
0x3a: {  	(tm) =	ssettm $0x7FFFFFFF  }
0x3b: {  	_ =	shalt  }
tec
execute0_lowered:
.L_overlay_start_1:
0x0: {  	(tag) =	ssettag $0x1  }
0x1: {  	s0 =	stileid.u32  }
0x2: {  	s2 =	srdreg.scid;
	s7 =	rddreg [dreg:$0x0]  }
0x3: {  	s6 =	simm.s32 $0x1;
	s31 =	simm.s32 $0x2;
	s16 =	simm.s32 $0x0  }
0x4: {  	s9 =	simm.s32 $0x2000;
	s15 =	simm.s32 $0x0;
	s10 =	simm.s32 $0x0  }
0x5: {  	s11 =	simm.s32 $0x0;
	s14 =	simm.s32 $0x0;
	s1 =	sshll.u32 s0, $0x7  }
0x6: {  	s3 =	sshll.u32 s0, $0x4;
	s2 =	sshll.u32 s2, $0x8;
	s1 =	sand.u32 $0x380, s1  }
0x7: {  	s7 =	sadd.s32 $0x142C00, s7;
	s2 =	sor.u32 s3, s2;
	s5 =	ssub.s32 $0x400, s1  }
0x8: {  	s3 =	rddreg [dreg:$0x1];
	s4 =	sand.u32 $0x180, s2;
	s29 =	sand.u32 $0x380, s5  }
0x9: {  	s30 =	ssub.s32 $0x2700, s4;
	s5 =	sshrl.u32 s5, $0xA;
	p0 =	sne.s32 s29, $0x0  }
.Ltmp0:
0xa: {  	s8 =	sshrl.u32 s30, $0x9;
	s6 =	simm.s32 @!p0 $0x0;
	(pc) =	sbr.rel .LBB1_1-.Ltmp0, $4  }
0xb: {  	s2 =	rddreg [dreg:$0x2];
	s8 =	sadd.s32 $0x1, s8;
	s6 =	sadd.s32 s6, s5  }
0xc: {  	_ =	strace $0x80000050;
	s5 =	simm.s32 $0x1;
	s6 =	smul.u32 s6, s8  }
0xd: {  	s13 =	smov.u32 s1;
	s12 =	smov.u32 s4;
	[sflag:s5] =	ssyncpa.u1 $0x0  }
0xe: {  	p0 =	por $0x0, $0x0;
	[sflag:s31] =	ssyncpa.u1 $0x0;
	s8 =	sadd.s32 $0x1, s6  }
.LBB1_4:
0xf: {  	s21 =	sshra.s32 s21, $0x2;
	s27 =	sshll.u32 s10, $0xA;
	s22 =	sshll.u32 s11, $0x3  }
0x10: {  	s23 =	sshll.u32 s10, $0x7;
	s24 =	sand.u32 $0x78, s11;
	p1 =	sgt.s32 s10, $0x2690  }
0x11: {  	s25 =	sshra.s32 s10, $0x1F;
	s26 =	sshra.s32 s11, $0x1F;
	s20 =	sadd.s32 s21, s20  }
0x12: {  	v5 =	vld [tilespmem:s18+$0xFFFFFFD0];
	[tilespmem:s19+$0x2040 ss:$0x81] =	vst.msk $0xffff, v4;
	s21 =	sand.u32 $0xFFFFE000, s27;
	s22 =	sand.u32 $0xFFFFFC00, s22;
	s28 =	sand.u32 $0x380, s23  }
0x13: {  	v58 =	vld [tilespmem:s18+$0xFFFFFFE0];
	[tilespmem:s19+$0x2850 ss:$0x81] =	vst.msk $0xffff, v3;
	s23 =	smov.u32 s10;
	s30 =	sand.u32 s25, s10;
	s25 =	smov.u32 s11  }
0x14: {  	v59 =	vld [tilespmem:s18+$0xFFFFFFF0];
	[tilespmem:s19+$0x3060 ss:$0x81] =	vst.msk $0xffff, v2;
	s31 =	sand.u32 s26, s11;
	s21 =	sadd.s32 s22, s21;
	s22 =	sor.u32 s24, s28  }
0x15: {  	v60 =	vld [tilespmem:s18+$0x0];
	[tilespmem:s19+$0x0 ss:$0x81] =	vst.msk $0xffff, v1;
	s23 =	simm.s32 @!p1 $0x2690;
	p1 =	sgt.s32 s11, $0x380;
	s21 =	sshrl.u32 s21, $0xA  }
0x16: {  	v61 =	vld [tilespmem:s18+$0x10];
	[tilespmem:s20+$0x3870 ss:$0x81] =	vst.msk $0xffff, v0;
	s19 =	ssub.s32 s23, s30;
	s25 =	simm.s32 @!p1 $0x380;
	s29 =	smulhi.u32 $0x1A36E3, s21  }
0x17: {  	v62 =	vld [tilespmem:s18+$0x20];
	s23 =	ssub.s32 s25, s31;
	s26 =	sadd.s32 $0xFFFFD970, s19;
	s19 =	ssub.s32 $0x2710, s19;
	[tilespmem:s20+$0x810 ss:$0x81] =	vst.msk $0xffff, v5  }
0x18: {  	v63 =	vld [tilespmem:s18+$0xFFFFFFC0];
	[tilespmem:s20+$0x1020 ss:$0x81] =	vst.msk $0xffff, v58;
	p1 =	sgt.s32 s26, $0x7F;
	s28 =	sadd.s32 $0xFFFFFC80, s23;
	s24 =	sshrl.u32 s29, $0x2  }
0x19: {  	[tilespmem:s20+$0x1830 ss:$0x81] =	vst.msk $0xffff, v59;
	s23 =	ssub.s32 $0x400, s23;
	p2 =	sgt.s32 s28, $0x7F;
	s27 =	smul.u32 $0x2710, s24  }
0x1a: {  	s30 =	sand.u32 $0x7, s11;
	[tilespmem:s20+$0x2040 ss:$0x81] =	vst.msk $0xffff, v60;
	s19 =	simm.s32 @p1 $0x0;
	s23 =	simm.s32 @p2 $0x0  }
0x1b: {  	[tilespmem:s20+$0x2850 ss:$0x81] =	vst.msk $0xffff, v61;
	s29 =	sshrl.u32 s22, $0x3;
	s19 =	smul.u32 s23, s19;
	s18 =	ssub.s32 s21, s27  }
0x1c: {  	[tilespmem:s20+$0x3060 ss:$0x81] =	vst.msk $0xffff, v62;
	s22 =	sshll.u32 s30, $0x12;
	s21 =	sadd.s32 s3, s29;
	s18 =	sshll.u32 s18, $0x7  }
0x1d: {  	[tilespmem:s20+$0x0 ss:$0x81] =	vst.msk $0xffff, v63;
	s31 =	sor.u32 $0x400, s22;
	s19 =	sand.u32 $0x3FFFFFFF, s19;
	s18 =	sadd.s32 s18, s21  }
0x1e: {  	[hbm4b:s18+s31] =	stream.strided.scatter [tilespmem:s17], [sflag:$0x2], s19, s9, s31, $0x20;
	[tilespmem:$0x10100] =	vst v63  }
.LBB1_5:
0x1f: {  	p1 =	slt.u32 s14, $0x2  }
0x20: {  	s18 =	smov.u32 s16;
	p2 =	sgt.s32 @!p1 s16, $0x2690;
	s17 =	sshra.s32 @!p1 s16, $0x1F  }
0x21: {  	p3 =	sgt.s32 @!p1 s15, $0x380;
	s19 =	sshra.s32 @!p1 s15, $0x1F;
	p2 =	por !p2, p1  }
0x22: {  	s16 =	sand.u32 @!p1 s17, s16;
	p3 =	por !p3, p1;
	s17 =	smov.u32 s15  }
0x23: {  	s15 =	sand.u32 @!p1 s19, s15;
	s18 =	simm.s32 @p2 $0x2690;
	s17 =	simm.s32 @p3 $0x380  }
0x24: {  	s16 =	ssub.s32 @!p1 s18, s16;
	s15 =	ssub.s32 @!p1 s17, s15  }
0x25: {  	s19 =	smov.u32 s13;
	s17 =	sadd.s32 @!p1 $0xFFFFD970, s16;
	s18 =	sadd.s32 @!p1 $0xFFFFFC80, s15  }
0x26: {  	s16 =	ssub.s32 @!p1 $0x2710, s16;
	p2 =	sgt.s32 @!p1 s17, $0x7F;
	p3 =	sgt.s32 @!p1 s18, $0x7F  }
0x27: {  	s15 =	ssub.s32 @!p1 $0x400, s15;
	p2 =	por !p2, p1;
	p3 =	por !p3, p1  }
0x28: {  	s17 =	sadd.s32 $0x200, s12;
	s16 =	simm.s32 @!p2 $0x0;
	s15 =	simm.s32 @!p3 $0x0  }
0x29: {  	p2 =	sgt.s32 s17, $0x270F;
	s15 =	smul.u32 @!p1 s15, s16;
	s16 =	sadd.s32 $0x400, s13  }
0x2a: {  	s19 =	smov.u32 @p2 s16  }
0x2b: {  	s17 =	smov.u32 @p2 s4;
	p2 =	sgt.s32 s19, $0x3FF  }
0x2c: {  	s19 =	smov.u32 @p2 s1;
	p2 =	sne.s32 s14, s8  }
.Ltmp1:
0x2d: {  	p0 =	por !p0, !p0;
	s18 =	simm.s32 @!p1 $0x2;
	(pc) =	sbr.rel @!p2 .LBB1_6-.Ltmp1, $4  }
0x2e: {  	s16 =	smov.u32 s10;
	s10 =	smov.u32 s12;
	s15 =	sand.u32 @!p1 $0x3FFFFFFF, s15  }
0x2f: {  	s12 =	smov.u32 s17;
	_ =	swait.ge @!p1 [sflag:s18], s15;
	s20 =	ssub.s32 @!p1 $0x0, s15  }
0x30: {  	s15 =	smov.u32 s11;
	s14 =	sadd.s32 $0x1, s14;
	[sflag:s18] =	ssyncset.done @!p1 $0x0  }
0x31: {  	s11 =	smov.u32 s13;
	s13 =	smov.u32 s19;
	[sflag:s18] =	ssyncadd.s32 @!p1 s20  }
.LBB1_1:
0x32: {  	p1 =	sge.u32 s14, s6  }
0x33: {  	s17 =	sshrl.u32 @!p1 s13, $0x3  }
0x34: {  	s18 =	sshll.u32 @!p1 s12, $0x3;
	s17 =	smul.u32 @!p1 $0x13C00, s17  }
0x35: {  	s19 =	sshll.u32 @!p1 s13, $0x7;
	s18 =	sand.u32 @!p1 $0xFFFFFC00, s18  }
0x36: {  	s17 =	sadd.s32 @!p1 s17, s18;
	s18 =	sand.u32 @!p1 $0x380, s19  }
0x37: {  	s19 =	sand.u32 @!p1 $0x7F, s12;
	s17 =	sor.u32 @!p1 s18, s17  }
0x38: {  	s18 =	sor.u32 @!p1 s19, s17  }
0x39: {  	s19 =	smulhi.u32 @!p1 $0xCF6474A9, s18;
	_ =	sdelay $0x1  }
0x3a: {  	s17 =	smulhi.u32 @!p1 $0xCF6474A9, s17;
	s19 =	sshrl.u32 @!p1 s19, $0xD  }
0x3b: {  	s19 =	smul.u32 @!p1 $0x2780, s19  }
0x3c: {  	s31 =	sadd.s32 $0xFFFFFFFF, s14;
	s20 =	sxor.u32 @!p1 $0xFFFFFFFF, s14;
	s17 =	sshrl.u32 @!p1 s17, $0xD  }
0x3d: {  	s20 =	sshll.u32 @!p1 s20, $0xE;
	s17 =	sand.u32 @!p1 $0x3FF, s17;
	s18 =	ssub.s32 @!p1 s18, s19  }
0x3e: {  	s17 =	smul.u32 @!p1 $0x4F0, s17;
	s19 =	sshrl.u32 @!p1 s18, $0x3;
	s18 =	sand.u32 @!p1 $0x7, s18  }
0x3f: {  	s20 =	sand.u32 @!p1 $0x4000, s20;
	s19 =	sadd.s32 @!p1 s7, s19;
	s18 =	sshll.u32 @!p1 s18, $0x12  }
0x40: {  	s17 =	sadd.s32 @!p1 s17, s19;
	s18 =	sor.u32 @!p1 $0x400, s18;
	s19 =	simm.s32 @!p1 $0x13C00  }
0x41: {  	[tilespmem:s20], [sflag:$0x1] =	stream.strided.gather @!p1 [hbm4b:s17+s18], $0x4000, s19, s18, $0x38;
	[tilespmem:$0x10100] =	vst v63  }
0x42: {  	p1 =	sge.u32 s31, s6  }
.Ltmp2:
0x43: {  	_ = 	snop;
	(pc) =	sbr.rel @p1 .LBB1_5-.Ltmp2, $1  }
0x44: {  	_ =	sdelay $0x3  }
0x45: {  	s17 =	simm.s32 $0x1  }
0x46: {  	_ =	swait.ge [sflag:s5], $0x4000;
	s17 =	simm.s32 @!p0 $0x0  }
0x47: {  	[sflag:s5] =	ssyncset.done $0x0;
	s18 =	sshll.u32 s17, $0xE  }
0x48: {  	[sflag:s5] =	ssyncadd.s32 $0xFFFFC000;
	s18 =	sor.u32 $0x40, s18  }
0x49: {  	s17 =	smul.u32 $0x10200, s17;
	v0 =	vld [tilespmem:s18+$0x30]  }
0x4a: {  	v1 =	vld [tilespmem:s18+$0xFFFFFFD0]  }
0x4b: {  	s17 =	sshrl.u32 s17, $0x2;
	v5 =	vld [tilespmem:s18+$0xFFFFFFE0]  }
0x4c: {  	v6 =	vld [tilespmem:s18+$0xFFFFFFF0];
	s20 =	sor.u32 $0x8000, s17  }
0x4d: {  	s31 =	sand.u32 $0x1, s14;
	v4 =	vld [tilespmem:s18+$0x0];
	s19 =	sadd.s32 $0x0, s20  }
0x4e: {  	v3 =	vld [tilespmem:s18+$0x10];
	s17 =	smul.u32 $0x10200, s31;
	[tilespmem:s19+$0x3870 ss:$0x81] =	vst.msk $0xffff, v0  }
0x4f: {  	v2 =	vld [tilespmem:s18+$0x20];
	[tilespmem:s19+$0x810 ss:$0x81] =	vst.msk $0xffff, v1  }
0x50: {  	s17 =	sshrl.u32 s17, $0x2;
	v1 =	vld [tilespmem:s18+$0xFFFFFFC0];
	[tilespmem:s19+$0x1020 ss:$0x81] =	vst.msk $0xffff, v5;
	s18 =	sadd.s32 $0x80, s18  }
0x51: {  	s21 =	simm.s32 $0x4;
	s22 =	simm.s32 $0x8;
	s17 =	sor.u32 $0x8000, s17;
	[tilespmem:s19+$0x1830 ss:$0x81] =	vst.msk $0xffff, v6;
	v0 =	vld [tilespmem:s18+$0x30]  }
.LBB1_3:
0x52: {  	p1 =	sne.s32 s22, $0x1FC;
	v5 =	vld [tilespmem:s18+$0xFFFFFFD0];
	[tilespmem:s19+$0x2040 ss:$0x81] =	vst.msk $0xffff, v4  }
0x53: {  	v6 =	vld [tilespmem:s18+$0xFFFFFFE0];
	[tilespmem:s19+$0x2850 ss:$0x81] =	vst.msk $0xffff, v3  }
0x54: {  	s23 =	sshra.s32 s21, $0x2;
	s21 =	smov.u32 s22;
	v7 =	vld [tilespmem:s18+$0xFFFFFFF0];
	[tilespmem:s19+$0x3060 ss:$0x81] =	vst.msk $0xffff, v2  }
.Ltmp3:
0x55: {  	v4 =	vld [tilespmem:s18+$0x0];
	[tilespmem:s19+$0x0 ss:$0x81] =	vst.msk $0xffff, v1;
	s19 =	sadd.s32 s23, s20;
	(pc) =	sbr.rel @p1 .LBB1_3-.Ltmp3, $4  }
0x56: {  	v3 =	vld [tilespmem:s18+$0x10];
	[tilespmem:s19+$0x3870 ss:$0x81] =	vst.msk $0xffff, v0  }
0x57: {  	[tilespmem:s19+$0x810 ss:$0x81] =	vst.msk $0xffff, v5;
	v2 =	vld [tilespmem:s18+$0x20]  }
0x58: {  	v1 =	vld [tilespmem:s18+$0xFFFFFFC0];
	[tilespmem:s19+$0x1020 ss:$0x81] =	vst.msk $0xffff, v6;
	s18 =	sadd.s32 $0x80, s18  }
0x59: {  	s22 =	sadd.s32 $0x4, s22;
	v0 =	vld [tilespmem:s18+$0x30];
	[tilespmem:s19+$0x1830 ss:$0x81] =	vst.msk $0xffff, v7  }
.Ltmp4:
0x5a: {  	_ = 	snop;
	(pc) =	sbr.rel .LBB1_4-.Ltmp4, $1  }
0x5b: {  	_ =	sdelay $0x3  }
.LBB1_6:
0x5c: {  	_ =	sfence.sel $0x180000  }
0x5d: {  	s1 =	simm.s32 $0x1;
	[bflag:$0x0] =	sbarrier.arrive $0xFFFF  }
0x5e: {  	s31 =	simm.s32 $0x2;
	[sflag:s1] =	ssyncpa.u1 $0x1  }
0x5f: {  	[sflag:s31] =	ssyncpa.u1 $0x1  }
0x60: {  	p0 =	sne.s32 s0, $0x0;
	_ =	strace $0x90000050  }
0x61: {  	s0 =	sadd.s32 @!p0 $0x100000, s2;
	[bflag:$0x2] =	sbarrier.arrive $0xFFFF  }
0x62: {  	[sflag:s0] =	ssyncadd.tile.s32 @!p0 $0x1;
	_ =	shalt  }
.Lfunc_end1:
_tile_overlayer_lowered:
.L_overlay_start_2:
0x63: {  	(tag) =	ssettag $0x2  }
0x64: {  	s0 =	rddreg [dreg:$0x0];
	s2 =	stileid.u32  }
0x65: {  	s1 =	rddreg [dreg:$0x1];
	p0 =	sne.s32 s2, $0x0  }
0x66: {  	s3 =	rddreg [dreg:$0x2];
	[bflag:$0x3] =	sbarrier.arrive $0xFFFF;
	s2 =	simm.s32 @!p0 $0x1C01  }
0x67: {  	[timem:s3], [sflag:s2] =	dma.local @!p0 [hbm:s0], s1  }
0x68: {  	s0 =	simm.s32 @!p0 $0x1  }
0x69: {  	_ =	swait.ge @!p0 [sflag:s0], s1  }
0x6a: {  	s1 =	ssub.s32 @!p0 $0x0, s1;
	[sflag:s0] =	ssyncset.done @!p0 $0x0  }
0x6b: {  	[sflag:s0] =	ssyncadd.s32 @!p0 s1  }
0x6c: {  	[bflag:$0x3] =	sbarrier.arrive $0xFFFF  }
0x6d: {  	_ =	shalt  }

</sc_bundles>
